<compile_context>
chip_gen: v7x
topology: tpu7x:2x2x1
jax: 0.10.2.dev20260603
libtpu: 0.0.44.dev20260713+nightly
codegen_flags: <defaults>
</compile_context>

<pallas_src>
import functools

import jax
import jax.numpy as jnp
from jax import lax
from jax.experimental import pallas as pl
from jax.experimental.pallas import tpu as pltpu
from jax.experimental.pallas import tpu_sc as plsc

EMBD_DIM = 128
EPS = 1e-05
NC = 2
NS = 16
NW = NC * NS
LANES = 16
KV = EMBD_DIM // LANES


def _emb_ln(x, embd, pos_embd, gamma, beta, *, batch, seq_len):
    spw = seq_len // NW
    mesh = plsc.VectorSubcoreMesh(core_axis_name="c", subcore_axis_name="s")

    @functools.partial(
        pl.kernel,
        mesh=mesh,
        compiler_params=pltpu.CompilerParams(needs_layout_passes=False),
        out_type=jax.ShapeDtypeStruct((batch, seq_len, EMBD_DIM), jnp.float32),
        scratch_types=[
            pltpu.VMEM((2, 128), jnp.int32),
            pltpu.VMEM((batch * spw, EMBD_DIM), jnp.float32),
            pltpu.VMEM((spw, EMBD_DIM), jnp.float32),
            pltpu.VMEM((EMBD_DIM,), jnp.float32),
            pltpu.VMEM((EMBD_DIM,), jnp.float32),
            pltpu.SemaphoreType.DMA,
            pltpu.SemaphoreType.DMA,
            pltpu.SemaphoreType.DMA,
            pltpu.SemaphoreType.DMA,
        ],
    )
    def k(x_hbm, embd_hbm, pos_hbm, gamma_hbm, beta_hbm, out_hbm,
          idx_v, rows_v, pos_v, g_v, b_v,
          isem, msem, osem, gsem):
        wid = lax.axis_index("s") * NC + lax.axis_index("c")
        sbase = wid * spw

        idx_cp = [pltpu.async_copy(
            x_hbm.at[b, pl.ds(sbase, spw)],
            idx_v.at[b // 2, pl.ds((b % 2) * spw, spw)], isem)
            for b in range(batch)]
        misc = [pltpu.async_copy(pos_hbm.at[pl.ds(sbase, spw)], pos_v, msem),
                pltpu.async_copy(gamma_hbm, g_v, msem),
                pltpu.async_copy(beta_hbm, b_v, msem)]
        for cp in idx_cp:
            cp.wait()
        gath = [pltpu.async_copy(
            embd_hbm.at[idx_v.at[j]],
            rows_v.at[pl.ds(j * 128, 128)], gsem) for j in range(2)]
        for cp in gath:
            cp.wait()
        for cp in misc:
            cp.wait()

        gs = [g_v[pl.ds(t * LANES, LANES)] for t in range(KV)]
        bs = [b_v[pl.ds(t * LANES, LANES)] for t in range(KV)]
        inv_d = jnp.float32(1.0 / EMBD_DIM)

        def pos_body(i):
            ps = [pos_v[i, pl.ds(t * LANES, LANES)] for t in range(KV)]
            for b in range(batch):
                r = b * spw + i
                hs = [rows_v[r, pl.ds(t * LANES, LANES)] + ps[t]
                      for t in range(KV)]
                sl = hs
                while len(sl) > 1:
                    sl = [sl[j] + sl[j + 1] for j in range(0, len(sl), 2)]
                s = sl[0]
                ql = [h * h for h in hs]
                while len(ql) > 1:
                    ql = [ql[j] + ql[j + 1] for j in range(0, len(ql), 2)]
                q = ql[0]
                mean = jnp.sum(s) * inv_d
                ex2 = jnp.sum(q) * inv_d
                var = ex2 - mean * mean
                ve = var + EPS
                bits = lax.bitcast_convert_type(ve, jnp.int32)
                bits = jnp.int32(0x5F3759DF) - (bits >> 1)
                y = lax.bitcast_convert_type(bits, jnp.float32)
                half = jnp.float32(0.5) * ve
                for _ in range(2):
                    y = y * (jnp.float32(1.5) - half * y * y)
                yv = jnp.full((LANES,), y, dtype=jnp.float32)
                c0 = jnp.full((LANES,), -mean * y, dtype=jnp.float32)
                for t in range(KV):
                    rows_v[r, pl.ds(t * LANES, LANES)] = (
                        (hs[t] * yv + c0) * gs[t] + bs[t])

        half = spw // 2
        pl.loop(0, half, unroll=2)(pos_body)
        outs = [pltpu.async_copy(
            rows_v.at[pl.ds(b * spw, half)],
            out_hbm.at[b, pl.ds(sbase, half)], osem)
            for b in range(batch)]
        pl.loop(half, spw, unroll=2)(pos_body)
        outs.extend(pltpu.async_copy(
            rows_v.at[pl.ds(b * spw + half, half)],
            out_hbm.at[b, pl.ds(sbase + half, half)], osem)
            for b in range(batch))
        for cp in outs:
            cp.wait()

    return k(x, embd, pos_embd, gamma, beta)


def kernel(x, embd, pos_embd, gamma, beta):
    b, s = x.shape
    return _emb_ln(x.astype(jnp.int32), embd, pos_embd, gamma, beta,
                   batch=b, seq_len=s)

# --- scband reference (transcript-rebuilt; emitter-appended) ---
"""Pipeline reference for scband-embedding-83588653515357 (READ-ONLY COPY).

The authoritative reference and input builder live on the scoring server;
editing this copy changes nothing except your own understanding.
"""

import jax, jax.numpy as jnp
import numpy as np

VOCAB = 100000
EMBD_DIM = 128
CONTEXT_LEN = 2048
EPS = 1e-05


def setup_inputs(seed: int = 0) -> dict:
    key = jax.random.key(seed)
    k1, k2, k3 = jax.random.split(key, 3)
    x = jax.random.randint(k1, (4, 2048), 0, VOCAB, dtype=jnp.int64 if jax.config.jax_enable_x64 else jnp.int32)
    embd = jax.random.normal(k2, (VOCAB, EMBD_DIM), dtype=jnp.float32) * 0.02
    pos_embd = jax.random.normal(k3, (CONTEXT_LEN, EMBD_DIM), dtype=jnp.float32) * 0.02
    gamma = jnp.ones((EMBD_DIM,), dtype=jnp.float32)
    beta = jnp.zeros((EMBD_DIM,), dtype=jnp.float32)
    return {"x": x, "embd": embd, "pos_embd": pos_embd, "gamma": gamma, "beta": beta}


def reference(x, embd, pos_embd, gamma, beta):
    # token embedding lookup (gather)
    h = jnp.take(embd, x, axis=0)  # [B, S, D]
    seq_len = x.shape[1]
    pos = jnp.take(pos_embd, jnp.arange(seq_len), axis=0)[None, :, :]  # [1, S, D]
    h = h + pos
    # LayerNorm (eps matches torch, biased variance)
    mean = jnp.mean(h, axis=-1, keepdims=True)
    var = jnp.mean((h - mean) ** 2, axis=-1, keepdims=True)
    h = (h - mean) / jnp.sqrt(var + EPS)
    h = h * gamma + beta
    # dropout is identity in eval mode
    return h

if __name__ == "__main__":
    import jax
    _d = setup_inputs()
    print(jax.jit(kernel)(*tuple(_d.values())))

</pallas_src>

<mosaic_0001>
#map = affine_map<(d0, d1) -> (0, 0)>
#map1 = affine_map<(d0, d1) -> (0)>
#map2 = affine_map<(d0, d1) -> (0, 0, 0)>
module attributes {stable_mosaic.version = 14 : i64} {
  func.func @k(%arg0: i32, %arg1: i32, %arg2: memref<4x2048xi32, #tpu.memory_space<hbm>>, %arg3: memref<100000x128xf32, #tpu.memory_space<hbm>>, %arg4: memref<2048x128xf32, #tpu.memory_space<hbm>>, %arg5: memref<128xf32, #tpu.memory_space<hbm>>, %arg6: memref<128xf32, #tpu.memory_space<hbm>>, %arg7: memref<4x2048x128xf32, #tpu.memory_space<hbm>>, %arg8: memref<2x128xi32, #tpu.memory_space<vmem>>, %arg9: memref<256x128xf32, #tpu.memory_space<vmem>>, %arg10: memref<64x128xf32, #tpu.memory_space<vmem>>, %arg11: memref<128xf32, #tpu.memory_space<vmem>>, %arg12: memref<128xf32, #tpu.memory_space<vmem>>, %arg13: memref<!tpu.dma_semaphore, #tpu.memory_space<semaphore_mem>>, %arg14: memref<!tpu.dma_semaphore, #tpu.memory_space<semaphore_mem>>, %arg15: memref<!tpu.dma_semaphore, #tpu.memory_space<semaphore_mem>>, %arg16: memref<!tpu.dma_semaphore, #tpu.memory_space<semaphore_mem>>) attributes {dimension_semantics = [#tpu.dimension_semantics<core_parallel>, #tpu.dimension_semantics<subcore_parallel>], iteration_bounds = array<i64: 2, 16>, scalar_prefetch = 0 : i64, scratch_operands = 9 : i64, tpu.core_type = #tpu.core_type<sc_vector_subcore>, window_params = [{transform_indices = #map}, {transform_indices = #map}, {transform_indices = #map}, {transform_indices = #map1}, {transform_indices = #map1}, {transform_indices = #map2}]} {
    %mul3A = arith.constant 2 : i32
    %mul3A_0 = arith.muli %arg1, %mul3A : i32
    %add3A = arith.addi %mul3A_0, %arg0 : i32
    %mul3A_1 = arith.constant 64 : i32
    %mul3A_2 = arith.muli %add3A, %mul3A_1 : i32
    %dma_start3A = arith.constant 0 : i32
    %dma_start3A_3 = arith.constant 0 : i32
    %dma_start3A_4 = arith.constant 0 : i32
    %dma_start3A_5 = tpu.memref_slice %arg8[%dma_start3A_3, %dma_start3A_4] : memref<2x128xi32, #tpu.memory_space<vmem>> -> memref<1x64xi32, #tpu.memory_space<vmem>>
    %dma_start3A_6 = tpu.memref_squeeze %dma_start3A_5 : memref<1x64xi32, #tpu.memory_space<vmem>> -> memref<64xi32, #tpu.memory_space<vmem>>
    %dma_start3A_7 = tpu.memref_slice %arg2[%dma_start3A, %mul3A_2] : memref<4x2048xi32, #tpu.memory_space<hbm>> -> memref<1x64xi32, #tpu.memory_space<hbm>>
    %dma_start3A_8 = tpu.memref_squeeze %dma_start3A_7 : memref<1x64xi32, #tpu.memory_space<hbm>> -> memref<64xi32, #tpu.memory_space<hbm>>
    %dma_start3A_9 = arith.constant 0 : i32
    %dma_start3A_10 = tpu.memref_slice %arg8[%dma_start3A_3, %dma_start3A_9] : memref<2x128xi32, #tpu.memory_space<vmem>> -> memref<1x64xi32, #tpu.memory_space<vmem>>
    %dma_start3A_11 = tpu.memref_squeeze %dma_start3A_10 : memref<1x64xi32, #tpu.memory_space<vmem>> -> memref<64xi32, #tpu.memory_space<vmem>>
    %dma_start3A_12 = tpu.memref_slice %arg2[%dma_start3A, %mul3A_2] : memref<4x2048xi32, #tpu.memory_space<hbm>> -> memref<1x64xi32, #tpu.memory_space<hbm>>
    %dma_start3A_13 = tpu.memref_squeeze %dma_start3A_12 : memref<1x64xi32, #tpu.memory_space<hbm>> -> memref<64xi32, #tpu.memory_space<hbm>>
    tpu.enqueue_dma source(%dma_start3A_13 : memref<64xi32, #tpu.memory_space<hbm>>) target(%dma_start3A_11 : memref<64xi32, #tpu.memory_space<vmem>>) target_semaphore(%arg13 : memref<!tpu.dma_semaphore, #tpu.memory_space<semaphore_mem>>)
    %dma_start3A_14 = arith.constant 1 : i32
    %dma_start3A_15 = arith.constant 0 : i32
    %dma_start3A_16 = arith.constant 64 : i32
    %dma_start3A_17 = tpu.memref_slice %arg8[%dma_start3A_15, %dma_start3A_16] : memref<2x128xi32, #tpu.memory_space<vmem>> -> memref<1x64xi32, #tpu.memory_space<vmem>>
    %dma_start3A_18 = tpu.memref_squeeze %dma_start3A_17 : memref<1x64xi32, #tpu.memory_space<vmem>> -> memref<64xi32, #tpu.memory_space<vmem>>
    %dma_start3A_19 = tpu.memref_slice %arg2[%dma_start3A_14, %mul3A_2] : memref<4x2048xi32, #tpu.memory_space<hbm>> -> memref<1x64xi32, #tpu.memory_space<hbm>>
    %dma_start3A_20 = tpu.memref_squeeze %dma_start3A_19 : memref<1x64xi32, #tpu.memory_space<hbm>> -> memref<64xi32, #tpu.memory_space<hbm>>
    %dma_start3A_21 = arith.constant 64 : i32
    %dma_start3A_22 = tpu.memref_slice %arg8[%dma_start3A_15, %dma_start3A_21] : memref<2x128xi32, #tpu.memory_space<vmem>> -> memref<1x64xi32, #tpu.memory_space<vmem>>
    %dma_start3A_23 = tpu.memref_squeeze %dma_start3A_22 : memref<1x64xi32, #tpu.memory_space<vmem>> -> memref<64xi32, #tpu.memory_space<vmem>>
    %dma_start3A_24 = tpu.memref_slice %arg2[%dma_start3A_14, %mul3A_2] : memref<4x2048xi32, #tpu.memory_space<hbm>> -> memref<1x64xi32, #tpu.memory_space<hbm>>
    %dma_start3A_25 = tpu.memref_squeeze %dma_start3A_24 : memref<1x64xi32, #tpu.memory_space<hbm>> -> memref<64xi32, #tpu.memory_space<hbm>>
    tpu.enqueue_dma source(%dma_start3A_25 : memref<64xi32, #tpu.memory_space<hbm>>) target(%dma_start3A_23 : memref<64xi32, #tpu.memory_space<vmem>>) target_semaphore(%arg13 : memref<!tpu.dma_semaphore, #tpu.memory_space<semaphore_mem>>)
    %dma_start3A_26 = arith.constant 2 : i32
    %dma_start3A_27 = arith.constant 1 : i32
    %dma_start3A_28 = arith.constant 0 : i32
    %dma_start3A_29 = tpu.memref_slice %arg8[%dma_start3A_27, %dma_start3A_28] : memref<2x128xi32, #tpu.memory_space<vmem>> -> memref<1x64xi32, #tpu.memory_space<vmem>>
    %dma_start3A_30 = tpu.memref_squeeze %dma_start3A_29 : memref<1x64xi32, #tpu.memory_space<vmem>> -> memref<64xi32, #tpu.memory_space<vmem>>
    %dma_start3A_31 = tpu.memref_slice %arg2[%dma_start3A_26, %mul3A_2] : memref<4x2048xi32, #tpu.memory_space<hbm>> -> memref<1x64xi32, #tpu.memory_space<hbm>>
    %dma_start3A_32 = tpu.memref_squeeze %dma_start3A_31 : memref<1x64xi32, #tpu.memory_space<hbm>> -> memref<64xi32, #tpu.memory_space<hbm>>
    %dma_start3A_33 = arith.constant 0 : i32
    %dma_start3A_34 = tpu.memref_slice %arg8[%dma_start3A_27, %dma_start3A_33] : memref<2x128xi32, #tpu.memory_space<vmem>> -> memref<1x64xi32, #tpu.memory_space<vmem>>
    %dma_start3A_35 = tpu.memref_squeeze %dma_start3A_34 : memref<1x64xi32, #tpu.memory_space<vmem>> -> memref<64xi32, #tpu.memory_space<vmem>>
    %dma_start3A_36 = tpu.memref_slice %arg2[%dma_start3A_26, %mul3A_2] : memref<4x2048xi32, #tpu.memory_space<hbm>> -> memref<1x64xi32, #tpu.memory_space<hbm>>
    %dma_start3A_37 = tpu.memref_squeeze %dma_start3A_36 : memref<1x64xi32, #tpu.memory_space<hbm>> -> memref<64xi32, #tpu.memory_space<hbm>>
    tpu.enqueue_dma source(%dma_start3A_37 : memref<64xi32, #tpu.memory_space<hbm>>) target(%dma_start3A_35 : memref<64xi32, #tpu.memory_space<vmem>>) target_semaphore(%arg13 : memref<!tpu.dma_semaphore, #tpu.memory_space<semaphore_mem>>)
    %dma_start3A_38 = arith.constant 3 : i32
    %dma_start3A_39 = arith.constant 1 : i32
    %dma_start3A_40 = arith.constant 64 : i32
    %dma_start3A_41 = tpu.memref_slice %arg8[%dma_start3A_39, %dma_start3A_40] : memref<2x128xi32, #tpu.memory_space<vmem>> -> memref<1x64xi32, #tpu.memory_space<vmem>>
    %dma_start3A_42 = tpu.memref_squeeze %dma_start3A_41 : memref<1x64xi32, #tpu.memory_space<vmem>> -> memref<64xi32, #tpu.memory_space<vmem>>
    %dma_start3A_43 = tpu.memref_slice %arg2[%dma_start3A_38, %mul3A_2] : memref<4x2048xi32, #tpu.memory_space<hbm>> -> memref<1x64xi32, #tpu.memory_space<hbm>>
    %dma_start3A_44 = tpu.memref_squeeze %dma_start3A_43 : memref<1x64xi32, #tpu.memory_space<hbm>> -> memref<64xi32, #tpu.memory_space<hbm>>
    %dma_start3A_45 = arith.constant 64 : i32
    %dma_start3A_46 = tpu.memref_slice %arg8[%dma_start3A_39, %dma_start3A_45] : memref<2x128xi32, #tpu.memory_space<vmem>> -> memref<1x64xi32, #tpu.memory_space<vmem>>
    %dma_start3A_47 = tpu.memref_squeeze %dma_start3A_46 : memref<1x64xi32, #tpu.memory_space<vmem>> -> memref<64xi32, #tpu.memory_space<vmem>>
    %dma_start3A_48 = tpu.memref_slice %arg2[%dma_start3A_38, %mul3A_2] : memref<4x2048xi32, #tpu.memory_space<hbm>> -> memref<1x64xi32, #tpu.memory_space<hbm>>
    %dma_start3A_49 = tpu.memref_squeeze %dma_start3A_48 : memref<1x64xi32, #tpu.memory_space<hbm>> -> memref<64xi32, #tpu.memory_space<hbm>>
    tpu.enqueue_dma source(%dma_start3A_49 : memref<64xi32, #tpu.memory_space<hbm>>) target(%dma_start3A_47 : memref<64xi32, #tpu.memory_space<vmem>>) target_semaphore(%arg13 : memref<!tpu.dma_semaphore, #tpu.memory_space<semaphore_mem>>)
    %dma_start3A_50 = arith.constant 0 : i32
    %dma_start3A_51 = tpu.memref_slice %arg4[%mul3A_2, %dma_start3A_50] : memref<2048x128xf32, #tpu.memory_space<hbm>> -> memref<64x128xf32, #tpu.memory_space<hbm>>
    %dma_start3A_52 = arith.constant 0 : i32
    %dma_start3A_53 = tpu.memref_slice %arg4[%mul3A_2, %dma_start3A_52] : memref<2048x128xf32, #tpu.memory_space<hbm>> -> memref<64x128xf32, #tpu.memory_space<hbm>>
    tpu.enqueue_dma source(%dma_start3A_53 : memref<64x128xf32, #tpu.memory_space<hbm>>) target(%arg10 : memref<64x128xf32, #tpu.memory_space<vmem>>) target_semaphore(%arg14 : memref<!tpu.dma_semaphore, #tpu.memory_space<semaphore_mem>>)
    tpu.enqueue_dma source(%arg5 : memref<128xf32, #tpu.memory_space<hbm>>) target(%arg11 : memref<128xf32, #tpu.memory_space<vmem>>) target_semaphore(%arg14 : memref<!tpu.dma_semaphore, #tpu.memory_space<semaphore_mem>>)
    tpu.enqueue_dma source(%arg6 : memref<128xf32, #tpu.memory_space<hbm>>) target(%arg12 : memref<128xf32, #tpu.memory_space<vmem>>) target_semaphore(%arg14 : memref<!tpu.dma_semaphore, #tpu.memory_space<semaphore_mem>>)
    %dma_wait3A = arith.constant 0 : i32
    %dma_wait3A_54 = arith.constant 0 : i32
    %dma_wait3A_55 = arith.constant 0 : i32
    %dma_wait3A_56 = tpu.memref_slice %arg8[%dma_wait3A_54, %dma_wait3A_55] : memref<2x128xi32, #tpu.memory_space<vmem>> -> memref<1x64xi32, #tpu.memory_space<vmem>>
    %dma_wait3A_57 = tpu.memref_squeeze %dma_wait3A_56 : memref<1x64xi32, #tpu.memory_space<vmem>> -> memref<64xi32, #tpu.memory_space<vmem>>
    %dma_wait3A_58 = tpu.memref_slice %arg2[%dma_wait3A, %mul3A_2] : memref<4x2048xi32, #tpu.memory_space<hbm>> -> memref<1x64xi32, #tpu.memory_space<hbm>>
    %dma_wait3A_59 = tpu.memref_squeeze %dma_wait3A_58 : memref<1x64xi32, #tpu.memory_space<hbm>> -> memref<64xi32, #tpu.memory_space<hbm>>
    %dma_wait3A_60 = arith.constant 0 : i32
    %dma_wait3A_61 = tpu.memref_slice %arg8[%dma_wait3A_54, %dma_wait3A_60] : memref<2x128xi32, #tpu.memory_space<vmem>> -> memref<1x64xi32, #tpu.memory_space<vmem>>
    %dma_wait3A_62 = tpu.memref_squeeze %dma_wait3A_61 : memref<1x64xi32, #tpu.memory_space<vmem>> -> memref<64xi32, #tpu.memory_space<vmem>>
    %dma_wait3A_63 = tpu.memref_slice %arg2[%dma_wait3A, %mul3A_2] : memref<4x2048xi32, #tpu.memory_space<hbm>> -> memref<1x64xi32, #tpu.memory_space<hbm>>
    %dma_wait3A_64 = tpu.memref_squeeze %dma_wait3A_63 : memref<1x64xi32, #tpu.memory_space<hbm>> -> memref<64xi32, #tpu.memory_space<hbm>>
    tpu.wait_dma2 semaphore(%arg13 : memref<!tpu.dma_semaphore, #tpu.memory_space<semaphore_mem>>) src(%dma_wait3A_64 : memref<64xi32, #tpu.memory_space<hbm>>) dst(%dma_wait3A_62 : memref<64xi32, #tpu.memory_space<vmem>>)
    %dma_wait3A_65 = arith.constant 1 : i32
    %dma_wait3A_66 = arith.constant 0 : i32
    %dma_wait3A_67 = arith.constant 64 : i32
    %dma_wait3A_68 = tpu.memref_slice %arg8[%dma_wait3A_66, %dma_wait3A_67] : memref<2x128xi32, #tpu.memory_space<vmem>> -> memref<1x64xi32, #tpu.memory_space<vmem>>
    %dma_wait3A_69 = tpu.memref_squeeze %dma_wait3A_68 : memref<1x64xi32, #tpu.memory_space<vmem>> -> memref<64xi32, #tpu.memory_space<vmem>>
    %dma_wait3A_70 = tpu.memref_slice %arg2[%dma_wait3A_65, %mul3A_2] : memref<4x2048xi32, #tpu.memory_space<hbm>> -> memref<1x64xi32, #tpu.memory_space<hbm>>
    %dma_wait3A_71 = tpu.memref_squeeze %dma_wait3A_70 : memref<1x64xi32, #tpu.memory_space<hbm>> -> memref<64xi32, #tpu.memory_space<hbm>>
    %dma_wait3A_72 = arith.constant 64 : i32
    %dma_wait3A_73 = tpu.memref_slice %arg8[%dma_wait3A_66, %dma_wait3A_72] : memref<2x128xi32, #tpu.memory_space<vmem>> -> memref<1x64xi32, #tpu.memory_space<vmem>>
    %dma_wait3A_74 = tpu.memref_squeeze %dma_wait3A_73 : memref<1x64xi32, #tpu.memory_space<vmem>> -> memref<64xi32, #tpu.memory_space<vmem>>
    %dma_wait3A_75 = tpu.memref_slice %arg2[%dma_wait3A_65, %mul3A_2] : memref<4x2048xi32, #tpu.memory_space<hbm>> -> memref<1x64xi32, #tpu.memory_space<hbm>>
    %dma_wait3A_76 = tpu.memref_squeeze %dma_wait3A_75 : memref<1x64xi32, #tpu.memory_space<hbm>> -> memref<64xi32, #tpu.memory_space<hbm>>
    tpu.wait_dma2 semaphore(%arg13 : memref<!tpu.dma_semaphore, #tpu.memory_space<semaphore_mem>>) src(%dma_wait3A_76 : memref<64xi32, #tpu.memory_space<hbm>>) dst(%dma_wait3A_74 : memref<64xi32, #tpu.memory_space<vmem>>)
    %dma_wait3A_77 = arith.constant 2 : i32
    %dma_wait3A_78 = arith.constant 1 : i32
    %dma_wait3A_79 = arith.constant 0 : i32
    %dma_wait3A_80 = tpu.memref_slice %arg8[%dma_wait3A_78, %dma_wait3A_79] : memref<2x128xi32, #tpu.memory_space<vmem>> -> memref<1x64xi32, #tpu.memory_space<vmem>>
    %dma_wait3A_81 = tpu.memref_squeeze %dma_wait3A_80 : memref<1x64xi32, #tpu.memory_space<vmem>> -> memref<64xi32, #tpu.memory_space<vmem>>
    %dma_wait3A_82 = tpu.memref_slice %arg2[%dma_wait3A_77, %mul3A_2] : memref<4x2048xi32, #tpu.memory_space<hbm>> -> memref<1x64xi32, #tpu.memory_space<hbm>>
    %dma_wait3A_83 = tpu.memref_squeeze %dma_wait3A_82 : memref<1x64xi32, #tpu.memory_space<hbm>> -> memref<64xi32, #tpu.memory_space<hbm>>
    %dma_wait3A_84 = arith.constant 0 : i32
    %dma_wait3A_85 = tpu.memref_slice %arg8[%dma_wait3A_78, %dma_wait3A_84] : memref<2x128xi32, #tpu.memory_space<vmem>> -> memref<1x64xi32, #tpu.memory_space<vmem>>
    %dma_wait3A_86 = tpu.memref_squeeze %dma_wait3A_85 : memref<1x64xi32, #tpu.memory_space<vmem>> -> memref<64xi32, #tpu.memory_space<vmem>>
    %dma_wait3A_87 = tpu.memref_slice %arg2[%dma_wait3A_77, %mul3A_2] : memref<4x2048xi32, #tpu.memory_space<hbm>> -> memref<1x64xi32, #tpu.memory_space<hbm>>
    %dma_wait3A_88 = tpu.memref_squeeze %dma_wait3A_87 : memref<1x64xi32, #tpu.memory_space<hbm>> -> memref<64xi32, #tpu.memory_space<hbm>>
    tpu.wait_dma2 semaphore(%arg13 : memref<!tpu.dma_semaphore, #tpu.memory_space<semaphore_mem>>) src(%dma_wait3A_88 : memref<64xi32, #tpu.memory_space<hbm>>) dst(%dma_wait3A_86 : memref<64xi32, #tpu.memory_space<vmem>>)
    %dma_wait3A_89 = arith.constant 3 : i32
    %dma_wait3A_90 = arith.constant 1 : i32
    %dma_wait3A_91 = arith.constant 64 : i32
    %dma_wait3A_92 = tpu.memref_slice %arg8[%dma_wait3A_90, %dma_wait3A_91] : memref<2x128xi32, #tpu.memory_space<vmem>> -> memref<1x64xi32, #tpu.memory_space<vmem>>
    %dma_wait3A_93 = tpu.memref_squeeze %dma_wait3A_92 : memref<1x64xi32, #tpu.memory_space<vmem>> -> memref<64xi32, #tpu.memory_space<vmem>>
    %dma_wait3A_94 = tpu.memref_slice %arg2[%dma_wait3A_89, %mul3A_2] : memref<4x2048xi32, #tpu.memory_space<hbm>> -> memref<1x64xi32, #tpu.memory_space<hbm>>
    %dma_wait3A_95 = tpu.memref_squeeze %dma_wait3A_94 : memref<1x64xi32, #tpu.memory_space<hbm>> -> memref<64xi32, #tpu.memory_space<hbm>>
    %dma_wait3A_96 = arith.constant 64 : i32
    %dma_wait3A_97 = tpu.memref_slice %arg8[%dma_wait3A_90, %dma_wait3A_96] : memref<2x128xi32, #tpu.memory_space<vmem>> -> memref<1x64xi32, #tpu.memory_space<vmem>>
    %dma_wait3A_98 = tpu.memref_squeeze %dma_wait3A_97 : memref<1x64xi32, #tpu.memory_space<vmem>> -> memref<64xi32, #tpu.memory_space<vmem>>
    %dma_wait3A_99 = tpu.memref_slice %arg2[%dma_wait3A_89, %mul3A_2] : memref<4x2048xi32, #tpu.memory_space<hbm>> -> memref<1x64xi32, #tpu.memory_space<hbm>>
    %dma_wait3A_100 = tpu.memref_squeeze %dma_wait3A_99 : memref<1x64xi32, #tpu.memory_space<hbm>> -> memref<64xi32, #tpu.memory_space<hbm>>
    tpu.wait_dma2 semaphore(%arg13 : memref<!tpu.dma_semaphore, #tpu.memory_space<semaphore_mem>>) src(%dma_wait3A_100 : memref<64xi32, #tpu.memory_space<hbm>>) dst(%dma_wait3A_98 : memref<64xi32, #tpu.memory_space<vmem>>)
    %dma_start3A_101 = arith.constant 0 : i32
    %dma_start3A_102 = arith.constant 0 : i32
    %dma_start3A_103 = arith.constant 0 : i32
    %dma_start3A_104 = tpu.memref_slice %arg9[%dma_start3A_102, %dma_start3A_103] : memref<256x128xf32, #tpu.memory_space<vmem>> -> memref<128x128xf32, #tpu.memory_space<vmem>>
    %dma_start3A_105 = arith.constant 0 : i32
    %dma_start3A_106 = tpu.memref_slice %arg8[%dma_start3A_101, %dma_start3A_105] : memref<2x128xi32, #tpu.memory_space<vmem>> -> memref<1x128xi32, #tpu.memory_space<vmem>>
    %dma_start3A_107 = tpu.memref_squeeze %dma_start3A_106 : memref<1x128xi32, #tpu.memory_space<vmem>> -> memref<128xi32, #tpu.memory_space<vmem>>
    %dma_start3A_108 = arith.constant 0 : i32
    %dma_start3A_109 = arith.constant 0 : i32
    %dma_start3A_110 = tpu.memref_slice %arg3[%dma_start3A_108, %dma_start3A_109] : memref<100000x128xf32, #tpu.memory_space<hbm>> -> memref<100000x128xf32, #tpu.memory_space<hbm>>
    tpu.enqueue_indirect_dma source(%dma_start3A_110 : memref<100000x128xf32, #tpu.memory_space<hbm>>) target(%dma_start3A_104 : memref<128x128xf32, #tpu.memory_space<vmem>>) offsets(%dma_start3A_107 : memref<128xi32, #tpu.memory_space<vmem>>) semaphore(%arg16 : memref<!tpu.dma_semaphore, #tpu.memory_space<semaphore_mem>>)
    %dma_start3A_111 = arith.constant 1 : i32
    %dma_start3A_112 = arith.constant 128 : i32
    %dma_start3A_113 = arith.constant 0 : i32
    %dma_start3A_114 = tpu.memref_slice %arg9[%dma_start3A_112, %dma_start3A_113] : memref<256x128xf32, #tpu.memory_space<vmem>> -> memref<128x128xf32, #tpu.memory_space<vmem>>
    %dma_start3A_115 = arith.constant 0 : i32
    %dma_start3A_116 = tpu.memref_slice %arg8[%dma_start3A_111, %dma_start3A_115] : memref<2x128xi32, #tpu.memory_space<vmem>> -> memref<1x128xi32, #tpu.memory_space<vmem>>
    %dma_start3A_117 = tpu.memref_squeeze %dma_start3A_116 : memref<1x128xi32, #tpu.memory_space<vmem>> -> memref<128xi32, #tpu.memory_space<vmem>>
    %dma_start3A_118 = arith.constant 0 : i32
    %dma_start3A_119 = arith.constant 0 : i32
    %dma_start3A_120 = tpu.memref_slice %arg3[%dma_start3A_118, %dma_start3A_119] : memref<100000x128xf32, #tpu.memory_space<hbm>> -> memref<100000x128xf32, #tpu.memory_space<hbm>>
    tpu.enqueue_indirect_dma source(%dma_start3A_120 : memref<100000x128xf32, #tpu.memory_space<hbm>>) target(%dma_start3A_114 : memref<128x128xf32, #tpu.memory_space<vmem>>) offsets(%dma_start3A_117 : memref<128xi32, #tpu.memory_space<vmem>>) semaphore(%arg16 : memref<!tpu.dma_semaphore, #tpu.memory_space<semaphore_mem>>)
    %dma_wait3A_121 = arith.constant 0 : i32
    %dma_wait3A_122 = arith.constant 0 : i32
    %dma_wait3A_123 = arith.constant 0 : i32
    %dma_wait3A_124 = tpu.memref_slice %arg9[%dma_wait3A_122, %dma_wait3A_123] : memref<256x128xf32, #tpu.memory_space<vmem>> -> memref<128x128xf32, #tpu.memory_space<vmem>>
    %dma_wait3A_125 = arith.constant 0 : i32
    %dma_wait3A_126 = tpu.memref_slice %arg8[%dma_wait3A_121, %dma_wait3A_125] : memref<2x128xi32, #tpu.memory_space<vmem>> -> memref<1x128xi32, #tpu.memory_space<vmem>>
    %dma_wait3A_127 = tpu.memref_squeeze %dma_wait3A_126 : memref<1x128xi32, #tpu.memory_space<vmem>> -> memref<128xi32, #tpu.memory_space<vmem>>
    %dma_wait3A_128 = arith.constant 0 : i32
    %dma_wait3A_129 = arith.constant 0 : i32
    %dma_wait3A_130 = tpu.memref_slice %arg3[%dma_wait3A_128, %dma_wait3A_129] : memref<100000x128xf32, #tpu.memory_space<hbm>> -> memref<100000x128xf32, #tpu.memory_space<hbm>>
    tpu.wait_indirect_dma semaphore(%arg16 : memref<!tpu.dma_semaphore, #tpu.memory_space<semaphore_mem>>) src(%dma_wait3A_130 : memref<100000x128xf32, #tpu.memory_space<hbm>>) dst(%dma_wait3A_124 : memref<128x128xf32, #tpu.memory_space<vmem>>)
    %dma_wait3A_131 = arith.constant 1 : i32
    %dma_wait3A_132 = arith.constant 128 : i32
    %dma_wait3A_133 = arith.constant 0 : i32
    %dma_wait3A_134 = tpu.memref_slice %arg9[%dma_wait3A_132, %dma_wait3A_133] : memref<256x128xf32, #tpu.memory_space<vmem>> -> memref<128x128xf32, #tpu.memory_space<vmem>>
    %dma_wait3A_135 = arith.constant 0 : i32
    %dma_wait3A_136 = tpu.memref_slice %arg8[%dma_wait3A_131, %dma_wait3A_135] : memref<2x128xi32, #tpu.memory_space<vmem>> -> memref<1x128xi32, #tpu.memory_space<vmem>>
    %dma_wait3A_137 = tpu.memref_squeeze %dma_wait3A_136 : memref<1x128xi32, #tpu.memory_space<vmem>> -> memref<128xi32, #tpu.memory_space<vmem>>
    %dma_wait3A_138 = arith.constant 0 : i32
    %dma_wait3A_139 = arith.constant 0 : i32
    %dma_wait3A_140 = tpu.memref_slice %arg3[%dma_wait3A_138, %dma_wait3A_139] : memref<100000x128xf32, #tpu.memory_space<hbm>> -> memref<100000x128xf32, #tpu.memory_space<hbm>>
    tpu.wait_indirect_dma semaphore(%arg16 : memref<!tpu.dma_semaphore, #tpu.memory_space<semaphore_mem>>) src(%dma_wait3A_140 : memref<100000x128xf32, #tpu.memory_space<hbm>>) dst(%dma_wait3A_134 : memref<128x128xf32, #tpu.memory_space<vmem>>)
    %dma_wait3A_141 = arith.constant 0 : i32
    %dma_wait3A_142 = tpu.memref_slice %arg4[%mul3A_2, %dma_wait3A_141] : memref<2048x128xf32, #tpu.memory_space<hbm>> -> memref<64x128xf32, #tpu.memory_space<hbm>>
    %dma_wait3A_143 = arith.constant 0 : i32
    %dma_wait3A_144 = tpu.memref_slice %arg4[%mul3A_2, %dma_wait3A_143] : memref<2048x128xf32, #tpu.memory_space<hbm>> -> memref<64x128xf32, #tpu.memory_space<hbm>>
    tpu.wait_dma2 semaphore(%arg14 : memref<!tpu.dma_semaphore, #tpu.memory_space<semaphore_mem>>) src(%dma_wait3A_144 : memref<64x128xf32, #tpu.memory_space<hbm>>) dst(%arg10 : memref<64x128xf32, #tpu.memory_space<vmem>>)
    tpu.wait_dma2 semaphore(%arg14 : memref<!tpu.dma_semaphore, #tpu.memory_space<semaphore_mem>>) src(%arg5 : memref<128xf32, #tpu.memory_space<hbm>>) dst(%arg11 : memref<128xf32, #tpu.memory_space<vmem>>)
    tpu.wait_dma2 semaphore(%arg14 : memref<!tpu.dma_semaphore, #tpu.memory_space<semaphore_mem>>) src(%arg6 : memref<128xf32, #tpu.memory_space<hbm>>) dst(%arg12 : memref<128xf32, #tpu.memory_space<vmem>>)
    %get3A = arith.constant 0 : index
    %get3A_145 = tpu.vector_load %arg11[%get3A] {strides = array<i32>} : memref<128xf32, #tpu.memory_space<vmem>>, vector<16xf32>,
    %get3A_146 = arith.constant 16 : index
    %get3A_147 = tpu.vector_load %arg11[%get3A_146] {strides = array<i32>} : memref<128xf32, #tpu.memory_space<vmem>>, vector<16xf32>,
    %get3A_148 = arith.constant 32 : index
    %get3A_149 = tpu.vector_load %arg11[%get3A_148] {strides = array<i32>} : memref<128xf32, #tpu.memory_space<vmem>>, vector<16xf32>,
    %get3A_150 = arith.constant 48 : index
    %get3A_151 = tpu.vector_load %arg11[%get3A_150] {strides = array<i32>} : memref<128xf32, #tpu.memory_space<vmem>>, vector<16xf32>,
    %get3A_152 = arith.constant 64 : index
    %get3A_153 = tpu.vector_load %arg11[%get3A_152] {strides = array<i32>} : memref<128xf32, #tpu.memory_space<vmem>>, vector<16xf32>,
    %get3A_154 = arith.constant 80 : index
    %get3A_155 = tpu.vector_load %arg11[%get3A_154] {strides = array<i32>} : memref<128xf32, #tpu.memory_space<vmem>>, vector<16xf32>,
    %get3A_156 = arith.constant 96 : index
    %get3A_157 = tpu.vector_load %arg11[%get3A_156] {strides = array<i32>} : memref<128xf32, #tpu.memory_space<vmem>>, vector<16xf32>,
    %get3A_158 = arith.constant 112 : index
    %get3A_159 = tpu.vector_load %arg11[%get3A_158] {strides = array<i32>} : memref<128xf32, #tpu.memory_space<vmem>>, vector<16xf32>,
    %get3A_160 = arith.constant 0 : index
    %get3A_161 = tpu.vector_load %arg12[%get3A_160] {strides = array<i32>} : memref<128xf32, #tpu.memory_space<vmem>>, vector<16xf32>,
    %get3A_162 = arith.constant 16 : index
    %get3A_163 = tpu.vector_load %arg12[%get3A_162] {strides = array<i32>} : memref<128xf32, #tpu.memory_space<vmem>>, vector<16xf32>,
    %get3A_164 = arith.constant 32 : index
    %get3A_165 = tpu.vector_load %arg12[%get3A_164] {strides = array<i32>} : memref<128xf32, #tpu.memory_space<vmem>>, vector<16xf32>,
    %get3A_166 = arith.constant 48 : index
    %get3A_167 = tpu.vector_load %arg12[%get3A_166] {strides = array<i32>} : memref<128xf32, #tpu.memory_space<vmem>>, vector<16xf32>,
    %get3A_168 = arith.constant 64 : index
    %get3A_169 = tpu.vector_load %arg12[%get3A_168] {strides = array<i32>} : memref<128xf32, #tpu.memory_space<vmem>>, vector<16xf32>,
    %get3A_170 = arith.constant 80 : index
    %get3A_171 = tpu.vector_load %arg12[%get3A_170] {strides = array<i32>} : memref<128xf32, #tpu.memory_space<vmem>>, vector<16xf32>,
    %get3A_172 = arith.constant 96 : index
    %get3A_173 = tpu.vector_load %arg12[%get3A_172] {strides = array<i32>} : memref<128xf32, #tpu.memory_space<vmem>>, vector<16xf32>,
    %get3A_174 = arith.constant 112 : index
    %get3A_175 = tpu.vector_load %arg12[%get3A_174] {strides = array<i32>} : memref<128xf32, #tpu.memory_space<vmem>>, vector<16xf32>,
    %scan3A = arith.constant 7.812500e-03 : f32
    %scan3A_176 = arith.constant 0 : i32
    %scan3A_177 = arith.constant 32 : i32
    %scan3A_178 = arith.addi %scan3A_176, %scan3A_177 : i32
    %scan3A_179 = arith.constant 2 : i32
    scf.for %scan3A_403 = %scan3A_176 to %scan3A_178 step %scan3A_179  : i32 {
      %mul3A_404 = arith.constant 1 : i32
      %mul3A_405 = arith.muli %scan3A_403, %mul3A_404 : i32
      %add3A_406 = arith.constant 0 : i32
      %add3A_407 = arith.addi %add3A_406, %mul3A_405 : i32
      %get3A_408 = arith.index_cast %add3A_407 : i32 to index
      %get3A_409 = arith.constant 0 : index
      %get3A_410 = tpu.vector_load %arg10[%get3A_408, %get3A_409] {strides = array<i32>} : memref<64x128xf32, #tpu.memory_space<vmem>>, vector<16xf32>,
      %get3A_411 = arith.index_cast %add3A_407 : i32 to index
      %get3A_412 = arith.constant 16 : index
      %get3A_413 = tpu.vector_load %arg10[%get3A_411, %get3A_412] {strides = array<i32>} : memref<64x128xf32, #tpu.memory_space<vmem>>, vector<16xf32>,
      %get3A_414 = arith.index_cast %add3A_407 : i32 to index
      %get3A_415 = arith.constant 32 : index
      %get3A_416 = tpu.vector_load %arg10[%get3A_414, %get3A_415] {strides = array<i32>} : memref<64x128xf32, #tpu.memory_space<vmem>>, vector<16xf32>,
      %get3A_417 = arith.index_cast %add3A_407 : i32 to index
      %get3A_418 = arith.constant 48 : index
      %get3A_419 = tpu.vector_load %arg10[%get3A_417, %get3A_418] {strides = array<i32>} : memref<64x128xf32, #tpu.memory_space<vmem>>, vector<16xf32>,
      %get3A_420 = arith.index_cast %add3A_407 : i32 to index
      %get3A_421 = arith.constant 64 : index
      %get3A_422 = tpu.vector_load %arg10[%get3A_420, %get3A_421] {strides = array<i32>} : memref<64x128xf32, #tpu.memory_space<vmem>>, vector<16xf32>,
      %get3A_423 = arith.index_cast %add3A_407 : i32 to index
      %get3A_424 = arith.constant 80 : index
      %get3A_425 = tpu.vector_load %arg10[%get3A_423, %get3A_424] {strides = array<i32>} : memref<64x128xf32, #tpu.memory_space<vmem>>, vector<16xf32>,
      %get3A_426 = arith.index_cast %add3A_407 : i32 to index
      %get3A_427 = arith.constant 96 : index
      %get3A_428 = tpu.vector_load %arg10[%get3A_426, %get3A_427] {strides = array<i32>} : memref<64x128xf32, #tpu.memory_space<vmem>>, vector<16xf32>,
      %get3A_429 = arith.index_cast %add3A_407 : i32 to index
      %get3A_430 = arith.constant 112 : index
      %get3A_431 = tpu.vector_load %arg10[%get3A_429, %get3A_430] {strides = array<i32>} : memref<64x128xf32, #tpu.memory_space<vmem>>, vector<16xf32>,
      %add3A_432 = arith.constant 0 : i32
      %add3A_433 = arith.addi %add3A_432, %add3A_407 : i32
      %get3A_434 = arith.index_cast %add3A_433 : i32 to index
      %get3A_435 = arith.constant 0 : index
      %get3A_436 = tpu.vector_load %arg9[%get3A_434, %get3A_435] {strides = array<i32>} : memref<256x128xf32, #tpu.memory_space<vmem>>, vector<16xf32>,
      %add3A_437 = arith.addf %get3A_436, %get3A_410 : vector<16xf32>
      %get3A_438 = arith.index_cast %add3A_433 : i32 to index
      %get3A_439 = arith.constant 16 : index
      %get3A_440 = tpu.vector_load %arg9[%get3A_438, %get3A_439] {strides = array<i32>} : memref<256x128xf32, #tpu.memory_space<vmem>>, vector<16xf32>,
      %add3A_441 = arith.addf %get3A_440, %get3A_413 : vector<16xf32>
      %get3A_442 = arith.index_cast %add3A_433 : i32 to index
      %get3A_443 = arith.constant 32 : index
      %get3A_444 = tpu.vector_load %arg9[%get3A_442, %get3A_443] {strides = array<i32>} : memref<256x128xf32, #tpu.memory_space<vmem>>, vector<16xf32>,
      %add3A_445 = arith.addf %get3A_444, %get3A_416 : vector<16xf32>
      %get3A_446 = arith.index_cast %add3A_433 : i32 to index
      %get3A_447 = arith.constant 48 : index
      %get3A_448 = tpu.vector_load %arg9[%get3A_446, %get3A_447] {strides = array<i32>} : memref<256x128xf32, #tpu.memory_space<vmem>>, vector<16xf32>,
      %add3A_449 = arith.addf %get3A_448, %get3A_419 : vector<16xf32>
      %get3A_450 = arith.index_cast %add3A_433 : i32 to index
      %get3A_451 = arith.constant 64 : index
      %get3A_452 = tpu.vector_load %arg9[%get3A_450, %get3A_451] {strides = array<i32>} : memref<256x128xf32, #tpu.memory_space<vmem>>, vector<16xf32>,
      %add3A_453 = arith.addf %get3A_452, %get3A_422 : vector<16xf32>
      %get3A_454 = arith.index_cast %add3A_433 : i32 to index
      %get3A_455 = arith.constant 80 : index
      %get3A_456 = tpu.vector_load %arg9[%get3A_454, %get3A_455] {strides = array<i32>} : memref<256x128xf32, #tpu.memory_space<vmem>>, vector<16xf32>,
      %add3A_457 = arith.addf %get3A_456, %get3A_425 : vector<16xf32>
      %get3A_458 = arith.index_cast %add3A_433 : i32 to index
      %get3A_459 = arith.constant 96 : index
      %get3A_460 = tpu.vector_load %arg9[%get3A_458, %get3A_459] {strides = array<i32>} : memref<256x128xf32, #tpu.memory_space<vmem>>, vector<16xf32>,
      %add3A_461 = arith.addf %get3A_460, %get3A_428 : vector<16xf32>
      %get3A_462 = arith.index_cast %add3A_433 : i32 to index
      %get3A_463 = arith.constant 112 : index
      %get3A_464 = tpu.vector_load %arg9[%get3A_462, %get3A_463] {strides = array<i32>} : memref<256x128xf32, #tpu.memory_space<vmem>>, vector<16xf32>,
      %add3A_465 = arith.addf %get3A_464, %get3A_431 : vector<16xf32>
      %add3A_466 = arith.addf %add3A_437, %add3A_441 : vector<16xf32>
      %add3A_467 = arith.addf %add3A_445, %add3A_449 : vector<16xf32>
      %add3A_468 = arith.addf %add3A_453, %add3A_457 : vector<16xf32>
      %add3A_469 = arith.addf %add3A_461, %add3A_465 : vector<16xf32>
      %add3A_470 = arith.addf %add3A_466, %add3A_467 : vector<16xf32>
      %add3A_471 = arith.addf %add3A_468, %add3A_469 : vector<16xf32>
      %add3A_472 = arith.addf %add3A_470, %add3A_471 : vector<16xf32>
      %mul3A_473 = arith.mulf %add3A_437, %add3A_437 : vector<16xf32>
      %mul3A_474 = arith.mulf %add3A_441, %add3A_441 : vector<16xf32>
      %mul3A_475 = arith.mulf %add3A_445, %add3A_445 : vector<16xf32>
      %mul3A_476 = arith.mulf %add3A_449, %add3A_449 : vector<16xf32>
      %mul3A_477 = arith.mulf %add3A_453, %add3A_453 : vector<16xf32>
      %mul3A_478 = arith.mulf %add3A_457, %add3A_457 : vector<16xf32>
      %mul3A_479 = arith.mulf %add3A_461, %add3A_461 : vector<16xf32>
      %mul3A_480 = arith.mulf %add3A_465, %add3A_465 : vector<16xf32>
      %add3A_481 = arith.addf %mul3A_473, %mul3A_474 : vector<16xf32>
      %add3A_482 = arith.addf %mul3A_475, %mul3A_476 : vector<16xf32>
      %add3A_483 = arith.addf %mul3A_477, %mul3A_478 : vector<16xf32>
      %add3A_484 = arith.addf %mul3A_479, %mul3A_480 : vector<16xf32>
      %add3A_485 = arith.addf %add3A_481, %add3A_482 : vector<16xf32>
      %add3A_486 = arith.addf %add3A_483, %add3A_484 : vector<16xf32>
      %add3A_487 = arith.addf %add3A_485, %add3A_486 : vector<16xf32>
      %reduce_sum3A = arith.constant true
      %reduce_sum3A_488 = vector.broadcast %reduce_sum3A : i1 to vector<16xi1>
      %reduce_sum3A_489 = tpu.scan <sum>, %add3A_472 masked %reduce_sum3A_488 : vector<16xf32>, vector<16xi1> -> vector<16xf32>
      %reduce_sum3A_490 = vector.extract %reduce_sum3A_489[15] : f32 from vector<16xf32>
      %mul3A_491 = arith.mulf %reduce_sum3A_490, %scan3A : f32
      %reduce_sum3A_492 = arith.constant true
      %reduce_sum3A_493 = vector.broadcast %reduce_sum3A_492 : i1 to vector<16xi1>
      %reduce_sum3A_494 = tpu.scan <sum>, %add3A_487 masked %reduce_sum3A_493 : vector<16xf32>, vector<16xi1> -> vector<16xf32>
      %reduce_sum3A_495 = vector.extract %reduce_sum3A_494[15] : f32 from vector<16xf32>
      %mul3A_496 = arith.mulf %reduce_sum3A_495, %scan3A : f32
      %mul3A_497 = arith.mulf %mul3A_491, %mul3A_491 : f32
      %sub3A = arith.subf %mul3A_496, %mul3A_497 : f32
      %add3A_498 = arith.constant 9.99999974E-6 : f32
      %add3A_499 = arith.addf %sub3A, %add3A_498 : f32
      %bitcast_convert_type3A = arith.bitcast %add3A_499 : f32 to i32
      %shift_right_arithmetic3A = arith.constant 1 : i32
      %shift_right_arithmetic3A_500 = arith.shrsi %bitcast_convert_type3A, %shift_right_arithmetic3A : i32
      %sub3A_501 = arith.constant 1597463007 : i32
      %sub3A_502 = arith.subi %sub3A_501, %shift_right_arithmetic3A_500 : i32
      %bitcast_convert_type3A_503 = arith.bitcast %sub3A_502 : i32 to f32
      %mul3A_504 = arith.constant 5.000000e-01 : f32
      %mul3A_505 = arith.mulf %mul3A_504, %add3A_499 : f32
      %mul3A_506 = arith.mulf %mul3A_505, %bitcast_convert_type3A_503 : f32
      %mul3A_507 = arith.mulf %mul3A_506, %bitcast_convert_type3A_503 : f32
      %sub3A_508 = arith.constant 1.500000e+00 : f32
      %sub3A_509 = arith.subf %sub3A_508, %mul3A_507 : f32
      %mul3A_510 = arith.mulf %bitcast_convert_type3A_503, %sub3A_509 : f32
      %mul3A_511 = arith.mulf %mul3A_505, %mul3A_510 : f32
      %mul3A_512 = arith.mulf %mul3A_511, %mul3A_510 : f32
      %sub3A_513 = arith.constant 1.500000e+00 : f32
      %sub3A_514 = arith.subf %sub3A_513, %mul3A_512 : f32
      %mul3A_515 = arith.mulf %mul3A_510, %sub3A_514 : f32
      %broadcast_in_dim3A = vector.broadcast %mul3A_515 : f32 to vector<16xf32>
      %neg3A = arith.constant 0.000000e+00 : f32
      %neg3A_516 = arith.subf %neg3A, %mul3A_491 : f32
      %mul3A_517 = arith.mulf %neg3A_516, %mul3A_515 : f32
      %broadcast_in_dim3A_518 = vector.broadcast %mul3A_517 : f32 to vector<16xf32>
      %mul3A_519 = arith.mulf %add3A_437, %broadcast_in_dim3A : vector<16xf32>
      %add3A_520 = arith.addf %mul3A_519, %broadcast_in_dim3A_518 : vector<16xf32>
      %mul3A_521 = arith.mulf %add3A_520, %get3A_145 : vector<16xf32>
      %add3A_522 = arith.addf %mul3A_521, %get3A_161 : vector<16xf32>
      %swap3A = arith.index_cast %add3A_433 : i32 to index
      %swap3A_523 = arith.constant 0 : index
      %swap3A_524 = tpu.vector_load %arg9[%swap3A, %swap3A_523] {strides = array<i32>} : memref<256x128xf32, #tpu.memory_space<vmem>>, vector<16xf32>,
      tpu.vector_store %arg9[%swap3A, %swap3A_523], %add3A_522 {strides = array<i32>} : memref<256x128xf32, #tpu.memory_space<vmem>>, vector<16xf32>,
      %mul3A_525 = arith.mulf %add3A_441, %broadcast_in_dim3A : vector<16xf32>
      %add3A_526 = arith.addf %mul3A_525, %broadcast_in_dim3A_518 : vector<16xf32>
      %mul3A_527 = arith.mulf %add3A_526, %get3A_147 : vector<16xf32>
      %add3A_528 = arith.addf %mul3A_527, %get3A_163 : vector<16xf32>
      %swap3A_529 = arith.index_cast %add3A_433 : i32 to index
      %swap3A_530 = arith.constant 16 : index
      %swap3A_531 = tpu.vector_load %arg9[%swap3A_529, %swap3A_530] {strides = array<i32>} : memref<256x128xf32, #tpu.memory_space<vmem>>, vector<16xf32>,
      tpu.vector_store %arg9[%swap3A_529, %swap3A_530], %add3A_528 {strides = array<i32>} : memref<256x128xf32, #tpu.memory_space<vmem>>, vector<16xf32>,
      %mul3A_532 = arith.mulf %add3A_445, %broadcast_in_dim3A : vector<16xf32>
      %add3A_533 = arith.addf %mul3A_532, %broadcast_in_dim3A_518 : vector<16xf32>
      %mul3A_534 = arith.mulf %add3A_533, %get3A_149 : vector<16xf32>
      %add3A_535 = arith.addf %mul3A_534, %get3A_165 : vector<16xf32>
      %swap3A_536 = arith.index_cast %add3A_433 : i32 to index
      %swap3A_537 = arith.constant 32 : index
      %swap3A_538 = tpu.vector_load %arg9[%swap3A_536, %swap3A_537] {strides = array<i32>} : memref<256x128xf32, #tpu.memory_space<vmem>>, vector<16xf32>,
      tpu.vector_store %arg9[%swap3A_536, %swap3A_537], %add3A_535 {strides = array<i32>} : memref<256x128xf32, #tpu.memory_space<vmem>>, vector<16xf32>,
      %mul3A_539 = arith.mulf %add3A_449, %broadcast_in_dim3A : vector<16xf32>
      %add3A_540 = arith.addf %mul3A_539, %broadcast_in_dim3A_518 : vector<16xf32>
      %mul3A_541 = arith.mulf %add3A_540, %get3A_151 : vector<16xf32>
      %add3A_542 = arith.addf %mul3A_541, %get3A_167 : vector<16xf32>
      %swap3A_543 = arith.index_cast %add3A_433 : i32 to index
      %swap3A_544 = arith.constant 48 : index
      %swap3A_545 = tpu.vector_load %arg9[%swap3A_543, %swap3A_544] {strides = array<i32>} : memref<256x128xf32, #tpu.memory_space<vmem>>, vector<16xf32>,
      tpu.vector_store %arg9[%swap3A_543, %swap3A_544], %add3A_542 {strides = array<i32>} : memref<256x128xf32, #tpu.memory_space<vmem>>, vector<16xf32>,
      %mul3A_546 = arith.mulf %add3A_453, %broadcast_in_dim3A : vector<16xf32>
      %add3A_547 = arith.addf %mul3A_546, %broadcast_in_dim3A_518 : vector<16xf32>
      %mul3A_548 = arith.mulf %add3A_547, %get3A_153 : vector<16xf32>
      %add3A_549 = arith.addf %mul3A_548, %get3A_169 : vector<16xf32>
      %swap3A_550 = arith.index_cast %add3A_433 : i32 to index
      %swap3A_551 = arith.constant 64 : index
      %swap3A_552 = tpu.vector_load %arg9[%swap3A_550, %swap3A_551] {strides = array<i32>} : memref<256x128xf32, #tpu.memory_space<vmem>>, vector<16xf32>,
      tpu.vector_store %arg9[%swap3A_550, %swap3A_551], %add3A_549 {strides = array<i32>} : memref<256x128xf32, #tpu.memory_space<vmem>>, vector<16xf32>,
      %mul3A_553 = arith.mulf %add3A_457, %broadcast_in_dim3A : vector<16xf32>
      %add3A_554 = arith.addf %mul3A_553, %broadcast_in_dim3A_518 : vector<16xf32>
      %mul3A_555 = arith.mulf %add3A_554, %get3A_155 : vector<16xf32>
      %add3A_556 = arith.addf %mul3A_555, %get3A_171 : vector<16xf32>
      %swap3A_557 = arith.index_cast %add3A_433 : i32 to index
      %swap3A_558 = arith.constant 80 : index
      %swap3A_559 = tpu.vector_load %arg9[%swap3A_557, %swap3A_558] {strides = array<i32>} : memref<256x128xf32, #tpu.memory_space<vmem>>, vector<16xf32>,
      tpu.vector_store %arg9[%swap3A_557, %swap3A_558], %add3A_556 {strides = array<i32>} : memref<256x128xf32, #tpu.memory_space<vmem>>, vector<16xf32>,
      %mul3A_560 = arith.mulf %add3A_461, %broadcast_in_dim3A : vector<16xf32>
      %add3A_561 = arith.addf %mul3A_560, %broadcast_in_dim3A_518 : vector<16xf32>
      %mul3A_562 = arith.mulf %add3A_561, %get3A_157 : vector<16xf32>
      %add3A_563 = arith.addf %mul3A_562, %get3A_173 : vector<16xf32>
      %swap3A_564 = arith.index_cast %add3A_433 : i32 to index
      %swap3A_565 = arith.constant 96 : index
      %swap3A_566 = tpu.vector_load %arg9[%swap3A_564, %swap3A_565] {strides = array<i32>} : memref<256x128xf32, #tpu.memory_space<vmem>>, vector<16xf32>,
      tpu.vector_store %arg9[%swap3A_564, %swap3A_565], %add3A_563 {strides = array<i32>} : memref<256x128xf32, #tpu.memory_space<vmem>>, vector<16xf32>,
      %mul3A_567 = arith.mulf %add3A_465, %broadcast_in_dim3A : vector<16xf32>
      %add3A_568 = arith.addf %mul3A_567, %broadcast_in_dim3A_518 : vector<16xf32>
      %mul3A_569 = arith.mulf %add3A_568, %get3A_159 : vector<16xf32>
      %add3A_570 = arith.addf %mul3A_569, %get3A_175 : vector<16xf32>
      %swap3A_571 = arith.index_cast %add3A_433 : i32 to index
      %swap3A_572 = arith.constant 112 : index
      %swap3A_573 = tpu.vector_load %arg9[%swap3A_571, %swap3A_572] {strides = array<i32>} : memref<256x128xf32, #tpu.memory_space<vmem>>, vector<16xf32>,
      tpu.vector_store %arg9[%swap3A_571, %swap3A_572], %add3A_570 {strides = array<i32>} : memref<256x128xf32, #tpu.memory_space<vmem>>, vector<16xf32>,
      %add3A_574 = arith.constant 64 : i32
      %add3A_575 = arith.addi %add3A_574, %add3A_407 : i32
      %get3A_576 = arith.index_cast %add3A_575 : i32 to index
      %get3A_577 = arith.constant 0 : index
      %get3A_578 = tpu.vector_load %arg9[%get3A_576, %get3A_577] {strides = array<i32>} : memref<256x128xf32, #tpu.memory_space<vmem>>, vector<16xf32>,
      %add3A_579 = arith.addf %get3A_578, %get3A_410 : vector<16xf32>
      %get3A_580 = arith.index_cast %add3A_575 : i32 to index
      %get3A_581 = arith.constant 16 : index
      %get3A_582 = tpu.vector_load %arg9[%get3A_580, %get3A_581] {strides = array<i32>} : memref<256x128xf32, #tpu.memory_space<vmem>>, vector<16xf32>,
      %add3A_583 = arith.addf %get3A_582, %get3A_413 : vector<16xf32>
      %get3A_584 = arith.index_cast %add3A_575 : i32 to index
      %get3A_585 = arith.constant 32 : index
      %get3A_586 = tpu.vector_load %arg9[%get3A_584, %get3A_585] {strides = array<i32>} : memref<256x128xf32, #tpu.memory_space<vmem>>, vector<16xf32>,
      %add3A_587 = arith.addf %get3A_586, %get3A_416 : vector<16xf32>
      %get3A_588 = arith.index_cast %add3A_575 : i32 to index
      %get3A_589 = arith.constant 48 : index
      %get3A_590 = tpu.vector_load %arg9[%get3A_588, %get3A_589] {strides = array<i32>} : memref<256x128xf32, #tpu.memory_space<vmem>>, vector<16xf32>,
      %add3A_591 = arith.addf %get3A_590, %get3A_419 : vector<16xf32>
      %get3A_592 = arith.index_cast %add3A_575 : i32 to index
      %get3A_593 = arith.constant 64 : index
      %get3A_594 = tpu.vector_load %arg9[%get3A_592, %get3A_593] {strides = array<i32>} : memref<256x128xf32, #tpu.memory_space<vmem>>, vector<16xf32>,
      %add3A_595 = arith.addf %get3A_594, %get3A_422 : vector<16xf32>
      %get3A_596 = arith.index_cast %add3A_575 : i32 to index
      %get3A_597 = arith.constant 80 : index
      %get3A_598 = tpu.vector_load %arg9[%get3A_596, %get3A_597] {strides = array<i32>} : memref<256x128xf32, #tpu.memory_space<vmem>>, vector<16xf32>,
      %add3A_599 = arith.addf %get3A_598, %get3A_425 : vector<16xf32>
      %get3A_600 = arith.index_cast %add3A_575 : i32 to index
      %get3A_601 = arith.constant 96 : index
      %get3A_602 = tpu.vector_load %arg9[%get3A_600, %get3A_601] {strides = array<i32>} : memref<256x128xf32, #tpu.memory_space<vmem>>, vector<16xf32>,
      %add3A_603 = arith.addf %get3A_602, %get3A_428 : vector<16xf32>
      %get3A_604 = arith.index_cast %add3A_575 : i32 to index
      %get3A_605 = arith.constant 112 : index
      %get3A_606 = tpu.vector_load %arg9[%get3A_604, %get3A_605] {strides = array<i32>} : memref<256x128xf32, #tpu.memory_space<vmem>>, vector<16xf32>,
      %add3A_607 = arith.addf %get3A_606, %get3A_431 : vector<16xf32>
      %add3A_608 = arith.addf %add3A_579, %add3A_583 : vector<16xf32>
      %add3A_609 = arith.addf %add3A_587, %add3A_591 : vector<16xf32>
      %add3A_610 = arith.addf %add3A_595, %add3A_599 : vector<16xf32>
      %add3A_611 = arith.addf %add3A_603, %add3A_607 : vector<16xf32>
      %add3A_612 = arith.addf %add3A_608, %add3A_609 : vector<16xf32>
      %add3A_613 = arith.addf %add3A_610, %add3A_611 : vector<16xf32>
      %add3A_614 = arith.addf %add3A_612, %add3A_613 : vector<16xf32>
      %mul3A_615 = arith.mulf %add3A_579, %add3A_579 : vector<16xf32>
      %mul3A_616 = arith.mulf %add3A_583, %add3A_583 : vector<16xf32>
      %mul3A_617 = arith.mulf %add3A_587, %add3A_587 : vector<16xf32>
      %mul3A_618 = arith.mulf %add3A_591, %add3A_591 : vector<16xf32>
      %mul3A_619 = arith.mulf %add3A_595, %add3A_595 : vector<16xf32>
      %mul3A_620 = arith.mulf %add3A_599, %add3A_599 : vector<16xf32>
      %mul3A_621 = arith.mulf %add3A_603, %add3A_603 : vector<16xf32>
      %mul3A_622 = arith.mulf %add3A_607, %add3A_607 : vector<16xf32>
      %add3A_623 = arith.addf %mul3A_615, %mul3A_616 : vector<16xf32>
      %add3A_624 = arith.addf %mul3A_617, %mul3A_618 : vector<16xf32>
      %add3A_625 = arith.addf %mul3A_619, %mul3A_620 : vector<16xf32>
      %add3A_626 = arith.addf %mul3A_621, %mul3A_622 : vector<16xf32>
      %add3A_627 = arith.addf %add3A_623, %add3A_624 : vector<16xf32>
      %add3A_628 = arith.addf %add3A_625, %add3A_626 : vector<16xf32>
      %add3A_629 = arith.addf %add3A_627, %add3A_628 : vector<16xf32>
      %reduce_sum3A_630 = arith.constant true
      %reduce_sum3A_631 = vector.broadcast %reduce_sum3A_630 : i1 to vector<16xi1>
      %reduce_sum3A_632 = tpu.scan <sum>, %add3A_614 masked %reduce_sum3A_631 : vector<16xf32>, vector<16xi1> -> vector<16xf32>
      %reduce_sum3A_633 = vector.extract %reduce_sum3A_632[15] : f32 from vector<16xf32>
      %mul3A_634 = arith.mulf %reduce_sum3A_633, %scan3A : f32
      %reduce_sum3A_635 = arith.constant true
      %reduce_sum3A_636 = vector.broadcast %reduce_sum3A_635 : i1 to vector<16xi1>
      %reduce_sum3A_637 = tpu.scan <sum>, %add3A_629 masked %reduce_sum3A_636 : vector<16xf32>, vector<16xi1> -> vector<16xf32>
      %reduce_sum3A_638 = vector.extract %reduce_sum3A_637[15] : f32 from vector<16xf32>
      %mul3A_639 = arith.mulf %reduce_sum3A_638, %scan3A : f32
      %mul3A_640 = arith.mulf %mul3A_634, %mul3A_634 : f32
      %sub3A_641 = arith.subf %mul3A_639, %mul3A_640 : f32
      %add3A_642 = arith.constant 9.99999974E-6 : f32
      %add3A_643 = arith.addf %sub3A_641, %add3A_642 : f32
      %bitcast_convert_type3A_644 = arith.bitcast %add3A_643 : f32 to i32
      %shift_right_arithmetic3A_645 = arith.constant 1 : i32
      %shift_right_arithmetic3A_646 = arith.shrsi %bitcast_convert_type3A_644, %shift_right_arithmetic3A_645 : i32
      %sub3A_647 = arith.constant 1597463007 : i32
      %sub3A_648 = arith.subi %sub3A_647, %shift_right_arithmetic3A_646 : i32
      %bitcast_convert_type3A_649 = arith.bitcast %sub3A_648 : i32 to f32
      %mul3A_650 = arith.constant 5.000000e-01 : f32
      %mul3A_651 = arith.mulf %mul3A_650, %add3A_643 : f32
      %mul3A_652 = arith.mulf %mul3A_651, %bitcast_convert_type3A_649 : f32
      %mul3A_653 = arith.mulf %mul3A_652, %bitcast_convert_type3A_649 : f32
      %sub3A_654 = arith.constant 1.500000e+00 : f32
      %sub3A_655 = arith.subf %sub3A_654, %mul3A_653 : f32
      %mul3A_656 = arith.mulf %bitcast_convert_type3A_649, %sub3A_655 : f32
      %mul3A_657 = arith.mulf %mul3A_651, %mul3A_656 : f32
      %mul3A_658 = arith.mulf %mul3A_657, %mul3A_656 : f32
      %sub3A_659 = arith.constant 1.500000e+00 : f32
      %sub3A_660 = arith.subf %sub3A_659, %mul3A_658 : f32
      %mul3A_661 = arith.mulf %mul3A_656, %sub3A_660 : f32
      %broadcast_in_dim3A_662 = vector.broadcast %mul3A_661 : f32 to vector<16xf32>
      %neg3A_663 = arith.constant 0.000000e+00 : f32
      %neg3A_664 = arith.subf %neg3A_663, %mul3A_634 : f32
      %mul3A_665 = arith.mulf %neg3A_664, %mul3A_661 : f32
      %broadcast_in_dim3A_666 = vector.broadcast %mul3A_665 : f32 to vector<16xf32>
      %mul3A_667 = arith.mulf %add3A_579, %broadcast_in_dim3A_662 : vector<16xf32>
      %add3A_668 = arith.addf %mul3A_667, %broadcast_in_dim3A_666 : vector<16xf32>
      %mul3A_669 = arith.mulf %add3A_668, %get3A_145 : vector<16xf32>
      %add3A_670 = arith.addf %mul3A_669, %get3A_161 : vector<16xf32>
      %swap3A_671 = arith.index_cast %add3A_575 : i32 to index
      %swap3A_672 = arith.constant 0 : index
      %swap3A_673 = tpu.vector_load %arg9[%swap3A_671, %swap3A_672] {strides = array<i32>} : memref<256x128xf32, #tpu.memory_space<vmem>>, vector<16xf32>,
      tpu.vector_store %arg9[%swap3A_671, %swap3A_672], %add3A_670 {strides = array<i32>} : memref<256x128xf32, #tpu.memory_space<vmem>>, vector<16xf32>,
      %mul3A_674 = arith.mulf %add3A_583, %broadcast_in_dim3A_662 : vector<16xf32>
      %add3A_675 = arith.addf %mul3A_674, %broadcast_in_dim3A_666 : vector<16xf32>
      %mul3A_676 = arith.mulf %add3A_675, %get3A_147 : vector<16xf32>
      %add3A_677 = arith.addf %mul3A_676, %get3A_163 : vector<16xf32>
      %swap3A_678 = arith.index_cast %add3A_575 : i32 to index
      %swap3A_679 = arith.constant 16 : index
      %swap3A_680 = tpu.vector_load %arg9[%swap3A_678, %swap3A_679] {strides = array<i32>} : memref<256x128xf32, #tpu.memory_space<vmem>>, vector<16xf32>,
      tpu.vector_store %arg9[%swap3A_678, %swap3A_679], %add3A_677 {strides = array<i32>} : memref<256x128xf32, #tpu.memory_space<vmem>>, vector<16xf32>,
      %mul3A_681 = arith.mulf %add3A_587, %broadcast_in_dim3A_662 : vector<16xf32>
      %add3A_682 = arith.addf %mul3A_681, %broadcast_in_dim3A_666 : vector<16xf32>
      %mul3A_683 = arith.mulf %add3A_682, %get3A_149 : vector<16xf32>
      %add3A_684 = arith.addf %mul3A_683, %get3A_165 : vector<16xf32>
      %swap3A_685 = arith.index_cast %add3A_575 : i32 to index
      %swap3A_686 = arith.constant 32 : index
      %swap3A_687 = tpu.vector_load %arg9[%swap3A_685, %swap3A_686] {strides = array<i32>} : memref<256x128xf32, #tpu.memory_space<vmem>>, vector<16xf32>,
      tpu.vector_store %arg9[%swap3A_685, %swap3A_686], %add3A_684 {strides = array<i32>} : memref<256x128xf32, #tpu.memory_space<vmem>>, vector<16xf32>,
      %mul3A_688 = arith.mulf %add3A_591, %broadcast_in_dim3A_662 : vector<16xf32>
      %add3A_689 = arith.addf %mul3A_688, %broadcast_in_dim3A_666 : vector<16xf32>
      %mul3A_690 = arith.mulf %add3A_689, %get3A_151 : vector<16xf32>
      %add3A_691 = arith.addf %mul3A_690, %get3A_167 : vector<16xf32>
      %swap3A_692 = arith.index_cast %add3A_575 : i32 to index
      %swap3A_693 = arith.constant 48 : index
      %swap3A_694 = tpu.vector_load %arg9[%swap3A_692, %swap3A_693] {strides = array<i32>} : memref<256x128xf32, #tpu.memory_space<vmem>>, vector<16xf32>,
      tpu.vector_store %arg9[%swap3A_692, %swap3A_693], %add3A_691 {strides = array<i32>} : memref<256x128xf32, #tpu.memory_space<vmem>>, vector<16xf32>,
      %mul3A_695 = arith.mulf %add3A_595, %broadcast_in_dim3A_662 : vector<16xf32>
      %add3A_696 = arith.addf %mul3A_695, %broadcast_in_dim3A_666 : vector<16xf32>
      %mul3A_697 = arith.mulf %add3A_696, %get3A_153 : vector<16xf32>
      %add3A_698 = arith.addf %mul3A_697, %get3A_169 : vector<16xf32>
      %swap3A_699 = arith.index_cast %add3A_575 : i32 to index
      %swap3A_700 = arith.constant 64 : index
      %swap3A_701 = tpu.vector_load %arg9[%swap3A_699, %swap3A_700] {strides = array<i32>} : memref<256x128xf32, #tpu.memory_space<vmem>>, vector<16xf32>,
      tpu.vector_store %arg9[%swap3A_699, %swap3A_700], %add3A_698 {strides = array<i32>} : memref<256x128xf32, #tpu.memory_space<vmem>>, vector<16xf32>,
      %mul3A_702 = arith.mulf %add3A_599, %broadcast_in_dim3A_662 : vector<16xf32>
      %add3A_703 = arith.addf %mul3A_702, %broadcast_in_dim3A_666 : vector<16xf32>
      %mul3A_704 = arith.mulf %add3A_703, %get3A_155 : vector<16xf32>
      %add3A_705 = arith.addf %mul3A_704, %get3A_171 : vector<16xf32>
      %swap3A_706 = arith.index_cast %add3A_575 : i32 to index
      %swap3A_707 = arith.constant 80 : index
      %swap3A_708 = tpu.vector_load %arg9[%swap3A_706, %swap3A_707] {strides = array<i32>} : memref<256x128xf32, #tpu.memory_space<vmem>>, vector<16xf32>,
      tpu.vector_store %arg9[%swap3A_706, %swap3A_707], %add3A_705 {strides = array<i32>} : memref<256x128xf32, #tpu.memory_space<vmem>>, vector<16xf32>,
      %mul3A_709 = arith.mulf %add3A_603, %broadcast_in_dim3A_662 : vector<16xf32>
      %add3A_710 = arith.addf %mul3A_709, %broadcast_in_dim3A_666 : vector<16xf32>
      %mul3A_711 = arith.mulf %add3A_710, %get3A_157 : vector<16xf32>
      %add3A_712 = arith.addf %mul3A_711, %get3A_173 : vector<16xf32>
      %swap3A_713 = arith.index_cast %add3A_575 : i32 to index
      %swap3A_714 = arith.constant 96 : index
      %swap3A_715 = tpu.vector_load %arg9[%swap3A_713, %swap3A_714] {strides = array<i32>} : memref<256x128xf32, #tpu.memory_space<vmem>>, vector<16xf32>,
      tpu.vector_store %arg9[%swap3A_713, %swap3A_714], %add3A_712 {strides = array<i32>} : memref<256x128xf32, #tpu.memory_space<vmem>>, vector<16xf32>,
      %mul3A_716 = arith.mulf %add3A_607, %broadcast_in_dim3A_662 : vector<16xf32>
      %add3A_717 = arith.addf %mul3A_716, %broadcast_in_dim3A_666 : vector<16xf32>
      %mul3A_718 = arith.mulf %add3A_717, %get3A_159 : vector<16xf32>
      %add3A_719 = arith.addf %mul3A_718, %get3A_175 : vector<16xf32>
      %swap3A_720 = arith.index_cast %add3A_575 : i32 to index
      %swap3A_721 = arith.constant 112 : index
      %swap3A_722 = tpu.vector_load %arg9[%swap3A_720, %swap3A_721] {strides = array<i32>} : memref<256x128xf32, #tpu.memory_space<vmem>>, vector<16xf32>,
      tpu.vector_store %arg9[%swap3A_720, %swap3A_721], %add3A_719 {strides = array<i32>} : memref<256x128xf32, #tpu.memory_space<vmem>>, vector<16xf32>,
      %add3A_723 = arith.constant 128 : i32
      %add3A_724 = arith.addi %add3A_723, %add3A_407 : i32
      %get3A_725 = arith.index_cast %add3A_724 : i32 to index
      %get3A_726 = arith.constant 0 : index
      %get3A_727 = tpu.vector_load %arg9[%get3A_725, %get3A_726] {strides = array<i32>} : memref<256x128xf32, #tpu.memory_space<vmem>>, vector<16xf32>,
      %add3A_728 = arith.addf %get3A_727, %get3A_410 : vector<16xf32>
      %get3A_729 = arith.index_cast %add3A_724 : i32 to index
      %get3A_730 = arith.constant 16 : index
      %get3A_731 = tpu.vector_load %arg9[%get3A_729, %get3A_730] {strides = array<i32>} : memref<256x128xf32, #tpu.memory_space<vmem>>, vector<16xf32>,
      %add3A_732 = arith.addf %get3A_731, %get3A_413 : vector<16xf32>
      %get3A_733 = arith.index_cast %add3A_724 : i32 to index
      %get3A_734 = arith.constant 32 : index
      %get3A_735 = tpu.vector_load %arg9[%get3A_733, %get3A_734] {strides = array<i32>} : memref<256x128xf32, #tpu.memory_space<vmem>>, vector<16xf32>,
      %add3A_736 = arith.addf %get3A_735, %get3A_416 : vector<16xf32>
      %get3A_737 = arith.index_cast %add3A_724 : i32 to index
      %get3A_738 = arith.constant 48 : index
      %get3A_739 = tpu.vector_load %arg9[%get3A_737, %get3A_738] {strides = array<i32>} : memref<256x128xf32, #tpu.memory_space<vmem>>, vector<16xf32>,
      %add3A_740 = arith.addf %get3A_739, %get3A_419 : vector<16xf32>
      %get3A_741 = arith.index_cast %add3A_724 : i32 to index
      %get3A_742 = arith.constant 64 : index
      %get3A_743 = tpu.vector_load %arg9[%get3A_741, %get3A_742] {strides = array<i32>} : memref<256x128xf32, #tpu.memory_space<vmem>>, vector<16xf32>,
      %add3A_744 = arith.addf %get3A_743, %get3A_422 : vector<16xf32>
      %get3A_745 = arith.index_cast %add3A_724 : i32 to index
      %get3A_746 = arith.constant 80 : index
      %get3A_747 = tpu.vector_load %arg9[%get3A_745, %get3A_746] {strides = array<i32>} : memref<256x128xf32, #tpu.memory_space<vmem>>, vector<16xf32>,
      %add3A_748 = arith.addf %get3A_747, %get3A_425 : vector<16xf32>
      %get3A_749 = arith.index_cast %add3A_724 : i32 to index
      %get3A_750 = arith.constant 96 : index
      %get3A_751 = tpu.vector_load %arg9[%get3A_749, %get3A_750] {strides = array<i32>} : memref<256x128xf32, #tpu.memory_space<vmem>>, vector<16xf32>,
      %add3A_752 = arith.addf %get3A_751, %get3A_428 : vector<16xf32>
      %get3A_753 = arith.index_cast %add3A_724 : i32 to index
      %get3A_754 = arith.constant 112 : index
      %get3A_755 = tpu.vector_load %arg9[%get3A_753, %get3A_754] {strides = array<i32>} : memref<256x128xf32, #tpu.memory_space<vmem>>, vector<16xf32>,
      %add3A_756 = arith.addf %get3A_755, %get3A_431 : vector<16xf32>
      %add3A_757 = arith.addf %add3A_728, %add3A_732 : vector<16xf32>
      %add3A_758 = arith.addf %add3A_736, %add3A_740 : vector<16xf32>
      %add3A_759 = arith.addf %add3A_744, %add3A_748 : vector<16xf32>
      %add3A_760 = arith.addf %add3A_752, %add3A_756 : vector<16xf32>
      %add3A_761 = arith.addf %add3A_757, %add3A_758 : vector<16xf32>
      %add3A_762 = arith.addf %add3A_759, %add3A_760 : vector<16xf32>
      %add3A_763 = arith.addf %add3A_761, %add3A_762 : vector<16xf32>
      %mul3A_764 = arith.mulf %add3A_728, %add3A_728 : vector<16xf32>
      %mul3A_765 = arith.mulf %add3A_732, %add3A_732 : vector<16xf32>
      %mul3A_766 = arith.mulf %add3A_736, %add3A_736 : vector<16xf32>
      %mul3A_767 = arith.mulf %add3A_740, %add3A_740 : vector<16xf32>
      %mul3A_768 = arith.mulf %add3A_744, %add3A_744 : vector<16xf32>
      %mul3A_769 = arith.mulf %add3A_748, %add3A_748 : vector<16xf32>
      %mul3A_770 = arith.mulf %add3A_752, %add3A_752 : vector<16xf32>
      %mul3A_771 = arith.mulf %add3A_756, %add3A_756 : vector<16xf32>
      %add3A_772 = arith.addf %mul3A_764, %mul3A_765 : vector<16xf32>
      %add3A_773 = arith.addf %mul3A_766, %mul3A_767 : vector<16xf32>
      %add3A_774 = arith.addf %mul3A_768, %mul3A_769 : vector<16xf32>
      %add3A_775 = arith.addf %mul3A_770, %mul3A_771 : vector<16xf32>
      %add3A_776 = arith.addf %add3A_772, %add3A_773 : vector<16xf32>
      %add3A_777 = arith.addf %add3A_774, %add3A_775 : vector<16xf32>
      %add3A_778 = arith.addf %add3A_776, %add3A_777 : vector<16xf32>
      %reduce_sum3A_779 = arith.constant true
      %reduce_sum3A_780 = vector.broadcast %reduce_sum3A_779 : i1 to vector<16xi1>
      %reduce_sum3A_781 = tpu.scan <sum>, %add3A_763 masked %reduce_sum3A_780 : vector<16xf32>, vector<16xi1> -> vector<16xf32>
      %reduce_sum3A_782 = vector.extract %reduce_sum3A_781[15] : f32 from vector<16xf32>
      %mul3A_783 = arith.mulf %reduce_sum3A_782, %scan3A : f32
      %reduce_sum3A_784 = arith.constant true
      %reduce_sum3A_785 = vector.broadcast %reduce_sum3A_784 : i1 to vector<16xi1>
      %reduce_sum3A_786 = tpu.scan <sum>, %add3A_778 masked %reduce_sum3A_785 : vector<16xf32>, vector<16xi1> -> vector<16xf32>
      %reduce_sum3A_787 = vector.extract %reduce_sum3A_786[15] : f32 from vector<16xf32>
      %mul3A_788 = arith.mulf %reduce_sum3A_787, %scan3A : f32
      %mul3A_789 = arith.mulf %mul3A_783, %mul3A_783 : f32
      %sub3A_790 = arith.subf %mul3A_788, %mul3A_789 : f32
      %add3A_791 = arith.constant 9.99999974E-6 : f32
      %add3A_792 = arith.addf %sub3A_790, %add3A_791 : f32
      %bitcast_convert_type3A_793 = arith.bitcast %add3A_792 : f32 to i32
      %shift_right_arithmetic3A_794 = arith.constant 1 : i32
      %shift_right_arithmetic3A_795 = arith.shrsi %bitcast_convert_type3A_793, %shift_right_arithmetic3A_794 : i32
      %sub3A_796 = arith.constant 1597463007 : i32
      %sub3A_797 = arith.subi %sub3A_796, %shift_right_arithmetic3A_795 : i32
      %bitcast_convert_type3A_798 = arith.bitcast %sub3A_797 : i32 to f32
      %mul3A_799 = arith.constant 5.000000e-01 : f32
      %mul3A_800 = arith.mulf %mul3A_799, %add3A_792 : f32
      %mul3A_801 = arith.mulf %mul3A_800, %bitcast_convert_type3A_798 : f32
      %mul3A_802 = arith.mulf %mul3A_801, %bitcast_convert_type3A_798 : f32
      %sub3A_803 = arith.constant 1.500000e+00 : f32
      %sub3A_804 = arith.subf %sub3A_803, %mul3A_802 : f32
      %mul3A_805 = arith.mulf %bitcast_convert_type3A_798, %sub3A_804 : f32
      %mul3A_806 = arith.mulf %mul3A_800, %mul3A_805 : f32
      %mul3A_807 = arith.mulf %mul3A_806, %mul3A_805 : f32
      %sub3A_808 = arith.constant 1.500000e+00 : f32
      %sub3A_809 = arith.subf %sub3A_808, %mul3A_807 : f32
      %mul3A_810 = arith.mulf %mul3A_805, %sub3A_809 : f32
      %broadcast_in_dim3A_811 = vector.broadcast %mul3A_810 : f32 to vector<16xf32>
      %neg3A_812 = arith.constant 0.000000e+00 : f32
      %neg3A_813 = arith.subf %neg3A_812, %mul3A_783 : f32
      %mul3A_814 = arith.mulf %neg3A_813, %mul3A_810 : f32
      %broadcast_in_dim3A_815 = vector.broadcast %mul3A_814 : f32 to vector<16xf32>
      %mul3A_816 = arith.mulf %add3A_728, %broadcast_in_dim3A_811 : vector<16xf32>
      %add3A_817 = arith.addf %mul3A_816, %broadcast_in_dim3A_815 : vector<16xf32>
      %mul3A_818 = arith.mulf %add3A_817, %get3A_145 : vector<16xf32>
      %add3A_819 = arith.addf %mul3A_818, %get3A_161 : vector<16xf32>
      %swap3A_820 = arith.index_cast %add3A_724 : i32 to index
      %swap3A_821 = arith.constant 0 : index
      %swap3A_822 = tpu.vector_load %arg9[%swap3A_820, %swap3A_821] {strides = array<i32>} : memref<256x128xf32, #tpu.memory_space<vmem>>, vector<16xf32>,
      tpu.vector_store %arg9[%swap3A_820, %swap3A_821], %add3A_819 {strides = array<i32>} : memref<256x128xf32, #tpu.memory_space<vmem>>, vector<16xf32>,
      %mul3A_823 = arith.mulf %add3A_732, %broadcast_in_dim3A_811 : vector<16xf32>
      %add3A_824 = arith.addf %mul3A_823, %broadcast_in_dim3A_815 : vector<16xf32>
      %mul3A_825 = arith.mulf %add3A_824, %get3A_147 : vector<16xf32>
      %add3A_826 = arith.addf %mul3A_825, %get3A_163 : vector<16xf32>
      %swap3A_827 = arith.index_cast %add3A_724 : i32 to index
      %swap3A_828 = arith.constant 16 : index
      %swap3A_829 = tpu.vector_load %arg9[%swap3A_827, %swap3A_828] {strides = array<i32>} : memref<256x128xf32, #tpu.memory_space<vmem>>, vector<16xf32>,
      tpu.vector_store %arg9[%swap3A_827, %swap3A_828], %add3A_826 {strides = array<i32>} : memref<256x128xf32, #tpu.memory_space<vmem>>, vector<16xf32>,
      %mul3A_830 = arith.mulf %add3A_736, %broadcast_in_dim3A_811 : vector<16xf32>
      %add3A_831 = arith.addf %mul3A_830, %broadcast_in_dim3A_815 : vector<16xf32>
      %mul3A_832 = arith.mulf %add3A_831, %get3A_149 : vector<16xf32>
      %add3A_833 = arith.addf %mul3A_832, %get3A_165 : vector<16xf32>
      %swap3A_834 = arith.index_cast %add3A_724 : i32 to index
      %swap3A_835 = arith.constant 32 : index
      %swap3A_836 = tpu.vector_load %arg9[%swap3A_834, %swap3A_835] {strides = array<i32>} : memref<256x128xf32, #tpu.memory_space<vmem>>, vector<16xf32>,
      tpu.vector_store %arg9[%swap3A_834, %swap3A_835], %add3A_833 {strides = array<i32>} : memref<256x128xf32, #tpu.memory_space<vmem>>, vector<16xf32>,
      %mul3A_837 = arith.mulf %add3A_740, %broadcast_in_dim3A_811 : vector<16xf32>
      %add3A_838 = arith.addf %mul3A_837, %broadcast_in_dim3A_815 : vector<16xf32>
      %mul3A_839 = arith.mulf %add3A_838, %get3A_151 : vector<16xf32>
      %add3A_840 = arith.addf %mul3A_839, %get3A_167 : vector<16xf32>
      %swap3A_841 = arith.index_cast %add3A_724 : i32 to index
      %swap3A_842 = arith.constant 48 : index
      %swap3A_843 = tpu.vector_load %arg9[%swap3A_841, %swap3A_842] {strides = array<i32>} : memref<256x128xf32, #tpu.memory_space<vmem>>, vector<16xf32>,
      tpu.vector_store %arg9[%swap3A_841, %swap3A_842], %add3A_840 {strides = array<i32>} : memref<256x128xf32, #tpu.memory_space<vmem>>, vector<16xf32>,
      %mul3A_844 = arith.mulf %add3A_744, %broadcast_in_dim3A_811 : vector<16xf32>
      %add3A_845 = arith.addf %mul3A_844, %broadcast_in_dim3A_815 : vector<16xf32>
      %mul3A_846 = arith.mulf %add3A_845, %get3A_153 : vector<16xf32>
      %add3A_847 = arith.addf %mul3A_846, %get3A_169 : vector<16xf32>
      %swap3A_848 = arith.index_cast %add3A_724 : i32 to index
      %swap3A_849 = arith.constant 64 : index
      %swap3A_850 = tpu.vector_load %arg9[%swap3A_848, %swap3A_849] {strides = array<i32>} : memref<256x128xf32, #tpu.memory_space<vmem>>, vector<16xf32>,
      tpu.vector_store %arg9[%swap3A_848, %swap3A_849], %add3A_847 {strides = array<i32>} : memref<256x128xf32, #tpu.memory_space<vmem>>, vector<16xf32>,
      %mul3A_851 = arith.mulf %add3A_748, %broadcast_in_dim3A_811 : vector<16xf32>
      %add3A_852 = arith.addf %mul3A_851, %broadcast_in_dim3A_815 : vector<16xf32>
      %mul3A_853 = arith.mulf %add3A_852, %get3A_155 : vector<16xf32>
      %add3A_854 = arith.addf %mul3A_853, %get3A_171 : vector<16xf32>
      %swap3A_855 = arith.index_cast %add3A_724 : i32 to index
      %swap3A_856 = arith.constant 80 : index
      %swap3A_857 = tpu.vector_load %arg9[%swap3A_855, %swap3A_856] {strides = array<i32>} : memref<256x128xf32, #tpu.memory_space<vmem>>, vector<16xf32>,
      tpu.vector_store %arg9[%swap3A_855, %swap3A_856], %add3A_854 {strides = array<i32>} : memref<256x128xf32, #tpu.memory_space<vmem>>, vector<16xf32>,
      %mul3A_858 = arith.mulf %add3A_752, %broadcast_in_dim3A_811 : vector<16xf32>
      %add3A_859 = arith.addf %mul3A_858, %broadcast_in_dim3A_815 : vector<16xf32>
      %mul3A_860 = arith.mulf %add3A_859, %get3A_157 : vector<16xf32>
      %add3A_861 = arith.addf %mul3A_860, %get3A_173 : vector<16xf32>
      %swap3A_862 = arith.index_cast %add3A_724 : i32 to index
      %swap3A_863 = arith.constant 96 : index
      %swap3A_864 = tpu.vector_load %arg9[%swap3A_862, %swap3A_863] {strides = array<i32>} : memref<256x128xf32, #tpu.memory_space<vmem>>, vector<16xf32>,
      tpu.vector_store %arg9[%swap3A_862, %swap3A_863], %add3A_861 {strides = array<i32>} : memref<256x128xf32, #tpu.memory_space<vmem>>, vector<16xf32>,
      %mul3A_865 = arith.mulf %add3A_756, %broadcast_in_dim3A_811 : vector<16xf32>
      %add3A_866 = arith.addf %mul3A_865, %broadcast_in_dim3A_815 : vector<16xf32>
      %mul3A_867 = arith.mulf %add3A_866, %get3A_159 : vector<16xf32>
      %add3A_868 = arith.addf %mul3A_867, %get3A_175 : vector<16xf32>
      %swap3A_869 = arith.index_cast %add3A_724 : i32 to index
      %swap3A_870 = arith.constant 112 : index
      %swap3A_871 = tpu.vector_load %arg9[%swap3A_869, %swap3A_870] {strides = array<i32>} : memref<256x128xf32, #tpu.memory_space<vmem>>, vector<16xf32>,
      tpu.vector_store %arg9[%swap3A_869, %swap3A_870], %add3A_868 {strides = array<i32>} : memref<256x128xf32, #tpu.memory_space<vmem>>, vector<16xf32>,
      %add3A_872 = arith.constant 192 : i32
      %add3A_873 = arith.addi %add3A_872, %add3A_407 : i32
      %get3A_874 = arith.index_cast %add3A_873 : i32 to index
      %get3A_875 = arith.constant 0 : index
      %get3A_876 = tpu.vector_load %arg9[%get3A_874, %get3A_875] {strides = array<i32>} : memref<256x128xf32, #tpu.memory_space<vmem>>, vector<16xf32>,
      %add3A_877 = arith.addf %get3A_876, %get3A_410 : vector<16xf32>
      %get3A_878 = arith.index_cast %add3A_873 : i32 to index
      %get3A_879 = arith.constant 16 : index
      %get3A_880 = tpu.vector_load %arg9[%get3A_878, %get3A_879] {strides = array<i32>} : memref<256x128xf32, #tpu.memory_space<vmem>>, vector<16xf32>,
      %add3A_881 = arith.addf %get3A_880, %get3A_413 : vector<16xf32>
      %get3A_882 = arith.index_cast %add3A_873 : i32 to index
      %get3A_883 = arith.constant 32 : index
      %get3A_884 = tpu.vector_load %arg9[%get3A_882, %get3A_883] {strides = array<i32>} : memref<256x128xf32, #tpu.memory_space<vmem>>, vector<16xf32>,
      %add3A_885 = arith.addf %get3A_884, %get3A_416 : vector<16xf32>
      %get3A_886 = arith.index_cast %add3A_873 : i32 to index
      %get3A_887 = arith.constant 48 : index
      %get3A_888 = tpu.vector_load %arg9[%get3A_886, %get3A_887] {strides = array<i32>} : memref<256x128xf32, #tpu.memory_space<vmem>>, vector<16xf32>,
      %add3A_889 = arith.addf %get3A_888, %get3A_419 : vector<16xf32>
      %get3A_890 = arith.index_cast %add3A_873 : i32 to index
      %get3A_891 = arith.constant 64 : index
      %get3A_892 = tpu.vector_load %arg9[%get3A_890, %get3A_891] {strides = array<i32>} : memref<256x128xf32, #tpu.memory_space<vmem>>, vector<16xf32>,
      %add3A_893 = arith.addf %get3A_892, %get3A_422 : vector<16xf32>
      %get3A_894 = arith.index_cast %add3A_873 : i32 to index
      %get3A_895 = arith.constant 80 : index
      %get3A_896 = tpu.vector_load %arg9[%get3A_894, %get3A_895] {strides = array<i32>} : memref<256x128xf32, #tpu.memory_space<vmem>>, vector<16xf32>,
      %add3A_897 = arith.addf %get3A_896, %get3A_425 : vector<16xf32>
      %get3A_898 = arith.index_cast %add3A_873 : i32 to index
      %get3A_899 = arith.constant 96 : index
      %get3A_900 = tpu.vector_load %arg9[%get3A_898, %get3A_899] {strides = array<i32>} : memref<256x128xf32, #tpu.memory_space<vmem>>, vector<16xf32>,
      %add3A_901 = arith.addf %get3A_900, %get3A_428 : vector<16xf32>
      %get3A_902 = arith.index_cast %add3A_873 : i32 to index
      %get3A_903 = arith.constant 112 : index
      %get3A_904 = tpu.vector_load %arg9[%get3A_902, %get3A_903] {strides = array<i32>} : memref<256x128xf32, #tpu.memory_space<vmem>>, vector<16xf32>,
      %add3A_905 = arith.addf %get3A_904, %get3A_431 : vector<16xf32>
      %add3A_906 = arith.addf %add3A_877, %add3A_881 : vector<16xf32>
      %add3A_907 = arith.addf %add3A_885, %add3A_889 : vector<16xf32>
      %add3A_908 = arith.addf %add3A_893, %add3A_897 : vector<16xf32>
      %add3A_909 = arith.addf %add3A_901, %add3A_905 : vector<16xf32>
      %add3A_910 = arith.addf %add3A_906, %add3A_907 : vector<16xf32>
      %add3A_911 = arith.addf %add3A_908, %add3A_909 : vector<16xf32>
      %add3A_912 = arith.addf %add3A_910, %add3A_911 : vector<16xf32>
      %mul3A_913 = arith.mulf %add3A_877, %add3A_877 : vector<16xf32>
      %mul3A_914 = arith.mulf %add3A_881, %add3A_881 : vector<16xf32>
      %mul3A_915 = arith.mulf %add3A_885, %add3A_885 : vector<16xf32>
      %mul3A_916 = arith.mulf %add3A_889, %add3A_889 : vector<16xf32>
      %mul3A_917 = arith.mulf %add3A_893, %add3A_893 : vector<16xf32>
      %mul3A_918 = arith.mulf %add3A_897, %add3A_897 : vector<16xf32>
      %mul3A_919 = arith.mulf %add3A_901, %add3A_901 : vector<16xf32>
      %mul3A_920 = arith.mulf %add3A_905, %add3A_905 : vector<16xf32>
      %add3A_921 = arith.addf %mul3A_913, %mul3A_914 : vector<16xf32>
      %add3A_922 = arith.addf %mul3A_915, %mul3A_916 : vector<16xf32>
      %add3A_923 = arith.addf %mul3A_917, %mul3A_918 : vector<16xf32>
      %add3A_924 = arith.addf %mul3A_919, %mul3A_920 : vector<16xf32>
      %add3A_925 = arith.addf %add3A_921, %add3A_922 : vector<16xf32>
      %add3A_926 = arith.addf %add3A_923, %add3A_924 : vector<16xf32>
      %add3A_927 = arith.addf %add3A_925, %add3A_926 : vector<16xf32>
      %reduce_sum3A_928 = arith.constant true
      %reduce_sum3A_929 = vector.broadcast %reduce_sum3A_928 : i1 to vector<16xi1>
      %reduce_sum3A_930 = tpu.scan <sum>, %add3A_912 masked %reduce_sum3A_929 : vector<16xf32>, vector<16xi1> -> vector<16xf32>
      %reduce_sum3A_931 = vector.extract %reduce_sum3A_930[15] : f32 from vector<16xf32>
      %mul3A_932 = arith.mulf %reduce_sum3A_931, %scan3A : f32
      %reduce_sum3A_933 = arith.constant true
      %reduce_sum3A_934 = vector.broadcast %reduce_sum3A_933 : i1 to vector<16xi1>
      %reduce_sum3A_935 = tpu.scan <sum>, %add3A_927 masked %reduce_sum3A_934 : vector<16xf32>, vector<16xi1> -> vector<16xf32>
      %reduce_sum3A_936 = vector.extract %reduce_sum3A_935[15] : f32 from vector<16xf32>
      %mul3A_937 = arith.mulf %reduce_sum3A_936, %scan3A : f32
      %mul3A_938 = arith.mulf %mul3A_932, %mul3A_932 : f32
      %sub3A_939 = arith.subf %mul3A_937, %mul3A_938 : f32
      %add3A_940 = arith.constant 9.99999974E-6 : f32
      %add3A_941 = arith.addf %sub3A_939, %add3A_940 : f32
      %bitcast_convert_type3A_942 = arith.bitcast %add3A_941 : f32 to i32
      %shift_right_arithmetic3A_943 = arith.constant 1 : i32
      %shift_right_arithmetic3A_944 = arith.shrsi %bitcast_convert_type3A_942, %shift_right_arithmetic3A_943 : i32
      %sub3A_945 = arith.constant 1597463007 : i32
      %sub3A_946 = arith.subi %sub3A_945, %shift_right_arithmetic3A_944 : i32
      %bitcast_convert_type3A_947 = arith.bitcast %sub3A_946 : i32 to f32
      %mul3A_948 = arith.constant 5.000000e-01 : f32
      %mul3A_949 = arith.mulf %mul3A_948, %add3A_941 : f32
      %mul3A_950 = arith.mulf %mul3A_949, %bitcast_convert_type3A_947 : f32
      %mul3A_951 = arith.mulf %mul3A_950, %bitcast_convert_type3A_947 : f32
      %sub3A_952 = arith.constant 1.500000e+00 : f32
      %sub3A_953 = arith.subf %sub3A_952, %mul3A_951 : f32
      %mul3A_954 = arith.mulf %bitcast_convert_type3A_947, %sub3A_953 : f32
      %mul3A_955 = arith.mulf %mul3A_949, %mul3A_954 : f32
      %mul3A_956 = arith.mulf %mul3A_955, %mul3A_954 : f32
      %sub3A_957 = arith.constant 1.500000e+00 : f32
      %sub3A_958 = arith.subf %sub3A_957, %mul3A_956 : f32
      %mul3A_959 = arith.mulf %mul3A_954, %sub3A_958 : f32
      %broadcast_in_dim3A_960 = vector.broadcast %mul3A_959 : f32 to vector<16xf32>
      %neg3A_961 = arith.constant 0.000000e+00 : f32
      %neg3A_962 = arith.subf %neg3A_961, %mul3A_932 : f32
      %mul3A_963 = arith.mulf %neg3A_962, %mul3A_959 : f32
      %broadcast_in_dim3A_964 = vector.broadcast %mul3A_963 : f32 to vector<16xf32>
      %mul3A_965 = arith.mulf %add3A_877, %broadcast_in_dim3A_960 : vector<16xf32>
      %add3A_966 = arith.addf %mul3A_965, %broadcast_in_dim3A_964 : vector<16xf32>
      %mul3A_967 = arith.mulf %add3A_966, %get3A_145 : vector<16xf32>
      %add3A_968 = arith.addf %mul3A_967, %get3A_161 : vector<16xf32>
      %swap3A_969 = arith.index_cast %add3A_873 : i32 to index
      %swap3A_970 = arith.constant 0 : index
      %swap3A_971 = tpu.vector_load %arg9[%swap3A_969, %swap3A_970] {strides = array<i32>} : memref<256x128xf32, #tpu.memory_space<vmem>>, vector<16xf32>,
      tpu.vector_store %arg9[%swap3A_969, %swap3A_970], %add3A_968 {strides = array<i32>} : memref<256x128xf32, #tpu.memory_space<vmem>>, vector<16xf32>,
      %mul3A_972 = arith.mulf %add3A_881, %broadcast_in_dim3A_960 : vector<16xf32>
      %add3A_973 = arith.addf %mul3A_972, %broadcast_in_dim3A_964 : vector<16xf32>
      %mul3A_974 = arith.mulf %add3A_973, %get3A_147 : vector<16xf32>
      %add3A_975 = arith.addf %mul3A_974, %get3A_163 : vector<16xf32>
      %swap3A_976 = arith.index_cast %add3A_873 : i32 to index
      %swap3A_977 = arith.constant 16 : index
      %swap3A_978 = tpu.vector_load %arg9[%swap3A_976, %swap3A_977] {strides = array<i32>} : memref<256x128xf32, #tpu.memory_space<vmem>>, vector<16xf32>,
      tpu.vector_store %arg9[%swap3A_976, %swap3A_977], %add3A_975 {strides = array<i32>} : memref<256x128xf32, #tpu.memory_space<vmem>>, vector<16xf32>,
      %mul3A_979 = arith.mulf %add3A_885, %broadcast_in_dim3A_960 : vector<16xf32>
      %add3A_980 = arith.addf %mul3A_979, %broadcast_in_dim3A_964 : vector<16xf32>
      %mul3A_981 = arith.mulf %add3A_980, %get3A_149 : vector<16xf32>
      %add3A_982 = arith.addf %mul3A_981, %get3A_165 : vector<16xf32>
      %swap3A_983 = arith.index_cast %add3A_873 : i32 to index
      %swap3A_984 = arith.constant 32 : index
      %swap3A_985 = tpu.vector_load %arg9[%swap3A_983, %swap3A_984] {strides = array<i32>} : memref<256x128xf32, #tpu.memory_space<vmem>>, vector<16xf32>,
      tpu.vector_store %arg9[%swap3A_983, %swap3A_984], %add3A_982 {strides = array<i32>} : memref<256x128xf32, #tpu.memory_space<vmem>>, vector<16xf32>,
      %mul3A_986 = arith.mulf %add3A_889, %broadcast_in_dim3A_960 : vector<16xf32>
      %add3A_987 = arith.addf %mul3A_986, %broadcast_in_dim3A_964 : vector<16xf32>
      %mul3A_988 = arith.mulf %add3A_987, %get3A_151 : vector<16xf32>
      %add3A_989 = arith.addf %mul3A_988, %get3A_167 : vector<16xf32>
      %swap3A_990 = arith.index_cast %add3A_873 : i32 to index
      %swap3A_991 = arith.constant 48 : index
      %swap3A_992 = tpu.vector_load %arg9[%swap3A_990, %swap3A_991] {strides = array<i32>} : memref<256x128xf32, #tpu.memory_space<vmem>>, vector<16xf32>,
      tpu.vector_store %arg9[%swap3A_990, %swap3A_991], %add3A_989 {strides = array<i32>} : memref<256x128xf32, #tpu.memory_space<vmem>>, vector<16xf32>,
      %mul3A_993 = arith.mulf %add3A_893, %broadcast_in_dim3A_960 : vector<16xf32>
      %add3A_994 = arith.addf %mul3A_993, %broadcast_in_dim3A_964 : vector<16xf32>
      %mul3A_995 = arith.mulf %add3A_994, %get3A_153 : vector<16xf32>
      %add3A_996 = arith.addf %mul3A_995, %get3A_169 : vector<16xf32>
      %swap3A_997 = arith.index_cast %add3A_873 : i32 to index
      %swap3A_998 = arith.constant 64 : index
      %swap3A_999 = tpu.vector_load %arg9[%swap3A_997, %swap3A_998] {strides = array<i32>} : memref<256x128xf32, #tpu.memory_space<vmem>>, vector<16xf32>,
      tpu.vector_store %arg9[%swap3A_997, %swap3A_998], %add3A_996 {strides = array<i32>} : memref<256x128xf32, #tpu.memory_space<vmem>>, vector<16xf32>,
      %mul3A_1000 = arith.mulf %add3A_897, %broadcast_in_dim3A_960 : vector<16xf32>
      %add3A_1001 = arith.addf %mul3A_1000, %broadcast_in_dim3A_964 : vector<16xf32>
      %mul3A_1002 = arith.mulf %add3A_1001, %get3A_155 : vector<16xf32>
      %add3A_1003 = arith.addf %mul3A_1002, %get3A_171 : vector<16xf32>
      %swap3A_1004 = arith.index_cast %add3A_873 : i32 to index
      %swap3A_1005 = arith.constant 80 : index
      %swap3A_1006 = tpu.vector_load %arg9[%swap3A_1004, %swap3A_1005] {strides = array<i32>} : memref<256x128xf32, #tpu.memory_space<vmem>>, vector<16xf32>,
      tpu.vector_store %arg9[%swap3A_1004, %swap3A_1005], %add3A_1003 {strides = array<i32>} : memref<256x128xf32, #tpu.memory_space<vmem>>, vector<16xf32>,
      %mul3A_1007 = arith.mulf %add3A_901, %broadcast_in_dim3A_960 : vector<16xf32>
      %add3A_1008 = arith.addf %mul3A_1007, %broadcast_in_dim3A_964 : vector<16xf32>
      %mul3A_1009 = arith.mulf %add3A_1008, %get3A_157 : vector<16xf32>
      %add3A_1010 = arith.addf %mul3A_1009, %get3A_173 : vector<16xf32>
      %swap3A_1011 = arith.index_cast %add3A_873 : i32 to index
      %swap3A_1012 = arith.constant 96 : index
      %swap3A_1013 = tpu.vector_load %arg9[%swap3A_1011, %swap3A_1012] {strides = array<i32>} : memref<256x128xf32, #tpu.memory_space<vmem>>, vector<16xf32>,
      tpu.vector_store %arg9[%swap3A_1011, %swap3A_1012], %add3A_1010 {strides = array<i32>} : memref<256x128xf32, #tpu.memory_space<vmem>>, vector<16xf32>,
      %mul3A_1014 = arith.mulf %add3A_905, %broadcast_in_dim3A_960 : vector<16xf32>
      %add3A_1015 = arith.addf %mul3A_1014, %broadcast_in_dim3A_964 : vector<16xf32>
      %mul3A_1016 = arith.mulf %add3A_1015, %get3A_159 : vector<16xf32>
      %add3A_1017 = arith.addf %mul3A_1016, %get3A_175 : vector<16xf32>
      %swap3A_1018 = arith.index_cast %add3A_873 : i32 to index
      %swap3A_1019 = arith.constant 112 : index
      %swap3A_1020 = tpu.vector_load %arg9[%swap3A_1018, %swap3A_1019] {strides = array<i32>} : memref<256x128xf32, #tpu.memory_space<vmem>>, vector<16xf32>,
      tpu.vector_store %arg9[%swap3A_1018, %swap3A_1019], %add3A_1017 {strides = array<i32>} : memref<256x128xf32, #tpu.memory_space<vmem>>, vector<16xf32>,
      %scan3A_1021 = arith.constant 1 : i32
      %scan3A_1022 = arith.addi %scan3A_403, %scan3A_1021 : i32
      %mul3A_1023 = arith.constant 1 : i32
      %mul3A_1024 = arith.muli %scan3A_1022, %mul3A_1023 : i32
      %add3A_1025 = arith.constant 0 : i32
      %add3A_1026 = arith.addi %add3A_1025, %mul3A_1024 : i32
      %get3A_1027 = arith.index_cast %add3A_1026 : i32 to index
      %get3A_1028 = arith.constant 0 : index
      %get3A_1029 = tpu.vector_load %arg10[%get3A_1027, %get3A_1028] {strides = array<i32>} : memref<64x128xf32, #tpu.memory_space<vmem>>, vector<16xf32>,
      %get3A_1030 = arith.index_cast %add3A_1026 : i32 to index
      %get3A_1031 = arith.constant 16 : index
      %get3A_1032 = tpu.vector_load %arg10[%get3A_1030, %get3A_1031] {strides = array<i32>} : memref<64x128xf32, #tpu.memory_space<vmem>>, vector<16xf32>,
      %get3A_1033 = arith.index_cast %add3A_1026 : i32 to index
      %get3A_1034 = arith.constant 32 : index
      %get3A_1035 = tpu.vector_load %arg10[%get3A_1033, %get3A_1034] {strides = array<i32>} : memref<64x128xf32, #tpu.memory_space<vmem>>, vector<16xf32>,
      %get3A_1036 = arith.index_cast %add3A_1026 : i32 to index
      %get3A_1037 = arith.constant 48 : index
      %get3A_1038 = tpu.vector_load %arg10[%get3A_1036, %get3A_1037] {strides = array<i32>} : memref<64x128xf32, #tpu.memory_space<vmem>>, vector<16xf32>,
      %get3A_1039 = arith.index_cast %add3A_1026 : i32 to index
      %get3A_1040 = arith.constant 64 : index
      %get3A_1041 = tpu.vector_load %arg10[%get3A_1039, %get3A_1040] {strides = array<i32>} : memref<64x128xf32, #tpu.memory_space<vmem>>, vector<16xf32>,
      %get3A_1042 = arith.index_cast %add3A_1026 : i32 to index
      %get3A_1043 = arith.constant 80 : index
      %get3A_1044 = tpu.vector_load %arg10[%get3A_1042, %get3A_1043] {strides = array<i32>} : memref<64x128xf32, #tpu.memory_space<vmem>>, vector<16xf32>,
      %get3A_1045 = arith.index_cast %add3A_1026 : i32 to index
      %get3A_1046 = arith.constant 96 : index
      %get3A_1047 = tpu.vector_load %arg10[%get3A_1045, %get3A_1046] {strides = array<i32>} : memref<64x128xf32, #tpu.memory_space<vmem>>, vector<16xf32>,
      %get3A_1048 = arith.index_cast %add3A_1026 : i32 to index
      %get3A_1049 = arith.constant 112 : index
      %get3A_1050 = tpu.vector_load %arg10[%get3A_1048, %get3A_1049] {strides = array<i32>} : memref<64x128xf32, #tpu.memory_space<vmem>>, vector<16xf32>,
      %add3A_1051 = arith.constant 0 : i32
      %add3A_1052 = arith.addi %add3A_1051, %add3A_1026 : i32
      %get3A_1053 = arith.index_cast %add3A_1052 : i32 to index
      %get3A_1054 = arith.constant 0 : index
      %get3A_1055 = tpu.vector_load %arg9[%get3A_1053, %get3A_1054] {strides = array<i32>} : memref<256x128xf32, #tpu.memory_space<vmem>>, vector<16xf32>,
      %add3A_1056 = arith.addf %get3A_1055, %get3A_1029 : vector<16xf32>
      %get3A_1057 = arith.index_cast %add3A_1052 : i32 to index
      %get3A_1058 = arith.constant 16 : index
      %get3A_1059 = tpu.vector_load %arg9[%get3A_1057, %get3A_1058] {strides = array<i32>} : memref<256x128xf32, #tpu.memory_space<vmem>>, vector<16xf32>,
      %add3A_1060 = arith.addf %get3A_1059, %get3A_1032 : vector<16xf32>
      %get3A_1061 = arith.index_cast %add3A_1052 : i32 to index
      %get3A_1062 = arith.constant 32 : index
      %get3A_1063 = tpu.vector_load %arg9[%get3A_1061, %get3A_1062] {strides = array<i32>} : memref<256x128xf32, #tpu.memory_space<vmem>>, vector<16xf32>,
      %add3A_1064 = arith.addf %get3A_1063, %get3A_1035 : vector<16xf32>
      %get3A_1065 = arith.index_cast %add3A_1052 : i32 to index
      %get3A_1066 = arith.constant 48 : index
      %get3A_1067 = tpu.vector_load %arg9[%get3A_1065, %get3A_1066] {strides = array<i32>} : memref<256x128xf32, #tpu.memory_space<vmem>>, vector<16xf32>,
      %add3A_1068 = arith.addf %get3A_1067, %get3A_1038 : vector<16xf32>
      %get3A_1069 = arith.index_cast %add3A_1052 : i32 to index
      %get3A_1070 = arith.constant 64 : index
      %get3A_1071 = tpu.vector_load %arg9[%get3A_1069, %get3A_1070] {strides = array<i32>} : memref<256x128xf32, #tpu.memory_space<vmem>>, vector<16xf32>,
      %add3A_1072 = arith.addf %get3A_1071, %get3A_1041 : vector<16xf32>
      %get3A_1073 = arith.index_cast %add3A_1052 : i32 to index
      %get3A_1074 = arith.constant 80 : index
      %get3A_1075 = tpu.vector_load %arg9[%get3A_1073, %get3A_1074] {strides = array<i32>} : memref<256x128xf32, #tpu.memory_space<vmem>>, vector<16xf32>,
      %add3A_1076 = arith.addf %get3A_1075, %get3A_1044 : vector<16xf32>
      %get3A_1077 = arith.index_cast %add3A_1052 : i32 to index
      %get3A_1078 = arith.constant 96 : index
      %get3A_1079 = tpu.vector_load %arg9[%get3A_1077, %get3A_1078] {strides = array<i32>} : memref<256x128xf32, #tpu.memory_space<vmem>>, vector<16xf32>,
      %add3A_1080 = arith.addf %get3A_1079, %get3A_1047 : vector<16xf32>
      %get3A_1081 = arith.index_cast %add3A_1052 : i32 to index
      %get3A_1082 = arith.constant 112 : index
      %get3A_1083 = tpu.vector_load %arg9[%get3A_1081, %get3A_1082] {strides = array<i32>} : memref<256x128xf32, #tpu.memory_space<vmem>>, vector<16xf32>,
      %add3A_1084 = arith.addf %get3A_1083, %get3A_1050 : vector<16xf32>
      %add3A_1085 = arith.addf %add3A_1056, %add3A_1060 : vector<16xf32>
      %add3A_1086 = arith.addf %add3A_1064, %add3A_1068 : vector<16xf32>
      %add3A_1087 = arith.addf %add3A_1072, %add3A_1076 : vector<16xf32>
      %add3A_1088 = arith.addf %add3A_1080, %add3A_1084 : vector<16xf32>
      %add3A_1089 = arith.addf %add3A_1085, %add3A_1086 : vector<16xf32>
      %add3A_1090 = arith.addf %add3A_1087, %add3A_1088 : vector<16xf32>
      %add3A_1091 = arith.addf %add3A_1089, %add3A_1090 : vector<16xf32>
      %mul3A_1092 = arith.mulf %add3A_1056, %add3A_1056 : vector<16xf32>
      %mul3A_1093 = arith.mulf %add3A_1060, %add3A_1060 : vector<16xf32>
      %mul3A_1094 = arith.mulf %add3A_1064, %add3A_1064 : vector<16xf32>
      %mul3A_1095 = arith.mulf %add3A_1068, %add3A_1068 : vector<16xf32>
      %mul3A_1096 = arith.mulf %add3A_1072, %add3A_1072 : vector<16xf32>
      %mul3A_1097 = arith.mulf %add3A_1076, %add3A_1076 : vector<16xf32>
      %mul3A_1098 = arith.mulf %add3A_1080, %add3A_1080 : vector<16xf32>
      %mul3A_1099 = arith.mulf %add3A_1084, %add3A_1084 : vector<16xf32>
      %add3A_1100 = arith.addf %mul3A_1092, %mul3A_1093 : vector<16xf32>
      %add3A_1101 = arith.addf %mul3A_1094, %mul3A_1095 : vector<16xf32>
      %add3A_1102 = arith.addf %mul3A_1096, %mul3A_1097 : vector<16xf32>
      %add3A_1103 = arith.addf %mul3A_1098, %mul3A_1099 : vector<16xf32>
      %add3A_1104 = arith.addf %add3A_1100, %add3A_1101 : vector<16xf32>
      %add3A_1105 = arith.addf %add3A_1102, %add3A_1103 : vector<16xf32>
      %add3A_1106 = arith.addf %add3A_1104, %add3A_1105 : vector<16xf32>
      %reduce_sum3A_1107 = arith.constant true
      %reduce_sum3A_1108 = vector.broadcast %reduce_sum3A_1107 : i1 to vector<16xi1>
      %reduce_sum3A_1109 = tpu.scan <sum>, %add3A_1091 masked %reduce_sum3A_1108 : vector<16xf32>, vector<16xi1> -> vector<16xf32>
      %reduce_sum3A_1110 = vector.extract %reduce_sum3A_1109[15] : f32 from vector<16xf32>
      %mul3A_1111 = arith.mulf %reduce_sum3A_1110, %scan3A : f32
      %reduce_sum3A_1112 = arith.constant true
      %reduce_sum3A_1113 = vector.broadcast %reduce_sum3A_1112 : i1 to vector<16xi1>
      %reduce_sum3A_1114 = tpu.scan <sum>, %add3A_1106 masked %reduce_sum3A_1113 : vector<16xf32>, vector<16xi1> -> vector<16xf32>
      %reduce_sum3A_1115 = vector.extract %reduce_sum3A_1114[15] : f32 from vector<16xf32>
      %mul3A_1116 = arith.mulf %reduce_sum3A_1115, %scan3A : f32
      %mul3A_1117 = arith.mulf %mul3A_1111, %mul3A_1111 : f32
      %sub3A_1118 = arith.subf %mul3A_1116, %mul3A_1117 : f32
      %add3A_1119 = arith.constant 9.99999974E-6 : f32
      %add3A_1120 = arith.addf %sub3A_1118, %add3A_1119 : f32
      %bitcast_convert_type3A_1121 = arith.bitcast %add3A_1120 : f32 to i32
      %shift_right_arithmetic3A_1122 = arith.constant 1 : i32
      %shift_right_arithmetic3A_1123 = arith.shrsi %bitcast_convert_type3A_1121, %shift_right_arithmetic3A_1122 : i32
      %sub3A_1124 = arith.constant 1597463007 : i32
      %sub3A_1125 = arith.subi %sub3A_1124, %shift_right_arithmetic3A_1123 : i32
      %bitcast_convert_type3A_1126 = arith.bitcast %sub3A_1125 : i32 to f32
      %mul3A_1127 = arith.constant 5.000000e-01 : f32
      %mul3A_1128 = arith.mulf %mul3A_1127, %add3A_1120 : f32
      %mul3A_1129 = arith.mulf %mul3A_1128, %bitcast_convert_type3A_1126 : f32
      %mul3A_1130 = arith.mulf %mul3A_1129, %bitcast_convert_type3A_1126 : f32
      %sub3A_1131 = arith.constant 1.500000e+00 : f32
      %sub3A_1132 = arith.subf %sub3A_1131, %mul3A_1130 : f32
      %mul3A_1133 = arith.mulf %bitcast_convert_type3A_1126, %sub3A_1132 : f32
      %mul3A_1134 = arith.mulf %mul3A_1128, %mul3A_1133 : f32
      %mul3A_1135 = arith.mulf %mul3A_1134, %mul3A_1133 : f32
      %sub3A_1136 = arith.constant 1.500000e+00 : f32
      %sub3A_1137 = arith.subf %sub3A_1136, %mul3A_1135 : f32
      %mul3A_1138 = arith.mulf %mul3A_1133, %sub3A_1137 : f32
      %broadcast_in_dim3A_1139 = vector.broadcast %mul3A_1138 : f32 to vector<16xf32>
      %neg3A_1140 = arith.constant 0.000000e+00 : f32
      %neg3A_1141 = arith.subf %neg3A_1140, %mul3A_1111 : f32
      %mul3A_1142 = arith.mulf %neg3A_1141, %mul3A_1138 : f32
      %broadcast_in_dim3A_1143 = vector.broadcast %mul3A_1142 : f32 to vector<16xf32>
      %mul3A_1144 = arith.mulf %add3A_1056, %broadcast_in_dim3A_1139 : vector<16xf32>
      %add3A_1145 = arith.addf %mul3A_1144, %broadcast_in_dim3A_1143 : vector<16xf32>
      %mul3A_1146 = arith.mulf %add3A_1145, %get3A_145 : vector<16xf32>
      %add3A_1147 = arith.addf %mul3A_1146, %get3A_161 : vector<16xf32>
      %swap3A_1148 = arith.index_cast %add3A_1052 : i32 to index
      %swap3A_1149 = arith.constant 0 : index
      %swap3A_1150 = tpu.vector_load %arg9[%swap3A_1148, %swap3A_1149] {strides = array<i32>} : memref<256x128xf32, #tpu.memory_space<vmem>>, vector<16xf32>,
      tpu.vector_store %arg9[%swap3A_1148, %swap3A_1149], %add3A_1147 {strides = array<i32>} : memref<256x128xf32, #tpu.memory_space<vmem>>, vector<16xf32>,
      %mul3A_1151 = arith.mulf %add3A_1060, %broadcast_in_dim3A_1139 : vector<16xf32>
      %add3A_1152 = arith.addf %mul3A_1151, %broadcast_in_dim3A_1143 : vector<16xf32>
      %mul3A_1153 = arith.mulf %add3A_1152, %get3A_147 : vector<16xf32>
      %add3A_1154 = arith.addf %mul3A_1153, %get3A_163 : vector<16xf32>
      %swap3A_1155 = arith.index_cast %add3A_1052 : i32 to index
      %swap3A_1156 = arith.constant 16 : index
      %swap3A_1157 = tpu.vector_load %arg9[%swap3A_1155, %swap3A_1156] {strides = array<i32>} : memref<256x128xf32, #tpu.memory_space<vmem>>, vector<16xf32>,
      tpu.vector_store %arg9[%swap3A_1155, %swap3A_1156], %add3A_1154 {strides = array<i32>} : memref<256x128xf32, #tpu.memory_space<vmem>>, vector<16xf32>,
      %mul3A_1158 = arith.mulf %add3A_1064, %broadcast_in_dim3A_1139 : vector<16xf32>
      %add3A_1159 = arith.addf %mul3A_1158, %broadcast_in_dim3A_1143 : vector<16xf32>
      %mul3A_1160 = arith.mulf %add3A_1159, %get3A_149 : vector<16xf32>
      %add3A_1161 = arith.addf %mul3A_1160, %get3A_165 : vector<16xf32>
      %swap3A_1162 = arith.index_cast %add3A_1052 : i32 to index
      %swap3A_1163 = arith.constant 32 : index
      %swap3A_1164 = tpu.vector_load %arg9[%swap3A_1162, %swap3A_1163] {strides = array<i32>} : memref<256x128xf32, #tpu.memory_space<vmem>>, vector<16xf32>,
      tpu.vector_store %arg9[%swap3A_1162, %swap3A_1163], %add3A_1161 {strides = array<i32>} : memref<256x128xf32, #tpu.memory_space<vmem>>, vector<16xf32>,
      %mul3A_1165 = arith.mulf %add3A_1068, %broadcast_in_dim3A_1139 : vector<16xf32>
      %add3A_1166 = arith.addf %mul3A_1165, %broadcast_in_dim3A_1143 : vector<16xf32>
      %mul3A_1167 = arith.mulf %add3A_1166, %get3A_151 : vector<16xf32>
      %add3A_1168 = arith.addf %mul3A_1167, %get3A_167 : vector<16xf32>
      %swap3A_1169 = arith.index_cast %add3A_1052 : i32 to index
      %swap3A_1170 = arith.constant 48 : index
      %swap3A_1171 = tpu.vector_load %arg9[%swap3A_1169, %swap3A_1170] {strides = array<i32>} : memref<256x128xf32, #tpu.memory_space<vmem>>, vector<16xf32>,
      tpu.vector_store %arg9[%swap3A_1169, %swap3A_1170], %add3A_1168 {strides = array<i32>} : memref<256x128xf32, #tpu.memory_space<vmem>>, vector<16xf32>,
      %mul3A_1172 = arith.mulf %add3A_1072, %broadcast_in_dim3A_1139 : vector<16xf32>
      %add3A_1173 = arith.addf %mul3A_1172, %broadcast_in_dim3A_1143 : vector<16xf32>
      %mul3A_1174 = arith.mulf %add3A_1173, %get3A_153 : vector<16xf32>
      %add3A_1175 = arith.addf %mul3A_1174, %get3A_169 : vector<16xf32>
      %swap3A_1176 = arith.index_cast %add3A_1052 : i32 to index
      %swap3A_1177 = arith.constant 64 : index
      %swap3A_1178 = tpu.vector_load %arg9[%swap3A_1176, %swap3A_1177] {strides = array<i32>} : memref<256x128xf32, #tpu.memory_space<vmem>>, vector<16xf32>,
      tpu.vector_store %arg9[%swap3A_1176, %swap3A_1177], %add3A_1175 {strides = array<i32>} : memref<256x128xf32, #tpu.memory_space<vmem>>, vector<16xf32>,
      %mul3A_1179 = arith.mulf %add3A_1076, %broadcast_in_dim3A_1139 : vector<16xf32>
      %add3A_1180 = arith.addf %mul3A_1179, %broadcast_in_dim3A_1143 : vector<16xf32>
      %mul3A_1181 = arith.mulf %add3A_1180, %get3A_155 : vector<16xf32>
      %add3A_1182 = arith.addf %mul3A_1181, %get3A_171 : vector<16xf32>
      %swap3A_1183 = arith.index_cast %add3A_1052 : i32 to index
      %swap3A_1184 = arith.constant 80 : index
      %swap3A_1185 = tpu.vector_load %arg9[%swap3A_1183, %swap3A_1184] {strides = array<i32>} : memref<256x128xf32, #tpu.memory_space<vmem>>, vector<16xf32>,
      tpu.vector_store %arg9[%swap3A_1183, %swap3A_1184], %add3A_1182 {strides = array<i32>} : memref<256x128xf32, #tpu.memory_space<vmem>>, vector<16xf32>,
      %mul3A_1186 = arith.mulf %add3A_1080, %broadcast_in_dim3A_1139 : vector<16xf32>
      %add3A_1187 = arith.addf %mul3A_1186, %broadcast_in_dim3A_1143 : vector<16xf32>
      %mul3A_1188 = arith.mulf %add3A_1187, %get3A_157 : vector<16xf32>
      %add3A_1189 = arith.addf %mul3A_1188, %get3A_173 : vector<16xf32>
      %swap3A_1190 = arith.index_cast %add3A_1052 : i32 to index
      %swap3A_1191 = arith.constant 96 : index
      %swap3A_1192 = tpu.vector_load %arg9[%swap3A_1190, %swap3A_1191] {strides = array<i32>} : memref<256x128xf32, #tpu.memory_space<vmem>>, vector<16xf32>,
      tpu.vector_store %arg9[%swap3A_1190, %swap3A_1191], %add3A_1189 {strides = array<i32>} : memref<256x128xf32, #tpu.memory_space<vmem>>, vector<16xf32>,
      %mul3A_1193 = arith.mulf %add3A_1084, %broadcast_in_dim3A_1139 : vector<16xf32>
      %add3A_1194 = arith.addf %mul3A_1193, %broadcast_in_dim3A_1143 : vector<16xf32>
      %mul3A_1195 = arith.mulf %add3A_1194, %get3A_159 : vector<16xf32>
      %add3A_1196 = arith.addf %mul3A_1195, %get3A_175 : vector<16xf32>
      %swap3A_1197 = arith.index_cast %add3A_1052 : i32 to index
      %swap3A_1198 = arith.constant 112 : index
      %swap3A_1199 = tpu.vector_load %arg9[%swap3A_1197, %swap3A_1198] {strides = array<i32>} : memref<256x128xf32, #tpu.memory_space<vmem>>, vector<16xf32>,
      tpu.vector_store %arg9[%swap3A_1197, %swap3A_1198], %add3A_1196 {strides = array<i32>} : memref<256x128xf32, #tpu.memory_space<vmem>>, vector<16xf32>,
      %add3A_1200 = arith.constant 64 : i32
      %add3A_1201 = arith.addi %add3A_1200, %add3A_1026 : i32
      %get3A_1202 = arith.index_cast %add3A_1201 : i32 to index
      %get3A_1203 = arith.constant 0 : index
      %get3A_1204 = tpu.vector_load %arg9[%get3A_1202, %get3A_1203] {strides = array<i32>} : memref<256x128xf32, #tpu.memory_space<vmem>>, vector<16xf32>,
      %add3A_1205 = arith.addf %get3A_1204, %get3A_1029 : vector<16xf32>
      %get3A_1206 = arith.index_cast %add3A_1201 : i32 to index
      %get3A_1207 = arith.constant 16 : index
      %get3A_1208 = tpu.vector_load %arg9[%get3A_1206, %get3A_1207] {strides = array<i32>} : memref<256x128xf32, #tpu.memory_space<vmem>>, vector<16xf32>,
      %add3A_1209 = arith.addf %get3A_1208, %get3A_1032 : vector<16xf32>
      %get3A_1210 = arith.index_cast %add3A_1201 : i32 to index
      %get3A_1211 = arith.constant 32 : index
      %get3A_1212 = tpu.vector_load %arg9[%get3A_1210, %get3A_1211] {strides = array<i32>} : memref<256x128xf32, #tpu.memory_space<vmem>>, vector<16xf32>,
      %add3A_1213 = arith.addf %get3A_1212, %get3A_1035 : vector<16xf32>
      %get3A_1214 = arith.index_cast %add3A_1201 : i32 to index
      %get3A_1215 = arith.constant 48 : index
      %get3A_1216 = tpu.vector_load %arg9[%get3A_1214, %get3A_1215] {strides = array<i32>} : memref<256x128xf32, #tpu.memory_space<vmem>>, vector<16xf32>,
      %add3A_1217 = arith.addf %get3A_1216, %get3A_1038 : vector<16xf32>
      %get3A_1218 = arith.index_cast %add3A_1201 : i32 to index
      %get3A_1219 = arith.constant 64 : index
      %get3A_1220 = tpu.vector_load %arg9[%get3A_1218, %get3A_1219] {strides = array<i32>} : memref<256x128xf32, #tpu.memory_space<vmem>>, vector<16xf32>,
      %add3A_1221 = arith.addf %get3A_1220, %get3A_1041 : vector<16xf32>
      %get3A_1222 = arith.index_cast %add3A_1201 : i32 to index
      %get3A_1223 = arith.constant 80 : index
      %get3A_1224 = tpu.vector_load %arg9[%get3A_1222, %get3A_1223] {strides = array<i32>} : memref<256x128xf32, #tpu.memory_space<vmem>>, vector<16xf32>,
      %add3A_1225 = arith.addf %get3A_1224, %get3A_1044 : vector<16xf32>
      %get3A_1226 = arith.index_cast %add3A_1201 : i32 to index
      %get3A_1227 = arith.constant 96 : index
      %get3A_1228 = tpu.vector_load %arg9[%get3A_1226, %get3A_1227] {strides = array<i32>} : memref<256x128xf32, #tpu.memory_space<vmem>>, vector<16xf32>,
      %add3A_1229 = arith.addf %get3A_1228, %get3A_1047 : vector<16xf32>
      %get3A_1230 = arith.index_cast %add3A_1201 : i32 to index
      %get3A_1231 = arith.constant 112 : index
      %get3A_1232 = tpu.vector_load %arg9[%get3A_1230, %get3A_1231] {strides = array<i32>} : memref<256x128xf32, #tpu.memory_space<vmem>>, vector<16xf32>,
      %add3A_1233 = arith.addf %get3A_1232, %get3A_1050 : vector<16xf32>
      %add3A_1234 = arith.addf %add3A_1205, %add3A_1209 : vector<16xf32>
      %add3A_1235 = arith.addf %add3A_1213, %add3A_1217 : vector<16xf32>
      %add3A_1236 = arith.addf %add3A_1221, %add3A_1225 : vector<16xf32>
      %add3A_1237 = arith.addf %add3A_1229, %add3A_1233 : vector<16xf32>
      %add3A_1238 = arith.addf %add3A_1234, %add3A_1235 : vector<16xf32>
      %add3A_1239 = arith.addf %add3A_1236, %add3A_1237 : vector<16xf32>
      %add3A_1240 = arith.addf %add3A_1238, %add3A_1239 : vector<16xf32>
      %mul3A_1241 = arith.mulf %add3A_1205, %add3A_1205 : vector<16xf32>
      %mul3A_1242 = arith.mulf %add3A_1209, %add3A_1209 : vector<16xf32>
      %mul3A_1243 = arith.mulf %add3A_1213, %add3A_1213 : vector<16xf32>
      %mul3A_1244 = arith.mulf %add3A_1217, %add3A_1217 : vector<16xf32>
      %mul3A_1245 = arith.mulf %add3A_1221, %add3A_1221 : vector<16xf32>
      %mul3A_1246 = arith.mulf %add3A_1225, %add3A_1225 : vector<16xf32>
      %mul3A_1247 = arith.mulf %add3A_1229, %add3A_1229 : vector<16xf32>
      %mul3A_1248 = arith.mulf %add3A_1233, %add3A_1233 : vector<16xf32>
      %add3A_1249 = arith.addf %mul3A_1241, %mul3A_1242 : vector<16xf32>
      %add3A_1250 = arith.addf %mul3A_1243, %mul3A_1244 : vector<16xf32>
      %add3A_1251 = arith.addf %mul3A_1245, %mul3A_1246 : vector<16xf32>
      %add3A_1252 = arith.addf %mul3A_1247, %mul3A_1248 : vector<16xf32>
      %add3A_1253 = arith.addf %add3A_1249, %add3A_1250 : vector<16xf32>
      %add3A_1254 = arith.addf %add3A_1251, %add3A_1252 : vector<16xf32>
      %add3A_1255 = arith.addf %add3A_1253, %add3A_1254 : vector<16xf32>
      %reduce_sum3A_1256 = arith.constant true
      %reduce_sum3A_1257 = vector.broadcast %reduce_sum3A_1256 : i1 to vector<16xi1>
      %reduce_sum3A_1258 = tpu.scan <sum>, %add3A_1240 masked %reduce_sum3A_1257 : vector<16xf32>, vector<16xi1> -> vector<16xf32>
      %reduce_sum3A_1259 = vector.extract %reduce_sum3A_1258[15] : f32 from vector<16xf32>
      %mul3A_1260 = arith.mulf %reduce_sum3A_1259, %scan3A : f32
      %reduce_sum3A_1261 = arith.constant true
      %reduce_sum3A_1262 = vector.broadcast %reduce_sum3A_1261 : i1 to vector<16xi1>
      %reduce_sum3A_1263 = tpu.scan <sum>, %add3A_1255 masked %reduce_sum3A_1262 : vector<16xf32>, vector<16xi1> -> vector<16xf32>
      %reduce_sum3A_1264 = vector.extract %reduce_sum3A_1263[15] : f32 from vector<16xf32>
      %mul3A_1265 = arith.mulf %reduce_sum3A_1264, %scan3A : f32
      %mul3A_1266 = arith.mulf %mul3A_1260, %mul3A_1260 : f32
      %sub3A_1267 = arith.subf %mul3A_1265, %mul3A_1266 : f32
      %add3A_1268 = arith.constant 9.99999974E-6 : f32
      %add3A_1269 = arith.addf %sub3A_1267, %add3A_1268 : f32
      %bitcast_convert_type3A_1270 = arith.bitcast %add3A_1269 : f32 to i32
      %shift_right_arithmetic3A_1271 = arith.constant 1 : i32
      %shift_right_arithmetic3A_1272 = arith.shrsi %bitcast_convert_type3A_1270, %shift_right_arithmetic3A_1271 : i32
      %sub3A_1273 = arith.constant 1597463007 : i32
      %sub3A_1274 = arith.subi %sub3A_1273, %shift_right_arithmetic3A_1272 : i32
      %bitcast_convert_type3A_1275 = arith.bitcast %sub3A_1274 : i32 to f32
      %mul3A_1276 = arith.constant 5.000000e-01 : f32
      %mul3A_1277 = arith.mulf %mul3A_1276, %add3A_1269 : f32
      %mul3A_1278 = arith.mulf %mul3A_1277, %bitcast_convert_type3A_1275 : f32
      %mul3A_1279 = arith.mulf %mul3A_1278, %bitcast_convert_type3A_1275 : f32
      %sub3A_1280 = arith.constant 1.500000e+00 : f32
      %sub3A_1281 = arith.subf %sub3A_1280, %mul3A_1279 : f32
      %mul3A_1282 = arith.mulf %bitcast_convert_type3A_1275, %sub3A_1281 : f32
      %mul3A_1283 = arith.mulf %mul3A_1277, %mul3A_1282 : f32
      %mul3A_1284 = arith.mulf %mul3A_1283, %mul3A_1282 : f32
      %sub3A_1285 = arith.constant 1.500000e+00 : f32
      %sub3A_1286 = arith.subf %sub3A_1285, %mul3A_1284 : f32
      %mul3A_1287 = arith.mulf %mul3A_1282, %sub3A_1286 : f32
      %broadcast_in_dim3A_1288 = vector.broadcast %mul3A_1287 : f32 to vector<16xf32>
      %neg3A_1289 = arith.constant 0.000000e+00 : f32
      %neg3A_1290 = arith.subf %neg3A_1289, %mul3A_1260 : f32
      %mul3A_1291 = arith.mulf %neg3A_1290, %mul3A_1287 : f32
      %broadcast_in_dim3A_1292 = vector.broadcast %mul3A_1291 : f32 to vector<16xf32>
      %mul3A_1293 = arith.mulf %add3A_1205, %broadcast_in_dim3A_1288 : vector<16xf32>
      %add3A_1294 = arith.addf %mul3A_1293, %broadcast_in_dim3A_1292 : vector<16xf32>
      %mul3A_1295 = arith.mulf %add3A_1294, %get3A_145 : vector<16xf32>
      %add3A_1296 = arith.addf %mul3A_1295, %get3A_161 : vector<16xf32>
      %swap3A_1297 = arith.index_cast %add3A_1201 : i32 to index
      %swap3A_1298 = arith.constant 0 : index
      %swap3A_1299 = tpu.vector_load %arg9[%swap3A_1297, %swap3A_1298] {strides = array<i32>} : memref<256x128xf32, #tpu.memory_space<vmem>>, vector<16xf32>,
      tpu.vector_store %arg9[%swap3A_1297, %swap3A_1298], %add3A_1296 {strides = array<i32>} : memref<256x128xf32, #tpu.memory_space<vmem>>, vector<16xf32>,
      %mul3A_1300 = arith.mulf %add3A_1209, %broadcast_in_dim3A_1288 : vector<16xf32>
      %add3A_1301 = arith.addf %mul3A_1300, %broadcast_in_dim3A_1292 : vector<16xf32>
      %mul3A_1302 = arith.mulf %add3A_1301, %get3A_147 : vector<16xf32>
      %add3A_1303 = arith.addf %mul3A_1302, %get3A_163 : vector<16xf32>
      %swap3A_1304 = arith.index_cast %add3A_1201 : i32 to index
      %swap3A_1305 = arith.constant 16 : index
      %swap3A_1306 = tpu.vector_load %arg9[%swap3A_1304, %swap3A_1305] {strides = array<i32>} : memref<256x128xf32, #tpu.memory_space<vmem>>, vector<16xf32>,
      tpu.vector_store %arg9[%swap3A_1304, %swap3A_1305], %add3A_1303 {strides = array<i32>} : memref<256x128xf32, #tpu.memory_space<vmem>>, vector<16xf32>,
      %mul3A_1307 = arith.mulf %add3A_1213, %broadcast_in_dim3A_1288 : vector<16xf32>
      %add3A_1308 = arith.addf %mul3A_1307, %broadcast_in_dim3A_1292 : vector<16xf32>
      %mul3A_1309 = arith.mulf %add3A_1308, %get3A_149 : vector<16xf32>
      %add3A_1310 = arith.addf %mul3A_1309, %get3A_165 : vector<16xf32>
      %swap3A_1311 = arith.index_cast %add3A_1201 : i32 to index
      %swap3A_1312 = arith.constant 32 : index
      %swap3A_1313 = tpu.vector_load %arg9[%swap3A_1311, %swap3A_1312] {strides = array<i32>} : memref<256x128xf32, #tpu.memory_space<vmem>>, vector<16xf32>,
      tpu.vector_store %arg9[%swap3A_1311, %swap3A_1312], %add3A_1310 {strides = array<i32>} : memref<256x128xf32, #tpu.memory_space<vmem>>, vector<16xf32>,
      %mul3A_1314 = arith.mulf %add3A_1217, %broadcast_in_dim3A_1288 : vector<16xf32>
      %add3A_1315 = arith.addf %mul3A_1314, %broadcast_in_dim3A_1292 : vector<16xf32>
      %mul3A_1316 = arith.mulf %add3A_1315, %get3A_151 : vector<16xf32>
      %add3A_1317 = arith.addf %mul3A_1316, %get3A_167 : vector<16xf32>
      %swap3A_1318 = arith.index_cast %add3A_1201 : i32 to index
      %swap3A_1319 = arith.constant 48 : index
      %swap3A_1320 = tpu.vector_load %arg9[%swap3A_1318, %swap3A_1319] {strides = array<i32>} : memref<256x128xf32, #tpu.memory_space<vmem>>, vector<16xf32>,
      tpu.vector_store %arg9[%swap3A_1318, %swap3A_1319], %add3A_1317 {strides = array<i32>} : memref<256x128xf32, #tpu.memory_space<vmem>>, vector<16xf32>,
      %mul3A_1321 = arith.mulf %add3A_1221, %broadcast_in_dim3A_1288 : vector<16xf32>
      %add3A_1322 = arith.addf %mul3A_1321, %broadcast_in_dim3A_1292 : vector<16xf32>
      %mul3A_1323 = arith.mulf %add3A_1322, %get3A_153 : vector<16xf32>
      %add3A_1324 = arith.addf %mul3A_1323, %get3A_169 : vector<16xf32>
      %swap3A_1325 = arith.index_cast %add3A_1201 : i32 to index
      %swap3A_1326 = arith.constant 64 : index
      %swap3A_1327 = tpu.vector_load %arg9[%swap3A_1325, %swap3A_1326] {strides = array<i32>} : memref<256x128xf32, #tpu.memory_space<vmem>>, vector<16xf32>,
      tpu.vector_store %arg9[%swap3A_1325, %swap3A_1326], %add3A_1324 {strides = array<i32>} : memref<256x128xf32, #tpu.memory_space<vmem>>, vector<16xf32>,
      %mul3A_1328 = arith.mulf %add3A_1225, %broadcast_in_dim3A_1288 : vector<16xf32>
      %add3A_1329 = arith.addf %mul3A_1328, %broadcast_in_dim3A_1292 : vector<16xf32>
      %mul3A_1330 = arith.mulf %add3A_1329, %get3A_155 : vector<16xf32>
      %add3A_1331 = arith.addf %mul3A_1330, %get3A_171 : vector<16xf32>
      %swap3A_1332 = arith.index_cast %add3A_1201 : i32 to index
      %swap3A_1333 = arith.constant 80 : index
      %swap3A_1334 = tpu.vector_load %arg9[%swap3A_1332, %swap3A_1333] {strides = array<i32>} : memref<256x128xf32, #tpu.memory_space<vmem>>, vector<16xf32>,
      tpu.vector_store %arg9[%swap3A_1332, %swap3A_1333], %add3A_1331 {strides = array<i32>} : memref<256x128xf32, #tpu.memory_space<vmem>>, vector<16xf32>,
      %mul3A_1335 = arith.mulf %add3A_1229, %broadcast_in_dim3A_1288 : vector<16xf32>
      %add3A_1336 = arith.addf %mul3A_1335, %broadcast_in_dim3A_1292 : vector<16xf32>
      %mul3A_1337 = arith.mulf %add3A_1336, %get3A_157 : vector<16xf32>
      %add3A_1338 = arith.addf %mul3A_1337, %get3A_173 : vector<16xf32>
      %swap3A_1339 = arith.index_cast %add3A_1201 : i32 to index
      %swap3A_1340 = arith.constant 96 : index
      %swap3A_1341 = tpu.vector_load %arg9[%swap3A_1339, %swap3A_1340] {strides = array<i32>} : memref<256x128xf32, #tpu.memory_space<vmem>>, vector<16xf32>,
      tpu.vector_store %arg9[%swap3A_1339, %swap3A_1340], %add3A_1338 {strides = array<i32>} : memref<256x128xf32, #tpu.memory_space<vmem>>, vector<16xf32>,
      %mul3A_1342 = arith.mulf %add3A_1233, %broadcast_in_dim3A_1288 : vector<16xf32>
      %add3A_1343 = arith.addf %mul3A_1342, %broadcast_in_dim3A_1292 : vector<16xf32>
      %mul3A_1344 = arith.mulf %add3A_1343, %get3A_159 : vector<16xf32>
      %add3A_1345 = arith.addf %mul3A_1344, %get3A_175 : vector<16xf32>
      %swap3A_1346 = arith.index_cast %add3A_1201 : i32 to index
      %swap3A_1347 = arith.constant 112 : index
      %swap3A_1348 = tpu.vector_load %arg9[%swap3A_1346, %swap3A_1347] {strides = array<i32>} : memref<256x128xf32, #tpu.memory_space<vmem>>, vector<16xf32>,
      tpu.vector_store %arg9[%swap3A_1346, %swap3A_1347], %add3A_1345 {strides = array<i32>} : memref<256x128xf32, #tpu.memory_space<vmem>>, vector<16xf32>,
      %add3A_1349 = arith.constant 128 : i32
      %add3A_1350 = arith.addi %add3A_1349, %add3A_1026 : i32
      %get3A_1351 = arith.index_cast %add3A_1350 : i32 to index
      %get3A_1352 = arith.constant 0 : index
      %get3A_1353 = tpu.vector_load %arg9[%get3A_1351, %get3A_1352] {strides = array<i32>} : memref<256x128xf32, #tpu.memory_space<vmem>>, vector<16xf32>,
      %add3A_1354 = arith.addf %get3A_1353, %get3A_1029 : vector<16xf32>
      %get3A_1355 = arith.index_cast %add3A_1350 : i32 to index
      %get3A_1356 = arith.constant 16 : index
      %get3A_1357 = tpu.vector_load %arg9[%get3A_1355, %get3A_1356] {strides = array<i32>} : memref<256x128xf32, #tpu.memory_space<vmem>>, vector<16xf32>,
      %add3A_1358 = arith.addf %get3A_1357, %get3A_1032 : vector<16xf32>
      %get3A_1359 = arith.index_cast %add3A_1350 : i32 to index
      %get3A_1360 = arith.constant 32 : index
      %get3A_1361 = tpu.vector_load %arg9[%get3A_1359, %get3A_1360] {strides = array<i32>} : memref<256x128xf32, #tpu.memory_space<vmem>>, vector<16xf32>,
      %add3A_1362 = arith.addf %get3A_1361, %get3A_1035 : vector<16xf32>
      %get3A_1363 = arith.index_cast %add3A_1350 : i32 to index
      %get3A_1364 = arith.constant 48 : index
      %get3A_1365 = tpu.vector_load %arg9[%get3A_1363, %get3A_1364] {strides = array<i32>} : memref<256x128xf32, #tpu.memory_space<vmem>>, vector<16xf32>,
      %add3A_1366 = arith.addf %get3A_1365, %get3A_1038 : vector<16xf32>
      %get3A_1367 = arith.index_cast %add3A_1350 : i32 to index
      %get3A_1368 = arith.constant 64 : index
      %get3A_1369 = tpu.vector_load %arg9[%get3A_1367, %get3A_1368] {strides = array<i32>} : memref<256x128xf32, #tpu.memory_space<vmem>>, vector<16xf32>,
      %add3A_1370 = arith.addf %get3A_1369, %get3A_1041 : vector<16xf32>
      %get3A_1371 = arith.index_cast %add3A_1350 : i32 to index
      %get3A_1372 = arith.constant 80 : index
      %get3A_1373 = tpu.vector_load %arg9[%get3A_1371, %get3A_1372] {strides = array<i32>} : memref<256x128xf32, #tpu.memory_space<vmem>>, vector<16xf32>,
      %add3A_1374 = arith.addf %get3A_1373, %get3A_1044 : vector<16xf32>
      %get3A_1375 = arith.index_cast %add3A_1350 : i32 to index
      %get3A_1376 = arith.constant 96 : index
      %get3A_1377 = tpu.vector_load %arg9[%get3A_1375, %get3A_1376] {strides = array<i32>} : memref<256x128xf32, #tpu.memory_space<vmem>>, vector<16xf32>,
      %add3A_1378 = arith.addf %get3A_1377, %get3A_1047 : vector<16xf32>
      %get3A_1379 = arith.index_cast %add3A_1350 : i32 to index
      %get3A_1380 = arith.constant 112 : index
      %get3A_1381 = tpu.vector_load %arg9[%get3A_1379, %get3A_1380] {strides = array<i32>} : memref<256x128xf32, #tpu.memory_space<vmem>>, vector<16xf32>,
      %add3A_1382 = arith.addf %get3A_1381, %get3A_1050 : vector<16xf32>
      %add3A_1383 = arith.addf %add3A_1354, %add3A_1358 : vector<16xf32>
      %add3A_1384 = arith.addf %add3A_1362, %add3A_1366 : vector<16xf32>
      %add3A_1385 = arith.addf %add3A_1370, %add3A_1374 : vector<16xf32>
      %add3A_1386 = arith.addf %add3A_1378, %add3A_1382 : vector<16xf32>
      %add3A_1387 = arith.addf %add3A_1383, %add3A_1384 : vector<16xf32>
      %add3A_1388 = arith.addf %add3A_1385, %add3A_1386 : vector<16xf32>
      %add3A_1389 = arith.addf %add3A_1387, %add3A_1388 : vector<16xf32>
      %mul3A_1390 = arith.mulf %add3A_1354, %add3A_1354 : vector<16xf32>
      %mul3A_1391 = arith.mulf %add3A_1358, %add3A_1358 : vector<16xf32>
      %mul3A_1392 = arith.mulf %add3A_1362, %add3A_1362 : vector<16xf32>
      %mul3A_1393 = arith.mulf %add3A_1366, %add3A_1366 : vector<16xf32>
      %mul3A_1394 = arith.mulf %add3A_1370, %add3A_1370 : vector<16xf32>
      %mul3A_1395 = arith.mulf %add3A_1374, %add3A_1374 : vector<16xf32>
      %mul3A_1396 = arith.mulf %add3A_1378, %add3A_1378 : vector<16xf32>
      %mul3A_1397 = arith.mulf %add3A_1382, %add3A_1382 : vector<16xf32>
      %add3A_1398 = arith.addf %mul3A_1390, %mul3A_1391 : vector<16xf32>
      %add3A_1399 = arith.addf %mul3A_1392, %mul3A_1393 : vector<16xf32>
      %add3A_1400 = arith.addf %mul3A_1394, %mul3A_1395 : vector<16xf32>
      %add3A_1401 = arith.addf %mul3A_1396, %mul3A_1397 : vector<16xf32>
      %add3A_1402 = arith.addf %add3A_1398, %add3A_1399 : vector<16xf32>
      %add3A_1403 = arith.addf %add3A_1400, %add3A_1401 : vector<16xf32>
      %add3A_1404 = arith.addf %add3A_1402, %add3A_1403 : vector<16xf32>
      %reduce_sum3A_1405 = arith.constant true
      %reduce_sum3A_1406 = vector.broadcast %reduce_sum3A_1405 : i1 to vector<16xi1>
      %reduce_sum3A_1407 = tpu.scan <sum>, %add3A_1389 masked %reduce_sum3A_1406 : vector<16xf32>, vector<16xi1> -> vector<16xf32>
      %reduce_sum3A_1408 = vector.extract %reduce_sum3A_1407[15] : f32 from vector<16xf32>
      %mul3A_1409 = arith.mulf %reduce_sum3A_1408, %scan3A : f32
      %reduce_sum3A_1410 = arith.constant true
      %reduce_sum3A_1411 = vector.broadcast %reduce_sum3A_1410 : i1 to vector<16xi1>
      %reduce_sum3A_1412 = tpu.scan <sum>, %add3A_1404 masked %reduce_sum3A_1411 : vector<16xf32>, vector<16xi1> -> vector<16xf32>
      %reduce_sum3A_1413 = vector.extract %reduce_sum3A_1412[15] : f32 from vector<16xf32>
      %mul3A_1414 = arith.mulf %reduce_sum3A_1413, %scan3A : f32
      %mul3A_1415 = arith.mulf %mul3A_1409, %mul3A_1409 : f32
      %sub3A_1416 = arith.subf %mul3A_1414, %mul3A_1415 : f32
      %add3A_1417 = arith.constant 9.99999974E-6 : f32
      %add3A_1418 = arith.addf %sub3A_1416, %add3A_1417 : f32
      %bitcast_convert_type3A_1419 = arith.bitcast %add3A_1418 : f32 to i32
      %shift_right_arithmetic3A_1420 = arith.constant 1 : i32
      %shift_right_arithmetic3A_1421 = arith.shrsi %bitcast_convert_type3A_1419, %shift_right_arithmetic3A_1420 : i32
      %sub3A_1422 = arith.constant 1597463007 : i32
      %sub3A_1423 = arith.subi %sub3A_1422, %shift_right_arithmetic3A_1421 : i32
      %bitcast_convert_type3A_1424 = arith.bitcast %sub3A_1423 : i32 to f32
      %mul3A_1425 = arith.constant 5.000000e-01 : f32
      %mul3A_1426 = arith.mulf %mul3A_1425, %add3A_1418 : f32
      %mul3A_1427 = arith.mulf %mul3A_1426, %bitcast_convert_type3A_1424 : f32
      %mul3A_1428 = arith.mulf %mul3A_1427, %bitcast_convert_type3A_1424 : f32
      %sub3A_1429 = arith.constant 1.500000e+00 : f32
      %sub3A_1430 = arith.subf %sub3A_1429, %mul3A_1428 : f32
      %mul3A_1431 = arith.mulf %bitcast_convert_type3A_1424, %sub3A_1430 : f32
      %mul3A_1432 = arith.mulf %mul3A_1426, %mul3A_1431 : f32
      %mul3A_1433 = arith.mulf %mul3A_1432, %mul3A_1431 : f32
      %sub3A_1434 = arith.constant 1.500000e+00 : f32
      %sub3A_1435 = arith.subf %sub3A_1434, %mul3A_1433 : f32
      %mul3A_1436 = arith.mulf %mul3A_1431, %sub3A_1435 : f32
      %broadcast_in_dim3A_1437 = vector.broadcast %mul3A_1436 : f32 to vector<16xf32>
      %neg3A_1438 = arith.constant 0.000000e+00 : f32
      %neg3A_1439 = arith.subf %neg3A_1438, %mul3A_1409 : f32
      %mul3A_1440 = arith.mulf %neg3A_1439, %mul3A_1436 : f32
      %broadcast_in_dim3A_1441 = vector.broadcast %mul3A_1440 : f32 to vector<16xf32>
      %mul3A_1442 = arith.mulf %add3A_1354, %broadcast_in_dim3A_1437 : vector<16xf32>
      %add3A_1443 = arith.addf %mul3A_1442, %broadcast_in_dim3A_1441 : vector<16xf32>
      %mul3A_1444 = arith.mulf %add3A_1443, %get3A_145 : vector<16xf32>
      %add3A_1445 = arith.addf %mul3A_1444, %get3A_161 : vector<16xf32>
      %swap3A_1446 = arith.index_cast %add3A_1350 : i32 to index
      %swap3A_1447 = arith.constant 0 : index
      %swap3A_1448 = tpu.vector_load %arg9[%swap3A_1446, %swap3A_1447] {strides = array<i32>} : memref<256x128xf32, #tpu.memory_space<vmem>>, vector<16xf32>,
      tpu.vector_store %arg9[%swap3A_1446, %swap3A_1447], %add3A_1445 {strides = array<i32>} : memref<256x128xf32, #tpu.memory_space<vmem>>, vector<16xf32>,
      %mul3A_1449 = arith.mulf %add3A_1358, %broadcast_in_dim3A_1437 : vector<16xf32>
      %add3A_1450 = arith.addf %mul3A_1449, %broadcast_in_dim3A_1441 : vector<16xf32>
      %mul3A_1451 = arith.mulf %add3A_1450, %get3A_147 : vector<16xf32>
      %add3A_1452 = arith.addf %mul3A_1451, %get3A_163 : vector<16xf32>
      %swap3A_1453 = arith.index_cast %add3A_1350 : i32 to index
      %swap3A_1454 = arith.constant 16 : index
      %swap3A_1455 = tpu.vector_load %arg9[%swap3A_1453, %swap3A_1454] {strides = array<i32>} : memref<256x128xf32, #tpu.memory_space<vmem>>, vector<16xf32>,
      tpu.vector_store %arg9[%swap3A_1453, %swap3A_1454], %add3A_1452 {strides = array<i32>} : memref<256x128xf32, #tpu.memory_space<vmem>>, vector<16xf32>,
      %mul3A_1456 = arith.mulf %add3A_1362, %broadcast_in_dim3A_1437 : vector<16xf32>
      %add3A_1457 = arith.addf %mul3A_1456, %broadcast_in_dim3A_1441 : vector<16xf32>
      %mul3A_1458 = arith.mulf %add3A_1457, %get3A_149 : vector<16xf32>
      %add3A_1459 = arith.addf %mul3A_1458, %get3A_165 : vector<16xf32>
      %swap3A_1460 = arith.index_cast %add3A_1350 : i32 to index
      %swap3A_1461 = arith.constant 32 : index
      %swap3A_1462 = tpu.vector_load %arg9[%swap3A_1460, %swap3A_1461] {strides = array<i32>} : memref<256x128xf32, #tpu.memory_space<vmem>>, vector<16xf32>,
      tpu.vector_store %arg9[%swap3A_1460, %swap3A_1461], %add3A_1459 {strides = array<i32>} : memref<256x128xf32, #tpu.memory_space<vmem>>, vector<16xf32>,
      %mul3A_1463 = arith.mulf %add3A_1366, %broadcast_in_dim3A_1437 : vector<16xf32>
      %add3A_1464 = arith.addf %mul3A_1463, %broadcast_in_dim3A_1441 : vector<16xf32>
      %mul3A_1465 = arith.mulf %add3A_1464, %get3A_151 : vector<16xf32>
      %add3A_1466 = arith.addf %mul3A_1465, %get3A_167 : vector<16xf32>
      %swap3A_1467 = arith.index_cast %add3A_1350 : i32 to index
      %swap3A_1468 = arith.constant 48 : index
      %swap3A_1469 = tpu.vector_load %arg9[%swap3A_1467, %swap3A_1468] {strides = array<i32>} : memref<256x128xf32, #tpu.memory_space<vmem>>, vector<16xf32>,
      tpu.vector_store %arg9[%swap3A_1467, %swap3A_1468], %add3A_1466 {strides = array<i32>} : memref<256x128xf32, #tpu.memory_space<vmem>>, vector<16xf32>,
      %mul3A_1470 = arith.mulf %add3A_1370, %broadcast_in_dim3A_1437 : vector<16xf32>
      %add3A_1471 = arith.addf %mul3A_1470, %broadcast_in_dim3A_1441 : vector<16xf32>
      %mul3A_1472 = arith.mulf %add3A_1471, %get3A_153 : vector<16xf32>
      %add3A_1473 = arith.addf %mul3A_1472, %get3A_169 : vector<16xf32>
      %swap3A_1474 = arith.index_cast %add3A_1350 : i32 to index
      %swap3A_1475 = arith.constant 64 : index
      %swap3A_1476 = tpu.vector_load %arg9[%swap3A_1474, %swap3A_1475] {strides = array<i32>} : memref<256x128xf32, #tpu.memory_space<vmem>>, vector<16xf32>,
      tpu.vector_store %arg9[%swap3A_1474, %swap3A_1475], %add3A_1473 {strides = array<i32>} : memref<256x128xf32, #tpu.memory_space<vmem>>, vector<16xf32>,
      %mul3A_1477 = arith.mulf %add3A_1374, %broadcast_in_dim3A_1437 : vector<16xf32>
      %add3A_1478 = arith.addf %mul3A_1477, %broadcast_in_dim3A_1441 : vector<16xf32>
      %mul3A_1479 = arith.mulf %add3A_1478, %get3A_155 : vector<16xf32>
      %add3A_1480 = arith.addf %mul3A_1479, %get3A_171 : vector<16xf32>
      %swap3A_1481 = arith.index_cast %add3A_1350 : i32 to index
      %swap3A_1482 = arith.constant 80 : index
      %swap3A_1483 = tpu.vector_load %arg9[%swap3A_1481, %swap3A_1482] {strides = array<i32>} : memref<256x128xf32, #tpu.memory_space<vmem>>, vector<16xf32>,
      tpu.vector_store %arg9[%swap3A_1481, %swap3A_1482], %add3A_1480 {strides = array<i32>} : memref<256x128xf32, #tpu.memory_space<vmem>>, vector<16xf32>,
      %mul3A_1484 = arith.mulf %add3A_1378, %broadcast_in_dim3A_1437 : vector<16xf32>
      %add3A_1485 = arith.addf %mul3A_1484, %broadcast_in_dim3A_1441 : vector<16xf32>
      %mul3A_1486 = arith.mulf %add3A_1485, %get3A_157 : vector<16xf32>
      %add3A_1487 = arith.addf %mul3A_1486, %get3A_173 : vector<16xf32>
      %swap3A_1488 = arith.index_cast %add3A_1350 : i32 to index
      %swap3A_1489 = arith.constant 96 : index
      %swap3A_1490 = tpu.vector_load %arg9[%swap3A_1488, %swap3A_1489] {strides = array<i32>} : memref<256x128xf32, #tpu.memory_space<vmem>>, vector<16xf32>,
      tpu.vector_store %arg9[%swap3A_1488, %swap3A_1489], %add3A_1487 {strides = array<i32>} : memref<256x128xf32, #tpu.memory_space<vmem>>, vector<16xf32>,
      %mul3A_1491 = arith.mulf %add3A_1382, %broadcast_in_dim3A_1437 : vector<16xf32>
      %add3A_1492 = arith.addf %mul3A_1491, %broadcast_in_dim3A_1441 : vector<16xf32>
      %mul3A_1493 = arith.mulf %add3A_1492, %get3A_159 : vector<16xf32>
      %add3A_1494 = arith.addf %mul3A_1493, %get3A_175 : vector<16xf32>
      %swap3A_1495 = arith.index_cast %add3A_1350 : i32 to index
      %swap3A_1496 = arith.constant 112 : index
      %swap3A_1497 = tpu.vector_load %arg9[%swap3A_1495, %swap3A_1496] {strides = array<i32>} : memref<256x128xf32, #tpu.memory_space<vmem>>, vector<16xf32>,
      tpu.vector_store %arg9[%swap3A_1495, %swap3A_1496], %add3A_1494 {strides = array<i32>} : memref<256x128xf32, #tpu.memory_space<vmem>>, vector<16xf32>,
      %add3A_1498 = arith.constant 192 : i32
      %add3A_1499 = arith.addi %add3A_1498, %add3A_1026 : i32
      %get3A_1500 = arith.index_cast %add3A_1499 : i32 to index
      %get3A_1501 = arith.constant 0 : index
      %get3A_1502 = tpu.vector_load %arg9[%get3A_1500, %get3A_1501] {strides = array<i32>} : memref<256x128xf32, #tpu.memory_space<vmem>>, vector<16xf32>,
      %add3A_1503 = arith.addf %get3A_1502, %get3A_1029 : vector<16xf32>
      %get3A_1504 = arith.index_cast %add3A_1499 : i32 to index
      %get3A_1505 = arith.constant 16 : index
      %get3A_1506 = tpu.vector_load %arg9[%get3A_1504, %get3A_1505] {strides = array<i32>} : memref<256x128xf32, #tpu.memory_space<vmem>>, vector<16xf32>,
      %add3A_1507 = arith.addf %get3A_1506, %get3A_1032 : vector<16xf32>
      %get3A_1508 = arith.index_cast %add3A_1499 : i32 to index
      %get3A_1509 = arith.constant 32 : index
      %get3A_1510 = tpu.vector_load %arg9[%get3A_1508, %get3A_1509] {strides = array<i32>} : memref<256x128xf32, #tpu.memory_space<vmem>>, vector<16xf32>,
      %add3A_1511 = arith.addf %get3A_1510, %get3A_1035 : vector<16xf32>
      %get3A_1512 = arith.index_cast %add3A_1499 : i32 to index
      %get3A_1513 = arith.constant 48 : index
      %get3A_1514 = tpu.vector_load %arg9[%get3A_1512, %get3A_1513] {strides = array<i32>} : memref<256x128xf32, #tpu.memory_space<vmem>>, vector<16xf32>,
      %add3A_1515 = arith.addf %get3A_1514, %get3A_1038 : vector<16xf32>
      %get3A_1516 = arith.index_cast %add3A_1499 : i32 to index
      %get3A_1517 = arith.constant 64 : index
      %get3A_1518 = tpu.vector_load %arg9[%get3A_1516, %get3A_1517] {strides = array<i32>} : memref<256x128xf32, #tpu.memory_space<vmem>>, vector<16xf32>,
      %add3A_1519 = arith.addf %get3A_1518, %get3A_1041 : vector<16xf32>
      %get3A_1520 = arith.index_cast %add3A_1499 : i32 to index
      %get3A_1521 = arith.constant 80 : index
      %get3A_1522 = tpu.vector_load %arg9[%get3A_1520, %get3A_1521] {strides = array<i32>} : memref<256x128xf32, #tpu.memory_space<vmem>>, vector<16xf32>,
      %add3A_1523 = arith.addf %get3A_1522, %get3A_1044 : vector<16xf32>
      %get3A_1524 = arith.index_cast %add3A_1499 : i32 to index
      %get3A_1525 = arith.constant 96 : index
      %get3A_1526 = tpu.vector_load %arg9[%get3A_1524, %get3A_1525] {strides = array<i32>} : memref<256x128xf32, #tpu.memory_space<vmem>>, vector<16xf32>,
      %add3A_1527 = arith.addf %get3A_1526, %get3A_1047 : vector<16xf32>
      %get3A_1528 = arith.index_cast %add3A_1499 : i32 to index
      %get3A_1529 = arith.constant 112 : index
      %get3A_1530 = tpu.vector_load %arg9[%get3A_1528, %get3A_1529] {strides = array<i32>} : memref<256x128xf32, #tpu.memory_space<vmem>>, vector<16xf32>,
      %add3A_1531 = arith.addf %get3A_1530, %get3A_1050 : vector<16xf32>
      %add3A_1532 = arith.addf %add3A_1503, %add3A_1507 : vector<16xf32>
      %add3A_1533 = arith.addf %add3A_1511, %add3A_1515 : vector<16xf32>
      %add3A_1534 = arith.addf %add3A_1519, %add3A_1523 : vector<16xf32>
      %add3A_1535 = arith.addf %add3A_1527, %add3A_1531 : vector<16xf32>
      %add3A_1536 = arith.addf %add3A_1532, %add3A_1533 : vector<16xf32>
      %add3A_1537 = arith.addf %add3A_1534, %add3A_1535 : vector<16xf32>
      %add3A_1538 = arith.addf %add3A_1536, %add3A_1537 : vector<16xf32>
      %mul3A_1539 = arith.mulf %add3A_1503, %add3A_1503 : vector<16xf32>
      %mul3A_1540 = arith.mulf %add3A_1507, %add3A_1507 : vector<16xf32>
      %mul3A_1541 = arith.mulf %add3A_1511, %add3A_1511 : vector<16xf32>
      %mul3A_1542 = arith.mulf %add3A_1515, %add3A_1515 : vector<16xf32>
      %mul3A_1543 = arith.mulf %add3A_1519, %add3A_1519 : vector<16xf32>
      %mul3A_1544 = arith.mulf %add3A_1523, %add3A_1523 : vector<16xf32>
      %mul3A_1545 = arith.mulf %add3A_1527, %add3A_1527 : vector<16xf32>
      %mul3A_1546 = arith.mulf %add3A_1531, %add3A_1531 : vector<16xf32>
      %add3A_1547 = arith.addf %mul3A_1539, %mul3A_1540 : vector<16xf32>
      %add3A_1548 = arith.addf %mul3A_1541, %mul3A_1542 : vector<16xf32>
      %add3A_1549 = arith.addf %mul3A_1543, %mul3A_1544 : vector<16xf32>
      %add3A_1550 = arith.addf %mul3A_1545, %mul3A_1546 : vector<16xf32>
      %add3A_1551 = arith.addf %add3A_1547, %add3A_1548 : vector<16xf32>
      %add3A_1552 = arith.addf %add3A_1549, %add3A_1550 : vector<16xf32>
      %add3A_1553 = arith.addf %add3A_1551, %add3A_1552 : vector<16xf32>
      %reduce_sum3A_1554 = arith.constant true
      %reduce_sum3A_1555 = vector.broadcast %reduce_sum3A_1554 : i1 to vector<16xi1>
      %reduce_sum3A_1556 = tpu.scan <sum>, %add3A_1538 masked %reduce_sum3A_1555 : vector<16xf32>, vector<16xi1> -> vector<16xf32>
      %reduce_sum3A_1557 = vector.extract %reduce_sum3A_1556[15] : f32 from vector<16xf32>
      %mul3A_1558 = arith.mulf %reduce_sum3A_1557, %scan3A : f32
      %reduce_sum3A_1559 = arith.constant true
      %reduce_sum3A_1560 = vector.broadcast %reduce_sum3A_1559 : i1 to vector<16xi1>
      %reduce_sum3A_1561 = tpu.scan <sum>, %add3A_1553 masked %reduce_sum3A_1560 : vector<16xf32>, vector<16xi1> -> vector<16xf32>
      %reduce_sum3A_1562 = vector.extract %reduce_sum3A_1561[15] : f32 from vector<16xf32>
      %mul3A_1563 = arith.mulf %reduce_sum3A_1562, %scan3A : f32
      %mul3A_1564 = arith.mulf %mul3A_1558, %mul3A_1558 : f32
      %sub3A_1565 = arith.subf %mul3A_1563, %mul3A_1564 : f32
      %add3A_1566 = arith.constant 9.99999974E-6 : f32
      %add3A_1567 = arith.addf %sub3A_1565, %add3A_1566 : f32
      %bitcast_convert_type3A_1568 = arith.bitcast %add3A_1567 : f32 to i32
      %shift_right_arithmetic3A_1569 = arith.constant 1 : i32
      %shift_right_arithmetic3A_1570 = arith.shrsi %bitcast_convert_type3A_1568, %shift_right_arithmetic3A_1569 : i32
      %sub3A_1571 = arith.constant 1597463007 : i32
      %sub3A_1572 = arith.subi %sub3A_1571, %shift_right_arithmetic3A_1570 : i32
      %bitcast_convert_type3A_1573 = arith.bitcast %sub3A_1572 : i32 to f32
      %mul3A_1574 = arith.constant 5.000000e-01 : f32
      %mul3A_1575 = arith.mulf %mul3A_1574, %add3A_1567 : f32
      %mul3A_1576 = arith.mulf %mul3A_1575, %bitcast_convert_type3A_1573 : f32
      %mul3A_1577 = arith.mulf %mul3A_1576, %bitcast_convert_type3A_1573 : f32
      %sub3A_1578 = arith.constant 1.500000e+00 : f32
      %sub3A_1579 = arith.subf %sub3A_1578, %mul3A_1577 : f32
      %mul3A_1580 = arith.mulf %bitcast_convert_type3A_1573, %sub3A_1579 : f32
      %mul3A_1581 = arith.mulf %mul3A_1575, %mul3A_1580 : f32
      %mul3A_1582 = arith.mulf %mul3A_1581, %mul3A_1580 : f32
      %sub3A_1583 = arith.constant 1.500000e+00 : f32
      %sub3A_1584 = arith.subf %sub3A_1583, %mul3A_1582 : f32
      %mul3A_1585 = arith.mulf %mul3A_1580, %sub3A_1584 : f32
      %broadcast_in_dim3A_1586 = vector.broadcast %mul3A_1585 : f32 to vector<16xf32>
      %neg3A_1587 = arith.constant 0.000000e+00 : f32
      %neg3A_1588 = arith.subf %neg3A_1587, %mul3A_1558 : f32
      %mul3A_1589 = arith.mulf %neg3A_1588, %mul3A_1585 : f32
      %broadcast_in_dim3A_1590 = vector.broadcast %mul3A_1589 : f32 to vector<16xf32>
      %mul3A_1591 = arith.mulf %add3A_1503, %broadcast_in_dim3A_1586 : vector<16xf32>
      %add3A_1592 = arith.addf %mul3A_1591, %broadcast_in_dim3A_1590 : vector<16xf32>
      %mul3A_1593 = arith.mulf %add3A_1592, %get3A_145 : vector<16xf32>
      %add3A_1594 = arith.addf %mul3A_1593, %get3A_161 : vector<16xf32>
      %swap3A_1595 = arith.index_cast %add3A_1499 : i32 to index
      %swap3A_1596 = arith.constant 0 : index
      %swap3A_1597 = tpu.vector_load %arg9[%swap3A_1595, %swap3A_1596] {strides = array<i32>} : memref<256x128xf32, #tpu.memory_space<vmem>>, vector<16xf32>,
      tpu.vector_store %arg9[%swap3A_1595, %swap3A_1596], %add3A_1594 {strides = array<i32>} : memref<256x128xf32, #tpu.memory_space<vmem>>, vector<16xf32>,
      %mul3A_1598 = arith.mulf %add3A_1507, %broadcast_in_dim3A_1586 : vector<16xf32>
      %add3A_1599 = arith.addf %mul3A_1598, %broadcast_in_dim3A_1590 : vector<16xf32>
      %mul3A_1600 = arith.mulf %add3A_1599, %get3A_147 : vector<16xf32>
      %add3A_1601 = arith.addf %mul3A_1600, %get3A_163 : vector<16xf32>
      %swap3A_1602 = arith.index_cast %add3A_1499 : i32 to index
      %swap3A_1603 = arith.constant 16 : index
      %swap3A_1604 = tpu.vector_load %arg9[%swap3A_1602, %swap3A_1603] {strides = array<i32>} : memref<256x128xf32, #tpu.memory_space<vmem>>, vector<16xf32>,
      tpu.vector_store %arg9[%swap3A_1602, %swap3A_1603], %add3A_1601 {strides = array<i32>} : memref<256x128xf32, #tpu.memory_space<vmem>>, vector<16xf32>,
      %mul3A_1605 = arith.mulf %add3A_1511, %broadcast_in_dim3A_1586 : vector<16xf32>
      %add3A_1606 = arith.addf %mul3A_1605, %broadcast_in_dim3A_1590 : vector<16xf32>
      %mul3A_1607 = arith.mulf %add3A_1606, %get3A_149 : vector<16xf32>
      %add3A_1608 = arith.addf %mul3A_1607, %get3A_165 : vector<16xf32>
      %swap3A_1609 = arith.index_cast %add3A_1499 : i32 to index
      %swap3A_1610 = arith.constant 32 : index
      %swap3A_1611 = tpu.vector_load %arg9[%swap3A_1609, %swap3A_1610] {strides = array<i32>} : memref<256x128xf32, #tpu.memory_space<vmem>>, vector<16xf32>,
      tpu.vector_store %arg9[%swap3A_1609, %swap3A_1610], %add3A_1608 {strides = array<i32>} : memref<256x128xf32, #tpu.memory_space<vmem>>, vector<16xf32>,
      %mul3A_1612 = arith.mulf %add3A_1515, %broadcast_in_dim3A_1586 : vector<16xf32>
      %add3A_1613 = arith.addf %mul3A_1612, %broadcast_in_dim3A_1590 : vector<16xf32>
      %mul3A_1614 = arith.mulf %add3A_1613, %get3A_151 : vector<16xf32>
      %add3A_1615 = arith.addf %mul3A_1614, %get3A_167 : vector<16xf32>
      %swap3A_1616 = arith.index_cast %add3A_1499 : i32 to index
      %swap3A_1617 = arith.constant 48 : index
      %swap3A_1618 = tpu.vector_load %arg9[%swap3A_1616, %swap3A_1617] {strides = array<i32>} : memref<256x128xf32, #tpu.memory_space<vmem>>, vector<16xf32>,
      tpu.vector_store %arg9[%swap3A_1616, %swap3A_1617], %add3A_1615 {strides = array<i32>} : memref<256x128xf32, #tpu.memory_space<vmem>>, vector<16xf32>,
      %mul3A_1619 = arith.mulf %add3A_1519, %broadcast_in_dim3A_1586 : vector<16xf32>
      %add3A_1620 = arith.addf %mul3A_1619, %broadcast_in_dim3A_1590 : vector<16xf32>
      %mul3A_1621 = arith.mulf %add3A_1620, %get3A_153 : vector<16xf32>
      %add3A_1622 = arith.addf %mul3A_1621, %get3A_169 : vector<16xf32>
      %swap3A_1623 = arith.index_cast %add3A_1499 : i32 to index
      %swap3A_1624 = arith.constant 64 : index
      %swap3A_1625 = tpu.vector_load %arg9[%swap3A_1623, %swap3A_1624] {strides = array<i32>} : memref<256x128xf32, #tpu.memory_space<vmem>>, vector<16xf32>,
      tpu.vector_store %arg9[%swap3A_1623, %swap3A_1624], %add3A_1622 {strides = array<i32>} : memref<256x128xf32, #tpu.memory_space<vmem>>, vector<16xf32>,
      %mul3A_1626 = arith.mulf %add3A_1523, %broadcast_in_dim3A_1586 : vector<16xf32>
      %add3A_1627 = arith.addf %mul3A_1626, %broadcast_in_dim3A_1590 : vector<16xf32>
      %mul3A_1628 = arith.mulf %add3A_1627, %get3A_155 : vector<16xf32>
      %add3A_1629 = arith.addf %mul3A_1628, %get3A_171 : vector<16xf32>
      %swap3A_1630 = arith.index_cast %add3A_1499 : i32 to index
      %swap3A_1631 = arith.constant 80 : index
      %swap3A_1632 = tpu.vector_load %arg9[%swap3A_1630, %swap3A_1631] {strides = array<i32>} : memref<256x128xf32, #tpu.memory_space<vmem>>, vector<16xf32>,
      tpu.vector_store %arg9[%swap3A_1630, %swap3A_1631], %add3A_1629 {strides = array<i32>} : memref<256x128xf32, #tpu.memory_space<vmem>>, vector<16xf32>,
      %mul3A_1633 = arith.mulf %add3A_1527, %broadcast_in_dim3A_1586 : vector<16xf32>
      %add3A_1634 = arith.addf %mul3A_1633, %broadcast_in_dim3A_1590 : vector<16xf32>
      %mul3A_1635 = arith.mulf %add3A_1634, %get3A_157 : vector<16xf32>
      %add3A_1636 = arith.addf %mul3A_1635, %get3A_173 : vector<16xf32>
      %swap3A_1637 = arith.index_cast %add3A_1499 : i32 to index
      %swap3A_1638 = arith.constant 96 : index
      %swap3A_1639 = tpu.vector_load %arg9[%swap3A_1637, %swap3A_1638] {strides = array<i32>} : memref<256x128xf32, #tpu.memory_space<vmem>>, vector<16xf32>,
      tpu.vector_store %arg9[%swap3A_1637, %swap3A_1638], %add3A_1636 {strides = array<i32>} : memref<256x128xf32, #tpu.memory_space<vmem>>, vector<16xf32>,
      %mul3A_1640 = arith.mulf %add3A_1531, %broadcast_in_dim3A_1586 : vector<16xf32>
      %add3A_1641 = arith.addf %mul3A_1640, %broadcast_in_dim3A_1590 : vector<16xf32>
      %mul3A_1642 = arith.mulf %add3A_1641, %get3A_159 : vector<16xf32>
      %add3A_1643 = arith.addf %mul3A_1642, %get3A_175 : vector<16xf32>
      %swap3A_1644 = arith.index_cast %add3A_1499 : i32 to index
      %swap3A_1645 = arith.constant 112 : index
      %swap3A_1646 = tpu.vector_load %arg9[%swap3A_1644, %swap3A_1645] {strides = array<i32>} : memref<256x128xf32, #tpu.memory_space<vmem>>, vector<16xf32>,
      tpu.vector_store %arg9[%swap3A_1644, %swap3A_1645], %add3A_1643 {strides = array<i32>} : memref<256x128xf32, #tpu.memory_space<vmem>>, vector<16xf32>,
    }
    %scan3A_180 = arith.constant 32 : i32
    %dma_start3A_181 = arith.constant 0 : i32
    %dma_start3A_182 = arith.constant 0 : i32
    %dma_start3A_183 = arith.constant 0 : i32
    %dma_start3A_184 = tpu.memref_slice %arg9[%dma_start3A_182, %dma_start3A_183] : memref<256x128xf32, #tpu.memory_space<vmem>> -> memref<32x128xf32, #tpu.memory_space<vmem>>
    %dma_start3A_185 = arith.constant 0 : i32
    %dma_start3A_186 = tpu.memref_slice %arg7[%dma_start3A_181, %mul3A_2, %dma_start3A_185] : memref<4x2048x128xf32, #tpu.memory_space<hbm>> -> memref<1x32x128xf32, #tpu.memory_space<hbm>>
    %dma_start3A_187 = tpu.memref_squeeze %dma_start3A_186 : memref<1x32x128xf32, #tpu.memory_space<hbm>> -> memref<32x128xf32, #tpu.memory_space<hbm>>
    %dma_start3A_188 = arith.constant 0 : i32
    %dma_start3A_189 = tpu.memref_slice %arg7[%dma_start3A_181, %mul3A_2, %dma_start3A_188] : memref<4x2048x128xf32, #tpu.memory_space<hbm>> -> memref<1x32x128xf32, #tpu.memory_space<hbm>>
    %dma_start3A_190 = tpu.memref_squeeze %dma_start3A_189 : memref<1x32x128xf32, #tpu.memory_space<hbm>> -> memref<32x128xf32, #tpu.memory_space<hbm>>
    %dma_start3A_191 = arith.constant 0 : i32
    %dma_start3A_192 = arith.constant 0 : i32
    %dma_start3A_193 = tpu.memref_slice %arg9[%dma_start3A_191, %dma_start3A_192] : memref<256x128xf32, #tpu.memory_space<vmem>> -> memref<32x128xf32, #tpu.memory_space<vmem>>
    tpu.enqueue_dma source(%dma_start3A_193 : memref<32x128xf32, #tpu.memory_space<vmem>>) target(%dma_start3A_190 : memref<32x128xf32, #tpu.memory_space<hbm>>) target_semaphore(%arg15 : memref<!tpu.dma_semaphore, #tpu.memory_space<semaphore_mem>>)
    %dma_start3A_194 = arith.constant 1 : i32
    %dma_start3A_195 = arith.constant 64 : i32
    %dma_start3A_196 = arith.constant 0 : i32
    %dma_start3A_197 = tpu.memref_slice %arg9[%dma_start3A_195, %dma_start3A_196] : memref<256x128xf32, #tpu.memory_space<vmem>> -> memref<32x128xf32, #tpu.memory_space<vmem>>
    %dma_start3A_198 = arith.constant 0 : i32
    %dma_start3A_199 = tpu.memref_slice %arg7[%dma_start3A_194, %mul3A_2, %dma_start3A_198] : memref<4x2048x128xf32, #tpu.memory_space<hbm>> -> memref<1x32x128xf32, #tpu.memory_space<hbm>>
    %dma_start3A_200 = tpu.memref_squeeze %dma_start3A_199 : memref<1x32x128xf32, #tpu.memory_space<hbm>> -> memref<32x128xf32, #tpu.memory_space<hbm>>
    %dma_start3A_201 = arith.constant 0 : i32
    %dma_start3A_202 = tpu.memref_slice %arg7[%dma_start3A_194, %mul3A_2, %dma_start3A_201] : memref<4x2048x128xf32, #tpu.memory_space<hbm>> -> memref<1x32x128xf32, #tpu.memory_space<hbm>>
    %dma_start3A_203 = tpu.memref_squeeze %dma_start3A_202 : memref<1x32x128xf32, #tpu.memory_space<hbm>> -> memref<32x128xf32, #tpu.memory_space<hbm>>
    %dma_start3A_204 = arith.constant 64 : i32
    %dma_start3A_205 = arith.constant 0 : i32
    %dma_start3A_206 = tpu.memref_slice %arg9[%dma_start3A_204, %dma_start3A_205] : memref<256x128xf32, #tpu.memory_space<vmem>> -> memref<32x128xf32, #tpu.memory_space<vmem>>
    tpu.enqueue_dma source(%dma_start3A_206 : memref<32x128xf32, #tpu.memory_space<vmem>>) target(%dma_start3A_203 : memref<32x128xf32, #tpu.memory_space<hbm>>) target_semaphore(%arg15 : memref<!tpu.dma_semaphore, #tpu.memory_space<semaphore_mem>>)
    %dma_start3A_207 = arith.constant 2 : i32
    %dma_start3A_208 = arith.constant 128 : i32
    %dma_start3A_209 = arith.constant 0 : i32
    %dma_start3A_210 = tpu.memref_slice %arg9[%dma_start3A_208, %dma_start3A_209] : memref<256x128xf32, #tpu.memory_space<vmem>> -> memref<32x128xf32, #tpu.memory_space<vmem>>
    %dma_start3A_211 = arith.constant 0 : i32
    %dma_start3A_212 = tpu.memref_slice %arg7[%dma_start3A_207, %mul3A_2, %dma_start3A_211] : memref<4x2048x128xf32, #tpu.memory_space<hbm>> -> memref<1x32x128xf32, #tpu.memory_space<hbm>>
    %dma_start3A_213 = tpu.memref_squeeze %dma_start3A_212 : memref<1x32x128xf32, #tpu.memory_space<hbm>> -> memref<32x128xf32, #tpu.memory_space<hbm>>
    %dma_start3A_214 = arith.constant 0 : i32
    %dma_start3A_215 = tpu.memref_slice %arg7[%dma_start3A_207, %mul3A_2, %dma_start3A_214] : memref<4x2048x128xf32, #tpu.memory_space<hbm>> -> memref<1x32x128xf32, #tpu.memory_space<hbm>>
    %dma_start3A_216 = tpu.memref_squeeze %dma_start3A_215 : memref<1x32x128xf32, #tpu.memory_space<hbm>> -> memref<32x128xf32, #tpu.memory_space<hbm>>
    %dma_start3A_217 = arith.constant 128 : i32
    %dma_start3A_218 = arith.constant 0 : i32
    %dma_start3A_219 = tpu.memref_slice %arg9[%dma_start3A_217, %dma_start3A_218] : memref<256x128xf32, #tpu.memory_space<vmem>> -> memref<32x128xf32, #tpu.memory_space<vmem>>
    tpu.enqueue_dma source(%dma_start3A_219 : memref<32x128xf32, #tpu.memory_space<vmem>>) target(%dma_start3A_216 : memref<32x128xf32, #tpu.memory_space<hbm>>) target_semaphore(%arg15 : memref<!tpu.dma_semaphore, #tpu.memory_space<semaphore_mem>>)
    %dma_start3A_220 = arith.constant 3 : i32
    %dma_start3A_221 = arith.constant 192 : i32
    %dma_start3A_222 = arith.constant 0 : i32
    %dma_start3A_223 = tpu.memref_slice %arg9[%dma_start3A_221, %dma_start3A_222] : memref<256x128xf32, #tpu.memory_space<vmem>> -> memref<32x128xf32, #tpu.memory_space<vmem>>
    %dma_start3A_224 = arith.constant 0 : i32
    %dma_start3A_225 = tpu.memref_slice %arg7[%dma_start3A_220, %mul3A_2, %dma_start3A_224] : memref<4x2048x128xf32, #tpu.memory_space<hbm>> -> memref<1x32x128xf32, #tpu.memory_space<hbm>>
    %dma_start3A_226 = tpu.memref_squeeze %dma_start3A_225 : memref<1x32x128xf32, #tpu.memory_space<hbm>> -> memref<32x128xf32, #tpu.memory_space<hbm>>
    %dma_start3A_227 = arith.constant 0 : i32
    %dma_start3A_228 = tpu.memref_slice %arg7[%dma_start3A_220, %mul3A_2, %dma_start3A_227] : memref<4x2048x128xf32, #tpu.memory_space<hbm>> -> memref<1x32x128xf32, #tpu.memory_space<hbm>>
    %dma_start3A_229 = tpu.memref_squeeze %dma_start3A_228 : memref<1x32x128xf32, #tpu.memory_space<hbm>> -> memref<32x128xf32, #tpu.memory_space<hbm>>
    %dma_start3A_230 = arith.constant 192 : i32
    %dma_start3A_231 = arith.constant 0 : i32
    %dma_start3A_232 = tpu.memref_slice %arg9[%dma_start3A_230, %dma_start3A_231] : memref<256x128xf32, #tpu.memory_space<vmem>> -> memref<32x128xf32, #tpu.memory_space<vmem>>
    tpu.enqueue_dma source(%dma_start3A_232 : memref<32x128xf32, #tpu.memory_space<vmem>>) target(%dma_start3A_229 : memref<32x128xf32, #tpu.memory_space<hbm>>) target_semaphore(%arg15 : memref<!tpu.dma_semaphore, #tpu.memory_space<semaphore_mem>>)
    %scan3A_233 = arith.constant 7.812500e-03 : f32
    %scan3A_234 = arith.constant 0 : i32
    %scan3A_235 = arith.constant 32 : i32
    %scan3A_236 = arith.addi %scan3A_234, %scan3A_235 : i32
    %scan3A_237 = arith.constant 2 : i32
    scf.for %scan3A_403 = %scan3A_234 to %scan3A_236 step %scan3A_237  : i32 {
      %mul3A_404 = arith.constant 1 : i32
      %mul3A_405 = arith.muli %scan3A_403, %mul3A_404 : i32
      %add3A_406 = arith.constant 32 : i32
      %add3A_407 = arith.addi %add3A_406, %mul3A_405 : i32
      %get3A_408 = arith.index_cast %add3A_407 : i32 to index
      %get3A_409 = arith.constant 0 : index
      %get3A_410 = tpu.vector_load %arg10[%get3A_408, %get3A_409] {strides = array<i32>} : memref<64x128xf32, #tpu.memory_space<vmem>>, vector<16xf32>,
      %get3A_411 = arith.index_cast %add3A_407 : i32 to index
      %get3A_412 = arith.constant 16 : index
      %get3A_413 = tpu.vector_load %arg10[%get3A_411, %get3A_412] {strides = array<i32>} : memref<64x128xf32, #tpu.memory_space<vmem>>, vector<16xf32>,
      %get3A_414 = arith.index_cast %add3A_407 : i32 to index
      %get3A_415 = arith.constant 32 : index
      %get3A_416 = tpu.vector_load %arg10[%get3A_414, %get3A_415] {strides = array<i32>} : memref<64x128xf32, #tpu.memory_space<vmem>>, vector<16xf32>,
      %get3A_417 = arith.index_cast %add3A_407 : i32 to index
      %get3A_418 = arith.constant 48 : index
      %get3A_419 = tpu.vector_load %arg10[%get3A_417, %get3A_418] {strides = array<i32>} : memref<64x128xf32, #tpu.memory_space<vmem>>, vector<16xf32>,
      %get3A_420 = arith.index_cast %add3A_407 : i32 to index
      %get3A_421 = arith.constant 64 : index
      %get3A_422 = tpu.vector_load %arg10[%get3A_420, %get3A_421] {strides = array<i32>} : memref<64x128xf32, #tpu.memory_space<vmem>>, vector<16xf32>,
      %get3A_423 = arith.index_cast %add3A_407 : i32 to index
      %get3A_424 = arith.constant 80 : index
      %get3A_425 = tpu.vector_load %arg10[%get3A_423, %get3A_424] {strides = array<i32>} : memref<64x128xf32, #tpu.memory_space<vmem>>, vector<16xf32>,
      %get3A_426 = arith.index_cast %add3A_407 : i32 to index
      %get3A_427 = arith.constant 96 : index
      %get3A_428 = tpu.vector_load %arg10[%get3A_426, %get3A_427] {strides = array<i32>} : memref<64x128xf32, #tpu.memory_space<vmem>>, vector<16xf32>,
      %get3A_429 = arith.index_cast %add3A_407 : i32 to index
      %get3A_430 = arith.constant 112 : index
      %get3A_431 = tpu.vector_load %arg10[%get3A_429, %get3A_430] {strides = array<i32>} : memref<64x128xf32, #tpu.memory_space<vmem>>, vector<16xf32>,
      %add3A_432 = arith.constant 0 : i32
      %add3A_433 = arith.addi %add3A_432, %add3A_407 : i32
      %get3A_434 = arith.index_cast %add3A_433 : i32 to index
      %get3A_435 = arith.constant 0 : index
      %get3A_436 = tpu.vector_load %arg9[%get3A_434, %get3A_435] {strides = array<i32>} : memref<256x128xf32, #tpu.memory_space<vmem>>, vector<16xf32>,
      %add3A_437 = arith.addf %get3A_436, %get3A_410 : vector<16xf32>
      %get3A_438 = arith.index_cast %add3A_433 : i32 to index
      %get3A_439 = arith.constant 16 : index
      %get3A_440 = tpu.vector_load %arg9[%get3A_438, %get3A_439] {strides = array<i32>} : memref<256x128xf32, #tpu.memory_space<vmem>>, vector<16xf32>,
      %add3A_441 = arith.addf %get3A_440, %get3A_413 : vector<16xf32>
      %get3A_442 = arith.index_cast %add3A_433 : i32 to index
      %get3A_443 = arith.constant 32 : index
      %get3A_444 = tpu.vector_load %arg9[%get3A_442, %get3A_443] {strides = array<i32>} : memref<256x128xf32, #tpu.memory_space<vmem>>, vector<16xf32>,
      %add3A_445 = arith.addf %get3A_444, %get3A_416 : vector<16xf32>
      %get3A_446 = arith.index_cast %add3A_433 : i32 to index
      %get3A_447 = arith.constant 48 : index
      %get3A_448 = tpu.vector_load %arg9[%get3A_446, %get3A_447] {strides = array<i32>} : memref<256x128xf32, #tpu.memory_space<vmem>>, vector<16xf32>,
      %add3A_449 = arith.addf %get3A_448, %get3A_419 : vector<16xf32>
      %get3A_450 = arith.index_cast %add3A_433 : i32 to index
      %get3A_451 = arith.constant 64 : index
      %get3A_452 = tpu.vector_load %arg9[%get3A_450, %get3A_451] {strides = array<i32>} : memref<256x128xf32, #tpu.memory_space<vmem>>, vector<16xf32>,
      %add3A_453 = arith.addf %get3A_452, %get3A_422 : vector<16xf32>
      %get3A_454 = arith.index_cast %add3A_433 : i32 to index
      %get3A_455 = arith.constant 80 : index
      %get3A_456 = tpu.vector_load %arg9[%get3A_454, %get3A_455] {strides = array<i32>} : memref<256x128xf32, #tpu.memory_space<vmem>>, vector<16xf32>,
      %add3A_457 = arith.addf %get3A_456, %get3A_425 : vector<16xf32>
      %get3A_458 = arith.index_cast %add3A_433 : i32 to index
      %get3A_459 = arith.constant 96 : index
      %get3A_460 = tpu.vector_load %arg9[%get3A_458, %get3A_459] {strides = array<i32>} : memref<256x128xf32, #tpu.memory_space<vmem>>, vector<16xf32>,
      %add3A_461 = arith.addf %get3A_460, %get3A_428 : vector<16xf32>
      %get3A_462 = arith.index_cast %add3A_433 : i32 to index
      %get3A_463 = arith.constant 112 : index
      %get3A_464 = tpu.vector_load %arg9[%get3A_462, %get3A_463] {strides = array<i32>} : memref<256x128xf32, #tpu.memory_space<vmem>>, vector<16xf32>,
      %add3A_465 = arith.addf %get3A_464, %get3A_431 : vector<16xf32>
      %add3A_466 = arith.addf %add3A_437, %add3A_441 : vector<16xf32>
      %add3A_467 = arith.addf %add3A_445, %add3A_449 : vector<16xf32>
      %add3A_468 = arith.addf %add3A_453, %add3A_457 : vector<16xf32>
      %add3A_469 = arith.addf %add3A_461, %add3A_465 : vector<16xf32>
      %add3A_470 = arith.addf %add3A_466, %add3A_467 : vector<16xf32>
      %add3A_471 = arith.addf %add3A_468, %add3A_469 : vector<16xf32>
      %add3A_472 = arith.addf %add3A_470, %add3A_471 : vector<16xf32>
      %mul3A_473 = arith.mulf %add3A_437, %add3A_437 : vector<16xf32>
      %mul3A_474 = arith.mulf %add3A_441, %add3A_441 : vector<16xf32>
      %mul3A_475 = arith.mulf %add3A_445, %add3A_445 : vector<16xf32>
      %mul3A_476 = arith.mulf %add3A_449, %add3A_449 : vector<16xf32>
      %mul3A_477 = arith.mulf %add3A_453, %add3A_453 : vector<16xf32>
      %mul3A_478 = arith.mulf %add3A_457, %add3A_457 : vector<16xf32>
      %mul3A_479 = arith.mulf %add3A_461, %add3A_461 : vector<16xf32>
      %mul3A_480 = arith.mulf %add3A_465, %add3A_465 : vector<16xf32>
      %add3A_481 = arith.addf %mul3A_473, %mul3A_474 : vector<16xf32>
      %add3A_482 = arith.addf %mul3A_475, %mul3A_476 : vector<16xf32>
      %add3A_483 = arith.addf %mul3A_477, %mul3A_478 : vector<16xf32>
      %add3A_484 = arith.addf %mul3A_479, %mul3A_480 : vector<16xf32>
      %add3A_485 = arith.addf %add3A_481, %add3A_482 : vector<16xf32>
      %add3A_486 = arith.addf %add3A_483, %add3A_484 : vector<16xf32>
      %add3A_487 = arith.addf %add3A_485, %add3A_486 : vector<16xf32>
      %reduce_sum3A = arith.constant true
      %reduce_sum3A_488 = vector.broadcast %reduce_sum3A : i1 to vector<16xi1>
      %reduce_sum3A_489 = tpu.scan <sum>, %add3A_472 masked %reduce_sum3A_488 : vector<16xf32>, vector<16xi1> -> vector<16xf32>
      %reduce_sum3A_490 = vector.extract %reduce_sum3A_489[15] : f32 from vector<16xf32>
      %mul3A_491 = arith.mulf %reduce_sum3A_490, %scan3A_233 : f32
      %reduce_sum3A_492 = arith.constant true
      %reduce_sum3A_493 = vector.broadcast %reduce_sum3A_492 : i1 to vector<16xi1>
      %reduce_sum3A_494 = tpu.scan <sum>, %add3A_487 masked %reduce_sum3A_493 : vector<16xf32>, vector<16xi1> -> vector<16xf32>
      %reduce_sum3A_495 = vector.extract %reduce_sum3A_494[15] : f32 from vector<16xf32>
      %mul3A_496 = arith.mulf %reduce_sum3A_495, %scan3A_233 : f32
      %mul3A_497 = arith.mulf %mul3A_491, %mul3A_491 : f32
      %sub3A = arith.subf %mul3A_496, %mul3A_497 : f32
      %add3A_498 = arith.constant 9.99999974E-6 : f32
      %add3A_499 = arith.addf %sub3A, %add3A_498 : f32
      %bitcast_convert_type3A = arith.bitcast %add3A_499 : f32 to i32
      %shift_right_arithmetic3A = arith.constant 1 : i32
      %shift_right_arithmetic3A_500 = arith.shrsi %bitcast_convert_type3A, %shift_right_arithmetic3A : i32
      %sub3A_501 = arith.constant 1597463007 : i32
      %sub3A_502 = arith.subi %sub3A_501, %shift_right_arithmetic3A_500 : i32
      %bitcast_convert_type3A_503 = arith.bitcast %sub3A_502 : i32 to f32
      %mul3A_504 = arith.constant 5.000000e-01 : f32
      %mul3A_505 = arith.mulf %mul3A_504, %add3A_499 : f32
      %mul3A_506 = arith.mulf %mul3A_505, %bitcast_convert_type3A_503 : f32
      %mul3A_507 = arith.mulf %mul3A_506, %bitcast_convert_type3A_503 : f32
      %sub3A_508 = arith.constant 1.500000e+00 : f32
      %sub3A_509 = arith.subf %sub3A_508, %mul3A_507 : f32
      %mul3A_510 = arith.mulf %bitcast_convert_type3A_503, %sub3A_509 : f32
      %mul3A_511 = arith.mulf %mul3A_505, %mul3A_510 : f32
      %mul3A_512 = arith.mulf %mul3A_511, %mul3A_510 : f32
      %sub3A_513 = arith.constant 1.500000e+00 : f32
      %sub3A_514 = arith.subf %sub3A_513, %mul3A_512 : f32
      %mul3A_515 = arith.mulf %mul3A_510, %sub3A_514 : f32
      %broadcast_in_dim3A = vector.broadcast %mul3A_515 : f32 to vector<16xf32>
      %neg3A = arith.constant 0.000000e+00 : f32
      %neg3A_516 = arith.subf %neg3A, %mul3A_491 : f32
      %mul3A_517 = arith.mulf %neg3A_516, %mul3A_515 : f32
      %broadcast_in_dim3A_518 = vector.broadcast %mul3A_517 : f32 to vector<16xf32>
      %mul3A_519 = arith.mulf %add3A_437, %broadcast_in_dim3A : vector<16xf32>
      %add3A_520 = arith.addf %mul3A_519, %broadcast_in_dim3A_518 : vector<16xf32>
      %mul3A_521 = arith.mulf %add3A_520, %get3A_145 : vector<16xf32>
      %add3A_522 = arith.addf %mul3A_521, %get3A_161 : vector<16xf32>
      %swap3A = arith.index_cast %add3A_433 : i32 to index
      %swap3A_523 = arith.constant 0 : index
      %swap3A_524 = tpu.vector_load %arg9[%swap3A, %swap3A_523] {strides = array<i32>} : memref<256x128xf32, #tpu.memory_space<vmem>>, vector<16xf32>,
      tpu.vector_store %arg9[%swap3A, %swap3A_523], %add3A_522 {strides = array<i32>} : memref<256x128xf32, #tpu.memory_space<vmem>>, vector<16xf32>,
      %mul3A_525 = arith.mulf %add3A_441, %broadcast_in_dim3A : vector<16xf32>
      %add3A_526 = arith.addf %mul3A_525, %broadcast_in_dim3A_518 : vector<16xf32>
      %mul3A_527 = arith.mulf %add3A_526, %get3A_147 : vector<16xf32>
      %add3A_528 = arith.addf %mul3A_527, %get3A_163 : vector<16xf32>
      %swap3A_529 = arith.index_cast %add3A_433 : i32 to index
      %swap3A_530 = arith.constant 16 : index
      %swap3A_531 = tpu.vector_load %arg9[%swap3A_529, %swap3A_530] {strides = array<i32>} : memref<256x128xf32, #tpu.memory_space<vmem>>, vector<16xf32>,
      tpu.vector_store %arg9[%swap3A_529, %swap3A_530], %add3A_528 {strides = array<i32>} : memref<256x128xf32, #tpu.memory_space<vmem>>, vector<16xf32>,
      %mul3A_532 = arith.mulf %add3A_445, %broadcast_in_dim3A : vector<16xf32>
      %add3A_533 = arith.addf %mul3A_532, %broadcast_in_dim3A_518 : vector<16xf32>
      %mul3A_534 = arith.mulf %add3A_533, %get3A_149 : vector<16xf32>
      %add3A_535 = arith.addf %mul3A_534, %get3A_165 : vector<16xf32>
      %swap3A_536 = arith.index_cast %add3A_433 : i32 to index
      %swap3A_537 = arith.constant 32 : index
      %swap3A_538 = tpu.vector_load %arg9[%swap3A_536, %swap3A_537] {strides = array<i32>} : memref<256x128xf32, #tpu.memory_space<vmem>>, vector<16xf32>,
      tpu.vector_store %arg9[%swap3A_536, %swap3A_537], %add3A_535 {strides = array<i32>} : memref<256x128xf32, #tpu.memory_space<vmem>>, vector<16xf32>,
      %mul3A_539 = arith.mulf %add3A_449, %broadcast_in_dim3A : vector<16xf32>
      %add3A_540 = arith.addf %mul3A_539, %broadcast_in_dim3A_518 : vector<16xf32>
      %mul3A_541 = arith.mulf %add3A_540, %get3A_151 : vector<16xf32>
      %add3A_542 = arith.addf %mul3A_541, %get3A_167 : vector<16xf32>
      %swap3A_543 = arith.index_cast %add3A_433 : i32 to index
      %swap3A_544 = arith.constant 48 : index
      %swap3A_545 = tpu.vector_load %arg9[%swap3A_543, %swap3A_544] {strides = array<i32>} : memref<256x128xf32, #tpu.memory_space<vmem>>, vector<16xf32>,
      tpu.vector_store %arg9[%swap3A_543, %swap3A_544], %add3A_542 {strides = array<i32>} : memref<256x128xf32, #tpu.memory_space<vmem>>, vector<16xf32>,
      %mul3A_546 = arith.mulf %add3A_453, %broadcast_in_dim3A : vector<16xf32>
      %add3A_547 = arith.addf %mul3A_546, %broadcast_in_dim3A_518 : vector<16xf32>
      %mul3A_548 = arith.mulf %add3A_547, %get3A_153 : vector<16xf32>
      %add3A_549 = arith.addf %mul3A_548, %get3A_169 : vector<16xf32>
      %swap3A_550 = arith.index_cast %add3A_433 : i32 to index
      %swap3A_551 = arith.constant 64 : index
      %swap3A_552 = tpu.vector_load %arg9[%swap3A_550, %swap3A_551] {strides = array<i32>} : memref<256x128xf32, #tpu.memory_space<vmem>>, vector<16xf32>,
      tpu.vector_store %arg9[%swap3A_550, %swap3A_551], %add3A_549 {strides = array<i32>} : memref<256x128xf32, #tpu.memory_space<vmem>>, vector<16xf32>,
      %mul3A_553 = arith.mulf %add3A_457, %broadcast_in_dim3A : vector<16xf32>
      %add3A_554 = arith.addf %mul3A_553, %broadcast_in_dim3A_518 : vector<16xf32>
      %mul3A_555 = arith.mulf %add3A_554, %get3A_155 : vector<16xf32>
      %add3A_556 = arith.addf %mul3A_555, %get3A_171 : vector<16xf32>
      %swap3A_557 = arith.index_cast %add3A_433 : i32 to index
      %swap3A_558 = arith.constant 80 : index
      %swap3A_559 = tpu.vector_load %arg9[%swap3A_557, %swap3A_558] {strides = array<i32>} : memref<256x128xf32, #tpu.memory_space<vmem>>, vector<16xf32>,
      tpu.vector_store %arg9[%swap3A_557, %swap3A_558], %add3A_556 {strides = array<i32>} : memref<256x128xf32, #tpu.memory_space<vmem>>, vector<16xf32>,
      %mul3A_560 = arith.mulf %add3A_461, %broadcast_in_dim3A : vector<16xf32>
      %add3A_561 = arith.addf %mul3A_560, %broadcast_in_dim3A_518 : vector<16xf32>
      %mul3A_562 = arith.mulf %add3A_561, %get3A_157 : vector<16xf32>
      %add3A_563 = arith.addf %mul3A_562, %get3A_173 : vector<16xf32>
      %swap3A_564 = arith.index_cast %add3A_433 : i32 to index
      %swap3A_565 = arith.constant 96 : index
      %swap3A_566 = tpu.vector_load %arg9[%swap3A_564, %swap3A_565] {strides = array<i32>} : memref<256x128xf32, #tpu.memory_space<vmem>>, vector<16xf32>,
      tpu.vector_store %arg9[%swap3A_564, %swap3A_565], %add3A_563 {strides = array<i32>} : memref<256x128xf32, #tpu.memory_space<vmem>>, vector<16xf32>,
      %mul3A_567 = arith.mulf %add3A_465, %broadcast_in_dim3A : vector<16xf32>
      %add3A_568 = arith.addf %mul3A_567, %broadcast_in_dim3A_518 : vector<16xf32>
      %mul3A_569 = arith.mulf %add3A_568, %get3A_159 : vector<16xf32>
      %add3A_570 = arith.addf %mul3A_569, %get3A_175 : vector<16xf32>
      %swap3A_571 = arith.index_cast %add3A_433 : i32 to index
      %swap3A_572 = arith.constant 112 : index
      %swap3A_573 = tpu.vector_load %arg9[%swap3A_571, %swap3A_572] {strides = array<i32>} : memref<256x128xf32, #tpu.memory_space<vmem>>, vector<16xf32>,
      tpu.vector_store %arg9[%swap3A_571, %swap3A_572], %add3A_570 {strides = array<i32>} : memref<256x128xf32, #tpu.memory_space<vmem>>, vector<16xf32>,
      %add3A_574 = arith.constant 64 : i32
      %add3A_575 = arith.addi %add3A_574, %add3A_407 : i32
      %get3A_576 = arith.index_cast %add3A_575 : i32 to index
      %get3A_577 = arith.constant 0 : index
      %get3A_578 = tpu.vector_load %arg9[%get3A_576, %get3A_577] {strides = array<i32>} : memref<256x128xf32, #tpu.memory_space<vmem>>, vector<16xf32>,
      %add3A_579 = arith.addf %get3A_578, %get3A_410 : vector<16xf32>
      %get3A_580 = arith.index_cast %add3A_575 : i32 to index
      %get3A_581 = arith.constant 16 : index
      %get3A_582 = tpu.vector_load %arg9[%get3A_580, %get3A_581] {strides = array<i32>} : memref<256x128xf32, #tpu.memory_space<vmem>>, vector<16xf32>,
      %add3A_583 = arith.addf %get3A_582, %get3A_413 : vector<16xf32>
      %get3A_584 = arith.index_cast %add3A_575 : i32 to index
      %get3A_585 = arith.constant 32 : index
      %get3A_586 = tpu.vector_load %arg9[%get3A_584, %get3A_585] {strides = array<i32>} : memref<256x128xf32, #tpu.memory_space<vmem>>, vector<16xf32>,
      %add3A_587 = arith.addf %get3A_586, %get3A_416 : vector<16xf32>
      %get3A_588 = arith.index_cast %add3A_575 : i32 to index
      %get3A_589 = arith.constant 48 : index
      %get3A_590 = tpu.vector_load %arg9[%get3A_588, %get3A_589] {strides = array<i32>} : memref<256x128xf32, #tpu.memory_space<vmem>>, vector<16xf32>,
      %add3A_591 = arith.addf %get3A_590, %get3A_419 : vector<16xf32>
      %get3A_592 = arith.index_cast %add3A_575 : i32 to index
      %get3A_593 = arith.constant 64 : index
      %get3A_594 = tpu.vector_load %arg9[%get3A_592, %get3A_593] {strides = array<i32>} : memref<256x128xf32, #tpu.memory_space<vmem>>, vector<16xf32>,
      %add3A_595 = arith.addf %get3A_594, %get3A_422 : vector<16xf32>
      %get3A_596 = arith.index_cast %add3A_575 : i32 to index
      %get3A_597 = arith.constant 80 : index
      %get3A_598 = tpu.vector_load %arg9[%get3A_596, %get3A_597] {strides = array<i32>} : memref<256x128xf32, #tpu.memory_space<vmem>>, vector<16xf32>,
      %add3A_599 = arith.addf %get3A_598, %get3A_425 : vector<16xf32>
      %get3A_600 = arith.index_cast %add3A_575 : i32 to index
      %get3A_601 = arith.constant 96 : index
      %get3A_602 = tpu.vector_load %arg9[%get3A_600, %get3A_601] {strides = array<i32>} : memref<256x128xf32, #tpu.memory_space<vmem>>, vector<16xf32>,
      %add3A_603 = arith.addf %get3A_602, %get3A_428 : vector<16xf32>
      %get3A_604 = arith.index_cast %add3A_575 : i32 to index
      %get3A_605 = arith.constant 112 : index
      %get3A_606 = tpu.vector_load %arg9[%get3A_604, %get3A_605] {strides = array<i32>} : memref<256x128xf32, #tpu.memory_space<vmem>>, vector<16xf32>,
      %add3A_607 = arith.addf %get3A_606, %get3A_431 : vector<16xf32>
      %add3A_608 = arith.addf %add3A_579, %add3A_583 : vector<16xf32>
      %add3A_609 = arith.addf %add3A_587, %add3A_591 : vector<16xf32>
      %add3A_610 = arith.addf %add3A_595, %add3A_599 : vector<16xf32>
      %add3A_611 = arith.addf %add3A_603, %add3A_607 : vector<16xf32>
      %add3A_612 = arith.addf %add3A_608, %add3A_609 : vector<16xf32>
      %add3A_613 = arith.addf %add3A_610, %add3A_611 : vector<16xf32>
      %add3A_614 = arith.addf %add3A_612, %add3A_613 : vector<16xf32>
      %mul3A_615 = arith.mulf %add3A_579, %add3A_579 : vector<16xf32>
      %mul3A_616 = arith.mulf %add3A_583, %add3A_583 : vector<16xf32>
      %mul3A_617 = arith.mulf %add3A_587, %add3A_587 : vector<16xf32>
      %mul3A_618 = arith.mulf %add3A_591, %add3A_591 : vector<16xf32>
      %mul3A_619 = arith.mulf %add3A_595, %add3A_595 : vector<16xf32>
      %mul3A_620 = arith.mulf %add3A_599, %add3A_599 : vector<16xf32>
      %mul3A_621 = arith.mulf %add3A_603, %add3A_603 : vector<16xf32>
      %mul3A_622 = arith.mulf %add3A_607, %add3A_607 : vector<16xf32>
      %add3A_623 = arith.addf %mul3A_615, %mul3A_616 : vector<16xf32>
      %add3A_624 = arith.addf %mul3A_617, %mul3A_618 : vector<16xf32>
      %add3A_625 = arith.addf %mul3A_619, %mul3A_620 : vector<16xf32>
      %add3A_626 = arith.addf %mul3A_621, %mul3A_622 : vector<16xf32>
      %add3A_627 = arith.addf %add3A_623, %add3A_624 : vector<16xf32>
      %add3A_628 = arith.addf %add3A_625, %add3A_626 : vector<16xf32>
      %add3A_629 = arith.addf %add3A_627, %add3A_628 : vector<16xf32>
      %reduce_sum3A_630 = arith.constant true
      %reduce_sum3A_631 = vector.broadcast %reduce_sum3A_630 : i1 to vector<16xi1>
      %reduce_sum3A_632 = tpu.scan <sum>, %add3A_614 masked %reduce_sum3A_631 : vector<16xf32>, vector<16xi1> -> vector<16xf32>
      %reduce_sum3A_633 = vector.extract %reduce_sum3A_632[15] : f32 from vector<16xf32>
      %mul3A_634 = arith.mulf %reduce_sum3A_633, %scan3A_233 : f32
      %reduce_sum3A_635 = arith.constant true
      %reduce_sum3A_636 = vector.broadcast %reduce_sum3A_635 : i1 to vector<16xi1>
      %reduce_sum3A_637 = tpu.scan <sum>, %add3A_629 masked %reduce_sum3A_636 : vector<16xf32>, vector<16xi1> -> vector<16xf32>
      %reduce_sum3A_638 = vector.extract %reduce_sum3A_637[15] : f32 from vector<16xf32>
      %mul3A_639 = arith.mulf %reduce_sum3A_638, %scan3A_233 : f32
      %mul3A_640 = arith.mulf %mul3A_634, %mul3A_634 : f32
      %sub3A_641 = arith.subf %mul3A_639, %mul3A_640 : f32
      %add3A_642 = arith.constant 9.99999974E-6 : f32
      %add3A_643 = arith.addf %sub3A_641, %add3A_642 : f32
      %bitcast_convert_type3A_644 = arith.bitcast %add3A_643 : f32 to i32
      %shift_right_arithmetic3A_645 = arith.constant 1 : i32
      %shift_right_arithmetic3A_646 = arith.shrsi %bitcast_convert_type3A_644, %shift_right_arithmetic3A_645 : i32
      %sub3A_647 = arith.constant 1597463007 : i32
      %sub3A_648 = arith.subi %sub3A_647, %shift_right_arithmetic3A_646 : i32
      %bitcast_convert_type3A_649 = arith.bitcast %sub3A_648 : i32 to f32
      %mul3A_650 = arith.constant 5.000000e-01 : f32
      %mul3A_651 = arith.mulf %mul3A_650, %add3A_643 : f32
      %mul3A_652 = arith.mulf %mul3A_651, %bitcast_convert_type3A_649 : f32
      %mul3A_653 = arith.mulf %mul3A_652, %bitcast_convert_type3A_649 : f32
      %sub3A_654 = arith.constant 1.500000e+00 : f32
      %sub3A_655 = arith.subf %sub3A_654, %mul3A_653 : f32
      %mul3A_656 = arith.mulf %bitcast_convert_type3A_649, %sub3A_655 : f32
      %mul3A_657 = arith.mulf %mul3A_651, %mul3A_656 : f32
      %mul3A_658 = arith.mulf %mul3A_657, %mul3A_656 : f32
      %sub3A_659 = arith.constant 1.500000e+00 : f32
      %sub3A_660 = arith.subf %sub3A_659, %mul3A_658 : f32
      %mul3A_661 = arith.mulf %mul3A_656, %sub3A_660 : f32
      %broadcast_in_dim3A_662 = vector.broadcast %mul3A_661 : f32 to vector<16xf32>
      %neg3A_663 = arith.constant 0.000000e+00 : f32
      %neg3A_664 = arith.subf %neg3A_663, %mul3A_634 : f32
      %mul3A_665 = arith.mulf %neg3A_664, %mul3A_661 : f32
      %broadcast_in_dim3A_666 = vector.broadcast %mul3A_665 : f32 to vector<16xf32>
      %mul3A_667 = arith.mulf %add3A_579, %broadcast_in_dim3A_662 : vector<16xf32>
      %add3A_668 = arith.addf %mul3A_667, %broadcast_in_dim3A_666 : vector<16xf32>
      %mul3A_669 = arith.mulf %add3A_668, %get3A_145 : vector<16xf32>
      %add3A_670 = arith.addf %mul3A_669, %get3A_161 : vector<16xf32>
      %swap3A_671 = arith.index_cast %add3A_575 : i32 to index
      %swap3A_672 = arith.constant 0 : index
      %swap3A_673 = tpu.vector_load %arg9[%swap3A_671, %swap3A_672] {strides = array<i32>} : memref<256x128xf32, #tpu.memory_space<vmem>>, vector<16xf32>,
      tpu.vector_store %arg9[%swap3A_671, %swap3A_672], %add3A_670 {strides = array<i32>} : memref<256x128xf32, #tpu.memory_space<vmem>>, vector<16xf32>,
      %mul3A_674 = arith.mulf %add3A_583, %broadcast_in_dim3A_662 : vector<16xf32>
      %add3A_675 = arith.addf %mul3A_674, %broadcast_in_dim3A_666 : vector<16xf32>
      %mul3A_676 = arith.mulf %add3A_675, %get3A_147 : vector<16xf32>
      %add3A_677 = arith.addf %mul3A_676, %get3A_163 : vector<16xf32>
      %swap3A_678 = arith.index_cast %add3A_575 : i32 to index
      %swap3A_679 = arith.constant 16 : index
      %swap3A_680 = tpu.vector_load %arg9[%swap3A_678, %swap3A_679] {strides = array<i32>} : memref<256x128xf32, #tpu.memory_space<vmem>>, vector<16xf32>,
      tpu.vector_store %arg9[%swap3A_678, %swap3A_679], %add3A_677 {strides = array<i32>} : memref<256x128xf32, #tpu.memory_space<vmem>>, vector<16xf32>,
      %mul3A_681 = arith.mulf %add3A_587, %broadcast_in_dim3A_662 : vector<16xf32>
      %add3A_682 = arith.addf %mul3A_681, %broadcast_in_dim3A_666 : vector<16xf32>
      %mul3A_683 = arith.mulf %add3A_682, %get3A_149 : vector<16xf32>
      %add3A_684 = arith.addf %mul3A_683, %get3A_165 : vector<16xf32>
      %swap3A_685 = arith.index_cast %add3A_575 : i32 to index
      %swap3A_686 = arith.constant 32 : index
      %swap3A_687 = tpu.vector_load %arg9[%swap3A_685, %swap3A_686] {strides = array<i32>} : memref<256x128xf32, #tpu.memory_space<vmem>>, vector<16xf32>,
      tpu.vector_store %arg9[%swap3A_685, %swap3A_686], %add3A_684 {strides = array<i32>} : memref<256x128xf32, #tpu.memory_space<vmem>>, vector<16xf32>,
      %mul3A_688 = arith.mulf %add3A_591, %broadcast_in_dim3A_662 : vector<16xf32>
      %add3A_689 = arith.addf %mul3A_688, %broadcast_in_dim3A_666 : vector<16xf32>
      %mul3A_690 = arith.mulf %add3A_689, %get3A_151 : vector<16xf32>
      %add3A_691 = arith.addf %mul3A_690, %get3A_167 : vector<16xf32>
      %swap3A_692 = arith.index_cast %add3A_575 : i32 to index
      %swap3A_693 = arith.constant 48 : index
      %swap3A_694 = tpu.vector_load %arg9[%swap3A_692, %swap3A_693] {strides = array<i32>} : memref<256x128xf32, #tpu.memory_space<vmem>>, vector<16xf32>,
      tpu.vector_store %arg9[%swap3A_692, %swap3A_693], %add3A_691 {strides = array<i32>} : memref<256x128xf32, #tpu.memory_space<vmem>>, vector<16xf32>,
      %mul3A_695 = arith.mulf %add3A_595, %broadcast_in_dim3A_662 : vector<16xf32>
      %add3A_696 = arith.addf %mul3A_695, %broadcast_in_dim3A_666 : vector<16xf32>
      %mul3A_697 = arith.mulf %add3A_696, %get3A_153 : vector<16xf32>
      %add3A_698 = arith.addf %mul3A_697, %get3A_169 : vector<16xf32>
      %swap3A_699 = arith.index_cast %add3A_575 : i32 to index
      %swap3A_700 = arith.constant 64 : index
      %swap3A_701 = tpu.vector_load %arg9[%swap3A_699, %swap3A_700] {strides = array<i32>} : memref<256x128xf32, #tpu.memory_space<vmem>>, vector<16xf32>,
      tpu.vector_store %arg9[%swap3A_699, %swap3A_700], %add3A_698 {strides = array<i32>} : memref<256x128xf32, #tpu.memory_space<vmem>>, vector<16xf32>,
      %mul3A_702 = arith.mulf %add3A_599, %broadcast_in_dim3A_662 : vector<16xf32>
      %add3A_703 = arith.addf %mul3A_702, %broadcast_in_dim3A_666 : vector<16xf32>
      %mul3A_704 = arith.mulf %add3A_703, %get3A_155 : vector<16xf32>
      %add3A_705 = arith.addf %mul3A_704, %get3A_171 : vector<16xf32>
      %swap3A_706 = arith.index_cast %add3A_575 : i32 to index
      %swap3A_707 = arith.constant 80 : index
      %swap3A_708 = tpu.vector_load %arg9[%swap3A_706, %swap3A_707] {strides = array<i32>} : memref<256x128xf32, #tpu.memory_space<vmem>>, vector<16xf32>,
      tpu.vector_store %arg9[%swap3A_706, %swap3A_707], %add3A_705 {strides = array<i32>} : memref<256x128xf32, #tpu.memory_space<vmem>>, vector<16xf32>,
      %mul3A_709 = arith.mulf %add3A_603, %broadcast_in_dim3A_662 : vector<16xf32>
      %add3A_710 = arith.addf %mul3A_709, %broadcast_in_dim3A_666 : vector<16xf32>
      %mul3A_711 = arith.mulf %add3A_710, %get3A_157 : vector<16xf32>
      %add3A_712 = arith.addf %mul3A_711, %get3A_173 : vector<16xf32>
      %swap3A_713 = arith.index_cast %add3A_575 : i32 to index
      %swap3A_714 = arith.constant 96 : index
      %swap3A_715 = tpu.vector_load %arg9[%swap3A_713, %swap3A_714] {strides = array<i32>} : memref<256x128xf32, #tpu.memory_space<vmem>>, vector<16xf32>,
      tpu.vector_store %arg9[%swap3A_713, %swap3A_714], %add3A_712 {strides = array<i32>} : memref<256x128xf32, #tpu.memory_space<vmem>>, vector<16xf32>,
      %mul3A_716 = arith.mulf %add3A_607, %broadcast_in_dim3A_662 : vector<16xf32>
      %add3A_717 = arith.addf %mul3A_716, %broadcast_in_dim3A_666 : vector<16xf32>
      %mul3A_718 = arith.mulf %add3A_717, %get3A_159 : vector<16xf32>
      %add3A_719 = arith.addf %mul3A_718, %get3A_175 : vector<16xf32>
      %swap3A_720 = arith.index_cast %add3A_575 : i32 to index
      %swap3A_721 = arith.constant 112 : index
      %swap3A_722 = tpu.vector_load %arg9[%swap3A_720, %swap3A_721] {strides = array<i32>} : memref<256x128xf32, #tpu.memory_space<vmem>>, vector<16xf32>,
      tpu.vector_store %arg9[%swap3A_720, %swap3A_721], %add3A_719 {strides = array<i32>} : memref<256x128xf32, #tpu.memory_space<vmem>>, vector<16xf32>,
      %add3A_723 = arith.constant 128 : i32
      %add3A_724 = arith.addi %add3A_723, %add3A_407 : i32
      %get3A_725 = arith.index_cast %add3A_724 : i32 to index
      %get3A_726 = arith.constant 0 : index
      %get3A_727 = tpu.vector_load %arg9[%get3A_725, %get3A_726] {strides = array<i32>} : memref<256x128xf32, #tpu.memory_space<vmem>>, vector<16xf32>,
      %add3A_728 = arith.addf %get3A_727, %get3A_410 : vector<16xf32>
      %get3A_729 = arith.index_cast %add3A_724 : i32 to index
      %get3A_730 = arith.constant 16 : index
      %get3A_731 = tpu.vector_load %arg9[%get3A_729, %get3A_730] {strides = array<i32>} : memref<256x128xf32, #tpu.memory_space<vmem>>, vector<16xf32>,
      %add3A_732 = arith.addf %get3A_731, %get3A_413 : vector<16xf32>
      %get3A_733 = arith.index_cast %add3A_724 : i32 to index
      %get3A_734 = arith.constant 32 : index
      %get3A_735 = tpu.vector_load %arg9[%get3A_733, %get3A_734] {strides = array<i32>} : memref<256x128xf32, #tpu.memory_space<vmem>>, vector<16xf32>,
      %add3A_736 = arith.addf %get3A_735, %get3A_416 : vector<16xf32>
      %get3A_737 = arith.index_cast %add3A_724 : i32 to index
      %get3A_738 = arith.constant 48 : index
      %get3A_739 = tpu.vector_load %arg9[%get3A_737, %get3A_738] {strides = array<i32>} : memref<256x128xf32, #tpu.memory_space<vmem>>, vector<16xf32>,
      %add3A_740 = arith.addf %get3A_739, %get3A_419 : vector<16xf32>
      %get3A_741 = arith.index_cast %add3A_724 : i32 to index
      %get3A_742 = arith.constant 64 : index
      %get3A_743 = tpu.vector_load %arg9[%get3A_741, %get3A_742] {strides = array<i32>} : memref<256x128xf32, #tpu.memory_space<vmem>>, vector<16xf32>,
      %add3A_744 = arith.addf %get3A_743, %get3A_422 : vector<16xf32>
      %get3A_745 = arith.index_cast %add3A_724 : i32 to index
      %get3A_746 = arith.constant 80 : index
      %get3A_747 = tpu.vector_load %arg9[%get3A_745, %get3A_746] {strides = array<i32>} : memref<256x128xf32, #tpu.memory_space<vmem>>, vector<16xf32>,
      %add3A_748 = arith.addf %get3A_747, %get3A_425 : vector<16xf32>
      %get3A_749 = arith.index_cast %add3A_724 : i32 to index
      %get3A_750 = arith.constant 96 : index
      %get3A_751 = tpu.vector_load %arg9[%get3A_749, %get3A_750] {strides = array<i32>} : memref<256x128xf32, #tpu.memory_space<vmem>>, vector<16xf32>,
      %add3A_752 = arith.addf %get3A_751, %get3A_428 : vector<16xf32>
      %get3A_753 = arith.index_cast %add3A_724 : i32 to index
      %get3A_754 = arith.constant 112 : index
      %get3A_755 = tpu.vector_load %arg9[%get3A_753, %get3A_754] {strides = array<i32>} : memref<256x128xf32, #tpu.memory_space<vmem>>, vector<16xf32>,
      %add3A_756 = arith.addf %get3A_755, %get3A_431 : vector<16xf32>
      %add3A_757 = arith.addf %add3A_728, %add3A_732 : vector<16xf32>
      %add3A_758 = arith.addf %add3A_736, %add3A_740 : vector<16xf32>
      %add3A_759 = arith.addf %add3A_744, %add3A_748 : vector<16xf32>
      %add3A_760 = arith.addf %add3A_752, %add3A_756 : vector<16xf32>
      %add3A_761 = arith.addf %add3A_757, %add3A_758 : vector<16xf32>
      %add3A_762 = arith.addf %add3A_759, %add3A_760 : vector<16xf32>
      %add3A_763 = arith.addf %add3A_761, %add3A_762 : vector<16xf32>
      %mul3A_764 = arith.mulf %add3A_728, %add3A_728 : vector<16xf32>
      %mul3A_765 = arith.mulf %add3A_732, %add3A_732 : vector<16xf32>
      %mul3A_766 = arith.mulf %add3A_736, %add3A_736 : vector<16xf32>
      %mul3A_767 = arith.mulf %add3A_740, %add3A_740 : vector<16xf32>
      %mul3A_768 = arith.mulf %add3A_744, %add3A_744 : vector<16xf32>
      %mul3A_769 = arith.mulf %add3A_748, %add3A_748 : vector<16xf32>
      %mul3A_770 = arith.mulf %add3A_752, %add3A_752 : vector<16xf32>
      %mul3A_771 = arith.mulf %add3A_756, %add3A_756 : vector<16xf32>
      %add3A_772 = arith.addf %mul3A_764, %mul3A_765 : vector<16xf32>
      %add3A_773 = arith.addf %mul3A_766, %mul3A_767 : vector<16xf32>
      %add3A_774 = arith.addf %mul3A_768, %mul3A_769 : vector<16xf32>
      %add3A_775 = arith.addf %mul3A_770, %mul3A_771 : vector<16xf32>
      %add3A_776 = arith.addf %add3A_772, %add3A_773 : vector<16xf32>
      %add3A_777 = arith.addf %add3A_774, %add3A_775 : vector<16xf32>
      %add3A_778 = arith.addf %add3A_776, %add3A_777 : vector<16xf32>
      %reduce_sum3A_779 = arith.constant true
      %reduce_sum3A_780 = vector.broadcast %reduce_sum3A_779 : i1 to vector<16xi1>
      %reduce_sum3A_781 = tpu.scan <sum>, %add3A_763 masked %reduce_sum3A_780 : vector<16xf32>, vector<16xi1> -> vector<16xf32>
      %reduce_sum3A_782 = vector.extract %reduce_sum3A_781[15] : f32 from vector<16xf32>
      %mul3A_783 = arith.mulf %reduce_sum3A_782, %scan3A_233 : f32
      %reduce_sum3A_784 = arith.constant true
      %reduce_sum3A_785 = vector.broadcast %reduce_sum3A_784 : i1 to vector<16xi1>
      %reduce_sum3A_786 = tpu.scan <sum>, %add3A_778 masked %reduce_sum3A_785 : vector<16xf32>, vector<16xi1> -> vector<16xf32>
      %reduce_sum3A_787 = vector.extract %reduce_sum3A_786[15] : f32 from vector<16xf32>
      %mul3A_788 = arith.mulf %reduce_sum3A_787, %scan3A_233 : f32
      %mul3A_789 = arith.mulf %mul3A_783, %mul3A_783 : f32
      %sub3A_790 = arith.subf %mul3A_788, %mul3A_789 : f32
      %add3A_791 = arith.constant 9.99999974E-6 : f32
      %add3A_792 = arith.addf %sub3A_790, %add3A_791 : f32
      %bitcast_convert_type3A_793 = arith.bitcast %add3A_792 : f32 to i32
      %shift_right_arithmetic3A_794 = arith.constant 1 : i32
      %shift_right_arithmetic3A_795 = arith.shrsi %bitcast_convert_type3A_793, %shift_right_arithmetic3A_794 : i32
      %sub3A_796 = arith.constant 1597463007 : i32
      %sub3A_797 = arith.subi %sub3A_796, %shift_right_arithmetic3A_795 : i32
      %bitcast_convert_type3A_798 = arith.bitcast %sub3A_797 : i32 to f32
      %mul3A_799 = arith.constant 5.000000e-01 : f32
      %mul3A_800 = arith.mulf %mul3A_799, %add3A_792 : f32
      %mul3A_801 = arith.mulf %mul3A_800, %bitcast_convert_type3A_798 : f32
      %mul3A_802 = arith.mulf %mul3A_801, %bitcast_convert_type3A_798 : f32
      %sub3A_803 = arith.constant 1.500000e+00 : f32
      %sub3A_804 = arith.subf %sub3A_803, %mul3A_802 : f32
      %mul3A_805 = arith.mulf %bitcast_convert_type3A_798, %sub3A_804 : f32
      %mul3A_806 = arith.mulf %mul3A_800, %mul3A_805 : f32
      %mul3A_807 = arith.mulf %mul3A_806, %mul3A_805 : f32
      %sub3A_808 = arith.constant 1.500000e+00 : f32
      %sub3A_809 = arith.subf %sub3A_808, %mul3A_807 : f32
      %mul3A_810 = arith.mulf %mul3A_805, %sub3A_809 : f32
      %broadcast_in_dim3A_811 = vector.broadcast %mul3A_810 : f32 to vector<16xf32>
      %neg3A_812 = arith.constant 0.000000e+00 : f32
      %neg3A_813 = arith.subf %neg3A_812, %mul3A_783 : f32
      %mul3A_814 = arith.mulf %neg3A_813, %mul3A_810 : f32
      %broadcast_in_dim3A_815 = vector.broadcast %mul3A_814 : f32 to vector<16xf32>
      %mul3A_816 = arith.mulf %add3A_728, %broadcast_in_dim3A_811 : vector<16xf32>
      %add3A_817 = arith.addf %mul3A_816, %broadcast_in_dim3A_815 : vector<16xf32>
      %mul3A_818 = arith.mulf %add3A_817, %get3A_145 : vector<16xf32>
      %add3A_819 = arith.addf %mul3A_818, %get3A_161 : vector<16xf32>
      %swap3A_820 = arith.index_cast %add3A_724 : i32 to index
      %swap3A_821 = arith.constant 0 : index
      %swap3A_822 = tpu.vector_load %arg9[%swap3A_820, %swap3A_821] {strides = array<i32>} : memref<256x128xf32, #tpu.memory_space<vmem>>, vector<16xf32>,
      tpu.vector_store %arg9[%swap3A_820, %swap3A_821], %add3A_819 {strides = array<i32>} : memref<256x128xf32, #tpu.memory_space<vmem>>, vector<16xf32>,
      %mul3A_823 = arith.mulf %add3A_732, %broadcast_in_dim3A_811 : vector<16xf32>
      %add3A_824 = arith.addf %mul3A_823, %broadcast_in_dim3A_815 : vector<16xf32>
      %mul3A_825 = arith.mulf %add3A_824, %get3A_147 : vector<16xf32>
      %add3A_826 = arith.addf %mul3A_825, %get3A_163 : vector<16xf32>
      %swap3A_827 = arith.index_cast %add3A_724 : i32 to index
      %swap3A_828 = arith.constant 16 : index
      %swap3A_829 = tpu.vector_load %arg9[%swap3A_827, %swap3A_828] {strides = array<i32>} : memref<256x128xf32, #tpu.memory_space<vmem>>, vector<16xf32>,
      tpu.vector_store %arg9[%swap3A_827, %swap3A_828], %add3A_826 {strides = array<i32>} : memref<256x128xf32, #tpu.memory_space<vmem>>, vector<16xf32>,
      %mul3A_830 = arith.mulf %add3A_736, %broadcast_in_dim3A_811 : vector<16xf32>
      %add3A_831 = arith.addf %mul3A_830, %broadcast_in_dim3A_815 : vector<16xf32>
      %mul3A_832 = arith.mulf %add3A_831, %get3A_149 : vector<16xf32>
      %add3A_833 = arith.addf %mul3A_832, %get3A_165 : vector<16xf32>
      %swap3A_834 = arith.index_cast %add3A_724 : i32 to index
      %swap3A_835 = arith.constant 32 : index
      %swap3A_836 = tpu.vector_load %arg9[%swap3A_834, %swap3A_835] {strides = array<i32>} : memref<256x128xf32, #tpu.memory_space<vmem>>, vector<16xf32>,
      tpu.vector_store %arg9[%swap3A_834, %swap3A_835], %add3A_833 {strides = array<i32>} : memref<256x128xf32, #tpu.memory_space<vmem>>, vector<16xf32>,
      %mul3A_837 = arith.mulf %add3A_740, %broadcast_in_dim3A_811 : vector<16xf32>
      %add3A_838 = arith.addf %mul3A_837, %broadcast_in_dim3A_815 : vector<16xf32>
      %mul3A_839 = arith.mulf %add3A_838, %get3A_151 : vector<16xf32>
      %add3A_840 = arith.addf %mul3A_839, %get3A_167 : vector<16xf32>
      %swap3A_841 = arith.index_cast %add3A_724 : i32 to index
      %swap3A_842 = arith.constant 48 : index
      %swap3A_843 = tpu.vector_load %arg9[%swap3A_841, %swap3A_842] {strides = array<i32>} : memref<256x128xf32, #tpu.memory_space<vmem>>, vector<16xf32>,
      tpu.vector_store %arg9[%swap3A_841, %swap3A_842], %add3A_840 {strides = array<i32>} : memref<256x128xf32, #tpu.memory_space<vmem>>, vector<16xf32>,
      %mul3A_844 = arith.mulf %add3A_744, %broadcast_in_dim3A_811 : vector<16xf32>
      %add3A_845 = arith.addf %mul3A_844, %broadcast_in_dim3A_815 : vector<16xf32>
      %mul3A_846 = arith.mulf %add3A_845, %get3A_153 : vector<16xf32>
      %add3A_847 = arith.addf %mul3A_846, %get3A_169 : vector<16xf32>
      %swap3A_848 = arith.index_cast %add3A_724 : i32 to index
      %swap3A_849 = arith.constant 64 : index
      %swap3A_850 = tpu.vector_load %arg9[%swap3A_848, %swap3A_849] {strides = array<i32>} : memref<256x128xf32, #tpu.memory_space<vmem>>, vector<16xf32>,
      tpu.vector_store %arg9[%swap3A_848, %swap3A_849], %add3A_847 {strides = array<i32>} : memref<256x128xf32, #tpu.memory_space<vmem>>, vector<16xf32>,
      %mul3A_851 = arith.mulf %add3A_748, %broadcast_in_dim3A_811 : vector<16xf32>
      %add3A_852 = arith.addf %mul3A_851, %broadcast_in_dim3A_815 : vector<16xf32>
      %mul3A_853 = arith.mulf %add3A_852, %get3A_155 : vector<16xf32>
      %add3A_854 = arith.addf %mul3A_853, %get3A_171 : vector<16xf32>
      %swap3A_855 = arith.index_cast %add3A_724 : i32 to index
      %swap3A_856 = arith.constant 80 : index
      %swap3A_857 = tpu.vector_load %arg9[%swap3A_855, %swap3A_856] {strides = array<i32>} : memref<256x128xf32, #tpu.memory_space<vmem>>, vector<16xf32>,
      tpu.vector_store %arg9[%swap3A_855, %swap3A_856], %add3A_854 {strides = array<i32>} : memref<256x128xf32, #tpu.memory_space<vmem>>, vector<16xf32>,
      %mul3A_858 = arith.mulf %add3A_752, %broadcast_in_dim3A_811 : vector<16xf32>
      %add3A_859 = arith.addf %mul3A_858, %broadcast_in_dim3A_815 : vector<16xf32>
      %mul3A_860 = arith.mulf %add3A_859, %get3A_157 : vector<16xf32>
      %add3A_861 = arith.addf %mul3A_860, %get3A_173 : vector<16xf32>
      %swap3A_862 = arith.index_cast %add3A_724 : i32 to index
      %swap3A_863 = arith.constant 96 : index
      %swap3A_864 = tpu.vector_load %arg9[%swap3A_862, %swap3A_863] {strides = array<i32>} : memref<256x128xf32, #tpu.memory_space<vmem>>, vector<16xf32>,
      tpu.vector_store %arg9[%swap3A_862, %swap3A_863], %add3A_861 {strides = array<i32>} : memref<256x128xf32, #tpu.memory_space<vmem>>, vector<16xf32>,
      %mul3A_865 = arith.mulf %add3A_756, %broadcast_in_dim3A_811 : vector<16xf32>
      %add3A_866 = arith.addf %mul3A_865, %broadcast_in_dim3A_815 : vector<16xf32>
      %mul3A_867 = arith.mulf %add3A_866, %get3A_159 : vector<16xf32>
      %add3A_868 = arith.addf %mul3A_867, %get3A_175 : vector<16xf32>
      %swap3A_869 = arith.index_cast %add3A_724 : i32 to index
      %swap3A_870 = arith.constant 112 : index
      %swap3A_871 = tpu.vector_load %arg9[%swap3A_869, %swap3A_870] {strides = array<i32>} : memref<256x128xf32, #tpu.memory_space<vmem>>, vector<16xf32>,
      tpu.vector_store %arg9[%swap3A_869, %swap3A_870], %add3A_868 {strides = array<i32>} : memref<256x128xf32, #tpu.memory_space<vmem>>, vector<16xf32>,
      %add3A_872 = arith.constant 192 : i32
      %add3A_873 = arith.addi %add3A_872, %add3A_407 : i32
      %get3A_874 = arith.index_cast %add3A_873 : i32 to index
      %get3A_875 = arith.constant 0 : index
      %get3A_876 = tpu.vector_load %arg9[%get3A_874, %get3A_875] {strides = array<i32>} : memref<256x128xf32, #tpu.memory_space<vmem>>, vector<16xf32>,
      %add3A_877 = arith.addf %get3A_876, %get3A_410 : vector<16xf32>
      %get3A_878 = arith.index_cast %add3A_873 : i32 to index
      %get3A_879 = arith.constant 16 : index
      %get3A_880 = tpu.vector_load %arg9[%get3A_878, %get3A_879] {strides = array<i32>} : memref<256x128xf32, #tpu.memory_space<vmem>>, vector<16xf32>,
      %add3A_881 = arith.addf %get3A_880, %get3A_413 : vector<16xf32>
      %get3A_882 = arith.index_cast %add3A_873 : i32 to index
      %get3A_883 = arith.constant 32 : index
      %get3A_884 = tpu.vector_load %arg9[%get3A_882, %get3A_883] {strides = array<i32>} : memref<256x128xf32, #tpu.memory_space<vmem>>, vector<16xf32>,
      %add3A_885 = arith.addf %get3A_884, %get3A_416 : vector<16xf32>
      %get3A_886 = arith.index_cast %add3A_873 : i32 to index
      %get3A_887 = arith.constant 48 : index
      %get3A_888 = tpu.vector_load %arg9[%get3A_886, %get3A_887] {strides = array<i32>} : memref<256x128xf32, #tpu.memory_space<vmem>>, vector<16xf32>,
      %add3A_889 = arith.addf %get3A_888, %get3A_419 : vector<16xf32>
      %get3A_890 = arith.index_cast %add3A_873 : i32 to index
      %get3A_891 = arith.constant 64 : index
      %get3A_892 = tpu.vector_load %arg9[%get3A_890, %get3A_891] {strides = array<i32>} : memref<256x128xf32, #tpu.memory_space<vmem>>, vector<16xf32>,
      %add3A_893 = arith.addf %get3A_892, %get3A_422 : vector<16xf32>
      %get3A_894 = arith.index_cast %add3A_873 : i32 to index
      %get3A_895 = arith.constant 80 : index
      %get3A_896 = tpu.vector_load %arg9[%get3A_894, %get3A_895] {strides = array<i32>} : memref<256x128xf32, #tpu.memory_space<vmem>>, vector<16xf32>,
      %add3A_897 = arith.addf %get3A_896, %get3A_425 : vector<16xf32>
      %get3A_898 = arith.index_cast %add3A_873 : i32 to index
      %get3A_899 = arith.constant 96 : index
      %get3A_900 = tpu.vector_load %arg9[%get3A_898, %get3A_899] {strides = array<i32>} : memref<256x128xf32, #tpu.memory_space<vmem>>, vector<16xf32>,
      %add3A_901 = arith.addf %get3A_900, %get3A_428 : vector<16xf32>
      %get3A_902 = arith.index_cast %add3A_873 : i32 to index
      %get3A_903 = arith.constant 112 : index
      %get3A_904 = tpu.vector_load %arg9[%get3A_902, %get3A_903] {strides = array<i32>} : memref<256x128xf32, #tpu.memory_space<vmem>>, vector<16xf32>,
      %add3A_905 = arith.addf %get3A_904, %get3A_431 : vector<16xf32>
      %add3A_906 = arith.addf %add3A_877, %add3A_881 : vector<16xf32>
      %add3A_907 = arith.addf %add3A_885, %add3A_889 : vector<16xf32>
      %add3A_908 = arith.addf %add3A_893, %add3A_897 : vector<16xf32>
      %add3A_909 = arith.addf %add3A_901, %add3A_905 : vector<16xf32>
      %add3A_910 = arith.addf %add3A_906, %add3A_907 : vector<16xf32>
      %add3A_911 = arith.addf %add3A_908, %add3A_909 : vector<16xf32>
      %add3A_912 = arith.addf %add3A_910, %add3A_911 : vector<16xf32>
      %mul3A_913 = arith.mulf %add3A_877, %add3A_877 : vector<16xf32>
      %mul3A_914 = arith.mulf %add3A_881, %add3A_881 : vector<16xf32>
      %mul3A_915 = arith.mulf %add3A_885, %add3A_885 : vector<16xf32>
      %mul3A_916 = arith.mulf %add3A_889, %add3A_889 : vector<16xf32>
      %mul3A_917 = arith.mulf %add3A_893, %add3A_893 : vector<16xf32>
      %mul3A_918 = arith.mulf %add3A_897, %add3A_897 : vector<16xf32>
      %mul3A_919 = arith.mulf %add3A_901, %add3A_901 : vector<16xf32>
      %mul3A_920 = arith.mulf %add3A_905, %add3A_905 : vector<16xf32>
      %add3A_921 = arith.addf %mul3A_913, %mul3A_914 : vector<16xf32>
      %add3A_922 = arith.addf %mul3A_915, %mul3A_916 : vector<16xf32>
      %add3A_923 = arith.addf %mul3A_917, %mul3A_918 : vector<16xf32>
      %add3A_924 = arith.addf %mul3A_919, %mul3A_920 : vector<16xf32>
      %add3A_925 = arith.addf %add3A_921, %add3A_922 : vector<16xf32>
      %add3A_926 = arith.addf %add3A_923, %add3A_924 : vector<16xf32>
      %add3A_927 = arith.addf %add3A_925, %add3A_926 : vector<16xf32>
      %reduce_sum3A_928 = arith.constant true
      %reduce_sum3A_929 = vector.broadcast %reduce_sum3A_928 : i1 to vector<16xi1>
      %reduce_sum3A_930 = tpu.scan <sum>, %add3A_912 masked %reduce_sum3A_929 : vector<16xf32>, vector<16xi1> -> vector<16xf32>
      %reduce_sum3A_931 = vector.extract %reduce_sum3A_930[15] : f32 from vector<16xf32>
      %mul3A_932 = arith.mulf %reduce_sum3A_931, %scan3A_233 : f32
      %reduce_sum3A_933 = arith.constant true
      %reduce_sum3A_934 = vector.broadcast %reduce_sum3A_933 : i1 to vector<16xi1>
      %reduce_sum3A_935 = tpu.scan <sum>, %add3A_927 masked %reduce_sum3A_934 : vector<16xf32>, vector<16xi1> -> vector<16xf32>
      %reduce_sum3A_936 = vector.extract %reduce_sum3A_935[15] : f32 from vector<16xf32>
      %mul3A_937 = arith.mulf %reduce_sum3A_936, %scan3A_233 : f32
      %mul3A_938 = arith.mulf %mul3A_932, %mul3A_932 : f32
      %sub3A_939 = arith.subf %mul3A_937, %mul3A_938 : f32
      %add3A_940 = arith.constant 9.99999974E-6 : f32
      %add3A_941 = arith.addf %sub3A_939, %add3A_940 : f32
      %bitcast_convert_type3A_942 = arith.bitcast %add3A_941 : f32 to i32
      %shift_right_arithmetic3A_943 = arith.constant 1 : i32
      %shift_right_arithmetic3A_944 = arith.shrsi %bitcast_convert_type3A_942, %shift_right_arithmetic3A_943 : i32
      %sub3A_945 = arith.constant 1597463007 : i32
      %sub3A_946 = arith.subi %sub3A_945, %shift_right_arithmetic3A_944 : i32
      %bitcast_convert_type3A_947 = arith.bitcast %sub3A_946 : i32 to f32
      %mul3A_948 = arith.constant 5.000000e-01 : f32
      %mul3A_949 = arith.mulf %mul3A_948, %add3A_941 : f32
      %mul3A_950 = arith.mulf %mul3A_949, %bitcast_convert_type3A_947 : f32
      %mul3A_951 = arith.mulf %mul3A_950, %bitcast_convert_type3A_947 : f32
      %sub3A_952 = arith.constant 1.500000e+00 : f32
      %sub3A_953 = arith.subf %sub3A_952, %mul3A_951 : f32
      %mul3A_954 = arith.mulf %bitcast_convert_type3A_947, %sub3A_953 : f32
      %mul3A_955 = arith.mulf %mul3A_949, %mul3A_954 : f32
      %mul3A_956 = arith.mulf %mul3A_955, %mul3A_954 : f32
      %sub3A_957 = arith.constant 1.500000e+00 : f32
      %sub3A_958 = arith.subf %sub3A_957, %mul3A_956 : f32
      %mul3A_959 = arith.mulf %mul3A_954, %sub3A_958 : f32
      %broadcast_in_dim3A_960 = vector.broadcast %mul3A_959 : f32 to vector<16xf32>
      %neg3A_961 = arith.constant 0.000000e+00 : f32
      %neg3A_962 = arith.subf %neg3A_961, %mul3A_932 : f32
      %mul3A_963 = arith.mulf %neg3A_962, %mul3A_959 : f32
      %broadcast_in_dim3A_964 = vector.broadcast %mul3A_963 : f32 to vector<16xf32>
      %mul3A_965 = arith.mulf %add3A_877, %broadcast_in_dim3A_960 : vector<16xf32>
      %add3A_966 = arith.addf %mul3A_965, %broadcast_in_dim3A_964 : vector<16xf32>
      %mul3A_967 = arith.mulf %add3A_966, %get3A_145 : vector<16xf32>
      %add3A_968 = arith.addf %mul3A_967, %get3A_161 : vector<16xf32>
      %swap3A_969 = arith.index_cast %add3A_873 : i32 to index
      %swap3A_970 = arith.constant 0 : index
      %swap3A_971 = tpu.vector_load %arg9[%swap3A_969, %swap3A_970] {strides = array<i32>} : memref<256x128xf32, #tpu.memory_space<vmem>>, vector<16xf32>,
      tpu.vector_store %arg9[%swap3A_969, %swap3A_970], %add3A_968 {strides = array<i32>} : memref<256x128xf32, #tpu.memory_space<vmem>>, vector<16xf32>,
      %mul3A_972 = arith.mulf %add3A_881, %broadcast_in_dim3A_960 : vector<16xf32>
      %add3A_973 = arith.addf %mul3A_972, %broadcast_in_dim3A_964 : vector<16xf32>
      %mul3A_974 = arith.mulf %add3A_973, %get3A_147 : vector<16xf32>
      %add3A_975 = arith.addf %mul3A_974, %get3A_163 : vector<16xf32>
      %swap3A_976 = arith.index_cast %add3A_873 : i32 to index
      %swap3A_977 = arith.constant 16 : index
      %swap3A_978 = tpu.vector_load %arg9[%swap3A_976, %swap3A_977] {strides = array<i32>} : memref<256x128xf32, #tpu.memory_space<vmem>>, vector<16xf32>,
      tpu.vector_store %arg9[%swap3A_976, %swap3A_977], %add3A_975 {strides = array<i32>} : memref<256x128xf32, #tpu.memory_space<vmem>>, vector<16xf32>,
      %mul3A_979 = arith.mulf %add3A_885, %broadcast_in_dim3A_960 : vector<16xf32>
      %add3A_980 = arith.addf %mul3A_979, %broadcast_in_dim3A_964 : vector<16xf32>
      %mul3A_981 = arith.mulf %add3A_980, %get3A_149 : vector<16xf32>
      %add3A_982 = arith.addf %mul3A_981, %get3A_165 : vector<16xf32>
      %swap3A_983 = arith.index_cast %add3A_873 : i32 to index
      %swap3A_984 = arith.constant 32 : index
      %swap3A_985 = tpu.vector_load %arg9[%swap3A_983, %swap3A_984] {strides = array<i32>} : memref<256x128xf32, #tpu.memory_space<vmem>>, vector<16xf32>,
      tpu.vector_store %arg9[%swap3A_983, %swap3A_984], %add3A_982 {strides = array<i32>} : memref<256x128xf32, #tpu.memory_space<vmem>>, vector<16xf32>,
      %mul3A_986 = arith.mulf %add3A_889, %broadcast_in_dim3A_960 : vector<16xf32>
      %add3A_987 = arith.addf %mul3A_986, %broadcast_in_dim3A_964 : vector<16xf32>
      %mul3A_988 = arith.mulf %add3A_987, %get3A_151 : vector<16xf32>
      %add3A_989 = arith.addf %mul3A_988, %get3A_167 : vector<16xf32>
      %swap3A_990 = arith.index_cast %add3A_873 : i32 to index
      %swap3A_991 = arith.constant 48 : index
      %swap3A_992 = tpu.vector_load %arg9[%swap3A_990, %swap3A_991] {strides = array<i32>} : memref<256x128xf32, #tpu.memory_space<vmem>>, vector<16xf32>,
      tpu.vector_store %arg9[%swap3A_990, %swap3A_991], %add3A_989 {strides = array<i32>} : memref<256x128xf32, #tpu.memory_space<vmem>>, vector<16xf32>,
      %mul3A_993 = arith.mulf %add3A_893, %broadcast_in_dim3A_960 : vector<16xf32>
      %add3A_994 = arith.addf %mul3A_993, %broadcast_in_dim3A_964 : vector<16xf32>
      %mul3A_995 = arith.mulf %add3A_994, %get3A_153 : vector<16xf32>
      %add3A_996 = arith.addf %mul3A_995, %get3A_169 : vector<16xf32>
      %swap3A_997 = arith.index_cast %add3A_873 : i32 to index
      %swap3A_998 = arith.constant 64 : index
      %swap3A_999 = tpu.vector_load %arg9[%swap3A_997, %swap3A_998] {strides = array<i32>} : memref<256x128xf32, #tpu.memory_space<vmem>>, vector<16xf32>,
      tpu.vector_store %arg9[%swap3A_997, %swap3A_998], %add3A_996 {strides = array<i32>} : memref<256x128xf32, #tpu.memory_space<vmem>>, vector<16xf32>,
      %mul3A_1000 = arith.mulf %add3A_897, %broadcast_in_dim3A_960 : vector<16xf32>
      %add3A_1001 = arith.addf %mul3A_1000, %broadcast_in_dim3A_964 : vector<16xf32>
      %mul3A_1002 = arith.mulf %add3A_1001, %get3A_155 : vector<16xf32>
      %add3A_1003 = arith.addf %mul3A_1002, %get3A_171 : vector<16xf32>
      %swap3A_1004 = arith.index_cast %add3A_873 : i32 to index
      %swap3A_1005 = arith.constant 80 : index
      %swap3A_1006 = tpu.vector_load %arg9[%swap3A_1004, %swap3A_1005] {strides = array<i32>} : memref<256x128xf32, #tpu.memory_space<vmem>>, vector<16xf32>,
      tpu.vector_store %arg9[%swap3A_1004, %swap3A_1005], %add3A_1003 {strides = array<i32>} : memref<256x128xf32, #tpu.memory_space<vmem>>, vector<16xf32>,
      %mul3A_1007 = arith.mulf %add3A_901, %broadcast_in_dim3A_960 : vector<16xf32>
      %add3A_1008 = arith.addf %mul3A_1007, %broadcast_in_dim3A_964 : vector<16xf32>
      %mul3A_1009 = arith.mulf %add3A_1008, %get3A_157 : vector<16xf32>
      %add3A_1010 = arith.addf %mul3A_1009, %get3A_173 : vector<16xf32>
      %swap3A_1011 = arith.index_cast %add3A_873 : i32 to index
      %swap3A_1012 = arith.constant 96 : index
      %swap3A_1013 = tpu.vector_load %arg9[%swap3A_1011, %swap3A_1012] {strides = array<i32>} : memref<256x128xf32, #tpu.memory_space<vmem>>, vector<16xf32>,
      tpu.vector_store %arg9[%swap3A_1011, %swap3A_1012], %add3A_1010 {strides = array<i32>} : memref<256x128xf32, #tpu.memory_space<vmem>>, vector<16xf32>,
      %mul3A_1014 = arith.mulf %add3A_905, %broadcast_in_dim3A_960 : vector<16xf32>
      %add3A_1015 = arith.addf %mul3A_1014, %broadcast_in_dim3A_964 : vector<16xf32>
      %mul3A_1016 = arith.mulf %add3A_1015, %get3A_159 : vector<16xf32>
      %add3A_1017 = arith.addf %mul3A_1016, %get3A_175 : vector<16xf32>
      %swap3A_1018 = arith.index_cast %add3A_873 : i32 to index
      %swap3A_1019 = arith.constant 112 : index
      %swap3A_1020 = tpu.vector_load %arg9[%swap3A_1018, %swap3A_1019] {strides = array<i32>} : memref<256x128xf32, #tpu.memory_space<vmem>>, vector<16xf32>,
      tpu.vector_store %arg9[%swap3A_1018, %swap3A_1019], %add3A_1017 {strides = array<i32>} : memref<256x128xf32, #tpu.memory_space<vmem>>, vector<16xf32>,
      %scan3A_1021 = arith.constant 1 : i32
      %scan3A_1022 = arith.addi %scan3A_403, %scan3A_1021 : i32
      %mul3A_1023 = arith.constant 1 : i32
      %mul3A_1024 = arith.muli %scan3A_1022, %mul3A_1023 : i32
      %add3A_1025 = arith.constant 32 : i32
      %add3A_1026 = arith.addi %add3A_1025, %mul3A_1024 : i32
      %get3A_1027 = arith.index_cast %add3A_1026 : i32 to index
      %get3A_1028 = arith.constant 0 : index
      %get3A_1029 = tpu.vector_load %arg10[%get3A_1027, %get3A_1028] {strides = array<i32>} : memref<64x128xf32, #tpu.memory_space<vmem>>, vector<16xf32>,
      %get3A_1030 = arith.index_cast %add3A_1026 : i32 to index
      %get3A_1031 = arith.constant 16 : index
      %get3A_1032 = tpu.vector_load %arg10[%get3A_1030, %get3A_1031] {strides = array<i32>} : memref<64x128xf32, #tpu.memory_space<vmem>>, vector<16xf32>,
      %get3A_1033 = arith.index_cast %add3A_1026 : i32 to index
      %get3A_1034 = arith.constant 32 : index
      %get3A_1035 = tpu.vector_load %arg10[%get3A_1033, %get3A_1034] {strides = array<i32>} : memref<64x128xf32, #tpu.memory_space<vmem>>, vector<16xf32>,
      %get3A_1036 = arith.index_cast %add3A_1026 : i32 to index
      %get3A_1037 = arith.constant 48 : index
      %get3A_1038 = tpu.vector_load %arg10[%get3A_1036, %get3A_1037] {strides = array<i32>} : memref<64x128xf32, #tpu.memory_space<vmem>>, vector<16xf32>,
      %get3A_1039 = arith.index_cast %add3A_1026 : i32 to index
      %get3A_1040 = arith.constant 64 : index
      %get3A_1041 = tpu.vector_load %arg10[%get3A_1039, %get3A_1040] {strides = array<i32>} : memref<64x128xf32, #tpu.memory_space<vmem>>, vector<16xf32>,
      %get3A_1042 = arith.index_cast %add3A_1026 : i32 to index
      %get3A_1043 = arith.constant 80 : index
      %get3A_1044 = tpu.vector_load %arg10[%get3A_1042, %get3A_1043] {strides = array<i32>} : memref<64x128xf32, #tpu.memory_space<vmem>>, vector<16xf32>,
      %get3A_1045 = arith.index_cast %add3A_1026 : i32 to index
      %get3A_1046 = arith.constant 96 : index
      %get3A_1047 = tpu.vector_load %arg10[%get3A_1045, %get3A_1046] {strides = array<i32>} : memref<64x128xf32, #tpu.memory_space<vmem>>, vector<16xf32>,
      %get3A_1048 = arith.index_cast %add3A_1026 : i32 to index
      %get3A_1049 = arith.constant 112 : index
      %get3A_1050 = tpu.vector_load %arg10[%get3A_1048, %get3A_1049] {strides = array<i32>} : memref<64x128xf32, #tpu.memory_space<vmem>>, vector<16xf32>,
      %add3A_1051 = arith.constant 0 : i32
      %add3A_1052 = arith.addi %add3A_1051, %add3A_1026 : i32
      %get3A_1053 = arith.index_cast %add3A_1052 : i32 to index
      %get3A_1054 = arith.constant 0 : index
      %get3A_1055 = tpu.vector_load %arg9[%get3A_1053, %get3A_1054] {strides = array<i32>} : memref<256x128xf32, #tpu.memory_space<vmem>>, vector<16xf32>,
      %add3A_1056 = arith.addf %get3A_1055, %get3A_1029 : vector<16xf32>
      %get3A_1057 = arith.index_cast %add3A_1052 : i32 to index
      %get3A_1058 = arith.constant 16 : index
      %get3A_1059 = tpu.vector_load %arg9[%get3A_1057, %get3A_1058] {strides = array<i32>} : memref<256x128xf32, #tpu.memory_space<vmem>>, vector<16xf32>,
      %add3A_1060 = arith.addf %get3A_1059, %get3A_1032 : vector<16xf32>
      %get3A_1061 = arith.index_cast %add3A_1052 : i32 to index
      %get3A_1062 = arith.constant 32 : index
      %get3A_1063 = tpu.vector_load %arg9[%get3A_1061, %get3A_1062] {strides = array<i32>} : memref<256x128xf32, #tpu.memory_space<vmem>>, vector<16xf32>,
      %add3A_1064 = arith.addf %get3A_1063, %get3A_1035 : vector<16xf32>
      %get3A_1065 = arith.index_cast %add3A_1052 : i32 to index
      %get3A_1066 = arith.constant 48 : index
      %get3A_1067 = tpu.vector_load %arg9[%get3A_1065, %get3A_1066] {strides = array<i32>} : memref<256x128xf32, #tpu.memory_space<vmem>>, vector<16xf32>,
      %add3A_1068 = arith.addf %get3A_1067, %get3A_1038 : vector<16xf32>
      %get3A_1069 = arith.index_cast %add3A_1052 : i32 to index
      %get3A_1070 = arith.constant 64 : index
      %get3A_1071 = tpu.vector_load %arg9[%get3A_1069, %get3A_1070] {strides = array<i32>} : memref<256x128xf32, #tpu.memory_space<vmem>>, vector<16xf32>,
      %add3A_1072 = arith.addf %get3A_1071, %get3A_1041 : vector<16xf32>
      %get3A_1073 = arith.index_cast %add3A_1052 : i32 to index
      %get3A_1074 = arith.constant 80 : index
      %get3A_1075 = tpu.vector_load %arg9[%get3A_1073, %get3A_1074] {strides = array<i32>} : memref<256x128xf32, #tpu.memory_space<vmem>>, vector<16xf32>,
      %add3A_1076 = arith.addf %get3A_1075, %get3A_1044 : vector<16xf32>
      %get3A_1077 = arith.index_cast %add3A_1052 : i32 to index
      %get3A_1078 = arith.constant 96 : index
      %get3A_1079 = tpu.vector_load %arg9[%get3A_1077, %get3A_1078] {strides = array<i32>} : memref<256x128xf32, #tpu.memory_space<vmem>>, vector<16xf32>,
      %add3A_1080 = arith.addf %get3A_1079, %get3A_1047 : vector<16xf32>
      %get3A_1081 = arith.index_cast %add3A_1052 : i32 to index
      %get3A_1082 = arith.constant 112 : index
      %get3A_1083 = tpu.vector_load %arg9[%get3A_1081, %get3A_1082] {strides = array<i32>} : memref<256x128xf32, #tpu.memory_space<vmem>>, vector<16xf32>,
      %add3A_1084 = arith.addf %get3A_1083, %get3A_1050 : vector<16xf32>
      %add3A_1085 = arith.addf %add3A_1056, %add3A_1060 : vector<16xf32>
      %add3A_1086 = arith.addf %add3A_1064, %add3A_1068 : vector<16xf32>
      %add3A_1087 = arith.addf %add3A_1072, %add3A_1076 : vector<16xf32>
      %add3A_1088 = arith.addf %add3A_1080, %add3A_1084 : vector<16xf32>
      %add3A_1089 = arith.addf %add3A_1085, %add3A_1086 : vector<16xf32>
      %add3A_1090 = arith.addf %add3A_1087, %add3A_1088 : vector<16xf32>
      %add3A_1091 = arith.addf %add3A_1089, %add3A_1090 : vector<16xf32>
      %mul3A_1092 = arith.mulf %add3A_1056, %add3A_1056 : vector<16xf32>
      %mul3A_1093 = arith.mulf %add3A_1060, %add3A_1060 : vector<16xf32>
      %mul3A_1094 = arith.mulf %add3A_1064, %add3A_1064 : vector<16xf32>
      %mul3A_1095 = arith.mulf %add3A_1068, %add3A_1068 : vector<16xf32>
      %mul3A_1096 = arith.mulf %add3A_1072, %add3A_1072 : vector<16xf32>
      %mul3A_1097 = arith.mulf %add3A_1076, %add3A_1076 : vector<16xf32>
      %mul3A_1098 = arith.mulf %add3A_1080, %add3A_1080 : vector<16xf32>
      %mul3A_1099 = arith.mulf %add3A_1084, %add3A_1084 : vector<16xf32>
      %add3A_1100 = arith.addf %mul3A_1092, %mul3A_1093 : vector<16xf32>
      %add3A_1101 = arith.addf %mul3A_1094, %mul3A_1095 : vector<16xf32>
      %add3A_1102 = arith.addf %mul3A_1096, %mul3A_1097 : vector<16xf32>
      %add3A_1103 = arith.addf %mul3A_1098, %mul3A_1099 : vector<16xf32>
      %add3A_1104 = arith.addf %add3A_1100, %add3A_1101 : vector<16xf32>
      %add3A_1105 = arith.addf %add3A_1102, %add3A_1103 : vector<16xf32>
      %add3A_1106 = arith.addf %add3A_1104, %add3A_1105 : vector<16xf32>
      %reduce_sum3A_1107 = arith.constant true
      %reduce_sum3A_1108 = vector.broadcast %reduce_sum3A_1107 : i1 to vector<16xi1>
      %reduce_sum3A_1109 = tpu.scan <sum>, %add3A_1091 masked %reduce_sum3A_1108 : vector<16xf32>, vector<16xi1> -> vector<16xf32>
      %reduce_sum3A_1110 = vector.extract %reduce_sum3A_1109[15] : f32 from vector<16xf32>
      %mul3A_1111 = arith.mulf %reduce_sum3A_1110, %scan3A_233 : f32
      %reduce_sum3A_1112 = arith.constant true
      %reduce_sum3A_1113 = vector.broadcast %reduce_sum3A_1112 : i1 to vector<16xi1>
      %reduce_sum3A_1114 = tpu.scan <sum>, %add3A_1106 masked %reduce_sum3A_1113 : vector<16xf32>, vector<16xi1> -> vector<16xf32>
      %reduce_sum3A_1115 = vector.extract %reduce_sum3A_1114[15] : f32 from vector<16xf32>
      %mul3A_1116 = arith.mulf %reduce_sum3A_1115, %scan3A_233 : f32
      %mul3A_1117 = arith.mulf %mul3A_1111, %mul3A_1111 : f32
      %sub3A_1118 = arith.subf %mul3A_1116, %mul3A_1117 : f32
      %add3A_1119 = arith.constant 9.99999974E-6 : f32
      %add3A_1120 = arith.addf %sub3A_1118, %add3A_1119 : f32
      %bitcast_convert_type3A_1121 = arith.bitcast %add3A_1120 : f32 to i32
      %shift_right_arithmetic3A_1122 = arith.constant 1 : i32
      %shift_right_arithmetic3A_1123 = arith.shrsi %bitcast_convert_type3A_1121, %shift_right_arithmetic3A_1122 : i32
      %sub3A_1124 = arith.constant 1597463007 : i32
      %sub3A_1125 = arith.subi %sub3A_1124, %shift_right_arithmetic3A_1123 : i32
      %bitcast_convert_type3A_1126 = arith.bitcast %sub3A_1125 : i32 to f32
      %mul3A_1127 = arith.constant 5.000000e-01 : f32
      %mul3A_1128 = arith.mulf %mul3A_1127, %add3A_1120 : f32
      %mul3A_1129 = arith.mulf %mul3A_1128, %bitcast_convert_type3A_1126 : f32
      %mul3A_1130 = arith.mulf %mul3A_1129, %bitcast_convert_type3A_1126 : f32
      %sub3A_1131 = arith.constant 1.500000e+00 : f32
      %sub3A_1132 = arith.subf %sub3A_1131, %mul3A_1130 : f32
      %mul3A_1133 = arith.mulf %bitcast_convert_type3A_1126, %sub3A_1132 : f32
      %mul3A_1134 = arith.mulf %mul3A_1128, %mul3A_1133 : f32
      %mul3A_1135 = arith.mulf %mul3A_1134, %mul3A_1133 : f32
      %sub3A_1136 = arith.constant 1.500000e+00 : f32
      %sub3A_1137 = arith.subf %sub3A_1136, %mul3A_1135 : f32
      %mul3A_1138 = arith.mulf %mul3A_1133, %sub3A_1137 : f32
      %broadcast_in_dim3A_1139 = vector.broadcast %mul3A_1138 : f32 to vector<16xf32>
      %neg3A_1140 = arith.constant 0.000000e+00 : f32
      %neg3A_1141 = arith.subf %neg3A_1140, %mul3A_1111 : f32
      %mul3A_1142 = arith.mulf %neg3A_1141, %mul3A_1138 : f32
      %broadcast_in_dim3A_1143 = vector.broadcast %mul3A_1142 : f32 to vector<16xf32>
      %mul3A_1144 = arith.mulf %add3A_1056, %broadcast_in_dim3A_1139 : vector<16xf32>
      %add3A_1145 = arith.addf %mul3A_1144, %broadcast_in_dim3A_1143 : vector<16xf32>
      %mul3A_1146 = arith.mulf %add3A_1145, %get3A_145 : vector<16xf32>
      %add3A_1147 = arith.addf %mul3A_1146, %get3A_161 : vector<16xf32>
      %swap3A_1148 = arith.index_cast %add3A_1052 : i32 to index
      %swap3A_1149 = arith.constant 0 : index
      %swap3A_1150 = tpu.vector_load %arg9[%swap3A_1148, %swap3A_1149] {strides = array<i32>} : memref<256x128xf32, #tpu.memory_space<vmem>>, vector<16xf32>,
      tpu.vector_store %arg9[%swap3A_1148, %swap3A_1149], %add3A_1147 {strides = array<i32>} : memref<256x128xf32, #tpu.memory_space<vmem>>, vector<16xf32>,
      %mul3A_1151 = arith.mulf %add3A_1060, %broadcast_in_dim3A_1139 : vector<16xf32>
      %add3A_1152 = arith.addf %mul3A_1151, %broadcast_in_dim3A_1143 : vector<16xf32>
      %mul3A_1153 = arith.mulf %add3A_1152, %get3A_147 : vector<16xf32>
      %add3A_1154 = arith.addf %mul3A_1153, %get3A_163 : vector<16xf32>
      %swap3A_1155 = arith.index_cast %add3A_1052 : i32 to index
      %swap3A_1156 = arith.constant 16 : index
      %swap3A_1157 = tpu.vector_load %arg9[%swap3A_1155, %swap3A_1156] {strides = array<i32>} : memref<256x128xf32, #tpu.memory_space<vmem>>, vector<16xf32>,
      tpu.vector_store %arg9[%swap3A_1155, %swap3A_1156], %add3A_1154 {strides = array<i32>} : memref<256x128xf32, #tpu.memory_space<vmem>>, vector<16xf32>,
      %mul3A_1158 = arith.mulf %add3A_1064, %broadcast_in_dim3A_1139 : vector<16xf32>
      %add3A_1159 = arith.addf %mul3A_1158, %broadcast_in_dim3A_1143 : vector<16xf32>
      %mul3A_1160 = arith.mulf %add3A_1159, %get3A_149 : vector<16xf32>
      %add3A_1161 = arith.addf %mul3A_1160, %get3A_165 : vector<16xf32>
      %swap3A_1162 = arith.index_cast %add3A_1052 : i32 to index
      %swap3A_1163 = arith.constant 32 : index
      %swap3A_1164 = tpu.vector_load %arg9[%swap3A_1162, %swap3A_1163] {strides = array<i32>} : memref<256x128xf32, #tpu.memory_space<vmem>>, vector<16xf32>,
      tpu.vector_store %arg9[%swap3A_1162, %swap3A_1163], %add3A_1161 {strides = array<i32>} : memref<256x128xf32, #tpu.memory_space<vmem>>, vector<16xf32>,
      %mul3A_1165 = arith.mulf %add3A_1068, %broadcast_in_dim3A_1139 : vector<16xf32>
      %add3A_1166 = arith.addf %mul3A_1165, %broadcast_in_dim3A_1143 : vector<16xf32>
      %mul3A_1167 = arith.mulf %add3A_1166, %get3A_151 : vector<16xf32>
      %add3A_1168 = arith.addf %mul3A_1167, %get3A_167 : vector<16xf32>
      %swap3A_1169 = arith.index_cast %add3A_1052 : i32 to index
      %swap3A_1170 = arith.constant 48 : index
      %swap3A_1171 = tpu.vector_load %arg9[%swap3A_1169, %swap3A_1170] {strides = array<i32>} : memref<256x128xf32, #tpu.memory_space<vmem>>, vector<16xf32>,
      tpu.vector_store %arg9[%swap3A_1169, %swap3A_1170], %add3A_1168 {strides = array<i32>} : memref<256x128xf32, #tpu.memory_space<vmem>>, vector<16xf32>,
      %mul3A_1172 = arith.mulf %add3A_1072, %broadcast_in_dim3A_1139 : vector<16xf32>
      %add3A_1173 = arith.addf %mul3A_1172, %broadcast_in_dim3A_1143 : vector<16xf32>
      %mul3A_1174 = arith.mulf %add3A_1173, %get3A_153 : vector<16xf32>
      %add3A_1175 = arith.addf %mul3A_1174, %get3A_169 : vector<16xf32>
      %swap3A_1176 = arith.index_cast %add3A_1052 : i32 to index
      %swap3A_1177 = arith.constant 64 : index
      %swap3A_1178 = tpu.vector_load %arg9[%swap3A_1176, %swap3A_1177] {strides = array<i32>} : memref<256x128xf32, #tpu.memory_space<vmem>>, vector<16xf32>,
      tpu.vector_store %arg9[%swap3A_1176, %swap3A_1177], %add3A_1175 {strides = array<i32>} : memref<256x128xf32, #tpu.memory_space<vmem>>, vector<16xf32>,
      %mul3A_1179 = arith.mulf %add3A_1076, %broadcast_in_dim3A_1139 : vector<16xf32>
      %add3A_1180 = arith.addf %mul3A_1179, %broadcast_in_dim3A_1143 : vector<16xf32>
      %mul3A_1181 = arith.mulf %add3A_1180, %get3A_155 : vector<16xf32>
      %add3A_1182 = arith.addf %mul3A_1181, %get3A_171 : vector<16xf32>
      %swap3A_1183 = arith.index_cast %add3A_1052 : i32 to index
      %swap3A_1184 = arith.constant 80 : index
      %swap3A_1185 = tpu.vector_load %arg9[%swap3A_1183, %swap3A_1184] {strides = array<i32>} : memref<256x128xf32, #tpu.memory_space<vmem>>, vector<16xf32>,
      tpu.vector_store %arg9[%swap3A_1183, %swap3A_1184], %add3A_1182 {strides = array<i32>} : memref<256x128xf32, #tpu.memory_space<vmem>>, vector<16xf32>,
      %mul3A_1186 = arith.mulf %add3A_1080, %broadcast_in_dim3A_1139 : vector<16xf32>
      %add3A_1187 = arith.addf %mul3A_1186, %broadcast_in_dim3A_1143 : vector<16xf32>
      %mul3A_1188 = arith.mulf %add3A_1187, %get3A_157 : vector<16xf32>
      %add3A_1189 = arith.addf %mul3A_1188, %get3A_173 : vector<16xf32>
      %swap3A_1190 = arith.index_cast %add3A_1052 : i32 to index
      %swap3A_1191 = arith.constant 96 : index
      %swap3A_1192 = tpu.vector_load %arg9[%swap3A_1190, %swap3A_1191] {strides = array<i32>} : memref<256x128xf32, #tpu.memory_space<vmem>>, vector<16xf32>,
      tpu.vector_store %arg9[%swap3A_1190, %swap3A_1191], %add3A_1189 {strides = array<i32>} : memref<256x128xf32, #tpu.memory_space<vmem>>, vector<16xf32>,
      %mul3A_1193 = arith.mulf %add3A_1084, %broadcast_in_dim3A_1139 : vector<16xf32>
      %add3A_1194 = arith.addf %mul3A_1193, %broadcast_in_dim3A_1143 : vector<16xf32>
      %mul3A_1195 = arith.mulf %add3A_1194, %get3A_159 : vector<16xf32>
      %add3A_1196 = arith.addf %mul3A_1195, %get3A_175 : vector<16xf32>
      %swap3A_1197 = arith.index_cast %add3A_1052 : i32 to index
      %swap3A_1198 = arith.constant 112 : index
      %swap3A_1199 = tpu.vector_load %arg9[%swap3A_1197, %swap3A_1198] {strides = array<i32>} : memref<256x128xf32, #tpu.memory_space<vmem>>, vector<16xf32>,
      tpu.vector_store %arg9[%swap3A_1197, %swap3A_1198], %add3A_1196 {strides = array<i32>} : memref<256x128xf32, #tpu.memory_space<vmem>>, vector<16xf32>,
      %add3A_1200 = arith.constant 64 : i32
      %add3A_1201 = arith.addi %add3A_1200, %add3A_1026 : i32
      %get3A_1202 = arith.index_cast %add3A_1201 : i32 to index
      %get3A_1203 = arith.constant 0 : index
      %get3A_1204 = tpu.vector_load %arg9[%get3A_1202, %get3A_1203] {strides = array<i32>} : memref<256x128xf32, #tpu.memory_space<vmem>>, vector<16xf32>,
      %add3A_1205 = arith.addf %get3A_1204, %get3A_1029 : vector<16xf32>
      %get3A_1206 = arith.index_cast %add3A_1201 : i32 to index
      %get3A_1207 = arith.constant 16 : index
      %get3A_1208 = tpu.vector_load %arg9[%get3A_1206, %get3A_1207] {strides = array<i32>} : memref<256x128xf32, #tpu.memory_space<vmem>>, vector<16xf32>,
      %add3A_1209 = arith.addf %get3A_1208, %get3A_1032 : vector<16xf32>
      %get3A_1210 = arith.index_cast %add3A_1201 : i32 to index
      %get3A_1211 = arith.constant 32 : index
      %get3A_1212 = tpu.vector_load %arg9[%get3A_1210, %get3A_1211] {strides = array<i32>} : memref<256x128xf32, #tpu.memory_space<vmem>>, vector<16xf32>,
      %add3A_1213 = arith.addf %get3A_1212, %get3A_1035 : vector<16xf32>
      %get3A_1214 = arith.index_cast %add3A_1201 : i32 to index
      %get3A_1215 = arith.constant 48 : index
      %get3A_1216 = tpu.vector_load %arg9[%get3A_1214, %get3A_1215] {strides = array<i32>} : memref<256x128xf32, #tpu.memory_space<vmem>>, vector<16xf32>,
      %add3A_1217 = arith.addf %get3A_1216, %get3A_1038 : vector<16xf32>
      %get3A_1218 = arith.index_cast %add3A_1201 : i32 to index
      %get3A_1219 = arith.constant 64 : index
      %get3A_1220 = tpu.vector_load %arg9[%get3A_1218, %get3A_1219] {strides = array<i32>} : memref<256x128xf32, #tpu.memory_space<vmem>>, vector<16xf32>,
      %add3A_1221 = arith.addf %get3A_1220, %get3A_1041 : vector<16xf32>
      %get3A_1222 = arith.index_cast %add3A_1201 : i32 to index
      %get3A_1223 = arith.constant 80 : index
      %get3A_1224 = tpu.vector_load %arg9[%get3A_1222, %get3A_1223] {strides = array<i32>} : memref<256x128xf32, #tpu.memory_space<vmem>>, vector<16xf32>,
      %add3A_1225 = arith.addf %get3A_1224, %get3A_1044 : vector<16xf32>
      %get3A_1226 = arith.index_cast %add3A_1201 : i32 to index
      %get3A_1227 = arith.constant 96 : index
      %get3A_1228 = tpu.vector_load %arg9[%get3A_1226, %get3A_1227] {strides = array<i32>} : memref<256x128xf32, #tpu.memory_space<vmem>>, vector<16xf32>,
      %add3A_1229 = arith.addf %get3A_1228, %get3A_1047 : vector<16xf32>
      %get3A_1230 = arith.index_cast %add3A_1201 : i32 to index
      %get3A_1231 = arith.constant 112 : index
      %get3A_1232 = tpu.vector_load %arg9[%get3A_1230, %get3A_1231] {strides = array<i32>} : memref<256x128xf32, #tpu.memory_space<vmem>>, vector<16xf32>,
      %add3A_1233 = arith.addf %get3A_1232, %get3A_1050 : vector<16xf32>
      %add3A_1234 = arith.addf %add3A_1205, %add3A_1209 : vector<16xf32>
      %add3A_1235 = arith.addf %add3A_1213, %add3A_1217 : vector<16xf32>
      %add3A_1236 = arith.addf %add3A_1221, %add3A_1225 : vector<16xf32>
      %add3A_1237 = arith.addf %add3A_1229, %add3A_1233 : vector<16xf32>
      %add3A_1238 = arith.addf %add3A_1234, %add3A_1235 : vector<16xf32>
      %add3A_1239 = arith.addf %add3A_1236, %add3A_1237 : vector<16xf32>
      %add3A_1240 = arith.addf %add3A_1238, %add3A_1239 : vector<16xf32>
      %mul3A_1241 = arith.mulf %add3A_1205, %add3A_1205 : vector<16xf32>
      %mul3A_1242 = arith.mulf %add3A_1209, %add3A_1209 : vector<16xf32>
      %mul3A_1243 = arith.mulf %add3A_1213, %add3A_1213 : vector<16xf32>
      %mul3A_1244 = arith.mulf %add3A_1217, %add3A_1217 : vector<16xf32>
      %mul3A_1245 = arith.mulf %add3A_1221, %add3A_1221 : vector<16xf32>
      %mul3A_1246 = arith.mulf %add3A_1225, %add3A_1225 : vector<16xf32>
      %mul3A_1247 = arith.mulf %add3A_1229, %add3A_1229 : vector<16xf32>
      %mul3A_1248 = arith.mulf %add3A_1233, %add3A_1233 : vector<16xf32>
      %add3A_1249 = arith.addf %mul3A_1241, %mul3A_1242 : vector<16xf32>
      %add3A_1250 = arith.addf %mul3A_1243, %mul3A_1244 : vector<16xf32>
      %add3A_1251 = arith.addf %mul3A_1245, %mul3A_1246 : vector<16xf32>
      %add3A_1252 = arith.addf %mul3A_1247, %mul3A_1248 : vector<16xf32>
      %add3A_1253 = arith.addf %add3A_1249, %add3A_1250 : vector<16xf32>
      %add3A_1254 = arith.addf %add3A_1251, %add3A_1252 : vector<16xf32>
      %add3A_1255 = arith.addf %add3A_1253, %add3A_1254 : vector<16xf32>
      %reduce_sum3A_1256 = arith.constant true
      %reduce_sum3A_1257 = vector.broadcast %reduce_sum3A_1256 : i1 to vector<16xi1>
      %reduce_sum3A_1258 = tpu.scan <sum>, %add3A_1240 masked %reduce_sum3A_1257 : vector<16xf32>, vector<16xi1> -> vector<16xf32>
      %reduce_sum3A_1259 = vector.extract %reduce_sum3A_1258[15] : f32 from vector<16xf32>
      %mul3A_1260 = arith.mulf %reduce_sum3A_1259, %scan3A_233 : f32
      %reduce_sum3A_1261 = arith.constant true
      %reduce_sum3A_1262 = vector.broadcast %reduce_sum3A_1261 : i1 to vector<16xi1>
      %reduce_sum3A_1263 = tpu.scan <sum>, %add3A_1255 masked %reduce_sum3A_1262 : vector<16xf32>, vector<16xi1> -> vector<16xf32>
      %reduce_sum3A_1264 = vector.extract %reduce_sum3A_1263[15] : f32 from vector<16xf32>
      %mul3A_1265 = arith.mulf %reduce_sum3A_1264, %scan3A_233 : f32
      %mul3A_1266 = arith.mulf %mul3A_1260, %mul3A_1260 : f32
      %sub3A_1267 = arith.subf %mul3A_1265, %mul3A_1266 : f32
      %add3A_1268 = arith.constant 9.99999974E-6 : f32
      %add3A_1269 = arith.addf %sub3A_1267, %add3A_1268 : f32
      %bitcast_convert_type3A_1270 = arith.bitcast %add3A_1269 : f32 to i32
      %shift_right_arithmetic3A_1271 = arith.constant 1 : i32
      %shift_right_arithmetic3A_1272 = arith.shrsi %bitcast_convert_type3A_1270, %shift_right_arithmetic3A_1271 : i32
      %sub3A_1273 = arith.constant 1597463007 : i32
      %sub3A_1274 = arith.subi %sub3A_1273, %shift_right_arithmetic3A_1272 : i32
      %bitcast_convert_type3A_1275 = arith.bitcast %sub3A_1274 : i32 to f32
      %mul3A_1276 = arith.constant 5.000000e-01 : f32
      %mul3A_1277 = arith.mulf %mul3A_1276, %add3A_1269 : f32
      %mul3A_1278 = arith.mulf %mul3A_1277, %bitcast_convert_type3A_1275 : f32
      %mul3A_1279 = arith.mulf %mul3A_1278, %bitcast_convert_type3A_1275 : f32
      %sub3A_1280 = arith.constant 1.500000e+00 : f32
      %sub3A_1281 = arith.subf %sub3A_1280, %mul3A_1279 : f32
      %mul3A_1282 = arith.mulf %bitcast_convert_type3A_1275, %sub3A_1281 : f32
      %mul3A_1283 = arith.mulf %mul3A_1277, %mul3A_1282 : f32
      %mul3A_1284 = arith.mulf %mul3A_1283, %mul3A_1282 : f32
      %sub3A_1285 = arith.constant 1.500000e+00 : f32
      %sub3A_1286 = arith.subf %sub3A_1285, %mul3A_1284 : f32
      %mul3A_1287 = arith.mulf %mul3A_1282, %sub3A_1286 : f32
      %broadcast_in_dim3A_1288 = vector.broadcast %mul3A_1287 : f32 to vector<16xf32>
      %neg3A_1289 = arith.constant 0.000000e+00 : f32
      %neg3A_1290 = arith.subf %neg3A_1289, %mul3A_1260 : f32
      %mul3A_1291 = arith.mulf %neg3A_1290, %mul3A_1287 : f32
      %broadcast_in_dim3A_1292 = vector.broadcast %mul3A_1291 : f32 to vector<16xf32>
      %mul3A_1293 = arith.mulf %add3A_1205, %broadcast_in_dim3A_1288 : vector<16xf32>
      %add3A_1294 = arith.addf %mul3A_1293, %broadcast_in_dim3A_1292 : vector<16xf32>
      %mul3A_1295 = arith.mulf %add3A_1294, %get3A_145 : vector<16xf32>
      %add3A_1296 = arith.addf %mul3A_1295, %get3A_161 : vector<16xf32>
      %swap3A_1297 = arith.index_cast %add3A_1201 : i32 to index
      %swap3A_1298 = arith.constant 0 : index
      %swap3A_1299 = tpu.vector_load %arg9[%swap3A_1297, %swap3A_1298] {strides = array<i32>} : memref<256x128xf32, #tpu.memory_space<vmem>>, vector<16xf32>,
      tpu.vector_store %arg9[%swap3A_1297, %swap3A_1298], %add3A_1296 {strides = array<i32>} : memref<256x128xf32, #tpu.memory_space<vmem>>, vector<16xf32>,
      %mul3A_1300 = arith.mulf %add3A_1209, %broadcast_in_dim3A_1288 : vector<16xf32>
      %add3A_1301 = arith.addf %mul3A_1300, %broadcast_in_dim3A_1292 : vector<16xf32>
      %mul3A_1302 = arith.mulf %add3A_1301, %get3A_147 : vector<16xf32>
      %add3A_1303 = arith.addf %mul3A_1302, %get3A_163 : vector<16xf32>
      %swap3A_1304 = arith.index_cast %add3A_1201 : i32 to index
      %swap3A_1305 = arith.constant 16 : index
      %swap3A_1306 = tpu.vector_load %arg9[%swap3A_1304, %swap3A_1305] {strides = array<i32>} : memref<256x128xf32, #tpu.memory_space<vmem>>, vector<16xf32>,
      tpu.vector_store %arg9[%swap3A_1304, %swap3A_1305], %add3A_1303 {strides = array<i32>} : memref<256x128xf32, #tpu.memory_space<vmem>>, vector<16xf32>,
      %mul3A_1307 = arith.mulf %add3A_1213, %broadcast_in_dim3A_1288 : vector<16xf32>
      %add3A_1308 = arith.addf %mul3A_1307, %broadcast_in_dim3A_1292 : vector<16xf32>
      %mul3A_1309 = arith.mulf %add3A_1308, %get3A_149 : vector<16xf32>
      %add3A_1310 = arith.addf %mul3A_1309, %get3A_165 : vector<16xf32>
      %swap3A_1311 = arith.index_cast %add3A_1201 : i32 to index
      %swap3A_1312 = arith.constant 32 : index
      %swap3A_1313 = tpu.vector_load %arg9[%swap3A_1311, %swap3A_1312] {strides = array<i32>} : memref<256x128xf32, #tpu.memory_space<vmem>>, vector<16xf32>,
      tpu.vector_store %arg9[%swap3A_1311, %swap3A_1312], %add3A_1310 {strides = array<i32>} : memref<256x128xf32, #tpu.memory_space<vmem>>, vector<16xf32>,
      %mul3A_1314 = arith.mulf %add3A_1217, %broadcast_in_dim3A_1288 : vector<16xf32>
      %add3A_1315 = arith.addf %mul3A_1314, %broadcast_in_dim3A_1292 : vector<16xf32>
      %mul3A_1316 = arith.mulf %add3A_1315, %get3A_151 : vector<16xf32>
      %add3A_1317 = arith.addf %mul3A_1316, %get3A_167 : vector<16xf32>
      %swap3A_1318 = arith.index_cast %add3A_1201 : i32 to index
      %swap3A_1319 = arith.constant 48 : index
      %swap3A_1320 = tpu.vector_load %arg9[%swap3A_1318, %swap3A_1319] {strides = array<i32>} : memref<256x128xf32, #tpu.memory_space<vmem>>, vector<16xf32>,
      tpu.vector_store %arg9[%swap3A_1318, %swap3A_1319], %add3A_1317 {strides = array<i32>} : memref<256x128xf32, #tpu.memory_space<vmem>>, vector<16xf32>,
      %mul3A_1321 = arith.mulf %add3A_1221, %broadcast_in_dim3A_1288 : vector<16xf32>
      %add3A_1322 = arith.addf %mul3A_1321, %broadcast_in_dim3A_1292 : vector<16xf32>
      %mul3A_1323 = arith.mulf %add3A_1322, %get3A_153 : vector<16xf32>
      %add3A_1324 = arith.addf %mul3A_1323, %get3A_169 : vector<16xf32>
      %swap3A_1325 = arith.index_cast %add3A_1201 : i32 to index
      %swap3A_1326 = arith.constant 64 : index
      %swap3A_1327 = tpu.vector_load %arg9[%swap3A_1325, %swap3A_1326] {strides = array<i32>} : memref<256x128xf32, #tpu.memory_space<vmem>>, vector<16xf32>,
      tpu.vector_store %arg9[%swap3A_1325, %swap3A_1326], %add3A_1324 {strides = array<i32>} : memref<256x128xf32, #tpu.memory_space<vmem>>, vector<16xf32>,
      %mul3A_1328 = arith.mulf %add3A_1225, %broadcast_in_dim3A_1288 : vector<16xf32>
      %add3A_1329 = arith.addf %mul3A_1328, %broadcast_in_dim3A_1292 : vector<16xf32>
      %mul3A_1330 = arith.mulf %add3A_1329, %get3A_155 : vector<16xf32>
      %add3A_1331 = arith.addf %mul3A_1330, %get3A_171 : vector<16xf32>
      %swap3A_1332 = arith.index_cast %add3A_1201 : i32 to index
      %swap3A_1333 = arith.constant 80 : index
      %swap3A_1334 = tpu.vector_load %arg9[%swap3A_1332, %swap3A_1333] {strides = array<i32>} : memref<256x128xf32, #tpu.memory_space<vmem>>, vector<16xf32>,
      tpu.vector_store %arg9[%swap3A_1332, %swap3A_1333], %add3A_1331 {strides = array<i32>} : memref<256x128xf32, #tpu.memory_space<vmem>>, vector<16xf32>,
      %mul3A_1335 = arith.mulf %add3A_1229, %broadcast_in_dim3A_1288 : vector<16xf32>
      %add3A_1336 = arith.addf %mul3A_1335, %broadcast_in_dim3A_1292 : vector<16xf32>
      %mul3A_1337 = arith.mulf %add3A_1336, %get3A_157 : vector<16xf32>
      %add3A_1338 = arith.addf %mul3A_1337, %get3A_173 : vector<16xf32>
      %swap3A_1339 = arith.index_cast %add3A_1201 : i32 to index
      %swap3A_1340 = arith.constant 96 : index
      %swap3A_1341 = tpu.vector_load %arg9[%swap3A_1339, %swap3A_1340] {strides = array<i32>} : memref<256x128xf32, #tpu.memory_space<vmem>>, vector<16xf32>,
      tpu.vector_store %arg9[%swap3A_1339, %swap3A_1340], %add3A_1338 {strides = array<i32>} : memref<256x128xf32, #tpu.memory_space<vmem>>, vector<16xf32>,
      %mul3A_1342 = arith.mulf %add3A_1233, %broadcast_in_dim3A_1288 : vector<16xf32>
      %add3A_1343 = arith.addf %mul3A_1342, %broadcast_in_dim3A_1292 : vector<16xf32>
      %mul3A_1344 = arith.mulf %add3A_1343, %get3A_159 : vector<16xf32>
      %add3A_1345 = arith.addf %mul3A_1344, %get3A_175 : vector<16xf32>
      %swap3A_1346 = arith.index_cast %add3A_1201 : i32 to index
      %swap3A_1347 = arith.constant 112 : index
      %swap3A_1348 = tpu.vector_load %arg9[%swap3A_1346, %swap3A_1347] {strides = array<i32>} : memref<256x128xf32, #tpu.memory_space<vmem>>, vector<16xf32>,
      tpu.vector_store %arg9[%swap3A_1346, %swap3A_1347], %add3A_1345 {strides = array<i32>} : memref<256x128xf32, #tpu.memory_space<vmem>>, vector<16xf32>,
      %add3A_1349 = arith.constant 128 : i32
      %add3A_1350 = arith.addi %add3A_1349, %add3A_1026 : i32
      %get3A_1351 = arith.index_cast %add3A_1350 : i32 to index
      %get3A_1352 = arith.constant 0 : index
      %get3A_1353 = tpu.vector_load %arg9[%get3A_1351, %get3A_1352] {strides = array<i32>} : memref<256x128xf32, #tpu.memory_space<vmem>>, vector<16xf32>,
      %add3A_1354 = arith.addf %get3A_1353, %get3A_1029 : vector<16xf32>
      %get3A_1355 = arith.index_cast %add3A_1350 : i32 to index
      %get3A_1356 = arith.constant 16 : index
      %get3A_1357 = tpu.vector_load %arg9[%get3A_1355, %get3A_1356] {strides = array<i32>} : memref<256x128xf32, #tpu.memory_space<vmem>>, vector<16xf32>,
      %add3A_1358 = arith.addf %get3A_1357, %get3A_1032 : vector<16xf32>
      %get3A_1359 = arith.index_cast %add3A_1350 : i32 to index
      %get3A_1360 = arith.constant 32 : index
      %get3A_1361 = tpu.vector_load %arg9[%get3A_1359, %get3A_1360] {strides = array<i32>} : memref<256x128xf32, #tpu.memory_space<vmem>>, vector<16xf32>,
      %add3A_1362 = arith.addf %get3A_1361, %get3A_1035 : vector<16xf32>
      %get3A_1363 = arith.index_cast %add3A_1350 : i32 to index
      %get3A_1364 = arith.constant 48 : index
      %get3A_1365 = tpu.vector_load %arg9[%get3A_1363, %get3A_1364] {strides = array<i32>} : memref<256x128xf32, #tpu.memory_space<vmem>>, vector<16xf32>,
      %add3A_1366 = arith.addf %get3A_1365, %get3A_1038 : vector<16xf32>
      %get3A_1367 = arith.index_cast %add3A_1350 : i32 to index
      %get3A_1368 = arith.constant 64 : index
      %get3A_1369 = tpu.vector_load %arg9[%get3A_1367, %get3A_1368] {strides = array<i32>} : memref<256x128xf32, #tpu.memory_space<vmem>>, vector<16xf32>,
      %add3A_1370 = arith.addf %get3A_1369, %get3A_1041 : vector<16xf32>
      %get3A_1371 = arith.index_cast %add3A_1350 : i32 to index
      %get3A_1372 = arith.constant 80 : index
      %get3A_1373 = tpu.vector_load %arg9[%get3A_1371, %get3A_1372] {strides = array<i32>} : memref<256x128xf32, #tpu.memory_space<vmem>>, vector<16xf32>,
      %add3A_1374 = arith.addf %get3A_1373, %get3A_1044 : vector<16xf32>
      %get3A_1375 = arith.index_cast %add3A_1350 : i32 to index
      %get3A_1376 = arith.constant 96 : index
      %get3A_1377 = tpu.vector_load %arg9[%get3A_1375, %get3A_1376] {strides = array<i32>} : memref<256x128xf32, #tpu.memory_space<vmem>>, vector<16xf32>,
      %add3A_1378 = arith.addf %get3A_1377, %get3A_1047 : vector<16xf32>
      %get3A_1379 = arith.index_cast %add3A_1350 : i32 to index
      %get3A_1380 = arith.constant 112 : index
      %get3A_1381 = tpu.vector_load %arg9[%get3A_1379, %get3A_1380] {strides = array<i32>} : memref<256x128xf32, #tpu.memory_space<vmem>>, vector<16xf32>,
      %add3A_1382 = arith.addf %get3A_1381, %get3A_1050 : vector<16xf32>
      %add3A_1383 = arith.addf %add3A_1354, %add3A_1358 : vector<16xf32>
      %add3A_1384 = arith.addf %add3A_1362, %add3A_1366 : vector<16xf32>
      %add3A_1385 = arith.addf %add3A_1370, %add3A_1374 : vector<16xf32>
      %add3A_1386 = arith.addf %add3A_1378, %add3A_1382 : vector<16xf32>
      %add3A_1387 = arith.addf %add3A_1383, %add3A_1384 : vector<16xf32>
      %add3A_1388 = arith.addf %add3A_1385, %add3A_1386 : vector<16xf32>
      %add3A_1389 = arith.addf %add3A_1387, %add3A_1388 : vector<16xf32>
      %mul3A_1390 = arith.mulf %add3A_1354, %add3A_1354 : vector<16xf32>
      %mul3A_1391 = arith.mulf %add3A_1358, %add3A_1358 : vector<16xf32>
      %mul3A_1392 = arith.mulf %add3A_1362, %add3A_1362 : vector<16xf32>
      %mul3A_1393 = arith.mulf %add3A_1366, %add3A_1366 : vector<16xf32>
      %mul3A_1394 = arith.mulf %add3A_1370, %add3A_1370 : vector<16xf32>
      %mul3A_1395 = arith.mulf %add3A_1374, %add3A_1374 : vector<16xf32>
      %mul3A_1396 = arith.mulf %add3A_1378, %add3A_1378 : vector<16xf32>
      %mul3A_1397 = arith.mulf %add3A_1382, %add3A_1382 : vector<16xf32>
      %add3A_1398 = arith.addf %mul3A_1390, %mul3A_1391 : vector<16xf32>
      %add3A_1399 = arith.addf %mul3A_1392, %mul3A_1393 : vector<16xf32>
      %add3A_1400 = arith.addf %mul3A_1394, %mul3A_1395 : vector<16xf32>
      %add3A_1401 = arith.addf %mul3A_1396, %mul3A_1397 : vector<16xf32>
      %add3A_1402 = arith.addf %add3A_1398, %add3A_1399 : vector<16xf32>
      %add3A_1403 = arith.addf %add3A_1400, %add3A_1401 : vector<16xf32>
      %add3A_1404 = arith.addf %add3A_1402, %add3A_1403 : vector<16xf32>
      %reduce_sum3A_1405 = arith.constant true
      %reduce_sum3A_1406 = vector.broadcast %reduce_sum3A_1405 : i1 to vector<16xi1>
      %reduce_sum3A_1407 = tpu.scan <sum>, %add3A_1389 masked %reduce_sum3A_1406 : vector<16xf32>, vector<16xi1> -> vector<16xf32>
      %reduce_sum3A_1408 = vector.extract %reduce_sum3A_1407[15] : f32 from vector<16xf32>
      %mul3A_1409 = arith.mulf %reduce_sum3A_1408, %scan3A_233 : f32
      %reduce_sum3A_1410 = arith.constant true
      %reduce_sum3A_1411 = vector.broadcast %reduce_sum3A_1410 : i1 to vector<16xi1>
      %reduce_sum3A_1412 = tpu.scan <sum>, %add3A_1404 masked %reduce_sum3A_1411 : vector<16xf32>, vector<16xi1> -> vector<16xf32>
      %reduce_sum3A_1413 = vector.extract %reduce_sum3A_1412[15] : f32 from vector<16xf32>
      %mul3A_1414 = arith.mulf %reduce_sum3A_1413, %scan3A_233 : f32
      %mul3A_1415 = arith.mulf %mul3A_1409, %mul3A_1409 : f32
      %sub3A_1416 = arith.subf %mul3A_1414, %mul3A_1415 : f32
      %add3A_1417 = arith.constant 9.99999974E-6 : f32
      %add3A_1418 = arith.addf %sub3A_1416, %add3A_1417 : f32
      %bitcast_convert_type3A_1419 = arith.bitcast %add3A_1418 : f32 to i32
      %shift_right_arithmetic3A_1420 = arith.constant 1 : i32
      %shift_right_arithmetic3A_1421 = arith.shrsi %bitcast_convert_type3A_1419, %shift_right_arithmetic3A_1420 : i32
      %sub3A_1422 = arith.constant 1597463007 : i32
      %sub3A_1423 = arith.subi %sub3A_1422, %shift_right_arithmetic3A_1421 : i32
      %bitcast_convert_type3A_1424 = arith.bitcast %sub3A_1423 : i32 to f32
      %mul3A_1425 = arith.constant 5.000000e-01 : f32
      %mul3A_1426 = arith.mulf %mul3A_1425, %add3A_1418 : f32
      %mul3A_1427 = arith.mulf %mul3A_1426, %bitcast_convert_type3A_1424 : f32
      %mul3A_1428 = arith.mulf %mul3A_1427, %bitcast_convert_type3A_1424 : f32
      %sub3A_1429 = arith.constant 1.500000e+00 : f32
      %sub3A_1430 = arith.subf %sub3A_1429, %mul3A_1428 : f32
      %mul3A_1431 = arith.mulf %bitcast_convert_type3A_1424, %sub3A_1430 : f32
      %mul3A_1432 = arith.mulf %mul3A_1426, %mul3A_1431 : f32
      %mul3A_1433 = arith.mulf %mul3A_1432, %mul3A_1431 : f32
      %sub3A_1434 = arith.constant 1.500000e+00 : f32
      %sub3A_1435 = arith.subf %sub3A_1434, %mul3A_1433 : f32
      %mul3A_1436 = arith.mulf %mul3A_1431, %sub3A_1435 : f32
      %broadcast_in_dim3A_1437 = vector.broadcast %mul3A_1436 : f32 to vector<16xf32>
      %neg3A_1438 = arith.constant 0.000000e+00 : f32
      %neg3A_1439 = arith.subf %neg3A_1438, %mul3A_1409 : f32
      %mul3A_1440 = arith.mulf %neg3A_1439, %mul3A_1436 : f32
      %broadcast_in_dim3A_1441 = vector.broadcast %mul3A_1440 : f32 to vector<16xf32>
      %mul3A_1442 = arith.mulf %add3A_1354, %broadcast_in_dim3A_1437 : vector<16xf32>
      %add3A_1443 = arith.addf %mul3A_1442, %broadcast_in_dim3A_1441 : vector<16xf32>
      %mul3A_1444 = arith.mulf %add3A_1443, %get3A_145 : vector<16xf32>
      %add3A_1445 = arith.addf %mul3A_1444, %get3A_161 : vector<16xf32>
      %swap3A_1446 = arith.index_cast %add3A_1350 : i32 to index
      %swap3A_1447 = arith.constant 0 : index
      %swap3A_1448 = tpu.vector_load %arg9[%swap3A_1446, %swap3A_1447] {strides = array<i32>} : memref<256x128xf32, #tpu.memory_space<vmem>>, vector<16xf32>,
      tpu.vector_store %arg9[%swap3A_1446, %swap3A_1447], %add3A_1445 {strides = array<i32>} : memref<256x128xf32, #tpu.memory_space<vmem>>, vector<16xf32>,
      %mul3A_1449 = arith.mulf %add3A_1358, %broadcast_in_dim3A_1437 : vector<16xf32>
      %add3A_1450 = arith.addf %mul3A_1449, %broadcast_in_dim3A_1441 : vector<16xf32>
      %mul3A_1451 = arith.mulf %add3A_1450, %get3A_147 : vector<16xf32>
      %add3A_1452 = arith.addf %mul3A_1451, %get3A_163 : vector<16xf32>
      %swap3A_1453 = arith.index_cast %add3A_1350 : i32 to index
      %swap3A_1454 = arith.constant 16 : index
      %swap3A_1455 = tpu.vector_load %arg9[%swap3A_1453, %swap3A_1454] {strides = array<i32>} : memref<256x128xf32, #tpu.memory_space<vmem>>, vector<16xf32>,
      tpu.vector_store %arg9[%swap3A_1453, %swap3A_1454], %add3A_1452 {strides = array<i32>} : memref<256x128xf32, #tpu.memory_space<vmem>>, vector<16xf32>,
      %mul3A_1456 = arith.mulf %add3A_1362, %broadcast_in_dim3A_1437 : vector<16xf32>
      %add3A_1457 = arith.addf %mul3A_1456, %broadcast_in_dim3A_1441 : vector<16xf32>
      %mul3A_1458 = arith.mulf %add3A_1457, %get3A_149 : vector<16xf32>
      %add3A_1459 = arith.addf %mul3A_1458, %get3A_165 : vector<16xf32>
      %swap3A_1460 = arith.index_cast %add3A_1350 : i32 to index
      %swap3A_1461 = arith.constant 32 : index
      %swap3A_1462 = tpu.vector_load %arg9[%swap3A_1460, %swap3A_1461] {strides = array<i32>} : memref<256x128xf32, #tpu.memory_space<vmem>>, vector<16xf32>,
      tpu.vector_store %arg9[%swap3A_1460, %swap3A_1461], %add3A_1459 {strides = array<i32>} : memref<256x128xf32, #tpu.memory_space<vmem>>, vector<16xf32>,
      %mul3A_1463 = arith.mulf %add3A_1366, %broadcast_in_dim3A_1437 : vector<16xf32>
      %add3A_1464 = arith.addf %mul3A_1463, %broadcast_in_dim3A_1441 : vector<16xf32>
      %mul3A_1465 = arith.mulf %add3A_1464, %get3A_151 : vector<16xf32>
      %add3A_1466 = arith.addf %mul3A_1465, %get3A_167 : vector<16xf32>
      %swap3A_1467 = arith.index_cast %add3A_1350 : i32 to index
      %swap3A_1468 = arith.constant 48 : index
      %swap3A_1469 = tpu.vector_load %arg9[%swap3A_1467, %swap3A_1468] {strides = array<i32>} : memref<256x128xf32, #tpu.memory_space<vmem>>, vector<16xf32>,
      tpu.vector_store %arg9[%swap3A_1467, %swap3A_1468], %add3A_1466 {strides = array<i32>} : memref<256x128xf32, #tpu.memory_space<vmem>>, vector<16xf32>,
      %mul3A_1470 = arith.mulf %add3A_1370, %broadcast_in_dim3A_1437 : vector<16xf32>
      %add3A_1471 = arith.addf %mul3A_1470, %broadcast_in_dim3A_1441 : vector<16xf32>
      %mul3A_1472 = arith.mulf %add3A_1471, %get3A_153 : vector<16xf32>
      %add3A_1473 = arith.addf %mul3A_1472, %get3A_169 : vector<16xf32>
      %swap3A_1474 = arith.index_cast %add3A_1350 : i32 to index
      %swap3A_1475 = arith.constant 64 : index
      %swap3A_1476 = tpu.vector_load %arg9[%swap3A_1474, %swap3A_1475] {strides = array<i32>} : memref<256x128xf32, #tpu.memory_space<vmem>>, vector<16xf32>,
      tpu.vector_store %arg9[%swap3A_1474, %swap3A_1475], %add3A_1473 {strides = array<i32>} : memref<256x128xf32, #tpu.memory_space<vmem>>, vector<16xf32>,
      %mul3A_1477 = arith.mulf %add3A_1374, %broadcast_in_dim3A_1437 : vector<16xf32>
      %add3A_1478 = arith.addf %mul3A_1477, %broadcast_in_dim3A_1441 : vector<16xf32>
      %mul3A_1479 = arith.mulf %add3A_1478, %get3A_155 : vector<16xf32>
      %add3A_1480 = arith.addf %mul3A_1479, %get3A_171 : vector<16xf32>
      %swap3A_1481 = arith.index_cast %add3A_1350 : i32 to index
      %swap3A_1482 = arith.constant 80 : index
      %swap3A_1483 = tpu.vector_load %arg9[%swap3A_1481, %swap3A_1482] {strides = array<i32>} : memref<256x128xf32, #tpu.memory_space<vmem>>, vector<16xf32>,
      tpu.vector_store %arg9[%swap3A_1481, %swap3A_1482], %add3A_1480 {strides = array<i32>} : memref<256x128xf32, #tpu.memory_space<vmem>>, vector<16xf32>,
      %mul3A_1484 = arith.mulf %add3A_1378, %broadcast_in_dim3A_1437 : vector<16xf32>
      %add3A_1485 = arith.addf %mul3A_1484, %broadcast_in_dim3A_1441 : vector<16xf32>
      %mul3A_1486 = arith.mulf %add3A_1485, %get3A_157 : vector<16xf32>
      %add3A_1487 = arith.addf %mul3A_1486, %get3A_173 : vector<16xf32>
      %swap3A_1488 = arith.index_cast %add3A_1350 : i32 to index
      %swap3A_1489 = arith.constant 96 : index
      %swap3A_1490 = tpu.vector_load %arg9[%swap3A_1488, %swap3A_1489] {strides = array<i32>} : memref<256x128xf32, #tpu.memory_space<vmem>>, vector<16xf32>,
      tpu.vector_store %arg9[%swap3A_1488, %swap3A_1489], %add3A_1487 {strides = array<i32>} : memref<256x128xf32, #tpu.memory_space<vmem>>, vector<16xf32>,
      %mul3A_1491 = arith.mulf %add3A_1382, %broadcast_in_dim3A_1437 : vector<16xf32>
      %add3A_1492 = arith.addf %mul3A_1491, %broadcast_in_dim3A_1441 : vector<16xf32>
      %mul3A_1493 = arith.mulf %add3A_1492, %get3A_159 : vector<16xf32>
      %add3A_1494 = arith.addf %mul3A_1493, %get3A_175 : vector<16xf32>
      %swap3A_1495 = arith.index_cast %add3A_1350 : i32 to index
      %swap3A_1496 = arith.constant 112 : index
      %swap3A_1497 = tpu.vector_load %arg9[%swap3A_1495, %swap3A_1496] {strides = array<i32>} : memref<256x128xf32, #tpu.memory_space<vmem>>, vector<16xf32>,
      tpu.vector_store %arg9[%swap3A_1495, %swap3A_1496], %add3A_1494 {strides = array<i32>} : memref<256x128xf32, #tpu.memory_space<vmem>>, vector<16xf32>,
      %add3A_1498 = arith.constant 192 : i32
      %add3A_1499 = arith.addi %add3A_1498, %add3A_1026 : i32
      %get3A_1500 = arith.index_cast %add3A_1499 : i32 to index
      %get3A_1501 = arith.constant 0 : index
      %get3A_1502 = tpu.vector_load %arg9[%get3A_1500, %get3A_1501] {strides = array<i32>} : memref<256x128xf32, #tpu.memory_space<vmem>>, vector<16xf32>,
      %add3A_1503 = arith.addf %get3A_1502, %get3A_1029 : vector<16xf32>
      %get3A_1504 = arith.index_cast %add3A_1499 : i32 to index
      %get3A_1505 = arith.constant 16 : index
      %get3A_1506 = tpu.vector_load %arg9[%get3A_1504, %get3A_1505] {strides = array<i32>} : memref<256x128xf32, #tpu.memory_space<vmem>>, vector<16xf32>,
      %add3A_1507 = arith.addf %get3A_1506, %get3A_1032 : vector<16xf32>
      %get3A_1508 = arith.index_cast %add3A_1499 : i32 to index
      %get3A_1509 = arith.constant 32 : index
      %get3A_1510 = tpu.vector_load %arg9[%get3A_1508, %get3A_1509] {strides = array<i32>} : memref<256x128xf32, #tpu.memory_space<vmem>>, vector<16xf32>,
      %add3A_1511 = arith.addf %get3A_1510, %get3A_1035 : vector<16xf32>
      %get3A_1512 = arith.index_cast %add3A_1499 : i32 to index
      %get3A_1513 = arith.constant 48 : index
      %get3A_1514 = tpu.vector_load %arg9[%get3A_1512, %get3A_1513] {strides = array<i32>} : memref<256x128xf32, #tpu.memory_space<vmem>>, vector<16xf32>,
      %add3A_1515 = arith.addf %get3A_1514, %get3A_1038 : vector<16xf32>
      %get3A_1516 = arith.index_cast %add3A_1499 : i32 to index
      %get3A_1517 = arith.constant 64 : index
      %get3A_1518 = tpu.vector_load %arg9[%get3A_1516, %get3A_1517] {strides = array<i32>} : memref<256x128xf32, #tpu.memory_space<vmem>>, vector<16xf32>,
      %add3A_1519 = arith.addf %get3A_1518, %get3A_1041 : vector<16xf32>
      %get3A_1520 = arith.index_cast %add3A_1499 : i32 to index
      %get3A_1521 = arith.constant 80 : index
      %get3A_1522 = tpu.vector_load %arg9[%get3A_1520, %get3A_1521] {strides = array<i32>} : memref<256x128xf32, #tpu.memory_space<vmem>>, vector<16xf32>,
      %add3A_1523 = arith.addf %get3A_1522, %get3A_1044 : vector<16xf32>
      %get3A_1524 = arith.index_cast %add3A_1499 : i32 to index
      %get3A_1525 = arith.constant 96 : index
      %get3A_1526 = tpu.vector_load %arg9[%get3A_1524, %get3A_1525] {strides = array<i32>} : memref<256x128xf32, #tpu.memory_space<vmem>>, vector<16xf32>,
      %add3A_1527 = arith.addf %get3A_1526, %get3A_1047 : vector<16xf32>
      %get3A_1528 = arith.index_cast %add3A_1499 : i32 to index
      %get3A_1529 = arith.constant 112 : index
      %get3A_1530 = tpu.vector_load %arg9[%get3A_1528, %get3A_1529] {strides = array<i32>} : memref<256x128xf32, #tpu.memory_space<vmem>>, vector<16xf32>,
      %add3A_1531 = arith.addf %get3A_1530, %get3A_1050 : vector<16xf32>
      %add3A_1532 = arith.addf %add3A_1503, %add3A_1507 : vector<16xf32>
      %add3A_1533 = arith.addf %add3A_1511, %add3A_1515 : vector<16xf32>
      %add3A_1534 = arith.addf %add3A_1519, %add3A_1523 : vector<16xf32>
      %add3A_1535 = arith.addf %add3A_1527, %add3A_1531 : vector<16xf32>
      %add3A_1536 = arith.addf %add3A_1532, %add3A_1533 : vector<16xf32>
      %add3A_1537 = arith.addf %add3A_1534, %add3A_1535 : vector<16xf32>
      %add3A_1538 = arith.addf %add3A_1536, %add3A_1537 : vector<16xf32>
      %mul3A_1539 = arith.mulf %add3A_1503, %add3A_1503 : vector<16xf32>
      %mul3A_1540 = arith.mulf %add3A_1507, %add3A_1507 : vector<16xf32>
      %mul3A_1541 = arith.mulf %add3A_1511, %add3A_1511 : vector<16xf32>
      %mul3A_1542 = arith.mulf %add3A_1515, %add3A_1515 : vector<16xf32>
      %mul3A_1543 = arith.mulf %add3A_1519, %add3A_1519 : vector<16xf32>
      %mul3A_1544 = arith.mulf %add3A_1523, %add3A_1523 : vector<16xf32>
      %mul3A_1545 = arith.mulf %add3A_1527, %add3A_1527 : vector<16xf32>
      %mul3A_1546 = arith.mulf %add3A_1531, %add3A_1531 : vector<16xf32>
      %add3A_1547 = arith.addf %mul3A_1539, %mul3A_1540 : vector<16xf32>
      %add3A_1548 = arith.addf %mul3A_1541, %mul3A_1542 : vector<16xf32>
      %add3A_1549 = arith.addf %mul3A_1543, %mul3A_1544 : vector<16xf32>
      %add3A_1550 = arith.addf %mul3A_1545, %mul3A_1546 : vector<16xf32>
      %add3A_1551 = arith.addf %add3A_1547, %add3A_1548 : vector<16xf32>
      %add3A_1552 = arith.addf %add3A_1549, %add3A_1550 : vector<16xf32>
      %add3A_1553 = arith.addf %add3A_1551, %add3A_1552 : vector<16xf32>
      %reduce_sum3A_1554 = arith.constant true
      %reduce_sum3A_1555 = vector.broadcast %reduce_sum3A_1554 : i1 to vector<16xi1>
      %reduce_sum3A_1556 = tpu.scan <sum>, %add3A_1538 masked %reduce_sum3A_1555 : vector<16xf32>, vector<16xi1> -> vector<16xf32>
      %reduce_sum3A_1557 = vector.extract %reduce_sum3A_1556[15] : f32 from vector<16xf32>
      %mul3A_1558 = arith.mulf %reduce_sum3A_1557, %scan3A_233 : f32
      %reduce_sum3A_1559 = arith.constant true
      %reduce_sum3A_1560 = vector.broadcast %reduce_sum3A_1559 : i1 to vector<16xi1>
      %reduce_sum3A_1561 = tpu.scan <sum>, %add3A_1553 masked %reduce_sum3A_1560 : vector<16xf32>, vector<16xi1> -> vector<16xf32>
      %reduce_sum3A_1562 = vector.extract %reduce_sum3A_1561[15] : f32 from vector<16xf32>
      %mul3A_1563 = arith.mulf %reduce_sum3A_1562, %scan3A_233 : f32
      %mul3A_1564 = arith.mulf %mul3A_1558, %mul3A_1558 : f32
      %sub3A_1565 = arith.subf %mul3A_1563, %mul3A_1564 : f32
      %add3A_1566 = arith.constant 9.99999974E-6 : f32
      %add3A_1567 = arith.addf %sub3A_1565, %add3A_1566 : f32
      %bitcast_convert_type3A_1568 = arith.bitcast %add3A_1567 : f32 to i32
      %shift_right_arithmetic3A_1569 = arith.constant 1 : i32
      %shift_right_arithmetic3A_1570 = arith.shrsi %bitcast_convert_type3A_1568, %shift_right_arithmetic3A_1569 : i32
      %sub3A_1571 = arith.constant 1597463007 : i32
      %sub3A_1572 = arith.subi %sub3A_1571, %shift_right_arithmetic3A_1570 : i32
      %bitcast_convert_type3A_1573 = arith.bitcast %sub3A_1572 : i32 to f32
      %mul3A_1574 = arith.constant 5.000000e-01 : f32
      %mul3A_1575 = arith.mulf %mul3A_1574, %add3A_1567 : f32
      %mul3A_1576 = arith.mulf %mul3A_1575, %bitcast_convert_type3A_1573 : f32
      %mul3A_1577 = arith.mulf %mul3A_1576, %bitcast_convert_type3A_1573 : f32
      %sub3A_1578 = arith.constant 1.500000e+00 : f32
      %sub3A_1579 = arith.subf %sub3A_1578, %mul3A_1577 : f32
      %mul3A_1580 = arith.mulf %bitcast_convert_type3A_1573, %sub3A_1579 : f32
      %mul3A_1581 = arith.mulf %mul3A_1575, %mul3A_1580 : f32
      %mul3A_1582 = arith.mulf %mul3A_1581, %mul3A_1580 : f32
      %sub3A_1583 = arith.constant 1.500000e+00 : f32
      %sub3A_1584 = arith.subf %sub3A_1583, %mul3A_1582 : f32
      %mul3A_1585 = arith.mulf %mul3A_1580, %sub3A_1584 : f32
      %broadcast_in_dim3A_1586 = vector.broadcast %mul3A_1585 : f32 to vector<16xf32>
      %neg3A_1587 = arith.constant 0.000000e+00 : f32
      %neg3A_1588 = arith.subf %neg3A_1587, %mul3A_1558 : f32
      %mul3A_1589 = arith.mulf %neg3A_1588, %mul3A_1585 : f32
      %broadcast_in_dim3A_1590 = vector.broadcast %mul3A_1589 : f32 to vector<16xf32>
      %mul3A_1591 = arith.mulf %add3A_1503, %broadcast_in_dim3A_1586 : vector<16xf32>
      %add3A_1592 = arith.addf %mul3A_1591, %broadcast_in_dim3A_1590 : vector<16xf32>
      %mul3A_1593 = arith.mulf %add3A_1592, %get3A_145 : vector<16xf32>
      %add3A_1594 = arith.addf %mul3A_1593, %get3A_161 : vector<16xf32>
      %swap3A_1595 = arith.index_cast %add3A_1499 : i32 to index
      %swap3A_1596 = arith.constant 0 : index
      %swap3A_1597 = tpu.vector_load %arg9[%swap3A_1595, %swap3A_1596] {strides = array<i32>} : memref<256x128xf32, #tpu.memory_space<vmem>>, vector<16xf32>,
      tpu.vector_store %arg9[%swap3A_1595, %swap3A_1596], %add3A_1594 {strides = array<i32>} : memref<256x128xf32, #tpu.memory_space<vmem>>, vector<16xf32>,
      %mul3A_1598 = arith.mulf %add3A_1507, %broadcast_in_dim3A_1586 : vector<16xf32>
      %add3A_1599 = arith.addf %mul3A_1598, %broadcast_in_dim3A_1590 : vector<16xf32>
      %mul3A_1600 = arith.mulf %add3A_1599, %get3A_147 : vector<16xf32>
      %add3A_1601 = arith.addf %mul3A_1600, %get3A_163 : vector<16xf32>
      %swap3A_1602 = arith.index_cast %add3A_1499 : i32 to index
      %swap3A_1603 = arith.constant 16 : index
      %swap3A_1604 = tpu.vector_load %arg9[%swap3A_1602, %swap3A_1603] {strides = array<i32>} : memref<256x128xf32, #tpu.memory_space<vmem>>, vector<16xf32>,
      tpu.vector_store %arg9[%swap3A_1602, %swap3A_1603], %add3A_1601 {strides = array<i32>} : memref<256x128xf32, #tpu.memory_space<vmem>>, vector<16xf32>,
      %mul3A_1605 = arith.mulf %add3A_1511, %broadcast_in_dim3A_1586 : vector<16xf32>
      %add3A_1606 = arith.addf %mul3A_1605, %broadcast_in_dim3A_1590 : vector<16xf32>
      %mul3A_1607 = arith.mulf %add3A_1606, %get3A_149 : vector<16xf32>
      %add3A_1608 = arith.addf %mul3A_1607, %get3A_165 : vector<16xf32>
      %swap3A_1609 = arith.index_cast %add3A_1499 : i32 to index
      %swap3A_1610 = arith.constant 32 : index
      %swap3A_1611 = tpu.vector_load %arg9[%swap3A_1609, %swap3A_1610] {strides = array<i32>} : memref<256x128xf32, #tpu.memory_space<vmem>>, vector<16xf32>,
      tpu.vector_store %arg9[%swap3A_1609, %swap3A_1610], %add3A_1608 {strides = array<i32>} : memref<256x128xf32, #tpu.memory_space<vmem>>, vector<16xf32>,
      %mul3A_1612 = arith.mulf %add3A_1515, %broadcast_in_dim3A_1586 : vector<16xf32>
      %add3A_1613 = arith.addf %mul3A_1612, %broadcast_in_dim3A_1590 : vector<16xf32>
      %mul3A_1614 = arith.mulf %add3A_1613, %get3A_151 : vector<16xf32>
      %add3A_1615 = arith.addf %mul3A_1614, %get3A_167 : vector<16xf32>
      %swap3A_1616 = arith.index_cast %add3A_1499 : i32 to index
      %swap3A_1617 = arith.constant 48 : index
      %swap3A_1618 = tpu.vector_load %arg9[%swap3A_1616, %swap3A_1617] {strides = array<i32>} : memref<256x128xf32, #tpu.memory_space<vmem>>, vector<16xf32>,
      tpu.vector_store %arg9[%swap3A_1616, %swap3A_1617], %add3A_1615 {strides = array<i32>} : memref<256x128xf32, #tpu.memory_space<vmem>>, vector<16xf32>,
      %mul3A_1619 = arith.mulf %add3A_1519, %broadcast_in_dim3A_1586 : vector<16xf32>
      %add3A_1620 = arith.addf %mul3A_1619, %broadcast_in_dim3A_1590 : vector<16xf32>
      %mul3A_1621 = arith.mulf %add3A_1620, %get3A_153 : vector<16xf32>
      %add3A_1622 = arith.addf %mul3A_1621, %get3A_169 : vector<16xf32>
      %swap3A_1623 = arith.index_cast %add3A_1499 : i32 to index
      %swap3A_1624 = arith.constant 64 : index
      %swap3A_1625 = tpu.vector_load %arg9[%swap3A_1623, %swap3A_1624] {strides = array<i32>} : memref<256x128xf32, #tpu.memory_space<vmem>>, vector<16xf32>,
      tpu.vector_store %arg9[%swap3A_1623, %swap3A_1624], %add3A_1622 {strides = array<i32>} : memref<256x128xf32, #tpu.memory_space<vmem>>, vector<16xf32>,
      %mul3A_1626 = arith.mulf %add3A_1523, %broadcast_in_dim3A_1586 : vector<16xf32>
      %add3A_1627 = arith.addf %mul3A_1626, %broadcast_in_dim3A_1590 : vector<16xf32>
      %mul3A_1628 = arith.mulf %add3A_1627, %get3A_155 : vector<16xf32>
      %add3A_1629 = arith.addf %mul3A_1628, %get3A_171 : vector<16xf32>
      %swap3A_1630 = arith.index_cast %add3A_1499 : i32 to index
      %swap3A_1631 = arith.constant 80 : index
      %swap3A_1632 = tpu.vector_load %arg9[%swap3A_1630, %swap3A_1631] {strides = array<i32>} : memref<256x128xf32, #tpu.memory_space<vmem>>, vector<16xf32>,
      tpu.vector_store %arg9[%swap3A_1630, %swap3A_1631], %add3A_1629 {strides = array<i32>} : memref<256x128xf32, #tpu.memory_space<vmem>>, vector<16xf32>,
      %mul3A_1633 = arith.mulf %add3A_1527, %broadcast_in_dim3A_1586 : vector<16xf32>
      %add3A_1634 = arith.addf %mul3A_1633, %broadcast_in_dim3A_1590 : vector<16xf32>
      %mul3A_1635 = arith.mulf %add3A_1634, %get3A_157 : vector<16xf32>
      %add3A_1636 = arith.addf %mul3A_1635, %get3A_173 : vector<16xf32>
      %swap3A_1637 = arith.index_cast %add3A_1499 : i32 to index
      %swap3A_1638 = arith.constant 96 : index
      %swap3A_1639 = tpu.vector_load %arg9[%swap3A_1637, %swap3A_1638] {strides = array<i32>} : memref<256x128xf32, #tpu.memory_space<vmem>>, vector<16xf32>,
      tpu.vector_store %arg9[%swap3A_1637, %swap3A_1638], %add3A_1636 {strides = array<i32>} : memref<256x128xf32, #tpu.memory_space<vmem>>, vector<16xf32>,
      %mul3A_1640 = arith.mulf %add3A_1531, %broadcast_in_dim3A_1586 : vector<16xf32>
      %add3A_1641 = arith.addf %mul3A_1640, %broadcast_in_dim3A_1590 : vector<16xf32>
      %mul3A_1642 = arith.mulf %add3A_1641, %get3A_159 : vector<16xf32>
      %add3A_1643 = arith.addf %mul3A_1642, %get3A_175 : vector<16xf32>
      %swap3A_1644 = arith.index_cast %add3A_1499 : i32 to index
      %swap3A_1645 = arith.constant 112 : index
      %swap3A_1646 = tpu.vector_load %arg9[%swap3A_1644, %swap3A_1645] {strides = array<i32>} : memref<256x128xf32, #tpu.memory_space<vmem>>, vector<16xf32>,
      tpu.vector_store %arg9[%swap3A_1644, %swap3A_1645], %add3A_1643 {strides = array<i32>} : memref<256x128xf32, #tpu.memory_space<vmem>>, vector<16xf32>,
    }
    %scan3A_238 = arith.constant 32 : i32
    %add3A_239 = arith.constant 32 : i32
    %add3A_240 = arith.addi %mul3A_2, %add3A_239 : i32
    %dma_start3A_241 = arith.constant 0 : i32
    %dma_start3A_242 = arith.constant 32 : i32
    %dma_start3A_243 = arith.constant 0 : i32
    %dma_start3A_244 = tpu.memref_slice %arg9[%dma_start3A_242, %dma_start3A_243] : memref<256x128xf32, #tpu.memory_space<vmem>> -> memref<32x128xf32, #tpu.memory_space<vmem>>
    %dma_start3A_245 = arith.constant 0 : i32
    %dma_start3A_246 = tpu.memref_slice %arg7[%dma_start3A_241, %add3A_240, %dma_start3A_245] : memref<4x2048x128xf32, #tpu.memory_space<hbm>> -> memref<1x32x128xf32, #tpu.memory_space<hbm>>
    %dma_start3A_247 = tpu.memref_squeeze %dma_start3A_246 : memref<1x32x128xf32, #tpu.memory_space<hbm>> -> memref<32x128xf32, #tpu.memory_space<hbm>>
    %dma_start3A_248 = arith.constant 0 : i32
    %dma_start3A_249 = tpu.memref_slice %arg7[%dma_start3A_241, %add3A_240, %dma_start3A_248] : memref<4x2048x128xf32, #tpu.memory_space<hbm>> -> memref<1x32x128xf32, #tpu.memory_space<hbm>>
    %dma_start3A_250 = tpu.memref_squeeze %dma_start3A_249 : memref<1x32x128xf32, #tpu.memory_space<hbm>> -> memref<32x128xf32, #tpu.memory_space<hbm>>
    %dma_start3A_251 = arith.constant 32 : i32
    %dma_start3A_252 = arith.constant 0 : i32
    %dma_start3A_253 = tpu.memref_slice %arg9[%dma_start3A_251, %dma_start3A_252] : memref<256x128xf32, #tpu.memory_space<vmem>> -> memref<32x128xf32, #tpu.memory_space<vmem>>
    tpu.enqueue_dma source(%dma_start3A_253 : memref<32x128xf32, #tpu.memory_space<vmem>>) target(%dma_start3A_250 : memref<32x128xf32, #tpu.memory_space<hbm>>) target_semaphore(%arg15 : memref<!tpu.dma_semaphore, #tpu.memory_space<semaphore_mem>>)
    %add3A_254 = arith.constant 32 : i32
    %add3A_255 = arith.addi %mul3A_2, %add3A_254 : i32
    %dma_start3A_256 = arith.constant 1 : i32
    %dma_start3A_257 = arith.constant 96 : i32
    %dma_start3A_258 = arith.constant 0 : i32
    %dma_start3A_259 = tpu.memref_slice %arg9[%dma_start3A_257, %dma_start3A_258] : memref<256x128xf32, #tpu.memory_space<vmem>> -> memref<32x128xf32, #tpu.memory_space<vmem>>
    %dma_start3A_260 = arith.constant 0 : i32
    %dma_start3A_261 = tpu.memref_slice %arg7[%dma_start3A_256, %add3A_255, %dma_start3A_260] : memref<4x2048x128xf32, #tpu.memory_space<hbm>> -> memref<1x32x128xf32, #tpu.memory_space<hbm>>
    %dma_start3A_262 = tpu.memref_squeeze %dma_start3A_261 : memref<1x32x128xf32, #tpu.memory_space<hbm>> -> memref<32x128xf32, #tpu.memory_space<hbm>>
    %dma_start3A_263 = arith.constant 0 : i32
    %dma_start3A_264 = tpu.memref_slice %arg7[%dma_start3A_256, %add3A_255, %dma_start3A_263] : memref<4x2048x128xf32, #tpu.memory_space<hbm>> -> memref<1x32x128xf32, #tpu.memory_space<hbm>>
    %dma_start3A_265 = tpu.memref_squeeze %dma_start3A_264 : memref<1x32x128xf32, #tpu.memory_space<hbm>> -> memref<32x128xf32, #tpu.memory_space<hbm>>
    %dma_start3A_266 = arith.constant 96 : i32
    %dma_start3A_267 = arith.constant 0 : i32
    %dma_start3A_268 = tpu.memref_slice %arg9[%dma_start3A_266, %dma_start3A_267] : memref<256x128xf32, #tpu.memory_space<vmem>> -> memref<32x128xf32, #tpu.memory_space<vmem>>
    tpu.enqueue_dma source(%dma_start3A_268 : memref<32x128xf32, #tpu.memory_space<vmem>>) target(%dma_start3A_265 : memref<32x128xf32, #tpu.memory_space<hbm>>) target_semaphore(%arg15 : memref<!tpu.dma_semaphore, #tpu.memory_space<semaphore_mem>>)
    %add3A_269 = arith.constant 32 : i32
    %add3A_270 = arith.addi %mul3A_2, %add3A_269 : i32
    %dma_start3A_271 = arith.constant 2 : i32
    %dma_start3A_272 = arith.constant 160 : i32
    %dma_start3A_273 = arith.constant 0 : i32
    %dma_start3A_274 = tpu.memref_slice %arg9[%dma_start3A_272, %dma_start3A_273] : memref<256x128xf32, #tpu.memory_space<vmem>> -> memref<32x128xf32, #tpu.memory_space<vmem>>
    %dma_start3A_275 = arith.constant 0 : i32
    %dma_start3A_276 = tpu.memref_slice %arg7[%dma_start3A_271, %add3A_270, %dma_start3A_275] : memref<4x2048x128xf32, #tpu.memory_space<hbm>> -> memref<1x32x128xf32, #tpu.memory_space<hbm>>
    %dma_start3A_277 = tpu.memref_squeeze %dma_start3A_276 : memref<1x32x128xf32, #tpu.memory_space<hbm>> -> memref<32x128xf32, #tpu.memory_space<hbm>>
    %dma_start3A_278 = arith.constant 0 : i32
    %dma_start3A_279 = tpu.memref_slice %arg7[%dma_start3A_271, %add3A_270, %dma_start3A_278] : memref<4x2048x128xf32, #tpu.memory_space<hbm>> -> memref<1x32x128xf32, #tpu.memory_space<hbm>>
    %dma_start3A_280 = tpu.memref_squeeze %dma_start3A_279 : memref<1x32x128xf32, #tpu.memory_space<hbm>> -> memref<32x128xf32, #tpu.memory_space<hbm>>
    %dma_start3A_281 = arith.constant 160 : i32
    %dma_start3A_282 = arith.constant 0 : i32
    %dma_start3A_283 = tpu.memref_slice %arg9[%dma_start3A_281, %dma_start3A_282] : memref<256x128xf32, #tpu.memory_space<vmem>> -> memref<32x128xf32, #tpu.memory_space<vmem>>
    tpu.enqueue_dma source(%dma_start3A_283 : memref<32x128xf32, #tpu.memory_space<vmem>>) target(%dma_start3A_280 : memref<32x128xf32, #tpu.memory_space<hbm>>) target_semaphore(%arg15 : memref<!tpu.dma_semaphore, #tpu.memory_space<semaphore_mem>>)
    %add3A_284 = arith.constant 32 : i32
    %add3A_285 = arith.addi %mul3A_2, %add3A_284 : i32
    %dma_start3A_286 = arith.constant 3 : i32
    %dma_start3A_287 = arith.constant 224 : i32
    %dma_start3A_288 = arith.constant 0 : i32
    %dma_start3A_289 = tpu.memref_slice %arg9[%dma_start3A_287, %dma_start3A_288] : memref<256x128xf32, #tpu.memory_space<vmem>> -> memref<32x128xf32, #tpu.memory_space<vmem>>
    %dma_start3A_290 = arith.constant 0 : i32
    %dma_start3A_291 = tpu.memref_slice %arg7[%dma_start3A_286, %add3A_285, %dma_start3A_290] : memref<4x2048x128xf32, #tpu.memory_space<hbm>> -> memref<1x32x128xf32, #tpu.memory_space<hbm>>
    %dma_start3A_292 = tpu.memref_squeeze %dma_start3A_291 : memref<1x32x128xf32, #tpu.memory_space<hbm>> -> memref<32x128xf32, #tpu.memory_space<hbm>>
    %dma_start3A_293 = arith.constant 0 : i32
    %dma_start3A_294 = tpu.memref_slice %arg7[%dma_start3A_286, %add3A_285, %dma_start3A_293] : memref<4x2048x128xf32, #tpu.memory_space<hbm>> -> memref<1x32x128xf32, #tpu.memory_space<hbm>>
    %dma_start3A_295 = tpu.memref_squeeze %dma_start3A_294 : memref<1x32x128xf32, #tpu.memory_space<hbm>> -> memref<32x128xf32, #tpu.memory_space<hbm>>
    %dma_start3A_296 = arith.constant 224 : i32
    %dma_start3A_297 = arith.constant 0 : i32
    %dma_start3A_298 = tpu.memref_slice %arg9[%dma_start3A_296, %dma_start3A_297] : memref<256x128xf32, #tpu.memory_space<vmem>> -> memref<32x128xf32, #tpu.memory_space<vmem>>
    tpu.enqueue_dma source(%dma_start3A_298 : memref<32x128xf32, #tpu.memory_space<vmem>>) target(%dma_start3A_295 : memref<32x128xf32, #tpu.memory_space<hbm>>) target_semaphore(%arg15 : memref<!tpu.dma_semaphore, #tpu.memory_space<semaphore_mem>>)
    %dma_wait3A_299 = arith.constant 0 : i32
    %dma_wait3A_300 = arith.constant 0 : i32
    %dma_wait3A_301 = arith.constant 0 : i32
    %dma_wait3A_302 = tpu.memref_slice %arg9[%dma_wait3A_300, %dma_wait3A_301] : memref<256x128xf32, #tpu.memory_space<vmem>> -> memref<32x128xf32, #tpu.memory_space<vmem>>
    %dma_wait3A_303 = arith.constant 0 : i32
    %dma_wait3A_304 = tpu.memref_slice %arg7[%dma_wait3A_299, %mul3A_2, %dma_wait3A_303] : memref<4x2048x128xf32, #tpu.memory_space<hbm>> -> memref<1x32x128xf32, #tpu.memory_space<hbm>>
    %dma_wait3A_305 = tpu.memref_squeeze %dma_wait3A_304 : memref<1x32x128xf32, #tpu.memory_space<hbm>> -> memref<32x128xf32, #tpu.memory_space<hbm>>
    %dma_wait3A_306 = arith.constant 0 : i32
    %dma_wait3A_307 = tpu.memref_slice %arg7[%dma_wait3A_299, %mul3A_2, %dma_wait3A_306] : memref<4x2048x128xf32, #tpu.memory_space<hbm>> -> memref<1x32x128xf32, #tpu.memory_space<hbm>>
    %dma_wait3A_308 = tpu.memref_squeeze %dma_wait3A_307 : memref<1x32x128xf32, #tpu.memory_space<hbm>> -> memref<32x128xf32, #tpu.memory_space<hbm>>
    %dma_wait3A_309 = arith.constant 0 : i32
    %dma_wait3A_310 = arith.constant 0 : i32
    %dma_wait3A_311 = tpu.memref_slice %arg9[%dma_wait3A_309, %dma_wait3A_310] : memref<256x128xf32, #tpu.memory_space<vmem>> -> memref<32x128xf32, #tpu.memory_space<vmem>>
    tpu.wait_dma2 semaphore(%arg15 : memref<!tpu.dma_semaphore, #tpu.memory_space<semaphore_mem>>) src(%dma_wait3A_311 : memref<32x128xf32, #tpu.memory_space<vmem>>) dst(%dma_wait3A_308 : memref<32x128xf32, #tpu.memory_space<hbm>>)
    %dma_wait3A_312 = arith.constant 1 : i32
    %dma_wait3A_313 = arith.constant 64 : i32
    %dma_wait3A_314 = arith.constant 0 : i32
    %dma_wait3A_315 = tpu.memref_slice %arg9[%dma_wait3A_313, %dma_wait3A_314] : memref<256x128xf32, #tpu.memory_space<vmem>> -> memref<32x128xf32, #tpu.memory_space<vmem>>
    %dma_wait3A_316 = arith.constant 0 : i32
    %dma_wait3A_317 = tpu.memref_slice %arg7[%dma_wait3A_312, %mul3A_2, %dma_wait3A_316] : memref<4x2048x128xf32, #tpu.memory_space<hbm>> -> memref<1x32x128xf32, #tpu.memory_space<hbm>>
    %dma_wait3A_318 = tpu.memref_squeeze %dma_wait3A_317 : memref<1x32x128xf32, #tpu.memory_space<hbm>> -> memref<32x128xf32, #tpu.memory_space<hbm>>
    %dma_wait3A_319 = arith.constant 0 : i32
    %dma_wait3A_320 = tpu.memref_slice %arg7[%dma_wait3A_312, %mul3A_2, %dma_wait3A_319] : memref<4x2048x128xf32, #tpu.memory_space<hbm>> -> memref<1x32x128xf32, #tpu.memory_space<hbm>>
    %dma_wait3A_321 = tpu.memref_squeeze %dma_wait3A_320 : memref<1x32x128xf32, #tpu.memory_space<hbm>> -> memref<32x128xf32, #tpu.memory_space<hbm>>
    %dma_wait3A_322 = arith.constant 64 : i32
    %dma_wait3A_323 = arith.constant 0 : i32
    %dma_wait3A_324 = tpu.memref_slice %arg9[%dma_wait3A_322, %dma_wait3A_323] : memref<256x128xf32, #tpu.memory_space<vmem>> -> memref<32x128xf32, #tpu.memory_space<vmem>>
    tpu.wait_dma2 semaphore(%arg15 : memref<!tpu.dma_semaphore, #tpu.memory_space<semaphore_mem>>) src(%dma_wait3A_324 : memref<32x128xf32, #tpu.memory_space<vmem>>) dst(%dma_wait3A_321 : memref<32x128xf32, #tpu.memory_space<hbm>>)
    %dma_wait3A_325 = arith.constant 2 : i32
    %dma_wait3A_326 = arith.constant 128 : i32
    %dma_wait3A_327 = arith.constant 0 : i32
    %dma_wait3A_328 = tpu.memref_slice %arg9[%dma_wait3A_326, %dma_wait3A_327] : memref<256x128xf32, #tpu.memory_space<vmem>> -> memref<32x128xf32, #tpu.memory_space<vmem>>
    %dma_wait3A_329 = arith.constant 0 : i32
    %dma_wait3A_330 = tpu.memref_slice %arg7[%dma_wait3A_325, %mul3A_2, %dma_wait3A_329] : memref<4x2048x128xf32, #tpu.memory_space<hbm>> -> memref<1x32x128xf32, #tpu.memory_space<hbm>>
    %dma_wait3A_331 = tpu.memref_squeeze %dma_wait3A_330 : memref<1x32x128xf32, #tpu.memory_space<hbm>> -> memref<32x128xf32, #tpu.memory_space<hbm>>
    %dma_wait3A_332 = arith.constant 0 : i32
    %dma_wait3A_333 = tpu.memref_slice %arg7[%dma_wait3A_325, %mul3A_2, %dma_wait3A_332] : memref<4x2048x128xf32, #tpu.memory_space<hbm>> -> memref<1x32x128xf32, #tpu.memory_space<hbm>>
    %dma_wait3A_334 = tpu.memref_squeeze %dma_wait3A_333 : memref<1x32x128xf32, #tpu.memory_space<hbm>> -> memref<32x128xf32, #tpu.memory_space<hbm>>
    %dma_wait3A_335 = arith.constant 128 : i32
    %dma_wait3A_336 = arith.constant 0 : i32
    %dma_wait3A_337 = tpu.memref_slice %arg9[%dma_wait3A_335, %dma_wait3A_336] : memref<256x128xf32, #tpu.memory_space<vmem>> -> memref<32x128xf32, #tpu.memory_space<vmem>>
    tpu.wait_dma2 semaphore(%arg15 : memref<!tpu.dma_semaphore, #tpu.memory_space<semaphore_mem>>) src(%dma_wait3A_337 : memref<32x128xf32, #tpu.memory_space<vmem>>) dst(%dma_wait3A_334 : memref<32x128xf32, #tpu.memory_space<hbm>>)
    %dma_wait3A_338 = arith.constant 3 : i32
    %dma_wait3A_339 = arith.constant 192 : i32
    %dma_wait3A_340 = arith.constant 0 : i32
    %dma_wait3A_341 = tpu.memref_slice %arg9[%dma_wait3A_339, %dma_wait3A_340] : memref<256x128xf32, #tpu.memory_space<vmem>> -> memref<32x128xf32, #tpu.memory_space<vmem>>
    %dma_wait3A_342 = arith.constant 0 : i32
    %dma_wait3A_343 = tpu.memref_slice %arg7[%dma_wait3A_338, %mul3A_2, %dma_wait3A_342] : memref<4x2048x128xf32, #tpu.memory_space<hbm>> -> memref<1x32x128xf32, #tpu.memory_space<hbm>>
    %dma_wait3A_344 = tpu.memref_squeeze %dma_wait3A_343 : memref<1x32x128xf32, #tpu.memory_space<hbm>> -> memref<32x128xf32, #tpu.memory_space<hbm>>
    %dma_wait3A_345 = arith.constant 0 : i32
    %dma_wait3A_346 = tpu.memref_slice %arg7[%dma_wait3A_338, %mul3A_2, %dma_wait3A_345] : memref<4x2048x128xf32, #tpu.memory_space<hbm>> -> memref<1x32x128xf32, #tpu.memory_space<hbm>>
    %dma_wait3A_347 = tpu.memref_squeeze %dma_wait3A_346 : memref<1x32x128xf32, #tpu.memory_space<hbm>> -> memref<32x128xf32, #tpu.memory_space<hbm>>
    %dma_wait3A_348 = arith.constant 192 : i32
    %dma_wait3A_349 = arith.constant 0 : i32
    %dma_wait3A_350 = tpu.memref_slice %arg9[%dma_wait3A_348, %dma_wait3A_349] : memref<256x128xf32, #tpu.memory_space<vmem>> -> memref<32x128xf32, #tpu.memory_space<vmem>>
    tpu.wait_dma2 semaphore(%arg15 : memref<!tpu.dma_semaphore, #tpu.memory_space<semaphore_mem>>) src(%dma_wait3A_350 : memref<32x128xf32, #tpu.memory_space<vmem>>) dst(%dma_wait3A_347 : memref<32x128xf32, #tpu.memory_space<hbm>>)
    %dma_wait3A_351 = arith.constant 0 : i32
    %dma_wait3A_352 = arith.constant 32 : i32
    %dma_wait3A_353 = arith.constant 0 : i32
    %dma_wait3A_354 = tpu.memref_slice %arg9[%dma_wait3A_352, %dma_wait3A_353] : memref<256x128xf32, #tpu.memory_space<vmem>> -> memref<32x128xf32, #tpu.memory_space<vmem>>
    %dma_wait3A_355 = arith.constant 0 : i32
    %dma_wait3A_356 = tpu.memref_slice %arg7[%dma_wait3A_351, %add3A_240, %dma_wait3A_355] : memref<4x2048x128xf32, #tpu.memory_space<hbm>> -> memref<1x32x128xf32, #tpu.memory_space<hbm>>
    %dma_wait3A_357 = tpu.memref_squeeze %dma_wait3A_356 : memref<1x32x128xf32, #tpu.memory_space<hbm>> -> memref<32x128xf32, #tpu.memory_space<hbm>>
    %dma_wait3A_358 = arith.constant 0 : i32
    %dma_wait3A_359 = tpu.memref_slice %arg7[%dma_wait3A_351, %add3A_240, %dma_wait3A_358] : memref<4x2048x128xf32, #tpu.memory_space<hbm>> -> memref<1x32x128xf32, #tpu.memory_space<hbm>>
    %dma_wait3A_360 = tpu.memref_squeeze %dma_wait3A_359 : memref<1x32x128xf32, #tpu.memory_space<hbm>> -> memref<32x128xf32, #tpu.memory_space<hbm>>
    %dma_wait3A_361 = arith.constant 32 : i32
    %dma_wait3A_362 = arith.constant 0 : i32
    %dma_wait3A_363 = tpu.memref_slice %arg9[%dma_wait3A_361, %dma_wait3A_362] : memref<256x128xf32, #tpu.memory_space<vmem>> -> memref<32x128xf32, #tpu.memory_space<vmem>>
    tpu.wait_dma2 semaphore(%arg15 : memref<!tpu.dma_semaphore, #tpu.memory_space<semaphore_mem>>) src(%dma_wait3A_363 : memref<32x128xf32, #tpu.memory_space<vmem>>) dst(%dma_wait3A_360 : memref<32x128xf32, #tpu.memory_space<hbm>>)
    %dma_wait3A_364 = arith.constant 1 : i32
    %dma_wait3A_365 = arith.constant 96 : i32
    %dma_wait3A_366 = arith.constant 0 : i32
    %dma_wait3A_367 = tpu.memref_slice %arg9[%dma_wait3A_365, %dma_wait3A_366] : memref<256x128xf32, #tpu.memory_space<vmem>> -> memref<32x128xf32, #tpu.memory_space<vmem>>
    %dma_wait3A_368 = arith.constant 0 : i32
    %dma_wait3A_369 = tpu.memref_slice %arg7[%dma_wait3A_364, %add3A_255, %dma_wait3A_368] : memref<4x2048x128xf32, #tpu.memory_space<hbm>> -> memref<1x32x128xf32, #tpu.memory_space<hbm>>
    %dma_wait3A_370 = tpu.memref_squeeze %dma_wait3A_369 : memref<1x32x128xf32, #tpu.memory_space<hbm>> -> memref<32x128xf32, #tpu.memory_space<hbm>>
    %dma_wait3A_371 = arith.constant 0 : i32
    %dma_wait3A_372 = tpu.memref_slice %arg7[%dma_wait3A_364, %add3A_255, %dma_wait3A_371] : memref<4x2048x128xf32, #tpu.memory_space<hbm>> -> memref<1x32x128xf32, #tpu.memory_space<hbm>>
    %dma_wait3A_373 = tpu.memref_squeeze %dma_wait3A_372 : memref<1x32x128xf32, #tpu.memory_space<hbm>> -> memref<32x128xf32, #tpu.memory_space<hbm>>
    %dma_wait3A_374 = arith.constant 96 : i32
    %dma_wait3A_375 = arith.constant 0 : i32
    %dma_wait3A_376 = tpu.memref_slice %arg9[%dma_wait3A_374, %dma_wait3A_375] : memref<256x128xf32, #tpu.memory_space<vmem>> -> memref<32x128xf32, #tpu.memory_space<vmem>>
    tpu.wait_dma2 semaphore(%arg15 : memref<!tpu.dma_semaphore, #tpu.memory_space<semaphore_mem>>) src(%dma_wait3A_376 : memref<32x128xf32, #tpu.memory_space<vmem>>) dst(%dma_wait3A_373 : memref<32x128xf32, #tpu.memory_space<hbm>>)
    %dma_wait3A_377 = arith.constant 2 : i32
    %dma_wait3A_378 = arith.constant 160 : i32
    %dma_wait3A_379 = arith.constant 0 : i32
    %dma_wait3A_380 = tpu.memref_slice %arg9[%dma_wait3A_378, %dma_wait3A_379] : memref<256x128xf32, #tpu.memory_space<vmem>> -> memref<32x128xf32, #tpu.memory_space<vmem>>
    %dma_wait3A_381 = arith.constant 0 : i32
    %dma_wait3A_382 = tpu.memref_slice %arg7[%dma_wait3A_377, %add3A_270, %dma_wait3A_381] : memref<4x2048x128xf32, #tpu.memory_space<hbm>> -> memref<1x32x128xf32, #tpu.memory_space<hbm>>
    %dma_wait3A_383 = tpu.memref_squeeze %dma_wait3A_382 : memref<1x32x128xf32, #tpu.memory_space<hbm>> -> memref<32x128xf32, #tpu.memory_space<hbm>>
    %dma_wait3A_384 = arith.constant 0 : i32
    %dma_wait3A_385 = tpu.memref_slice %arg7[%dma_wait3A_377, %add3A_270, %dma_wait3A_384] : memref<4x2048x128xf32, #tpu.memory_space<hbm>> -> memref<1x32x128xf32, #tpu.memory_space<hbm>>
    %dma_wait3A_386 = tpu.memref_squeeze %dma_wait3A_385 : memref<1x32x128xf32, #tpu.memory_space<hbm>> -> memref<32x128xf32, #tpu.memory_space<hbm>>
    %dma_wait3A_387 = arith.constant 160 : i32
    %dma_wait3A_388 = arith.constant 0 : i32
    %dma_wait3A_389 = tpu.memref_slice %arg9[%dma_wait3A_387, %dma_wait3A_388] : memref<256x128xf32, #tpu.memory_space<vmem>> -> memref<32x128xf32, #tpu.memory_space<vmem>>
    tpu.wait_dma2 semaphore(%arg15 : memref<!tpu.dma_semaphore, #tpu.memory_space<semaphore_mem>>) src(%dma_wait3A_389 : memref<32x128xf32, #tpu.memory_space<vmem>>) dst(%dma_wait3A_386 : memref<32x128xf32, #tpu.memory_space<hbm>>)
    %dma_wait3A_390 = arith.constant 3 : i32
    %dma_wait3A_391 = arith.constant 224 : i32
    %dma_wait3A_392 = arith.constant 0 : i32
    %dma_wait3A_393 = tpu.memref_slice %arg9[%dma_wait3A_391, %dma_wait3A_392] : memref<256x128xf32, #tpu.memory_space<vmem>> -> memref<32x128xf32, #tpu.memory_space<vmem>>
    %dma_wait3A_394 = arith.constant 0 : i32
    %dma_wait3A_395 = tpu.memref_slice %arg7[%dma_wait3A_390, %add3A_285, %dma_wait3A_394] : memref<4x2048x128xf32, #tpu.memory_space<hbm>> -> memref<1x32x128xf32, #tpu.memory_space<hbm>>
    %dma_wait3A_396 = tpu.memref_squeeze %dma_wait3A_395 : memref<1x32x128xf32, #tpu.memory_space<hbm>> -> memref<32x128xf32, #tpu.memory_space<hbm>>
    %dma_wait3A_397 = arith.constant 0 : i32
    %dma_wait3A_398 = tpu.memref_slice %arg7[%dma_wait3A_390, %add3A_285, %dma_wait3A_397] : memref<4x2048x128xf32, #tpu.memory_space<hbm>> -> memref<1x32x128xf32, #tpu.memory_space<hbm>>
    %dma_wait3A_399 = tpu.memref_squeeze %dma_wait3A_398 : memref<1x32x128xf32, #tpu.memory_space<hbm>> -> memref<32x128xf32, #tpu.memory_space<hbm>>
    %dma_wait3A_400 = arith.constant 224 : i32
    %dma_wait3A_401 = arith.constant 0 : i32
    %dma_wait3A_402 = tpu.memref_slice %arg9[%dma_wait3A_400, %dma_wait3A_401] : memref<256x128xf32, #tpu.memory_space<vmem>> -> memref<32x128xf32, #tpu.memory_space<vmem>>
    tpu.wait_dma2 semaphore(%arg15 : memref<!tpu.dma_semaphore, #tpu.memory_space<semaphore_mem>>) src(%dma_wait3A_402 : memref<32x128xf32, #tpu.memory_space<vmem>>) dst(%dma_wait3A_399 : memref<32x128xf32, #tpu.memory_space<hbm>>)
    return
  }
}

</mosaic_0001>

<sc_bundles>
// kernel: kernel.3.cloned.1.call-start
scs
__scs_entry_jumppad:
0x0: {  	(pc) =	sbr.rel $0x88, $3  }
0x1: {  	(tag) =	ssettag $0x0;
	lr =	simm.s32 $0x1  }
0x2: {  	[smem:$0x3F9C] =	sst lr;
	_ =	strace $0xD0000000  }
0x3: {  	_ = 	snop  }
0x4: {  	_ = 	snop  }
0x5: {  	_ = 	snop  }
0x6: {  	_ = 	snop  }
0x7: {  	_ = 	snop  }
__scs_overlays_trampoline_lowered:
0x8: {  	[smem:$0x3FAB] =	sst s0  }
0x9: {  	[smem:$0x3FAC] =	sst s1  }
0xa: {  	[smem:$0x3FAD] =	sst s2  }
0xb: {  	[smem:$0x3FAE] =	sst s3  }
0xc: {  	[smem:$0x3FAF] =	sst s4  }
0xd: {  	[smem:$0x3FB0] =	sst s5  }
0xe: {  	[smem:$0x3FB1] =	sst s6  }
0xf: {  	[smem:$0x3FB2] =	sst s7  }
0x10: {  	[smem:$0x3FB3] =	sst s8  }
0x11: {  	[smem:$0x3FB4] =	sst s9;
	s0 =	simm.s32 @!p0 $0x0  }
0x12: {  	s1 =	sld [smem:$0x3F9A];
	s0 =	simm.s32 @p0 $0x1  }
0x13: {  	[smem:$0x3FB5] =	sst s0;
	s0 =	simm.s32 @!p1 $0x0  }
0x14: {  	s2 =	sld [smem:$0x3F99];
	s0 =	simm.s32 @p1 $0x1  }
0x15: {  	[smem:$0x3FB6] =	sst s0;
	s0 =	simm.s32 @!p2 $0x0  }
0x16: {  	s3 =	sld [smem:$0x3FDB];
	s0 =	simm.s32 @p2 $0x1  }
0x17: {  	s4 =	simm.s32 $0x1BF5;
	[smem:$0x3FB8] =	sst s0  }
0x18: {  	s0 =	sld [smem:$0x3F9B];
	_ =	swait.ge [sflag:s4], $0x0  }
0x19: {  	s7 =	sld [smem:$0x3F9C]  }
0x1a: {  	s8 =	sadd.s32 $0xFFFFE003, lr  }
0x1b: {  	s9 =	sadd.s32 $0xFFFFFEF7, lr;
	s5 =	simm.s32 $0xFFFFFFFF;
	p2 =	slt.u32 s8, $0xFFFFF086  }
0x1c: {  	p1 =	slt.u32 s9, $0xF7A;
	s5 =	simm.s32 @!p2 $0x0  }
0x1d: {  	s5 =	simm.s32 @p1 $0x1;
	p0 =	seq.s32 s7, s2  }
0x1e: {  	s7 =	smul.u32 @!p0 $0xF7A, s2;
	p2 =	seq.s32 @!p0 s5, $0x0  }
0x1f: {  	s9 =	smul.u32 $0xF7A, s1;
	s8 =	simm.s32 @!p0 $0x1BF5;
	p2 =	por !p2, p0  }
0x20: {  	[sflag:s8] =	ssyncset.s32 @!p0 $0xFFFFF086;
	s6 =	sadd.s32 @!p0 s3, s7;
	s7 =	simm.s32 @!p0 $0x108  }
0x21: {  	s3 =	sadd.s32 s3, s9;
	s6 =	sadd.s32 @!p0 $0x88, s6;
	s7 =	simm.s32 @p2 $0x1082  }
0x22: {  	[simem:s7], [sflag:s8] =	dma.local @!p0 [hbm:s6], $0xF7A  }
0x23: {  	s9 =	sor.u32 $0xD0000000, s2;
	s6 =	simm.s32 $0x108;
	_ =	swait.ge @!p0 [sflag:s8], $0x0  }
0x24: {  	s3 =	sadd.s32 $0x88, s3;
	s6 =	simm.s32 @!p1 $0x1082;
	[sflag:s4] =	ssyncset.s32 $0xFFFFF086  }
0x25: {  	[simem:s6], [sflag:s4] =	dma.local [hbm:s3], $0xF7A  }
0x26: {  	[smem:$0x3F9C] =	sst s1;
	(tag) =	ssettag s2;
	_ =	strace s9  }
0x27: {  	s1 =	sld [smem:$0x3FAC]  }
0x28: {  	s2 =	sld [smem:$0x3FAD]  }
0x29: {  	s4 =	sld [smem:$0x3FAF]  }
0x2a: {  	p0 =	seq.s32 s5, $0x0;
	s5 =	sld [smem:$0x3FB0]  }
0x2b: {  	s6 =	sld [smem:$0x3FB1]  }
0x2c: {  	s7 =	sld [smem:$0x3FB2]  }
0x2d: {  	s3 =	simm.s32 $0x108;
	s8 =	sld [smem:$0x3FB3]  }
0x2e: {  	s3 =	simm.s32 @!p0 $0x1082;
	s9 =	sld [smem:$0x3FB4]  }
0x2f: {  	lr =	sadd.s32 s0, s3;
	s0 =	sld [smem:$0x3FAB]  }
0x30: {  	s3 =	sld [smem:$0x3FAE]  }
0x31: {  	[smem:$0x3FB7] =	sst s10  }
0x32: {  	s10 =	sld [smem:$0x3FB5];
	_ =	sdelay $0x3  }
0x33: {  	p0 =	seq.s32 s10, $0x1;
	s10 =	sld [smem:$0x3FB7];
	_ =	sdelay $0x3  }
0x34: {  	[smem:$0x3FB7] =	sst s10  }
0x35: {  	s10 =	sld [smem:$0x3FB6];
	_ =	sdelay $0x3  }
0x36: {  	p1 =	seq.s32 s10, $0x1;
	s10 =	sld [smem:$0x3FB7];
	_ =	sdelay $0x3  }
0x37: {  	[smem:$0x3FB7] =	sst s10  }
0x38: {  	s10 =	sld [smem:$0x3FB8]  }
0x39: {  	_ = 	snop;
	(pc) =	sbr.ind lr, $3  }
0x3a: {  	_ = 	snop  }
0x3b: {  	_ = 	snop  }
0x3c: {  	p2 =	seq.s32 s10, $0x1;
	s10 =	sld [smem:$0x3FB7]  }
0x3d: {  	_ =	shalt  }
0x3e: {  	_ =	shalt  }
0x3f: {  	_ =	shalt  }
0x40: {  	_ =	shalt  }
0x41: {  	_ =	shalt  }
0x42: {  	_ =	shalt  }
0x43: {  	_ =	shalt  }
0x44: {  	_ =	shalt  }
0x45: {  	_ =	shalt  }
0x46: {  	_ =	shalt  }
0x47: {  	_ =	shalt  }
0x48: {  	_ =	shalt  }
0x49: {  	_ =	shalt  }
0x4a: {  	_ =	shalt  }
0x4b: {  	_ =	shalt  }
0x4c: {  	_ =	shalt  }
0x4d: {  	_ =	shalt  }
0x4e: {  	_ =	shalt  }
0x4f: {  	_ =	shalt  }
0x50: {  	_ =	shalt  }
0x51: {  	_ =	shalt  }
0x52: {  	_ =	shalt  }
0x53: {  	_ =	shalt  }
0x54: {  	_ =	shalt  }
0x55: {  	_ =	shalt  }
0x56: {  	_ =	shalt  }
0x57: {  	_ =	shalt  }
0x58: {  	_ =	shalt  }
0x59: {  	_ =	shalt  }
0x5a: {  	_ =	shalt  }
0x5b: {  	_ =	shalt  }
0x5c: {  	_ =	shalt  }
0x5d: {  	_ =	shalt  }
0x5e: {  	_ =	shalt  }
0x5f: {  	_ =	shalt  }
0x60: {  	_ =	shalt  }
0x61: {  	_ =	shalt  }
0x62: {  	_ =	shalt  }
0x63: {  	_ =	shalt  }
0x64: {  	_ =	shalt  }
0x65: {  	_ =	shalt  }
0x66: {  	_ =	shalt  }
0x67: {  	_ =	shalt  }
0x68: {  	_ =	shalt  }
0x69: {  	_ =	shalt  }
0x6a: {  	_ =	shalt  }
0x6b: {  	_ =	shalt  }
0x6c: {  	_ =	shalt  }
0x6d: {  	_ =	shalt  }
0x6e: {  	_ =	shalt  }
0x6f: {  	_ =	shalt  }
0x70: {  	_ =	shalt  }
0x71: {  	_ =	shalt  }
0x72: {  	_ =	shalt  }
0x73: {  	_ =	shalt  }
0x74: {  	_ =	shalt  }
0x75: {  	_ =	shalt  }
0x76: {  	_ =	shalt  }
0x77: {  	_ =	shalt  }
0x78: {  	_ =	shalt  }
0x79: {  	_ =	shalt  }
0x7a: {  	_ =	shalt  }
0x7b: {  	_ =	shalt  }
0x7c: {  	_ =	shalt  }
0x7d: {  	_ =	shalt  }
0x7e: {  	_ =	shalt  }
0x7f: {  	_ =	shalt  }
0x80: {  	_ =	shalt  }
0x81: {  	_ =	shalt  }
0x82: {  	_ =	shalt  }
0x83: {  	_ =	shalt  }
0x84: {  	_ =	shalt  }
0x85: {  	_ =	shalt  }
0x86: {  	_ =	shalt  }
0x87: {  	_ =	shalt  }
.Lfunc_end0:
.L_simem_size_0:
called_computation_lowered:
.L_overlay_start_0:
0x88: {  	s2 =	sld [smem:$0x3FD9]  }
0x89: {  	s3 =	sld [smem:$0x3FFE];
	_ =	sdelay $0x1  }
0x8a: {  	s1 =	srdreg.scid  }
0x8b: {  	s0 =	sand.u32 $0x1, s1  }
0x8c: {  	s18 =	sshll.u32 s0, $0xA;
	s2 =	sadd.s32 s3, s2  }
0x8d: {  	s2 =	sadd.s32 s2, s18  }
0x8e: {  	[smem:$0x3FC3] =	sst s2  }
0x8f: {  	_ = 	snop  }
0x90: {  	s2 =	sld [smem:$0x3FC9]  }
0x91: {  	s19 =	sld [smem:$0x3FC8]  }
0x92: {  	s4 =	sld [smem:$0x3FC7]  }
0x93: {  	s5 =	sld [smem:$0x3FC6]  }
0x94: {  	s6 =	sld [smem:$0x3FC5]  }
0x95: {  	s7 =	sld [smem:$0x3FD0];
	(tm) =	ssettm $0x1  }
0x96: {  	s8 =	sld [smem:$0x3FFB];
	_ =	sdelay $0x3  }
0x97: {  	_ =	strace s8  }
0x98: {  	s8 =	sld [smem:$0x3FFC];
	_ =	sdelay $0x3  }
0x99: {  	_ =	strace s8  }
0x9a: {  	s8 =	sld [smem:$0x3FFD];
	_ =	sdelay $0x3  }
0x9b: {  	_ =	strace s8  }
0x9c: {  	_ =	strace $0x8FFFFFFF  }
0x9d: {  	s20 =	sld [smem:$0x3FDB];
	_ =	sdelay $0x1  }
0x9e: {  	s9 =	simm.s32 $_scs_section_size  }
0x9f: {  	s10 =	simm.s32 $_size__tile_overlayer_lowered;
	s11 =	simm.s32 $_tile_overlayer_lowered  }
0xa0: {  	s23 =	simm.s32 $0x1BFF;
	s22 =	sshll.u32 s11, $0x1;
	s8 =	sadd.s32 s9, s20  }
0xa1: {  	s12 =	simm.s32 $0x0;
	s21 =	sshll.u32 s10, $0x1;
	s10 =	sadd.s32 s22, s8  }
0xa2: {  	[timem:s12], [sflag:s23] =	dma.local [hbm:s10], s21  }
0xa3: {  	_ =	swait.ge [sflag:s23], s21  }
0xa4: {  	s9 =	ssub.s32 $0x0, s21;
	[sflag:s23] =	ssyncset.done $0x0  }
0xa5: {  	[sflag:s23] =	ssyncadd.s32 s9;
	_ =	sdelay $0x1  }
0xa6: {  	s24 =	simm.s32 $0x1B8B  }
0xa7: {  	_ =	swait.ge [sflag:s24], $0x1  }
0xa8: {  	[sflag:s24] =	ssyncset.done $0x0  }
0xa9: {  	s25 =	simm.s32 $0x1B8E;
	[sflag:s24] =	ssyncadd.s32 $0xFFFFFFFF  }
0xaa: {  	s26 =	simm.s32 $execute0_lowered;
	[smem:$0x3FD2] =	sst s25  }
0xab: {  	s9 =	sshll.u32 s26, $0x1;
	_ =	strace $0x80000046;
	[dreg:$0x1] =	wrdreg $0xFFFFFFFF  }
0xac: {  	s28 =	simm.s32 $_size_execute0_lowered;
	s8 =	sadd.s32 s8, s9;
	[dreg:$0x0] =	wrdreg $0x0  }
0xad: {  	s9 =	sshll.u32 s28, $0x1;
	[dreg:$0x2] =	wrdreg s8  }
0xae: {  	[dreg:$0x3] =	wrdreg s9  }
0xaf: {  	[dreg:$0x4] =	wrdreg $0xC0  }
0xb0: {  	_ =	task [dreg:s12], $0x5FFFF  }
0xb1: {  	[dreg:$0x1] =	wrdreg $0xFFFFFFFF  }
0xb2: {  	[dreg:$0x0] =	wrdreg $0x60  }
0xb3: {  	[dreg:$0x2] =	wrdreg s2  }
0xb4: {  	[dreg:$0x3] =	wrdreg s19  }
0xb5: {  	[dreg:$0x4] =	wrdreg s4  }
0xb6: {  	[dreg:$0x5] =	wrdreg s5  }
0xb7: {  	[dreg:$0x6] =	wrdreg s6  }
0xb8: {  	[dreg:$0x7] =	wrdreg s7  }
0xb9: {  	[dreg:$0x8] =	wrdreg $0x9  }
0xba: {  	_ =	task.clear_ibuf [dreg:s12], $0x9FFFF;
	_ =	strace $0x90000046  }
0xbb: {  	s29 =	simm.s32 $0x9;
	_ =	strace $0x80000048  }
0xbc: {  	_ =	swait.ge [sflag:s29], $0x1  }
0xbd: {  	[sflag:s29] =	ssyncadd.s32 $0xFFFFFFFF  }
0xbe: {  	_ =	strace $0x90000048  }
0xbf: {  	_ =	sfence  }
0xc0: {  	s30 =	sld [smem:$0x0];
	_ =	sdelay $0x2  }
0xc1: {  	s31 =	sshll.u32 s1, $0xD;
	s1 =	sshrl.u32 s1, $0x2  }
0xc2: {  	s3 =	sand.u32 $0x4000, s31;
	s1 =	sadd.s32 s1, s30  }
0xc3: {  	s0 =	sor.u32 s3, s0;
	s1 =	sshll.u32 s1, $0x11  }
0xc4: {  	s0 =	sor.u32 s1, s0  }
0xc5: {  	s0 =	sadd.s32 $0x8F2B, s0  }
0xc6: {  	[sflag:s0] =	ssyncadd.remote.s32 $0x1  }
0xc7: {  	_ =	sfence.sel $0xFFFF  }
0xc8: {  	[dreg:$0x0] =	wrdreg $0xFFFFFFFF;
	(pc) =	sbr.abs _section_cstart, $3  }
0xc9: {  	[dreg:$0x1] =	wrdreg $0xFFFFFFFF  }
0xca: {  	_ =	task.clear_ibuf [dreg:s12], $0x2FFFF;
	_ =	strace $0x9FFFFFFF  }
0xcb: {  	(tm) =	ssettm $0x7FFFFFFF  }
tec
execute0_lowered:
.L_overlay_start_1:
0x0: {  	(tag) =	ssettag $0x1  }
0x1: {  	s0 =	rddreg [dreg:$0x0]  }
0x2: {  	s1 =	rddreg [dreg:$0x2];
	s2 =	srdreg.scid  }
0x3: {  	s3 =	stileid.u32;
	s7 =	rddreg [dreg:$0x5];
	s5 =	simm.s32 $0x0  }
0x4: {  	s21 =	simm.s32 $0x80;
	s30 =	simm.s32 $0x4;
	s31 =	simm.s32 $0x2  }
0x5: {  	s23 =	simm.s32 $0x3;
	s2 =	sand.u32 $0x1, s2;
	s3 =	sshll.u32 s3, $0x7  }
0x6: {  	[smem:$0x7FF] =	sst s5;
	s4 =	sshll.u32 s2, $0x6;
	s2 =	ssub.s32 $0x2, s2  }
0x7: {  	_ =	strace $0x80000047;
	s3 =	sor.u32 s4, s3;
	s9 =	sshrl.u32 s2, $0x1  }
0x8: {  	s6 =	sshll.u32 s3, $0x2;
	s2 =	ssub.s32 s2, s9;
	s3 =	sshll.u32 s3, $0x4  }
0x9: {  	s8 =	sand.u32 $0x1E00, s6;
	s25 =	sadd.s32 s1, s3;
	s11 =	sadd.s32 s7, s3  }
0xa: {  	s19 =	smax.u32 s2, $0x1;
	s8 =	sor.u32 s4, s8;
	s4 =	sor.u32 s4, s6  }
0xb: {  	[dreg:$0xa] =	wrdreg s25;
	s26 =	sadd.s32 $0x8000, s11;
	s28 =	sadd.s32 $0x10000, s11  }
0xc: {  	s29 =	sadd.s32 $0x18000, s11;
	s15 =	sadd.s32 $0x200, s11;
	s16 =	sadd.s32 $0x8200, s11  }
0xd: {  	s17 =	sadd.s32 $0x10200, s11;
	s8 =	sshrl.u32 s8, $0x3;
	[dreg:$0xb] =	wrdreg s26  }
0xe: {  	s4 =	sshrl.u32 s4, $0x3;
	[dreg:$0xc] =	wrdreg s28;
	s6 =	sadd.s32 s0, s8  }
0xf: {  	[dreg:$0xd] =	wrdreg s29;
	s24 =	sor.u32 $0x20, s4;
	s8 =	sadd.s32 $0x10, s6  }
0x10: {  	s4 =	sor.u32 $0x30, s4;
	[dreg:$0x7] =	wrdreg s8;
	s8 =	sadd.s32 s0, s24  }
0x11: {  	s18 =	sadd.s32 $0x18200, s11;
	s0 =	sadd.s32 s0, s4;
	[dreg:$0x8] =	wrdreg s8  }
0x12: {  	s26 =	simm.s32 $0x1;
	s24 =	simm.s32 $0x0;
	[dreg:$0x9] =	wrdreg s0  }
.LBB2_1:
0x13: {  	[tilespmem:s5], [sflag:$0x1] =	stream.linear.gather [hbm4b:s6+s5], $0x40, $0x38;
	[tilespmem:$0xA200] =	vst v63  }
0x14: {  	s0 =	rddreg [dreg:$0x7];
	s1 =	simm.s32 $0x40  }
0x15: {  	[tilespmem:s1], [sflag:$0x1] =	stream.linear.gather [hbm4b:s0+s5], $0x40, $0x38;
	[tilespmem:$0xA200] =	vst v63  }
0x16: {  	s7 =	rddreg [dreg:$0x8]  }
0x17: {  	[tilespmem:s21], [sflag:$0x1] =	stream.linear.gather [hbm4b:s7+s5], $0x40, $0x38;
	[tilespmem:$0xA200] =	vst v63  }
0x18: {  	s8 =	rddreg [dreg:$0x9];
	s9 =	simm.s32 $0xC0  }
0x19: {  	[tilespmem:s9], [sflag:$0x1] =	stream.linear.gather [hbm4b:s8+s5], $0x40, $0x38;
	[tilespmem:$0xA200] =	vst v63  }
0x1a: {  	s10 =	rddreg [dreg:$0xa];
	s12 =	simm.s32 $0x8100  }
0x1b: {  	[tilespmem:s12], [sflag:$0x2] =	stream.linear.gather [hbm4b:s10+s5], $0x2000, $0x38;
	[tilespmem:$0xA200] =	vst v63  }
0x1c: {  	s13 =	rddreg [dreg:$0x3];
	s14 =	simm.s32 $0xA100  }
0x1d: {  	[tilespmem:s14], [sflag:$0x2] =	stream.linear.gather [hbm4b:s13+s5], $0x80, $0x38;
	[tilespmem:$0xA200] =	vst v63  }
0x1e: {  	s20 =	rddreg [dreg:$0x4];
	s22 =	simm.s32 $0xA180  }
0x1f: {  	[tilespmem:s22], [sflag:$0x2] =	stream.linear.gather [hbm4b:s20+s5], $0x80, $0x38;
	[tilespmem:$0xA200] =	vst v63  }
0x20: {  	_ =	swait.ge [sflag:s26], $0x40  }
0x21: {  	[sflag:s26] =	ssyncset.done $0x0  }
0x22: {  	[sflag:s26] =	ssyncadd.s32 $0xFFFFFFC0  }
0x23: {  	_ =	swait.ge [sflag:s26], $0x40  }
0x24: {  	[sflag:s26] =	ssyncset.done $0x0  }
0x25: {  	[sflag:s26] =	ssyncadd.s32 $0xFFFFFFC0  }
0x26: {  	_ =	swait.ge [sflag:s26], $0x40  }
0x27: {  	[sflag:s26] =	ssyncset.done $0x0  }
0x28: {  	[sflag:s26] =	ssyncadd.s32 $0xFFFFFFC0  }
0x29: {  	_ =	swait.ge [sflag:s26], $0x40  }
0x2a: {  	[sflag:s26] =	ssyncset.done $0x0  }
0x2b: {  	[sflag:s26] =	ssyncadd.s32 $0xFFFFFFC0  }
0x2c: {  	s28 =	simm.s32 $0x100;
	s25 =	rddreg [dreg:$0x1]  }
0x2d: {  	[tilespmem:s28], [sflag:$0x4] =	stream.indirect.gather [hbm4b:s25+s21], $0x80, s5, s21, $0xb8;
	[tilespmem:$0xA200] =	vst v63  }
0x2e: {  	s29 =	simm.s32 $0x4100  }
0x2f: {  	[tilespmem:s29], [sflag:$0x4] =	stream.indirect.gather [hbm4b:s25+s21], $0x80, s21, s21, $0xb8;
	[tilespmem:$0xA200] =	vst v63  }
0x30: {  	_ =	swait.ge [sflag:s30], $0x4000  }
0x31: {  	[sflag:s30] =	ssyncset.done $0x0  }
0x32: {  	[sflag:s30] =	ssyncadd.s32 $0xFFFFC000  }
0x33: {  	_ =	swait.ge [sflag:s30], $0x4000  }
0x34: {  	[sflag:s30] =	ssyncset.done $0x0  }
0x35: {  	[sflag:s30] =	ssyncadd.s32 $0xFFFFC000  }
0x36: {  	_ =	swait.ge [sflag:s31], $0x2000  }
0x37: {  	[sflag:s31] =	ssyncset.done $0x0  }
0x38: {  	[sflag:s31] =	ssyncadd.s32 $0xFFFFE000  }
0x39: {  	_ =	swait.ge [sflag:s31], $0x80  }
0x3a: {  	[sflag:s31] =	ssyncset.done $0x0  }
0x3b: {  	[sflag:s31] =	ssyncadd.s32 $0xFFFFFF80  }
0x3c: {  	_ =	swait.ge [sflag:s31], $0x80  }
0x3d: {  	[sflag:s31] =	ssyncset.done $0x0  }
0x3e: {  	[sflag:s31] =	ssyncadd.s32 $0xFFFFFF80  }
0x3f: {  	v0 =	vld [tilespmem:$0xA100]  }
0x40: {  	v62 =	vld [tilespmem:$0xA120]  }
0x41: {  	v63 =	vld [tilespmem:$0xA130]  }
0x42: {  	v42 =	vld [tilespmem:$0xA140]  }
0x43: {  	v44 =	vld [tilespmem:$0xA150]  }
0x44: {  	v48 =	vld [tilespmem:$0xA160];
	[tilespmem:$0x1FF10] =	vst v0  }
0x45: {  	v49 =	vld [tilespmem:$0xA170];
	[tilespmem:$0x1FF20] =	vst v62  }
0x46: {  	v34 =	vld [tilespmem:$0xA180];
	[tilespmem:$0x1FF30] =	vst v63  }
0x47: {  	v35 =	vld [tilespmem:$0xA190];
	[tilespmem:$0x1FF40] =	vst v42  }
0x48: {  	v38 =	vld [tilespmem:$0xA1A0];
	[tilespmem:$0x1FF50] =	vst v44  }
0x49: {  	v39 =	vld [tilespmem:$0xA1B0];
	[tilespmem:$0x1FF60] =	vst v48  }
0x4a: {  	v45 =	vld [tilespmem:$0xA1C0];
	[tilespmem:$0x1FF70] =	vst v49  }
0x4b: {  	v52 =	vld [tilespmem:$0xA1D0];
	[tilespmem:$0x1FF80] =	vst v34  }
0x4c: {  	v51 =	vld [tilespmem:$0xA1E0];
	[tilespmem:$0x1FF90] =	vst v35  }
0x4d: {  	v53 =	vld [tilespmem:$0xA1F0];
	[tilespmem:$0x1FFA0] =	vst v38  }
0x4e: {  	[tilespmem:$0x1FFB0] =	vst v39  }
0x4f: {  	[tilespmem:$0x1FFC0] =	vst v45  }
0x50: {  	[tilespmem:$0x1FFD0] =	vst v52  }
0x51: {  	[tilespmem:$0x1FFE0] =	vst v51  }
0x52: {  	s3 =	simm.s32 $0x0;
	s25 =	simm.s32 $0xFFFFFFFE;
	v13 =	vld [tilespmem:$0xA110];
	[tilespmem:$0x1FFF0] =	vst v53  }
.LBB2_2:
0x53: {  	s0 =	sshra.s32 s3, $0x2  }
0x54: {  	v20 =	vld [tilespmem:s0+$0x8100]  }
0x55: {  	v21 =	vld [tilespmem:s0+$0x8110]  }
0x56: {  	v22 =	vld [tilespmem:s0+$0x8120]  }
0x57: {  	v23 =	vld [tilespmem:s0+$0x8130]  }
0x58: {  	v25 =	vld [tilespmem:s0+$0x8140]  }
0x59: {  	v28 =	vld [tilespmem:s0+$0x8150]  }
0x5a: {  	v29 =	vld [tilespmem:s0+$0x8160]  }
0x5b: {  	v32 =	vld [tilespmem:s0+$0x8170]  }
0x5c: {  	v0 =	vld [tilespmem:s0+$0x100]  }
0x5d: {  	v16 =	vld [tilespmem:s0+$0x110]  }
0x5e: {  	v17 =	vld [tilespmem:s0+$0x120]  }
0x5f: {  	v18 =	vld [tilespmem:s0+$0x130]  }
0x60: {  	v19 =	vld [tilespmem:s0+$0x140]  }
0x61: {  	v24 =	vld [tilespmem:s0+$0x150]  }
0x62: {  	v26 =	vld [tilespmem:s0+$0x160]  }
0x63: {  	v27 =	vld [tilespmem:s0+$0x170]  }
0x64: {  	v33 =	vld [tilespmem:s0+$0x2100]  }
0x65: {  	v39 =	vld [tilespmem:s0+$0x2110]  }
0x66: {  	v43 =	vld [tilespmem:s0+$0x2120]  }
0x67: {  	v56 =	vld [tilespmem:s0+$0x2140]  }
0x68: {  	v58 =	vld [tilespmem:s0+$0x2150];
	v34 =	vadd.f32 v0, v20  }
0x69: {  	v60 =	vld [tilespmem:s0+$0x2160];
	v35 =	vadd.f32 v16, v21;
	v30 =	vadd.f32 v17, v22  }
0x6a: {  	v61 =	vld [tilespmem:s0+$0x2170];
	v31 =	vadd.f32 v18, v23;
	v16 =	vadd.f32 v19, v25  }
0x6b: {  	v6 =	vld [tilespmem:s0+$0x4110];
	v51 =	vadd.f32 v24, v28;
	v10 =	vadd.f32 v26, v29  }
0x6c: {  	v53 =	vadd.f32 v27, v32;
	v26 =	vadd.f32 v33, v20  }
0x6d: {  	v27 =	vadd.f32 v39, v21;
	v24 =	vadd.f32 v43, v22  }
0x6e: {  	v33 =	vadd.f32 v56, v25;
	v2 =	vadd.f32 v58, v28  }
0x6f: {  	v62 =	vadd.f32 v60, v29;
	v1 =	vadd.f32 v61, v32  }
0x70: {  	v19 =	vadd.f32 v6, v21;
	v11 =	vadd.f32 v35, v34;
	v46 =	vmul.f32 v34, v34  }
0x71: {  	v47 =	vmul.f32 v35, v35;
	v48 =	vadd.f32 v31, v30;
	v49 =	vmul.f32 v30, v30  }
0x72: {  	v50 =	vmul.f32 v31, v31;
	v36 =	vadd.f32 v51, v16;
	v37 =	vmul.f32 v16, v16  }
0x73: {  	v38 =	vmul.f32 v51, v51;
	v40 =	vadd.f32 v53, v10;
	v41 =	vmul.f32 v10, v10  }
0x74: {  	v42 =	vmul.f32 v53, v53;
	v3 =	vadd.f32 v27, v26;
	v18 =	vadd.f32 v47, v46  }
0x75: {  	v63 =	vld [tilespmem:s0+$0x4100];
	v4 =	vmul.f32 v26, v26;
	v52 =	vadd.f32 v50, v49;
	v54 =	vadd.f32 v38, v37  }
0x76: {  	v56 =	vld [tilespmem:s0+$0x4140];
	v5 =	vmul.f32 v27, v27;
	v55 =	vadd.f32 v42, v41;
	v17 =	vadd.f32 v48, v11  }
0x77: {  	v44 =	vld [tilespmem:s0+$0x2130];
	v57 =	vadd.f32 v40, v36;
	v11 =	vadd.f32 v2, v33  }
0x78: {  	v46 =	vmul.f32 v33, v33;
	v49 =	vadd.f32 v1, v62;
	v36 =	vadd.f32 v5, v4  }
0x79: {  	[tilespmem:$0x1FD80] =	vst v10;
	v10 =	vld [tilespmem:s0+$0x4120];
	v47 =	vmul.f32 v2, v2;
	v18 =	vadd.f32 v52, v18;
	v59 =	vadd.f32 v55, v54  }
0x7a: {  	v48 =	vld [tilespmem:s0+$0x4130];
	v50 =	vmul.f32 v62, v62;
	v42 =	vadd.f32 v57, v17;
	v17 =	vadd.f32 v63, v20  }
0x7b: {  	v52 =	vmul.f32 v1, v1;
	v63 =	vadd.f32 v56, v25;
	v45 =	vadd.f32 v59, v18  }
0x7c: {  	v58 =	vld [tilespmem:s0+$0x4150];
	v8 =	vmul.f32 v24, v24;
	v18 =	vadd.f32 v44, v23;
	v59 =	vadd.f32 v47, v46  }
0x7d: {  	v61 =	vld [tilespmem:s0+$0x4160];
	v4 =	vmul.f32 v19, v19;
	v60 =	vadd.f32 v52, v50;
	v44 =	vadd.f32 v49, v11  }
0x7e: {  	[tilespmem:$0x1FDA0] =	vst v62;
	v62 =	vld [tilespmem:s0+$0x4170];
	v47 =	vadd.f32 v10, v22;
	v38 =	vadd.f32 v19, v17;
	v10 =	vmul.f32 v17, v17  }
0x7f: {  	v46 =	vadd.f32 v48, v23;
	v7 =	vadd.f32 v18, v24;
	v9 =	vmul.f32 v18, v18  }
0x80: {  	[tilespmem:$0x1FD90] =	vst v2;
	v2 =	vld [tilespmem:s0+$0x6130];
	v37 =	vadd.f32 v60, v59;
	v40 =	vadd.f32 v4, v10  }
0x81: {  	v5 =	vmul.f32 v47, v47;
	v43 =	vadd.f32 v46, v47;
	v57 =	vadd.f32 v9, v8  }
0x82: {  	v49 =	vld [tilespmem:s0+$0x81C0];
	v6 =	vmul.f32 v46, v46;
	v39 =	vadd.f32 v7, v3;
	v3 =	vadd.f32 v58, v28  }
0x83: {  	v59 =	vld [tilespmem:s0+$0x6120];
	v8 =	vadd.f32 v61, v29;
	v9 =	vadd.f32 v62, v32  }
0x84: {  	[tilespmem:$0x1FDB0] =	vst v1;
	v48 =	vld [tilespmem:s0+$0x81B0];
	v1 =	vadd.f32 v6, v5;
	v38 =	vadd.f32 v43, v38  }
0x85: {  	[tilespmem:$0x1FDC0] =	vst v63;
	v56 =	vmul.f32 v63, v63;
	v7 =	vld [tilespmem:s0+$0x6100];
	v5 =	vadd.f32 v2, v23;
	v36 =	vadd.f32 v57, v36  }
0x86: {  	(xrf2) =	vadd.scan.msk.f32 $0xffff, v42;
	v58 =	vld [tilespmem:s0+$0x6110];
	v11 =	vadd.f32 v3, v63;
	v57 =	vmul.f32 v3, v3;
	v63 =	vadd.f32 v9, v8  }
0x87: {  	(xrf2) =	vadd.scan.msk.f32 $0xffff, v45;
	v45 =	vld [tilespmem:s0+$0x81D0];
	v54 =	vmul.f32 v8, v8;
	v55 =	vmul.f32 v9, v9;
	v39 =	vadd.f32 v44, v39  }
0x88: {  	[tilespmem:$0x1FDF0] =	vst v9;
	v9 =	vld [tilespmem:s0+$0x6140];
	v40 =	vadd.f32 v1, v40;
	v4 =	vadd.f32 v59, v22  }
0x89: {  	[tilespmem:$0x1FDE0] =	vst v8;
	v1 =	vld [tilespmem:s0+$0x1C0];
	v8 =	vadd.f32 v57, v56;
	v54 =	vadd.f32 v55, v54  }
0x8a: {  	v10 =	vadd.f32 v63, v11;
	v11 =	vld [tilespmem:s0+$0x6150];
	v36 =	vadd.f32 v37, v36  }
0x8b: {  	[tilespmem:$0x1FDD0] =	vst v3;
	v6 =	vmul.f32 v5, v5;
	v56 =	vld [tilespmem:s0+$0x6160];
	v41 =	vadd.f32 v7, v20;
	v37 =	vadd.f32 v58, v21  }
0x8c: {  	v57 =	vld [tilespmem:s0+$0x6170];
	[tilespmem:$0x1FE00] =	vst v4;
	v23 =	vadd.f32 v5, v4;
	v4 =	vmul.f32 v4, v4;
	v54 =	vadd.f32 v54, v8  }
0x8d: {  	v3 =	vld [tilespmem:s0+$0x1D0];
	[tilespmem:$0x1FE10] =	vst v5;
	v38 =	vadd.f32 v10, v38;
	v58 =	vadd.f32 v9, v25  }
0x8e: {  	(xrf2) =	vadd.scan.msk.f32 $0xffff, v39;
	v39 =	vld [tilespmem:s0+$0x81F0];
	v20 =	vadd.f32 v37, v41;
	v62 =	vmul.f32 v41, v41;
	v42 =	vadd.f32 v6, v4  }
0x8f: {  	v5 =	vld [tilespmem:s0+$0x1E0];
	(xrf2) =	vadd.scan.msk.f32 $0xffff, v36;
	v63 =	vmul.f32 v37, v37;
	v40 =	vadd.f32 v54, v40;
	v25 =	vadd.f32 v1, v49  }
0x90: {  	(xrf2) =	vadd.scan.msk.f32 $0xffff, v38;
	v38 =	vld [tilespmem:s0+$0x81E0];
	v59 =	vadd.f32 v11, v28;
	v60 =	vadd.f32 v56, v29  }
0x91: {  	v61 =	vadd.f32 v57, v32;
	v21 =	vadd.f32 v63, v62;
	v29 =	vld [tilespmem:s0+$0x8180];
	v56, _, _ =	vpop (xrf2)  }
0x92: {  	v8 =	vmul.f32 v58, v58;
	v20 =	vadd.f32 v23, v20;
	v63 =	vld [tilespmem:s0+$0x1B0];
	(v2sf) =	vpush v56, $0xF  }
0x93: {  	v57 =	vld [tilespmem:s0+$0x180];
	(xrf2) =	vadd.scan.msk.f32 $0xffff, v40;
	v7 =	vadd.f32 v59, v58;
	v9 =	vmul.f32 v59, v59;
	v44 =	vadd.f32 v61, v60  }
0x94: {  	[tilespmem:$0x1FE20] =	vst v58;
	v10 =	vmul.f32 v60, v60;
	v11 =	vmul.f32 v61, v61;
	v21 =	vadd.f32 v42, v21;
	v42 =	vld [tilespmem:s0+$0x8190];
	v58, _, _ =	vpop (xrf2)  }
0x95: {  	[tilespmem:$0x1FE50] =	vst v61;
	v61 =	vld [tilespmem:s0+$0x1A0];
	(v2sf) =	vpush v58, $0xF;
	v50 =	vadd.f32 v9, v8  }
0x96: {  	v52 =	vadd.f32 v11, v10;
	v54 =	vadd.f32 v44, v7;
	v44 =	vld [tilespmem:s0+$0x81A0]  }
0x97: {  	[tilespmem:$0x1FE30] =	vst v59;
	v7 =	vld [tilespmem:s0+$0x1F0];
	v32 =	vadd.f32 v5, v38;
	v58 =	vadd.f32 v63, v48  }
0x98: {  	[tilespmem:$0x1FE40] =	vst v60;
	v59 =	vld [tilespmem:s0+$0x190];
	v60, _, _ =	vpop (xrf2);
	v55 =	vadd.f32 v52, v50;
	v20 =	vadd.f32 v54, v20  }
0x99: {  	(v2sf) =	vpush v60, $0xF;
	v50 =	vadd.f32 v3, v45;
	v62, _, _ =	vpop (xrf2)  }
0x9a: {  	v21 =	vadd.f32 v55, v21;
	(xrf2) =	vadd.scan.msk.f32 $0xffff, v20;
	(v2sf) =	vpush v62, $0xF  }
0x9b: {  	v20 =	vadd.f32 v57, v29;
	v10 =	vadd.f32 v50, v25  }
0x9c: {  	v0, _, _ =	vpop (xrf2);
	v22 =	vadd.f32 v61, v44;
	v36 =	vadd.f32 v7, v39;
	(xrf2) =	vadd.scan.msk.f32 $0xffff, v21  }
0x9d: {  	(v2sf) =	vpush v0, $0xF;
	v21 =	vadd.f32 v59, v42;
	v2, _, _ =	vpop (xrf2)  }
0x9e: {  	v9 =	vadd.f32 v58, v22;
	(v2sf) =	vpush v2, $0xF  }
0x9f: {  	v5 =	vld [tilespmem:s0+$0x2190];
	v8 =	vadd.f32 v21, v20;
	v2 =	vadd.f32 v36, v32  }
0xa0: {  	v61 =	vmul.f32 v36, v36  }
0xa1: {  	v23 =	vadd.f32 v9, v8;
	v40 =	vadd.f32 v2, v10;
	v8 =	vmul.f32 v32, v32;
	v10 =	vld [tilespmem:s0+$0x21D0]  }
0xa2: {  	v2 =	vld [tilespmem:s0+$0x4190]  }
0xa3: {  	v11 =	vmul.f32 v20, v20;
	v0 =	vmul.f32 v21, v21;
	v55 =	vadd.f32 v61, v8;
	v61 =	vld [tilespmem:s0+$0x4180]  }
0xa4: {  	v1 =	vld [tilespmem:s0+$0x2180];
	v54 =	vadd.f32 v5, v42;
	v3 =	vmul.f32 v22, v22;
	v4, _, _ =	vpop (xrf2)  }
0xa5: {  	v62 =	vld [tilespmem:s0+$0x21B0];
	v43 =	vadd.f32 v0, v11;
	(v2sf) =	vpush v4, $0xF;
	v4 =	vmul.f32 v58, v58  }
0xa6: {  	v60 =	vld [tilespmem:s0+$0x21A0];
	v7 =	vmul.f32 v50, v50;
	v52 =	vadd.f32 v40, v23;
	v40 =	vadd.f32 v10, v45;
	v6, _, _ =	vpop (xrf2)  }
0xa7: {  	v9 =	vld [tilespmem:s0+$0x21C0];
	(v2sf) =	vpush v6, $0xF;
	v6 =	vmul.f32 v25, v25;
	v56 =	vadd.f32 v4, v3  }
0xa8: {  	v12 =	vadd.f32 v2, v42;
	v8 =	vadd.f32 v61, v29  }
0xa9: {  	v28 =	vadd.f32 v7, v6;
	v11 =	vadd.f32 v56, v43  }
0xaa: {  	v59 =	vld [tilespmem:s0+$0x21E0];
	v56 =	vadd.f32 v1, v29;
	v43 =	vadd.f32 v62, v48  }
0xab: {  	v57 =	vld [tilespmem:s0+$0x21F0];
	s1 =	spop (v2sf);
	v55 =	vadd.f32 v55, v28;
	v28 =	vadd.f32 v60, v44  }
0xac: {  	s20 =	smul.f32 $7.812500000e-03, s1;
	s9 =	spop (v2sf);
	v4 =	vld [tilespmem:s0+$0x41A0];
	v7 =	vadd.f32 v9, v49;
	v1 =	vmul.f32 v54, v54;
	v63 =	vmul.f32 v56, v56  }
0xad: {  	s1 =	smul.f32 $7.812500000e-03, s9;
	v9 =	vadd.f32 v54, v56;
	v10 =	vmul.f32 v43, v43;
	v62 =	vadd.f32 v43, v28  }
0xae: {  	s2 =	smul.f32 s20, s20;
	v6 =	vld [tilespmem:s0+$0x41B0];
	v55 =	vadd.f32 v55, v11;
	v23 =	vmul.f32 v28, v28;
	v1 =	vadd.f32 v1, v63  }
0xaf: {  	v11 =	vmul.f32 v7, v7;
	v63 =	vadd.f32 v59, v38;
	v60 =	vadd.f32 v62, v9  }
0xb0: {  	s1 =	ssub.f32 s1, s2;
	s12 =	spop (v2sf);
	v9 =	vmul.f32 v40, v40;
	v3 =	vadd.f32 v10, v23;
	v23 =	vadd.f32 v57, v39;
	v62 =	vld [tilespmem:s0+$0x41E0]  }
0xb1: {  	s2 =	smul.f32 $7.812500000e-03, s12;
	[tilespmem:$0x1FE60] =	vst v7;
	v14 =	vadd.f32 v4, v44;
	v59 =	vadd.f32 v40, v7;
	v7 =	vmul.f32 v8, v8  }
0xb2: {  	v2 =	vld [tilespmem:s0+$0x41C0];
	s1 =	sadd.f32 $9.999999740e-06, s1;
	s22 =	spop (v2sf);
	v10 =	vmul.f32 v63, v63;
	v5 =	vadd.f32 v9, v11;
	v11 =	vmul.f32 v23, v23  }
0xb3: {  	s22 =	smul.f32 $7.812500000e-03, s22;
	v61 =	vmul.f32 v14, v14;
	v57 =	vld [tilespmem:s0+$0x41D0];
	v9 =	vadd.f32 v6, v48;
	v0 =	vadd.f32 v23, v63  }
0xb4: {  	s10 =	sshra.s32 s1, $0x1;
	s1 =	smul.f32 $5.000000000e-01, s1;
	v6 =	vld [tilespmem:s0+$0x41F0];
	v1 =	vadd.f32 v3, v1;
	v4 =	vadd.f32 v11, v10;
	v11 =	vmul.f32 v12, v12  }
0xb5: {  	s28 =	smul.f32 s2, s2;
	s4 =	ssub.s32 $0x5F3759DF, s10;
	v59 =	vadd.f32 v0, v59;
	v10 =	vmul.f32 v9, v9;
	v15 =	vadd.f32 v62, v38  }
0xb6: {  	s7 =	smul.f32 s4, s1;
	v3 =	vadd.f32 v4, v5;
	v4 =	vadd.f32 v11, v7  }
0xb7: {  	s22 =	ssub.f32 s22, s28;
	v0 =	vadd.f32 v10, v61;
	v7 =	vadd.f32 v2, v49  }
0xb8: {  	[tilespmem:$0x1FE80] =	vst v12;
	s9 =	spop (v2sf);
	s7 =	smul.f32 s4, s7;
	v62 =	vld [tilespmem:s0+$0x6190];
	v10 =	vadd.f32 v57, v45;
	v2 =	vadd.f32 v12, v8  }
0xb9: {  	[tilespmem:$0x1FE70] =	vst v8;
	s8 =	spop (v2sf);
	s22 =	sadd.f32 $9.999999740e-06, s22;
	v12 =	vld [tilespmem:s0+$0x6180];
	v8 =	vadd.f32 v9, v14;
	v11 =	vadd.f32 v6, v39  }
0xba: {  	s8 =	smul.f32 $7.812500000e-03, s8;
	s7 =	ssub.f32 $1.500000000e+00, s7;
	[tilespmem:$0x1FEA0] =	vst v9;
	v57 =	vmul.f32 v15, v15;
	v5 =	vmul.f32 v7, v7;
	v1 =	vadd.f32 v3, v1;
	v3 =	vld [tilespmem:s0+$0x61E0]  }
0xbb: {  	s13 =	sshra.s32 s22, $0x1;
	s14 =	smul.f32 $5.000000000e-01, s22;
	[tilespmem:$0x1FEC0] =	vst v10;
	v6 =	vmul.f32 v10, v10;
	v0 =	vadd.f32 v0, v4;
	v4 =	vld [tilespmem:s0+$0x61F0];
	v61 =	vmul.f32 v11, v11  }
0xbc: {  	s4 =	smul.f32 s4, s7;
	s7 =	ssub.s32 $0x5F3759DF, s13;
	v9 =	vadd.f32 v10, v7;
	[tilespmem:$0x1FEE0] =	vst v11;
	v10 =	vadd.f32 v11, v15;
	v11 =	vld [tilespmem:s0+$0x61A0]  }
0xbd: {  	s22 =	smul.f32 s7, s14;
	v5 =	vadd.f32 v6, v5;
	v6 =	vadd.f32 v61, v57;
	v57 =	vld [tilespmem:s0+$0x61B0]  }
0xbe: {  	s1 =	smul.f32 s4, s1;
	v2 =	vadd.f32 v8, v2;
	v61 =	vadd.f32 v10, v9;
	v9 =	vld [tilespmem:s0+$0x61C0]  }
0xbf: {  	s29 =	smul.f32 s7, s22;
	v29 =	vadd.f32 v12, v29;
	v10 =	vadd.f32 v6, v5;
	v5 =	vld [tilespmem:s0+$0x61D0]  }
0xc0: {  	s22 =	smul.f32 $7.812500000e-03, s9;
	v12 =	vadd.f32 v62, v42;
	v6 =	vadd.f32 v59, v60  }
0xc1: {  	s1 =	smul.f32 s1, s4;
	v2 =	vadd.f32 v61, v2;
	v61 =	vadd.f32 v3, v38  }
0xc2: {  	[tilespmem:$0x1FEB0] =	vst v7;
	s9 =	smul.f32 s22, s22;
	s29 =	ssub.f32 $1.500000000e+00, s29;
	v7 =	vmul.f32 v29, v29;
	v0 =	vadd.f32 v10, v0;
	v10 =	vadd.f32 v11, v44  }
0xc3: {  	s1 =	ssub.f32 $1.500000000e+00, s1;
	v8 =	vmul.f32 v12, v12;
	v62 =	vadd.f32 v57, v48;
	v59 =	vadd.f32 v9, v49  }
0xc4: {  	(xrf2) =	vadd.scan.msk.f32 $0xffff, v52;
	s8 =	ssub.f32 s8, s9;
	v57 =	vadd.f32 v4, v39;
	v60 =	vadd.f32 v5, v45;
	v5 =	vmul.f32 v10, v10  }
0xc5: {  	(xrf2) =	vadd.scan.msk.f32 $0xffff, v55;
	s7 =	smul.f32 s7, s29;
	v3 =	vadd.f32 v8, v7;
	v45 =	vmul.f32 v62, v62;
	v7 =	vmul.f32 v59, v59  }
0xc6: {  	s1 =	smul.f32 s1, s4;
	s10 =	sadd.f32 $9.999999740e-06, s8;
	[tilespmem:$0x1FF00] =	vst v10;
	v9 =	vadd.f32 v62, v10;
	v10 =	vmul.f32 v61, v61;
	v11 =	vmul.f32 v57, v57  }
0xc7: {  	s12 =	smul.f32 s7, s14;
	v39 =	vadd.f32 v57, v61;
	v4 =	vadd.f32 v45, v5;
	v8 =	vmul.f32 v60, v60  }
0xc8: {  	(xrf2) =	vadd.scan.msk.f32 $0xffff, v6;
	s29 =	smul.f32 $5.000000000e-01, s10;
	v5 =	vadd.f32 v12, v29;
	v38 =	vadd.f32 v60, v59  }
0xc9: {  	s13 =	sshra.s32 s10, $0x1;
	s8 =	smul.f32 s12, s7;
	s12 =	spop (v2sf);
	v55 =	vadd.f32 v11, v10;
	v7 =	vadd.f32 v8, v7  }
0xca: {  	(xrf2) =	vadd.scan.msk.f32 $0xffff, v1;
	s9 =	ssub.s32 $0x5F3759DF, s13;
	s4 =	smul.f32 $7.812500000e-03, s12;
	v5 =	vadd.f32 v9, v5;
	v11 =	vadd.f32 v39, v38  }
0xcb: {  	s10 =	spop (v2sf);
	s14 =	smul.f32 s9, s29  }
0xcc: {  	(xrf2) =	vadd.scan.msk.f32 $0xffff, v2;
	s10 =	smul.f32 $7.812500000e-03, s10;
	v39 =	vadd.f32 v55, v7;
	v55 =	vadd.f32 v11, v5  }
0xcd: {  	s20 =	ssub.f32 $0.0e+00, s20;
	(xrf2) =	vadd.scan.msk.f32 $0xffff, v0;
	s12 =	smul.f32 s4, s4  }
0xce: {  	s8 =	ssub.f32 $1.500000000e+00, s8;
	s28 =	smul.f32 s9, s14;
	(xrf2) =	vadd.scan.msk.f32 $0xffff, v55;
	v5, _, _ =	vpop (xrf2)  }
0xcf: {  	[tilespmem:$0x1FEF0] =	vst v12;
	v34 =	vmul.f32 s1, v34;
	s10 =	ssub.f32 s10, s12;
	s12 =	smul.f32 s1, s20;
	v12 =	vld [tilespmem:$0x1FF10];
	(v2sf) =	vpush v5, $0xF;
	v6, _, _ =	vpop (xrf2)  }
0xd0: {  	s13 =	ssub.f32 $1.500000000e+00, s28;
	s28 =	smul.f32 s8, s7;
	(v2sf) =	vpush v6, $0xF  }
0xd1: {  	v38 =	vadd.f32 v4, v3;
	s14 =	sadd.f32 $9.999999740e-06, s10;
	v0 =	vadd.f32 s12, v34;
	v34 =	vld [tilespmem:$0x1FF80]  }
0xd2: {  	v26 =	vmul.f32 s28, v26;
	v27 =	vmul.f32 s28, v27;
	v7, _, _ =	vpop (xrf2)  }
0xd3: {  	[tilespmem:$0x1FE90] =	vst v14;
	v14 =	vld [tilespmem:$0x1FF20];
	s20 =	sshra.s32 s14, $0x1;
	s10 =	smul.f32 $5.000000000e-01, s14;
	v4 =	vadd.f32 v39, v38;
	v38 =	vmul.f32 s1, v35;
	(v2sf) =	vpush v7, $0xF  }
0xd4: {  	s8 =	smul.f32 s9, s13;
	v0 =	vmul.f32 v0, v12;
	s9 =	ssub.s32 $0x5F3759DF, s20;
	v55 =	vmul.f32 s1, v30;
	v8, _, _ =	vpop (xrf2)  }
0xd5: {  	v35 =	vld [tilespmem:$0x1FF90];
	s13 =	smul.f32 s9, s10;
	v30 =	vmul.f32 s28, v24;
	v1 =	vadd.f32 s12, v38;
	(v2sf) =	vpush v8, $0xF  }
0xd6: {  	s2 =	ssub.f32 $0.0e+00, s2;
	s29 =	smul.f32 s8, s29;
	v0 =	vadd.f32 v0, v34;
	v2 =	vadd.f32 s12, v55;
	v38 =	vld [tilespmem:$0x1FFA0];
	v55 =	vmul.f32 s28, v33;
	v9, _, _ =	vpop (xrf2)  }
0xd7: {  	s20 =	smul.f32 s9, s13;
	v33 =	vld [tilespmem:$0x1FDB0];
	v8 =	vmul.f32 s1, v31;
	v1 =	vmul.f32 v1, v13;
	(v2sf) =	vpush v9, $0xF;
	v10, _, _ =	vpop (xrf2)  }
0xd8: {  	v42 =	vld [tilespmem:$0x1FF40];
	(xrf2) =	vadd.scan.msk.f32 $0xffff, v4;
	s13 =	smul.f32 s28, s2;
	v2 =	vmul.f32 v2, v14;
	v31 =	vmul.f32 s28, v18;
	(v2sf) =	vpush v10, $0xF;
	v11, _, _ =	vpop (xrf2)  }
0xd9: {  	v9 =	vmul.f32 s1, v16;
	v3 =	vadd.f32 s12, v8;
	(v2sf) =	vpush v11, $0xF;
	v11 =	vld [tilespmem:$0x1FD80]  }
0xda: {  	v49 =	vld [tilespmem:$0x1FF70];
	s7 =	smul.f32 s29, s8;
	v16 =	vmul.f32 s1, v53;
	v1 =	vadd.f32 v1, v35;
	v8 =	vadd.f32 s13, v26  }
0xdb: {  	v45 =	vld [tilespmem:$0x1FFC0];
	s20 =	ssub.f32 $1.500000000e+00, s20;
	v10 =	vmul.f32 s1, v51;
	v4 =	vadd.f32 s12, v9;
	v2 =	vadd.f32 v2, v38  }
0xdc: {  	v44 =	vld [tilespmem:$0x1FF50];
	s14 =	ssub.f32 $1.500000000e+00, s7;
	v7 =	vadd.f32 s12, v16;
	v9 =	vadd.f32 s13, v27;
	v26 =	vmul.f32 s28, v33  }
0xdd: {  	v53 =	vld [tilespmem:$0x1FFF0];
	s7 =	smul.f32 s9, s20;
	v16 =	vadd.f32 s13, v55;
	v5 =	vadd.f32 s12, v10;
	v8 =	vmul.f32 v8, v12  }
0xde: {  	v52 =	vld [tilespmem:$0x1FFD0];
	v10 =	vadd.f32 s13, v30;
	v4 =	vmul.f32 v4, v42;
	v6 =	vmul.f32 s1, v11;
	s1 =	smul.f32 s14, s8;
	s29 =	spop (v2sf)  }
0xdf: {  	v55 =	vld [tilespmem:$0x1FDD0];
	v7 =	vmul.f32 v7, v49;
	v9 =	vmul.f32 v9, v13;
	v26 =	vadd.f32 s13, v26;
	s9 =	spop (v2sf);
	s20 =	smul.f32 $7.812500000e-03, s29  }
0xe0: {  	v30 =	vld [tilespmem:$0x1FD90];
	v16 =	vmul.f32 v16, v42;
	v8 =	vadd.f32 v8, v34;
	v4 =	vadd.f32 v4, v45;
	s2 =	smul.f32 $7.812500000e-03, s9  }
0xe1: {  	v5 =	vmul.f32 v5, v44;
	v11 =	vadd.f32 s13, v31;
	v31 =	vld [tilespmem:$0x1FDA0];
	v6 =	vadd.f32 s12, v6;
	s12 =	ssub.f32 $0.0e+00, s22;
	s14 =	smul.f32 s20, s20  }
0xe2: {  	[tilespmem:$0x1FED0] =	vst v15;
	v15 =	vld [tilespmem:$0x1FF30];
	v10 =	vmul.f32 v10, v14;
	v7 =	vadd.f32 v7, v53;
	v9 =	vadd.f32 v9, v35;
	v39, _, _ =	vpop (xrf2);
	s8 =	smul.f32 s7, s10;
	s22 =	spop (v2sf)  }
0xe3: {  	(v2sf) =	vpush v39, $0xF;
	v39 =	vld [tilespmem:$0x1FFB0];
	v27 =	vmul.f32 s1, v47;
	v46 =	vmul.f32 s1, v46;
	s29 =	smul.f32 s1, s12;
	s9 =	ssub.f32 s2, s14  }
0xe4: {  	v26 =	vmul.f32 v26, v49;
	v16 =	vadd.f32 v16, v45;
	v5 =	vadd.f32 v5, v52;
	v47 =	vld [tilespmem:$0x1FDC0];
	s14 =	spop (v2sf);
	s2 =	smul.f32 $7.812500000e-03, s22  }
0xe5: {  	[tilespmem:s0+$0x100] =	vst v0;
	v18 =	vmul.f32 s28, v30;
	s10 =	smul.f32 $7.812500000e-03, s14;
	v0 =	vadd.f32 s29, v27;
	v27 =	vadd.f32 s29, v46;
	v46 =	vld [tilespmem:$0x1FDE0];
	s9 =	sadd.f32 $9.999999740e-06, s9  }
0xe6: {  	v10 =	vadd.f32 v10, v38;
	v33 =	vmul.f32 s1, v55;
	v55 =	vld [tilespmem:$0x1FDF0];
	v24 =	vmul.f32 s28, v31;
	s12 =	smul.f32 s2, s2  }
0xe7: {  	v48 =	vld [tilespmem:$0x1FF60];
	v3 =	vmul.f32 v3, v15;
	v26 =	vadd.f32 v26, v53;
	v18 =	vadd.f32 s13, v18;
	s22 =	sshra.s32 s9, $0x1;
	s9 =	smul.f32 $5.000000000e-01, s9  }
0xe8: {  	v17 =	vmul.f32 s1, v17;
	v19 =	vmul.f32 s1, v19;
	s8 =	smul.f32 s8, s7;
	v24 =	vadd.f32 s13, v24;
	s10 =	ssub.f32 s10, s12;
	s13 =	ssub.s32 $0x5F3759DF, s22  }
0xe9: {  	v18 =	vmul.f32 v18, v44;
	v3 =	vadd.f32 v3, v39;
	v11 =	vmul.f32 v11, v15;
	s28 =	smul.f32 s13, s9  }
0xea: {  	v51 =	vld [tilespmem:$0x1FFE0];
	v17 =	vadd.f32 s29, v17;
	v19 =	vadd.f32 s29, v19;
	s10 =	sadd.f32 $9.999999740e-06, s10;
	v30 =	vmul.f32 s1, v46  }
0xeb: {  	s8 =	ssub.f32 $1.500000000e+00, s8;
	v31 =	vmul.f32 s1, v47;
	v47 =	vadd.f32 s29, v33;
	v33 =	vmul.f32 s1, v55;
	s12 =	smul.f32 s13, s28  }
0xec: {  	v18 =	vadd.f32 v18, v52;
	v6 =	vmul.f32 v6, v48;
	s14 =	sshra.s32 s10, $0x1;
	s28 =	smul.f32 $5.000000000e-01, s10;
	v46 =	vadd.f32 s29, v30  }
0xed: {  	v17 =	vmul.f32 v17, v12;
	v19 =	vmul.f32 v19, v13;
	v55 =	vadd.f32 s29, v33;
	s22 =	smul.f32 s8, s7;
	s10 =	ssub.f32 $1.500000000e+00, s12;
	s12 =	ssub.s32 $0x5F3759DF, s14  }
0xee: {  	s4 =	ssub.f32 $0.0e+00, s4;
	[tilespmem:s0+$0x110] =	vst v1;
	v11 =	vadd.f32 v11, v39;
	v0 =	vmul.f32 v0, v14;
	v33 =	vmul.f32 v46, v48;
	s14 =	smul.f32 s12, s28  }
0xef: {  	[tilespmem:s0+$0x120] =	vst v2;
	v6 =	vadd.f32 v6, v51;
	v46 =	vmul.f32 v55, v49;
	v55 =	vmul.f32 s22, v37;
	v37 =	vld [tilespmem:$0x1FE10];
	s7 =	smul.f32 s13, s10  }
0xf0: {  	[tilespmem:s0+$0x140] =	vst v4;
	v2 =	vmul.f32 v27, v15;
	v1 =	vadd.f32 s29, v31;
	s29 =	spop (v2sf);
	s10 =	smul.f32 s22, s4;
	v4 =	vadd.f32 v33, v51;
	v33 =	vld [tilespmem:$0x1FE00]  }
0xf1: {  	[tilespmem:s0+$0x150] =	vst v5;
	v47 =	vmul.f32 v47, v44;
	v17 =	vadd.f32 v17, v34;
	v5 =	vadd.f32 v46, v53;
	v46 =	vld [tilespmem:$0x1FE20];
	s4 =	smul.f32 $7.812500000e-03, s29  }
0xf2: {  	[tilespmem:s0+$0x2100] =	vst v8;
	v24 =	vmul.f32 v24, v48;
	v19 =	vadd.f32 v19, v35;
	v0 =	vadd.f32 v0, v38;
	s1 =	smul.f32 s12, s14  }
0xf3: {  	[tilespmem:s0+$0x130] =	vst v3;
	v3 =	vadd.f32 v47, v52;
	v47 =	vmul.f32 s22, v41;
	s9 =	smul.f32 s7, s9;
	v41 =	vadd.f32 s10, v55;
	v55 =	vld [tilespmem:$0x1FE30]  }
0xf4: {  	[tilespmem:s0+$0x170] =	vst v7;
	v2 =	vadd.f32 v2, v39;
	v1 =	vmul.f32 v1, v42;
	s13 =	smul.f32 s4, s4;
	s1 =	ssub.f32 $1.500000000e+00, s1;
	v30 =	vmul.f32 s22, v37;
	v37 =	vld [tilespmem:$0x1FE40]  }
0xf5: {  	[tilespmem:s0+$0x160] =	vst v6;
	v6 =	vadd.f32 s10, v47;
	s9 =	smul.f32 s9, s7;
	v8 =	vmul.f32 v41, v13;
	v41 =	vld [tilespmem:$0x1FE50];
	v7 =	vmul.f32 s22, v33  }
0xf6: {  	v24 =	vadd.f32 v24, v51;
	s8 =	smul.f32 s12, s1;
	v27 =	vmul.f32 s22, v46;
	v47 =	vadd.f32 s10, v30  }
0xf7: {  	[tilespmem:s0+$0x2110] =	vst v9;
	v1 =	vadd.f32 v1, v45;
	v6 =	vmul.f32 v6, v12;
	s12 =	spop (v2sf);
	s9 =	ssub.f32 $1.500000000e+00, s9;
	v7 =	vadd.f32 s10, v7  }
0xf8: {  	[tilespmem:s0+$0x2140] =	vst v16;
	s1 =	smul.f32 $7.812500000e-03, s12;
	v30 =	vmul.f32 s22, v55;
	v31 =	vadd.f32 s10, v27;
	v9 =	vmul.f32 v47, v15  }
0xf9: {  	[tilespmem:s0+$0x2120] =	vst v10;
	v6 =	vadd.f32 v6, v34;
	s7 =	smul.f32 s9, s7;
	v16 =	vmul.f32 s22, v37;
	v7 =	vmul.f32 v7, v14  }
0xfa: {  	s20 =	ssub.f32 $0.0e+00, s20;
	[tilespmem:s0+$0x2150] =	vst v18;
	v8 =	vadd.f32 v8, v35;
	s14 =	smul.f32 s8, s28;
	v10 =	vmul.f32 v31, v42;
	v18 =	vmul.f32 s22, v41  }
0xfb: {  	s1 =	ssub.f32 s1, s13;
	v33 =	vadd.f32 s10, v30;
	v20 =	vmul.f32 s7, v20;
	v21 =	vmul.f32 s7, v21  }
0xfc: {  	[tilespmem:s0+$0x2170] =	vst v26;
	s13 =	spop (v2sf);
	v9 =	vadd.f32 v9, v39;
	s28 =	smul.f32 s14, s8;
	v47 =	vmul.f32 s7, v22;
	v27 =	vmul.f32 s7, v58  }
0xfd: {  	[tilespmem:s0+$0x2130] =	vst v11;
	s22 =	spop (v2sf);
	s9 =	smul.f32 s7, s20;
	v16 =	vadd.f32 s10, v16;
	v30 =	vmul.f32 s7, v25;
	v31 =	vmul.f32 s7, v50  }
0xfe: {  	[tilespmem:s0+$0x4100] =	vst v17;
	s1 =	sadd.f32 $9.999999740e-06, s1;
	v37 =	vmul.f32 s7, v36;
	s20 =	smul.f32 $7.812500000e-03, s13;
	v7 =	vadd.f32 v7, v38;
	v11 =	vmul.f32 v33, v44  }
0xff: {  	[tilespmem:s0+$0x4110] =	vst v19;
	v10 =	vadd.f32 v10, v45;
	v46 =	vadd.f32 s10, v18;
	v33 =	vmul.f32 s7, v32;
	s7 =	smul.f32 $7.812500000e-03, s22  }
0x100: {  	[tilespmem:s0+$0x4120] =	vst v0;
	s12 =	ssub.f32 $1.500000000e+00, s28;
	s29 =	sshra.s32 s1, $0x1;
	s1 =	smul.f32 $5.000000000e-01, s1;
	v19 =	vadd.f32 s9, v20;
	v55 =	vadd.f32 s9, v21  }
0x101: {  	[tilespmem:s0+$0x4130] =	vst v2;
	v0 =	vadd.f32 s9, v47;
	v2 =	vadd.f32 s9, v27;
	s28 =	smul.f32 s20, s20  }
0x102: {  	[tilespmem:s0+$0x2160] =	vst v24;
	v41 =	vmul.f32 v16, v48;
	v16 =	vadd.f32 s9, v30;
	v18 =	vadd.f32 s9, v31;
	s8 =	smul.f32 s12, s8;
	s10 =	ssub.s32 $0x5F3759DF, s29  }
0x103: {  	[tilespmem:s0+$0x4150] =	vst v3;
	v21 =	vadd.f32 s9, v37;
	v46 =	vmul.f32 v46, v49;
	s14 =	smul.f32 s10, s1;
	v50 =	vmul.f32 v19, v12  }
0x104: {  	[tilespmem:s0+$0x4140] =	vst v1;
	v30 =	vld [tilespmem:$0x1FE60];
	v11 =	vadd.f32 v11, v52;
	v55 =	vmul.f32 v55, v13;
	s7 =	ssub.f32 s7, s28;
	v0 =	vmul.f32 v0, v14  }
0x105: {  	s2 =	ssub.f32 $0.0e+00, s2;
	[tilespmem:s0+$0x4160] =	vst v4;
	v47 =	vadd.f32 s9, v33;
	v56 =	vmul.f32 s8, v56;
	v58 =	vmul.f32 s8, v54;
	s29 =	smul.f32 s10, s14  }
0x106: {  	[tilespmem:s0+$0x4170] =	vst v5;
	v1 =	vadd.f32 v41, v51;
	v25 =	vmul.f32 s8, v28;
	v27 =	vmul.f32 s8, v43;
	s7 =	sadd.f32 $9.999999740e-06, s7  }
0x107: {  	[tilespmem:s0+$0x6100] =	vst v6;
	v3 =	vadd.f32 v46, v53;
	s2 =	smul.f32 s8, s2;
	v31 =	vmul.f32 s8, v40;
	v33 =	vmul.f32 s8, v63;
	s13 =	ssub.f32 $1.500000000e+00, s29  }
0x108: {  	[tilespmem:s0+$0x6110] =	vst v8;
	v23 =	vmul.f32 s8, v23;
	v4 =	vadd.f32 v50, v34;
	v24 =	vadd.f32 v55, v35;
	s14 =	sshra.s32 s7, $0x1;
	s7 =	smul.f32 $5.000000000e-01, s7  }
0x109: {  	[tilespmem:s0+$0x6130] =	vst v9;
	v5 =	vadd.f32 s2, v56;
	v26 =	vadd.f32 s2, v58;
	v19 =	vmul.f32 s8, v30;
	s8 =	ssub.s32 $0x5F3759DF, s14;
	s9 =	smul.f32 s10, s13  }
0x10a: {  	[tilespmem:s0+$0x6120] =	vst v7;
	v2 =	vmul.f32 v2, v15;
	v28 =	vadd.f32 s2, v25;
	v32 =	vadd.f32 s2, v27;
	s22 =	smul.f32 s8, s7  }
0x10b: {  	[tilespmem:s0+$0x6140] =	vst v10;
	v43 =	vmul.f32 v16, v42;
	v37 =	vadd.f32 s2, v31;
	v40 =	vadd.f32 s2, v33;
	s1 =	smul.f32 s9, s1  }
0x10c: {  	[tilespmem:s0+$0x6150] =	vst v11;
	v46 =	vmul.f32 v18, v44;
	v41 =	vadd.f32 s2, v23;
	v36 =	vadd.f32 s2, v19;
	s2 =	smul.f32 s8, s22  }
0x10d: {  	v22 =	vld [tilespmem:$0x1FE70];
	v47 =	vmul.f32 v47, v48;
	[tilespmem:s0+$0x6160] =	vst v1;
	v0 =	vadd.f32 v0, v38;
	v2 =	vadd.f32 v2, v39;
	s1 =	smul.f32 s1, s9  }
0x10e: {  	v50 =	vmul.f32 v21, v49;
	[tilespmem:s0+$0x6170] =	vst v3;
	v1 =	vadd.f32 v43, v45;
	v54 =	vadd.f32 v46, v52;
	v25 =	vld [tilespmem:$0x1FE80];
	s2 =	ssub.f32 $1.500000000e+00, s2  }
0x10f: {  	v3 =	vadd.f32 v47, v51;
	v27 =	vld [tilespmem:$0x1FE90];
	[tilespmem:s0+$0x180] =	vst v4;
	v5 =	vmul.f32 v5, v12;
	v8 =	vmul.f32 v26, v13;
	s1 =	ssub.f32 $1.500000000e+00, s1  }
0x110: {  	v30 =	vld [tilespmem:$0x1FEA0];
	[tilespmem:s0+$0x190] =	vst v24;
	v55 =	vadd.f32 v50, v53;
	v58 =	vmul.f32 v28, v14;
	v63 =	vmul.f32 v32, v15;
	s2 =	smul.f32 s8, s2  }
0x111: {  	s4 =	ssub.f32 $0.0e+00, s4;
	[tilespmem:s0+$0x1A0] =	vst v0;
	v18 =	vmul.f32 v37, v44;
	v26 =	vmul.f32 v40, v48;
	v56 =	vadd.f32 v5, v34;
	s1 =	smul.f32 s1, s9  }
0x112: {  	[tilespmem:s0+$0x1B0] =	vst v2;
	v28 =	vmul.f32 v41, v49;
	v16 =	vadd.f32 v8, v35;
	v19 =	vadd.f32 v58, v38;
	s7 =	smul.f32 s2, s7  }
0x113: {  	v46 =	vld [tilespmem:$0x1FEB0];
	[tilespmem:s0+$0x1C0] =	vst v1;
	v21 =	vadd.f32 v63, v39;
	s4 =	smul.f32 s1, s4;
	v7 =	vmul.f32 s1, v22;
	v9 =	vmul.f32 s1, v25  }
0x114: {  	[tilespmem:s0+$0x1D0] =	vst v54;
	v54 =	vld [tilespmem:$0x1FEC0];
	v24 =	vadd.f32 v18, v52;
	v31 =	vadd.f32 v26, v51;
	v10 =	vmul.f32 s1, v27  }
0x115: {  	[tilespmem:s0+$0x2180] =	vst v56;
	v56 =	vld [tilespmem:$0x1FED0];
	v11 =	vmul.f32 s1, v30;
	s7 =	smul.f32 s7, s2;
	v7 =	vadd.f32 s4, v7;
	v9 =	vadd.f32 s4, v9  }
0x116: {  	[tilespmem:s0+$0x1E0] =	vst v3;
	v17 =	vmul.f32 v36, v42;
	v36 =	vadd.f32 v28, v53;
	v63 =	vld [tilespmem:$0x1FEE0];
	v33 =	vadd.f32 s4, v10  }
0x117: {  	[tilespmem:s0+$0x1F0] =	vst v55;
	v27 =	vld [tilespmem:$0x1FF00];
	v40 =	vadd.f32 s4, v11;
	s7 =	ssub.f32 $1.500000000e+00, s7;
	v32 =	vmul.f32 v7, v12;
	v37 =	vmul.f32 v9, v13  }
0x118: {  	v23 =	vadd.f32 v17, v45;
	[tilespmem:s0+$0x2190] =	vst v16;
	v43 =	vmul.f32 v33, v14;
	v7 =	vmul.f32 s1, v46  }
0x119: {  	[tilespmem:s0+$0x21A0] =	vst v19;
	v50 =	vmul.f32 v40, v15;
	v9 =	vmul.f32 s1, v54;
	s2 =	smul.f32 s7, s2;
	v41 =	vadd.f32 v32, v34  }
0x11a: {  	[tilespmem:s0+$0x21B0] =	vst v21;
	v47 =	vadd.f32 v37, v35;
	v55 =	vadd.f32 s4, v7;
	v7 =	vmul.f32 s1, v56  }
0x11b: {  	s28 =	ssub.f32 $0.0e+00, s20;
	[tilespmem:s0+$0x21D0] =	vst v24;
	v21 =	vld [tilespmem:$0x1FEF0];
	v58 =	vadd.f32 s4, v9;
	v9 =	vmul.f32 s1, v63;
	v18 =	vmul.f32 s2, v29  }
0x11c: {  	[tilespmem:s0+$0x21E0] =	vst v31;
	v3 =	vadd.f32 v43, v38;
	v4 =	vmul.f32 s2, v27;
	v29 =	vmul.f32 s2, v62  }
0x11d: {  	[tilespmem:s0+$0x21F0] =	vst v36;
	v6 =	vadd.f32 v50, v39;
	s29 =	smul.f32 s2, s28;
	v32 =	vmul.f32 s2, v59;
	v40 =	vmul.f32 s2, v61  }
0x11e: {  	[tilespmem:s0+$0x21C0] =	vst v23;
	v46 =	vmul.f32 s2, v57;
	v16 =	vmul.f32 v55, v42;
	v17 =	vadd.f32 s4, v7  }
0x11f: {  	v19 =	vmul.f32 v58, v44;
	v20 =	vadd.f32 s4, v9;
	[tilespmem:s0+$0x4180] =	vst v41;
	v23 =	vadd.f32 s29, v18  }
0x120: {  	v9 =	vmul.f32 s2, v21;
	[tilespmem:s0+$0x4190] =	vst v47;
	v31 =	vadd.f32 s29, v4;
	v37 =	vadd.f32 s29, v32  }
0x121: {  	[tilespmem:s0+$0x41A0] =	vst v3;
	v54 =	vadd.f32 s29, v40;
	v0 =	vadd.f32 v16, v45;
	v22 =	vmul.f32 v17, v48  }
0x122: {  	[tilespmem:s0+$0x41B0] =	vst v6;
	v2 =	vadd.f32 v19, v52;
	v24 =	vmul.f32 v20, v49;
	v25 =	vadd.f32 s29, v9  }
0x123: {  	v57 =	vadd.f32 s29, v46;
	v26 =	vmul.f32 v23, v12;
	v1 =	vadd.f32 v22, v51;
	[tilespmem:s0+$0x41C0] =	vst v0  }
0x124: {  	v36 =	vmul.f32 v31, v14;
	v5 =	vadd.f32 v24, v53;
	v28 =	vmul.f32 v25, v13;
	[tilespmem:s0+$0x41D0] =	vst v2  }
0x125: {  	v50 =	vmul.f32 v37, v42;
	v59 =	vmul.f32 v54, v48;
	v30 =	vadd.f32 v26, v34;
	[tilespmem:s0+$0x41E0] =	vst v1  }
0x126: {  	v47 =	vadd.f32 v36, v38;
	v33 =	vadd.f32 v28, v35;
	v35 =	vmul.f32 s2, v60;
	[tilespmem:s0+$0x41F0] =	vst v5  }
0x127: {  	v61 =	vmul.f32 v57, v49;
	v34 =	vadd.f32 s29, v29;
	v58 =	vadd.f32 v50, v45;
	[tilespmem:s0+$0x6180] =	vst v30  }
0x128: {  	s25 =	sadd.s32 $0x2, s25;
	v62 =	vadd.f32 v59, v51;
	[tilespmem:s0+$0x61A0] =	vst v47;
	v43 =	vadd.f32 s29, v35  }
0x129: {  	p0 =	slt.u32 s25, $0x1E;
	v63 =	vadd.f32 v61, v53;
	v41 =	vmul.f32 v34, v15;
	[tilespmem:s0+$0x61C0] =	vst v58  }
.Ltmp0:
0x12a: {  	[tilespmem:s0+$0x61E0] =	vst v62;
	v56 =	vmul.f32 v43, v44;
	(pc) =	sbr.rel @p0 .LBB2_2-.Ltmp0, $4  }
0x12b: {  	[tilespmem:s0+$0x61F0] =	vst v63;
	v55 =	vadd.f32 v41, v39  }
0x12c: {  	[tilespmem:s0+$0x6190] =	vst v33;
	v60 =	vadd.f32 v56, v52  }
0x12d: {  	[tilespmem:s0+$0x61B0] =	vst v55  }
0x12e: {  	s3 =	sadd.s32 $0x400, s3;
	[tilespmem:s0+$0x61D0] =	vst v60  }
0x12f: {  	s25 =	simm.s32 $0x0;
	s0 =	simm.s32 $0x100  }
0x130: {  	[hbm4b:s11+s25] =	stream.linear.scatter [tilespmem:s0], [sflag:$0x3], $0x1000, $0x38;
	[tilespmem:$0xA200] =	vst v63  }
0x131: {  	s14 =	rddreg [dreg:$0xb];
	s1 =	simm.s32 $0x2100  }
0x132: {  	[hbm4b:s14+s25] =	stream.linear.scatter [tilespmem:s1], [sflag:$0x3], $0x1000, $0x38;
	[tilespmem:$0xA200] =	vst v63  }
0x133: {  	s20 =	rddreg [dreg:$0xc];
	s22 =	simm.s32 $0x4100  }
0x134: {  	[hbm4b:s20+s25] =	stream.linear.scatter [tilespmem:s22], [sflag:$0x3], $0x1000, $0x38;
	[tilespmem:$0xA200] =	vst v63  }
0x135: {  	s28 =	rddreg [dreg:$0xd];
	s29 =	simm.s32 $0x6100;
	s3 =	simm.s32 $0xFFFFFFFE  }
0x136: {  	[hbm4b:s28+s25] =	stream.linear.scatter [tilespmem:s29], [sflag:$0x3], $0x1000, $0x38;
	[tilespmem:$0xA200] =	vst v63  }
.LBB2_4:
0x137: {  	s0 =	sshra.s32 s25, $0x2  }
0x138: {  	v20 =	vld [tilespmem:s0+$0x9100]  }
0x139: {  	v21 =	vld [tilespmem:s0+$0x9110]  }
0x13a: {  	v22 =	vld [tilespmem:s0+$0x9120]  }
0x13b: {  	v23 =	vld [tilespmem:s0+$0x9130]  }
0x13c: {  	v26 =	vld [tilespmem:s0+$0x9140]  }
0x13d: {  	v27 =	vld [tilespmem:s0+$0x9150]  }
0x13e: {  	v34 =	vld [tilespmem:s0+$0x9160]  }
0x13f: {  	v38 =	vld [tilespmem:s0+$0x9170]  }
0x140: {  	v0 =	vld [tilespmem:s0+$0x1100]  }
0x141: {  	v1 =	vld [tilespmem:s0+$0x1110]  }
0x142: {  	v2 =	vld [tilespmem:s0+$0x1120]  }
0x143: {  	v3 =	vld [tilespmem:s0+$0x1130]  }
0x144: {  	v4 =	vld [tilespmem:s0+$0x1140]  }
0x145: {  	v5 =	vld [tilespmem:s0+$0x1150]  }
0x146: {  	v6 =	vld [tilespmem:s0+$0x1160]  }
0x147: {  	v7 =	vld [tilespmem:s0+$0x1170]  }
0x148: {  	v24 =	vld [tilespmem:s0+$0x3120]  }
0x149: {  	v41 =	vld [tilespmem:s0+$0x3130]  }
0x14a: {  	v44 =	vld [tilespmem:s0+$0x3140]  }
0x14b: {  	v46 =	vld [tilespmem:s0+$0x3150];
	v36 =	vadd.f32 v0, v20  }
0x14c: {  	v48 =	vld [tilespmem:s0+$0x3160];
	v37 =	vadd.f32 v1, v21;
	v32 =	vadd.f32 v2, v22  }
0x14d: {  	v50 =	vld [tilespmem:s0+$0x3170];
	v33 =	vadd.f32 v3, v23;
	v49 =	vadd.f32 v4, v26  }
0x14e: {  	v52 =	vadd.f32 v5, v27;
	v60 =	vadd.f32 v6, v34  }
0x14f: {  	v61 =	vadd.f32 v7, v38;
	v25 =	vadd.f32 v24, v22  }
0x150: {  	v24 =	vadd.f32 v41, v23;
	v55 =	vadd.f32 v44, v26  }
0x151: {  	v59 =	vadd.f32 v46, v27;
	v51 =	vadd.f32 v48, v34  }
0x152: {  	v12 =	vadd.f32 v50, v38;
	v1 =	vadd.f32 v37, v36;
	v28 =	vmul.f32 v36, v36  }
0x153: {  	v29 =	vmul.f32 v37, v37;
	v30 =	vadd.f32 v33, v32;
	v31 =	vmul.f32 v32, v32  }
0x154: {  	v39 =	vld [tilespmem:s0+$0x3100];
	v35 =	vmul.f32 v33, v33;
	v8 =	vadd.f32 v52, v49;
	v9 =	vmul.f32 v49, v49  }
0x155: {  	v11 =	vld [tilespmem:s0+$0x3110];
	v10 =	vmul.f32 v52, v52;
	v17 =	vadd.f32 v61, v60;
	v18 =	vmul.f32 v60, v60  }
0x156: {  	v63 =	vld [tilespmem:s0+$0x5120];
	v19 =	vmul.f32 v61, v61;
	v57 =	vadd.f32 v24, v25;
	v44 =	vadd.f32 v59, v55  }
0x157: {  	v3 =	vld [tilespmem:s0+$0x5100];
	v2 =	vadd.f32 v29, v28;
	v40 =	vadd.f32 v35, v31  }
0x158: {  	v41 =	vld [tilespmem:s0+$0x5140];
	v58 =	vmul.f32 v25, v25;
	v42 =	vadd.f32 v10, v9;
	v43 =	vadd.f32 v19, v18  }
0x159: {  	v62 =	vmul.f32 v24, v24;
	v1 =	vadd.f32 v30, v1;
	v45 =	vadd.f32 v17, v8  }
0x15a: {  	v28 =	vadd.f32 v39, v20;
	v29 =	vadd.f32 v11, v21  }
0x15b: {  	v35 =	vadd.f32 v12, v51;
	v46 =	vadd.f32 v62, v58  }
0x15c: {  	v11 =	vadd.f32 v63, v22;
	v19 =	vadd.f32 v3, v20  }
0x15d: {  	v56 =	vld [tilespmem:s0+$0x5110];
	v30 =	vmul.f32 v59, v59;
	v14 =	vadd.f32 v41, v26;
	v2 =	vadd.f32 v40, v2  }
0x15e: {  	v31 =	vld [tilespmem:s0+$0x5130];
	v39 =	vmul.f32 v51, v51;
	v47 =	vadd.f32 v43, v42;
	v1 =	vadd.f32 v45, v1  }
0x15f: {  	[tilespmem:$0x1FB90] =	vst v51;
	v51 =	vld [tilespmem:s0+$0x5160];
	v4 =	vadd.f32 v29, v28;
	v53 =	vmul.f32 v28, v28;
	v54 =	vmul.f32 v29, v29  }
0x160: {  	v18 =	vld [tilespmem:s0+$0x7100];
	v45 =	vmul.f32 v55, v55;
	v40 =	vmul.f32 v12, v12;
	v8 =	vadd.f32 v35, v44  }
0x161: {  	v2 =	vadd.f32 v47, v2;
	v5 =	vadd.f32 v54, v53  }
0x162: {  	v48 =	vadd.f32 v30, v45;
	v50 =	vadd.f32 v40, v39  }
0x163: {  	v47 =	vld [tilespmem:s0+$0x5150];
	v4 =	vadd.f32 v57, v4;
	v30 =	vadd.f32 v56, v21  }
0x164: {  	[tilespmem:$0x1FBA0] =	vst v12;
	v57 =	vld [tilespmem:s0+$0x5170];
	v54 =	vadd.f32 v31, v23;
	v12 =	vadd.f32 v51, v34  }
0x165: {  	v62 =	vmul.f32 v19, v19;
	v40 =	vadd.f32 v18, v20;
	v5 =	vadd.f32 v46, v5  }
0x166: {  	v44 =	vld [tilespmem:s0+$0x7110];
	v6 =	vadd.f32 v50, v48;
	v3 =	vadd.f32 v30, v19;
	v63 =	vmul.f32 v30, v30  }
0x167: {  	[tilespmem:$0x1FBB0] =	vst v11;
	v48 =	vld [tilespmem:s0+$0x7120];
	v4 =	vadd.f32 v8, v4;
	v16 =	vadd.f32 v54, v11;
	v11 =	vmul.f32 v11, v11  }
0x168: {  	v39 =	vld [tilespmem:s0+$0x7170];
	v17 =	vmul.f32 v54, v54;
	v7 =	vadd.f32 v63, v62;
	v5 =	vadd.f32 v6, v5  }
0x169: {  	v35 =	vld [tilespmem:s0+$0x7160];
	v42 =	vmul.f32 v14, v14;
	(xrf2) =	vadd.scan.msk.f32 $0xffff, v1;
	v15 =	vadd.f32 v47, v27;
	v58 =	vadd.f32 v57, v38  }
0x16a: {  	v53 =	vld [tilespmem:s0+$0x7130];
	v46 =	vmul.f32 v12, v12;
	v51 =	vadd.f32 v17, v11;
	v3 =	vadd.f32 v16, v3  }
0x16b: {  	v63 =	vld [tilespmem:s0+$0x7150];
	v41 =	vadd.f32 v15, v14;
	v43 =	vmul.f32 v15, v15;
	v45 =	vadd.f32 v58, v12  }
0x16c: {  	v47 =	vmul.f32 v58, v58;
	v7 =	vadd.f32 v51, v7;
	v16 =	vadd.f32 v48, v22  }
0x16d: {  	(xrf2) =	vadd.scan.msk.f32 $0xffff, v2;
	[tilespmem:$0x1FBD0] =	vst v15;
	v15 =	vadd.f32 v39, v38;
	v56 =	vadd.f32 v43, v42  }
0x16e: {  	[tilespmem:$0x1FBF0] =	vst v58;
	v58 =	vld [tilespmem:s0+$0x7140];
	v57 =	vadd.f32 v47, v46;
	v62 =	vadd.f32 v45, v41  }
0x16f: {  	v38 =	vld [tilespmem:s0+$0x11A0];
	v42 =	vadd.f32 v44, v21;
	v44 =	vadd.f32 v53, v23  }
0x170: {  	[tilespmem:$0x1FBE0] =	vst v12;
	v8 =	vmul.f32 v40, v40;
	v12 =	vadd.f32 v63, v27;
	v45 =	vadd.f32 v35, v34;
	v27 =	vld [tilespmem:s0+$0x9180]  }
0x171: {  	[tilespmem:$0x1FBC0] =	vst v14;
	v48 =	vmul.f32 v16, v16;
	v43 =	vld [tilespmem:s0+$0x9190];
	v31 =	vadd.f32 v57, v56;
	v3 =	vadd.f32 v62, v3  }
0x172: {  	(xrf2) =	vadd.scan.msk.f32 $0xffff, v4;
	v41 =	vld [tilespmem:s0+$0x91F0];
	v46 =	vadd.f32 v42, v40;
	v9 =	vmul.f32 v42, v42;
	v47 =	vadd.f32 v44, v16  }
0x173: {  	[tilespmem:$0x1FC00] =	vst v40;
	v34 =	vld [tilespmem:s0+$0x1190];
	v23, _, _ =	vpop (xrf2);
	v50 =	vmul.f32 v44, v44;
	v56 =	vmul.f32 v12, v12;
	v57 =	vadd.f32 v15, v45  }
0x174: {  	(xrf2) =	vadd.scan.msk.f32 $0xffff, v5;
	v62 =	vmul.f32 v15, v15;
	v40 =	vld [tilespmem:s0+$0x91E0];
	(v2sf) =	vpush v23, $0xF;
	v14 =	vadd.f32 v58, v26  }
0x175: {  	[tilespmem:$0x1FC10] =	vst v42;
	v42 =	vld [tilespmem:s0+$0x11B0];
	v58 =	vmul.f32 v45, v45;
	v7 =	vadd.f32 v31, v7;
	v63 =	vadd.f32 v9, v8  }
0x176: {  	[tilespmem:$0x1FC20] =	vst v16;
	v26 =	vld [tilespmem:s0+$0x1180];
	v16 =	vadd.f32 v50, v48;
	v20 =	vadd.f32 v47, v46;
	v53 =	vmul.f32 v14, v14  }
0x177: {  	[tilespmem:$0x1FC60] =	vst v45;
	v45 =	vld [tilespmem:s0+$0x11C0];
	v51 =	vadd.f32 v12, v14;
	v18 =	vadd.f32 v62, v58;
	v31, _, _ =	vpop (xrf2)  }
0x178: {  	(xrf2) =	vadd.scan.msk.f32 $0xffff, v3;
	v46 =	vld [tilespmem:s0+$0x91A0];
	v17 =	vadd.f32 v56, v53;
	(v2sf) =	vpush v31, $0xF  }
0x179: {  	v50 =	vld [tilespmem:s0+$0x91B0];
	v21 =	vadd.f32 v57, v51  }
0x17a: {  	v47 =	vld [tilespmem:s0+$0x91D0];
	v1 =	vadd.f32 v16, v63;
	v2 =	vadd.f32 v18, v17  }
0x17b: {  	v51 =	vld [tilespmem:s0+$0x91C0];
	v22 =	vadd.f32 v21, v20  }
0x17c: {  	(xrf2) =	vadd.scan.msk.f32 $0xffff, v7;
	v35, _, _ =	vpop (xrf2);
	v53 =	vld [tilespmem:s0+$0x11D0];
	v1 =	vadd.f32 v2, v1  }
0x17d: {  	(v2sf) =	vpush v35, $0xF;
	v17 =	vld [tilespmem:s0+$0x11F0];
	(xrf2) =	vadd.scan.msk.f32 $0xffff, v22  }
0x17e: {  	v63 =	vld [tilespmem:s0+$0x11E0];
	v31 =	vadd.f32 v34, v43;
	v20 =	vadd.f32 v26, v27;
	(xrf2) =	vadd.scan.msk.f32 $0xffff, v1  }
0x17f: {  	v39, _, _ =	vpop (xrf2);
	v35 =	vadd.f32 v38, v46;
	v58 =	vadd.f32 v42, v50  }
0x180: {  	(v2sf) =	vpush v39, $0xF;
	v26 =	vadd.f32 v31, v20  }
0x181: {  	v34 =	vadd.f32 v58, v35;
	v42 =	vadd.f32 v45, v51  }
0x182: {  	[tilespmem:$0x1FC30] =	vst v44;
	v39 =	vadd.f32 v53, v47;
	v44, _, _ =	vpop (xrf2);
	v45 =	vadd.f32 v17, v41  }
0x183: {  	(v2sf) =	vpush v44, $0xF;
	v44 =	vadd.f32 v63, v40  }
0x184: {  	v10 =	vld [tilespmem:s0+$0x3190];
	v1 =	vadd.f32 v34, v26;
	v18 =	vmul.f32 v42, v42;
	v26 =	vmul.f32 v39, v39;
	s1 =	spop (v2sf)  }
0x185: {  	v6 =	vld [tilespmem:s0+$0x3180];
	v4 =	vmul.f32 v20, v20;
	v38 =	vadd.f32 v39, v42;
	v63 =	vadd.f32 v45, v44;
	s20 =	smul.f32 $7.812500000e-03, s1  }
0x186: {  	v48, _, _ =	vpop (xrf2);
	v57 =	vmul.f32 v45, v45;
	v2 =	vadd.f32 v26, v18;
	v26 =	vld [tilespmem:s0+$0x5190];
	v56 =	vmul.f32 v44, v44  }
0x187: {  	v53 =	vmul.f32 v31, v31;
	(v2sf) =	vpush v48, $0xF;
	v48 =	vld [tilespmem:s0+$0x31A0];
	v3 =	vadd.f32 v63, v38;
	s2 =	smul.f32 s20, s20;
	v62, _, _ =	vpop (xrf2);
	s7 =	spop (v2sf)  }
0x188: {  	v17 =	vmul.f32 v58, v58;
	v7 =	vadd.f32 v57, v56;
	(v2sf) =	vpush v62, $0xF;
	v62 =	vld [tilespmem:s0+$0x31B0];
	v16, _, _ =	vpop (xrf2);
	s1 =	smul.f32 $7.812500000e-03, s7  }
0x189: {  	v57 =	vadd.f32 v10, v43;
	v10 =	vld [tilespmem:s0+$0x51D0];
	(v2sf) =	vpush v16, $0xF;
	v16 =	vmul.f32 v35, v35  }
0x18a: {  	v4 =	vadd.f32 v53, v4;
	v56 =	vadd.f32 v6, v27;
	v6 =	vld [tilespmem:s0+$0x5180];
	s1 =	ssub.f32 s1, s2  }
0x18b: {  	v53 =	vadd.f32 v3, v1;
	v63 =	vadd.f32 v17, v16;
	v16 =	vld [tilespmem:s0+$0x31C0]  }
0x18c: {  	v2 =	vadd.f32 v7, v2;
	v22 =	vadd.f32 v57, v56;
	v8 =	vmul.f32 v56, v56;
	s9 =	spop (v2sf);
	v17 =	vld [tilespmem:s0+$0x31D0];
	s1 =	sadd.f32 $9.999999740e-06, s1  }
0x18d: {  	v3 =	vld [tilespmem:s0+$0x31E0];
	v34 =	vmul.f32 v57, v57;
	v48 =	vadd.f32 v48, v46;
	s2 =	smul.f32 $7.812500000e-03, s9;
	v21 =	vadd.f32 v62, v50  }
0x18e: {  	[tilespmem:$0x1FC70] =	vst v15;
	v15 =	vadd.f32 v10, v47;
	v10 =	vld [tilespmem:s0+$0x7180];
	v18 =	vadd.f32 v63, v4;
	s8 =	sshra.s32 s1, $0x1;
	s1 =	smul.f32 $5.000000000e-01, s1  }
0x18f: {  	v8 =	vadd.f32 v34, v8;
	v38 =	vmul.f32 v48, v48;
	s9 =	smul.f32 s2, s2;
	v4 =	vld [tilespmem:s0+$0x31F0];
	v23 =	vadd.f32 v21, v48;
	s4 =	ssub.s32 $0x5F3759DF, s8  }
0x190: {  	v62 =	vld [tilespmem:s0+$0x51A0];
	v11 =	vmul.f32 v21, v21;
	v18 =	vadd.f32 v2, v18;
	v2 =	vadd.f32 v26, v43;
	s8 =	spop (v2sf);
	s7 =	smul.f32 s4, s1  }
0x191: {  	[tilespmem:$0x1FC50] =	vst v12;
	v0 =	vadd.f32 v16, v51;
	v12 =	vadd.f32 v17, v47;
	s8 =	smul.f32 $7.812500000e-03, s8  }
0x192: {  	v63 =	vld [tilespmem:s0+$0x51B0];
	v17 =	vadd.f32 v23, v22;
	v9 =	vadd.f32 v11, v38;
	s7 =	smul.f32 s4, s7  }
0x193: {  	v38 =	vadd.f32 v3, v40;
	v3 =	vadd.f32 v6, v27;
	s8 =	ssub.f32 s8, s9  }
0x194: {  	v1 =	vmul.f32 v0, v0;
	v16 =	vmul.f32 v12, v12;
	v34 =	vadd.f32 v4, v41;
	s7 =	ssub.f32 $1.500000000e+00, s7  }
0x195: {  	v5 =	vld [tilespmem:s0+$0x51C0];
	[tilespmem:$0x1FC40] =	vst v14;
	v27 =	vadd.f32 v10, v27;
	v14 =	vadd.f32 v62, v46;
	v23 =	vmul.f32 v38, v38;
	s8 =	sadd.f32 $9.999999740e-06, s8  }
0x196: {  	v6 =	vld [tilespmem:s0+$0x51F0];
	v7 =	vadd.f32 v16, v1;
	v1 =	vmul.f32 v34, v34;
	v26 =	vadd.f32 v34, v38;
	s4 =	smul.f32 s4, s7  }
0x197: {  	[tilespmem:$0x1FC80] =	vst v21;
	v21 =	vadd.f32 v63, v50;
	v63 =	vld [tilespmem:s0+$0x51E0];
	v16 =	vadd.f32 v12, v0;
	s10 =	sshra.s32 s8, $0x1;
	s8 =	smul.f32 $5.000000000e-01, s8  }
0x198: {  	[tilespmem:$0x1FC90] =	vst v0;
	v11 =	vadd.f32 v9, v8;
	v0 =	vmul.f32 v3, v3;
	v4 =	vadd.f32 v1, v23;
	s7 =	ssub.s32 $0x5F3759DF, s10;
	s1 =	smul.f32 s4, s1  }
0x199: {  	[tilespmem:$0x1FCA0] =	vst v12;
	v12 =	vmul.f32 v2, v2;
	v16 =	vadd.f32 v26, v16;
	v1 =	vmul.f32 v14, v14;
	s10 =	spop (v2sf);
	s12 =	smul.f32 s7, s8  }
0x19a: {  	v23 =	vadd.f32 v5, v51;
	v26 =	vmovc v13;
	v13 =	vmul.f32 v21, v21;
	v8 =	vadd.f32 v4, v7;
	s22 =	smul.f32 $7.812500000e-03, s10;
	s13 =	spop (v2sf)  }
0x19b: {  	[tilespmem:$0x1FD00] =	vst v15;
	v4 =	vadd.f32 v12, v0;
	v0 =	vadd.f32 v6, v41;
	s10 =	smul.f32 $7.812500000e-03, s13  }
0x19c: {  	[tilespmem:$0x1FCC0] =	vst v2;
	v7 =	vadd.f32 v13, v1;
	v1 =	vadd.f32 v63, v40;
	s1 =	smul.f32 s1, s4  }
0x19d: {  	v9 =	vmul.f32 v15, v15;
	[tilespmem:$0x1FCD0] =	vst v14;
	v5 =	vadd.f32 v2, v3;
	v6 =	vmul.f32 v23, v23;
	s9 =	smul.f32 s7, s12  }
0x19e: {  	v2 =	vmovc v23;
	v12 =	vadd.f32 v21, v14;
	v62 =	vmul.f32 v0, v0;
	v63 =	vld [tilespmem:s0+$0x7190];
	s12 =	smul.f32 s22, s22;
	v13 =	vmul.f32 v1, v1;
	s1 =	ssub.f32 $1.500000000e+00, s1  }
0x19f: {  	v14 =	vadd.f32 v15, v2;
	[tilespmem:$0x1FD20] =	vst v0;
	v15 =	vadd.f32 v0, v1;
	v0 =	vld [tilespmem:s0+$0x71A0];
	s9 =	ssub.f32 $1.500000000e+00, s9  }
0x1a0: {  	v6 =	vadd.f32 v9, v6;
	s10 =	ssub.f32 s10, s12;
	v9 =	vadd.f32 v62, v13;
	v13 =	vld [tilespmem:s0+$0x71B0]  }
0x1a1: {  	(xrf2) =	vadd.scan.msk.f32 $0xffff, v53;
	[tilespmem:$0x1FCB0] =	vst v3;
	v3 =	vadd.f32 v12, v5;
	v12 =	vadd.f32 v15, v14;
	v14 =	vld [tilespmem:s0+$0x71C0];
	s7 =	smul.f32 s7, s9  }
0x1a2: {  	v62 =	vadd.f32 v7, v4;
	v7 =	vld [tilespmem:s0+$0x71D0];
	s1 =	smul.f32 s1, s4;
	s14 =	sadd.f32 $9.999999740e-06, s10;
	v6 =	vadd.f32 v9, v6  }
0x1a3: {  	v4 =	vadd.f32 v8, v11;
	v8 =	vld [tilespmem:s0+$0x71E0];
	v3 =	vadd.f32 v12, v3;
	s8 =	smul.f32 s7, s8  }
0x1a4: {  	[tilespmem:$0x1FD10] =	vst v1;
	v12 =	vadd.f32 v63, v43;
	s28 =	sshra.s32 s14, $0x1;
	s10 =	smul.f32 $5.000000000e-01, s14;
	s14 =	spop (v2sf);
	v1 =	vadd.f32 v6, v62;
	v6 =	vld [tilespmem:s0+$0x71F0]  }
0x1a5: {  	(xrf2) =	vadd.scan.msk.f32 $0xffff, v18;
	v16 =	vadd.f32 v16, v17;
	v5 =	vadd.f32 v0, v46;
	v0 =	vmul.f32 v27, v27;
	s4 =	smul.f32 $7.812500000e-03, s14  }
0x1a6: {  	s9 =	ssub.s32 $0x5F3759DF, s28;
	v9 =	vmul.f32 v12, v12;
	s8 =	smul.f32 s8, s7;
	v11 =	vadd.f32 v13, v50;
	v63 =	vadd.f32 v14, v51  }
0x1a7: {  	(xrf2) =	vadd.scan.msk.f32 $0xffff, v16;
	s13 =	spop (v2sf);
	s29 =	smul.f32 s9, s10;
	v2 =	vadd.f32 v7, v47;
	v47 =	vmul.f32 v5, v5;
	v7 =	vadd.f32 v12, v27  }
0x1a8: {  	(xrf2) =	vadd.scan.msk.f32 $0xffff, v4;
	s13 =	smul.f32 $7.812500000e-03, s13;
	v14 =	vadd.f32 v8, v40;
	v17 =	vmul.f32 v11, v11;
	v40 =	vmul.f32 v63, v63  }
0x1a9: {  	s14 =	ssub.f32 $0.0e+00, s20;
	[tilespmem:$0x1FD40] =	vst v5;
	s28 =	smul.f32 s4, s4;
	v5 =	vadd.f32 v11, v5;
	v62 =	vadd.f32 v6, v41;
	v41 =	vmul.f32 v2, v2  }
0x1aa: {  	[tilespmem:$0x1FCF0] =	vst v23;
	v0 =	vadd.f32 v9, v0;
	s8 =	ssub.f32 $1.500000000e+00, s8;
	s12 =	smul.f32 s9, s29;
	v6 =	vadd.f32 v17, v47;
	v17 =	vmul.f32 v14, v14  }
0x1ab: {  	[tilespmem:$0x1FD30] =	vst v12;
	s13 =	ssub.f32 s13, s28;
	v5 =	vadd.f32 v5, v7;
	v7, _, _ =	vpop (xrf2);
	v12 =	vmul.f32 v62, v62;
	v8 =	vadd.f32 v41, v40  }
0x1ac: {  	v60 =	vmul.f32 s1, v60;
	(xrf2) =	vadd.scan.msk.f32 $0xffff, v3;
	s14 =	smul.f32 s1, s14;
	v13 =	vadd.f32 v2, v63;
	s12 =	ssub.f32 $1.500000000e+00, s12;
	(v2sf) =	vpush v7, $0xF  }
0x1ad: {  	v49 =	vmul.f32 s1, v49;
	[tilespmem:$0x1FD70] =	vst v14;
	s29 =	sadd.f32 $9.999999740e-06, s13;
	v14 =	vadd.f32 v62, v14;
	v18 =	vadd.f32 v12, v17  }
0x1ae: {  	s2 =	ssub.f32 $0.0e+00, s2;
	v22 =	vld [tilespmem:$0x1FF10];
	v52 =	vmul.f32 s1, v52;
	(xrf2) =	vadd.scan.msk.f32 $0xffff, v1;
	s28 =	smul.f32 s8, s7;
	v7 =	vadd.f32 s14, v60;
	v0 =	vadd.f32 v6, v0  }
0x1af: {  	v23 =	vld [tilespmem:$0x1FF20];
	[tilespmem:$0x1FD60] =	vst v2;
	v2 =	vmul.f32 s1, v61;
	s8 =	smul.f32 s9, s12;
	s13 =	sshra.s32 s29, $0x1;
	v40 =	vadd.f32 v14, v13;
	v41 =	vadd.f32 v18, v8;
	v8, _, _ =	vpop (xrf2)  }
0x1b0: {  	[tilespmem:$0x1FCE0] =	vst v21;
	v21 =	vld [tilespmem:$0x1FF30];
	s9 =	ssub.s32 $0x5F3759DF, s13;
	s13 =	smul.f32 s28, s2;
	v12 =	vmul.f32 s28, v24;
	v13 =	vmul.f32 s28, v55;
	(v2sf) =	vpush v8, $0xF  }
0x1b1: {  	v46 =	vld [tilespmem:$0x1FF90];
	v14 =	vmul.f32 s28, v59;
	v6 =	vadd.f32 v40, v5;
	v5 =	vadd.f32 s14, v49;
	v9, _, _ =	vpop (xrf2)  }
0x1b2: {  	s20 =	smul.f32 s8, s10;
	v24 =	vld [tilespmem:$0x1FB90];
	v18 =	vmul.f32 s1, v36;
	v12 =	vadd.f32 s13, v12;
	(v2sf) =	vpush v9, $0xF  }
0x1b3: {  	v51 =	vld [tilespmem:$0x1FFB0];
	v36 =	vmul.f32 s1, v37;
	v13 =	vadd.f32 s13, v13;
	v14 =	vadd.f32 s13, v14;
	v10, _, _ =	vpop (xrf2)  }
0x1b4: {  	s7 =	smul.f32 s20, s8;
	v40 =	vmul.f32 s1, v32;
	v32 =	vld [tilespmem:$0x1FF40];
	v8 =	vadd.f32 s14, v2;
	(v2sf) =	vpush v10, $0xF  }
0x1b5: {  	v50 =	vld [tilespmem:$0x1FFA0];
	[tilespmem:$0x1FD50] =	vst v11;
	s12 =	smul.f32 $5.000000000e-01, s29;
	v0 =	vadd.f32 v41, v0;
	v41 =	vmul.f32 s1, v33;
	v1 =	vadd.f32 s14, v36  }
0x1b6: {  	v49 =	vld [tilespmem:$0x1FBB0];
	s7 =	ssub.f32 $1.500000000e+00, s7;
	(xrf2) =	vadd.scan.msk.f32 $0xffff, v6;
	v3 =	vadd.f32 s14, v40;
	v6 =	vadd.f32 s14, v52;
	v12 =	vmul.f32 v12, v21;
	v11, _, _ =	vpop (xrf2)  }
0x1b7: {  	v60 =	vld [tilespmem:$0x1FBD0];
	s29 =	smul.f32 s9, s12;
	v15 =	vmul.f32 s28, v24;
	(v2sf) =	vpush v11, $0xF;
	v1 =	vmul.f32 v1, v26  }
0x1b8: {  	v33 =	vld [tilespmem:$0x1FF50];
	s1 =	smul.f32 s7, s8;
	(xrf2) =	vadd.scan.msk.f32 $0xffff, v0;
	v16, _, _ =	vpop (xrf2);
	v0 =	vadd.f32 s14, v18;
	v3 =	vmul.f32 v3, v23;
	v18 =	vmul.f32 s28, v25  }
0x1b9: {  	v40 =	vld [tilespmem:$0x1FFC0];
	(v2sf) =	vpush v16, $0xF;
	v5 =	vmul.f32 v5, v32;
	v16 =	vmul.f32 s28, v28  }
0x1ba: {  	s10 =	smul.f32 s9, s29;
	v36 =	vld [tilespmem:$0x1FF60];
	v4 =	vadd.f32 s14, v41;
	v30 =	vmul.f32 s1, v30;
	v13 =	vmul.f32 v13, v32  }
0x1bb: {  	v43 =	vld [tilespmem:$0x1FF80];
	v12 =	vadd.f32 v12, v51;
	v52 =	vmul.f32 s1, v49;
	v54 =	vmul.f32 s1, v54  }
0x1bc: {  	s10 =	ssub.f32 $1.500000000e+00, s10;
	v41 =	vld [tilespmem:$0x1FFD0];
	v15 =	vadd.f32 s13, v15;
	v61 =	vmul.f32 s1, v60;
	v0 =	vmul.f32 v0, v22;
	s20 =	spop (v2sf)  }
0x1bd: {  	v47 =	vld [tilespmem:$0x1FFE0];
	v4 =	vmul.f32 v4, v21;
	v1 =	vadd.f32 v1, v46;
	v3 =	vadd.f32 v3, v50;
	s20 =	smul.f32 $7.812500000e-03, s20  }
0x1be: {  	s7 =	smul.f32 s9, s10;
	v11 =	vadd.f32 s13, v18;
	v6 =	vmul.f32 v6, v33;
	v5 =	vadd.f32 v5, v40  }
0x1bf: {  	v25 =	vld [tilespmem:$0x1FBA0];
	v9 =	vadd.f32 s13, v16;
	v7 =	vmul.f32 v7, v36;
	v14 =	vmul.f32 v14, v33;
	s10 =	smul.f32 s20, s20;
	s29 =	spop (v2sf)  }
0x1c0: {  	s9 =	ssub.f32 $0.0e+00, s22;
	v15 =	vmul.f32 v15, v36;
	v13 =	vadd.f32 v13, v40;
	v0 =	vadd.f32 v0, v43;
	s2 =	smul.f32 $7.812500000e-03, s29  }
0x1c1: {  	v55 =	vld [tilespmem:$0x1FBC0];
	s8 =	smul.f32 s7, s12;
	v4 =	vadd.f32 v4, v51;
	v11 =	vmul.f32 v11, v23;
	v6 =	vadd.f32 v6, v41;
	v17, _, _ =	vpop (xrf2);
	s14 =	spop (v2sf)  }
0x1c2: {  	v60 =	vld [tilespmem:$0x1FBF0];
	v9 =	vmul.f32 v9, v22;
	v7 =	vadd.f32 v7, v47;
	(v2sf) =	vpush v17, $0xF;
	v37, _, _ =	vpop (xrf2);
	s29 =	smul.f32 s1, s9;
	s9 =	ssub.f32 s2, s10  }
0x1c3: {  	v14 =	vadd.f32 v14, v41;
	v17 =	vmul.f32 s28, v29;
	(v2sf) =	vpush v37, $0xF;
	v37 =	vld [tilespmem:$0x1FF70];
	s22 =	spop (v2sf);
	s2 =	smul.f32 $7.812500000e-03, s14  }
0x1c4: {  	v28 =	vmul.f32 s28, v25;
	v15 =	vadd.f32 v15, v47;
	[tilespmem:s0+$0x1100] =	vst v0;
	s12 =	smul.f32 $7.812500000e-03, s22;
	v0 =	vadd.f32 s29, v52;
	v52 =	vld [tilespmem:$0x1FBE0];
	s9 =	sadd.f32 $9.999999740e-06, s9  }
0x1c5: {  	v11 =	vadd.f32 v11, v50;
	v29 =	vmul.f32 s1, v19;
	v10 =	vadd.f32 s13, v17;
	s14 =	smul.f32 s2, s2  }
0x1c6: {  	v59 =	vmul.f32 s1, v55;
	v9 =	vadd.f32 v9, v43;
	v16 =	vadd.f32 s13, v28;
	s22 =	sshra.s32 s9, $0x1;
	s9 =	smul.f32 $5.000000000e-01, s9  }
0x1c7: {  	v53 =	vld [tilespmem:$0x1FFF0];
	s8 =	smul.f32 s8, s7;
	v10 =	vmul.f32 v10, v26;
	v17 =	vadd.f32 s29, v29;
	v18 =	vadd.f32 s29, v30;
	s10 =	ssub.f32 s12, s14;
	s13 =	ssub.s32 $0x5F3759DF, s22  }
0x1c8: {  	v55 =	vadd.f32 s29, v59;
	v59 =	vadd.f32 s29, v61;
	v61 =	vmul.f32 s1, v60;
	s28 =	smul.f32 s13, s9  }
0x1c9: {  	v49 =	vadd.f32 s29, v54;
	v29 =	vld [tilespmem:$0x1FC20];
	v8 =	vmul.f32 v8, v37;
	v54 =	vmul.f32 s1, v52;
	s10 =	sadd.f32 $9.999999740e-06, s10  }
0x1ca: {  	s8 =	ssub.f32 $1.500000000e+00, s8;
	v10 =	vadd.f32 v10, v46;
	v16 =	vmul.f32 v16, v37;
	v17 =	vmul.f32 v17, v22;
	s12 =	smul.f32 s13, s28  }
0x1cb: {  	v60 =	vld [tilespmem:$0x1FC00];
	v18 =	vmul.f32 v18, v26;
	v30 =	vmul.f32 v49, v21;
	v49 =	vadd.f32 s29, v54;
	s14 =	sshra.s32 s10, $0x1;
	s28 =	smul.f32 $5.000000000e-01, s10  }
0x1cc: {  	[tilespmem:s0+$0x1110] =	vst v1;
	v25 =	vld [tilespmem:$0x1FC10];
	v0 =	vmul.f32 v0, v23;
	v1 =	vmul.f32 v55, v32;
	v8 =	vadd.f32 v8, v53;
	s22 =	smul.f32 s8, s7;
	s10 =	ssub.f32 $1.500000000e+00, s12;
	s12 =	ssub.s32 $0x5F3759DF, s14  }
0x1cd: {  	s4 =	ssub.f32 $0.0e+00, s4;
	[tilespmem:s0+$0x1120] =	vst v3;
	v16 =	vadd.f32 v16, v53;
	v17 =	vadd.f32 v17, v43;
	v55 =	vmul.f32 v49, v36;
	v49 =	vld [tilespmem:$0x1FC30];
	s14 =	smul.f32 s12, s28  }
0x1ce: {  	[tilespmem:s0+$0x1140] =	vst v5;
	v3 =	vadd.f32 v30, v51;
	v54 =	vadd.f32 s29, v61;
	v30 =	vmul.f32 s22, v29;
	v29 =	vld [tilespmem:$0x1FC70];
	s7 =	smul.f32 s13, s10  }
0x1cf: {  	[tilespmem:s0+$0x1130] =	vst v4;
	v18 =	vadd.f32 v18, v46;
	v52 =	vmul.f32 v59, v33;
	s29 =	spop (v2sf);
	v5 =	vadd.f32 v55, v47;
	v55 =	vld [tilespmem:$0x1FC40];
	s10 =	smul.f32 s22, s4  }
0x1d0: {  	[tilespmem:s0+$0x1150] =	vst v6;
	v0 =	vadd.f32 v0, v50;
	v61 =	vmul.f32 s22, v60;
	v59 =	vmul.f32 v54, v37;
	s4 =	smul.f32 $7.812500000e-03, s29  }
0x1d1: {  	[tilespmem:s0+$0x1160] =	vst v7;
	v1 =	vadd.f32 v1, v40;
	v4 =	vadd.f32 v52, v41;
	v28 =	vmul.f32 s22, v25;
	s9 =	smul.f32 s7, s9  }
0x1d2: {  	[tilespmem:s0+$0x3150] =	vst v14;
	v6 =	vadd.f32 v59, v53;
	s1 =	smul.f32 s12, s14;
	v52 =	vmul.f32 s22, v49;
	v7 =	vadd.f32 s10, v61;
	v61 =	vld [tilespmem:$0x1FC50]  }
0x1d3: {  	[tilespmem:s0+$0x1170] =	vst v8;
	v14 =	vmul.f32 s22, v29;
	v54 =	vadd.f32 s10, v28;
	v8 =	vadd.f32 s10, v30;
	v28 =	vld [tilespmem:$0x1FC60];
	s9 =	smul.f32 s9, s7  }
0x1d4: {  	[tilespmem:s0+$0x3140] =	vst v13;
	s1 =	ssub.f32 $1.500000000e+00, s1;
	v59 =	vmul.f32 s22, v55;
	v60 =	vadd.f32 s10, v52;
	v7 =	vmul.f32 v7, v22  }
0x1d5: {  	[tilespmem:s0+$0x3100] =	vst v9;
	s13 =	smul.f32 s4, s4;
	v14 =	vadd.f32 s10, v14;
	v9 =	vmul.f32 v54, v26;
	v8 =	vmul.f32 v8, v23;
	s9 =	ssub.f32 $1.500000000e+00, s9  }
0x1d6: {  	[tilespmem:s0+$0x3110] =	vst v10;
	s8 =	smul.f32 s12, s1;
	v25 =	vadd.f32 s10, v59;
	v10 =	vmul.f32 v60, v21;
	v7 =	vadd.f32 v7, v43  }
0x1d7: {  	[tilespmem:s0+$0x3160] =	vst v15;
	s12 =	spop (v2sf);
	v9 =	vadd.f32 v9, v46;
	v60 =	vmul.f32 v14, v37;
	v2 =	vmul.f32 s22, v61;
	s7 =	smul.f32 s9, s7  }
0x1d8: {  	[tilespmem:s0+$0x3120] =	vst v11;
	s1 =	smul.f32 $7.812500000e-03, s12;
	v8 =	vadd.f32 v8, v50;
	v13 =	vmul.f32 s22, v28;
	v11 =	vmul.f32 v25, v32  }
0x1d9: {  	s20 =	ssub.f32 $0.0e+00, s20;
	[tilespmem:s0+$0x5150] =	vst v4;
	v10 =	vadd.f32 v10, v51;
	v4 =	vadd.f32 v60, v53;
	v15 =	vmul.f32 s7, v20  }
0x1da: {  	[tilespmem:s0+$0x3130] =	vst v12;
	s14 =	smul.f32 s8, s28;
	s1 =	ssub.f32 s1, s13;
	v12 =	vadd.f32 s10, v2;
	v30 =	vmul.f32 s7, v31;
	v31 =	vmul.f32 s7, v35  }
0x1db: {  	[tilespmem:s0+$0x3170] =	vst v16;
	s13 =	spop (v2sf);
	v13 =	vadd.f32 s10, v13;
	s9 =	smul.f32 s7, s20;
	v35 =	vmul.f32 s7, v58;
	v49 =	vmul.f32 s7, v42  }
0x1dc: {  	[tilespmem:s0+$0x5100] =	vst v17;
	s28 =	smul.f32 s14, s8;
	s22 =	spop (v2sf);
	v11 =	vadd.f32 v11, v40;
	v52 =	vmul.f32 s7, v39;
	v54 =	vmul.f32 s7, v44  }
0x1dd: {  	[tilespmem:s0+$0x5110] =	vst v18;
	s1 =	sadd.f32 $9.999999740e-06, s1;
	v55 =	vmul.f32 s7, v45;
	s20 =	smul.f32 $7.812500000e-03, s13;
	v12 =	vmul.f32 v12, v33;
	v15 =	vadd.f32 s9, v15  }
0x1de: {  	[tilespmem:s0+$0x5120] =	vst v0;
	s7 =	smul.f32 $7.812500000e-03, s22;
	v44 =	vld [tilespmem:$0x1FCA0];
	s12 =	ssub.f32 $1.500000000e+00, s28;
	v58 =	vmul.f32 v13, v36;
	v16 =	vadd.f32 s9, v30;
	v0 =	vadd.f32 s9, v31  }
0x1df: {  	[tilespmem:s0+$0x5130] =	vst v3;
	s29 =	sshra.s32 s1, $0x1;
	s1 =	smul.f32 $5.000000000e-01, s1;
	v3 =	vadd.f32 s9, v35;
	v13 =	vadd.f32 s9, v49;
	v24 =	vmul.f32 v15, v22  }
0x1e0: {  	[tilespmem:s0+$0x5140] =	vst v1;
	v59 =	vadd.f32 s9, v52;
	s8 =	smul.f32 s12, s8;
	s10 =	ssub.s32 $0x5F3759DF, s29;
	v15 =	vmul.f32 v16, v26;
	v0 =	vmul.f32 v0, v23  }
0x1e1: {  	[tilespmem:s0+$0x5160] =	vst v5;
	v61 =	vadd.f32 s9, v55;
	s14 =	smul.f32 s10, s1;
	v3 =	vmul.f32 v3, v21;
	v55 =	vmul.f32 v13, v32  }
0x1e2: {  	[tilespmem:s0+$0x5170] =	vst v6;
	v14 =	vadd.f32 s9, v54;
	s28 =	smul.f32 s20, s20;
	v13 =	vmul.f32 v59, v33;
	v25 =	vmul.f32 s8, v56  }
0x1e3: {  	s2 =	ssub.f32 $0.0e+00, s2;
	[tilespmem:s0+$0x7100] =	vst v7;
	v31 =	vld [tilespmem:$0x1FC80];
	v12 =	vadd.f32 v12, v41;
	v28 =	vmul.f32 s8, v57;
	v45 =	vmul.f32 s8, v44;
	s29 =	smul.f32 s10, s14  }
0x1e4: {  	[tilespmem:s0+$0x7110] =	vst v9;
	v42 =	vld [tilespmem:$0x1FC90];
	v1 =	vadd.f32 v58, v47;
	s7 =	ssub.f32 s7, s28;
	v49 =	vmul.f32 s8, v38;
	v52 =	vmul.f32 s8, v34  }
0x1e5: {  	[tilespmem:s0+$0x7120] =	vst v8;
	v56 =	vmul.f32 v14, v36;
	v5 =	vadd.f32 v24, v43;
	v29 =	vadd.f32 v15, v46;
	s13 =	ssub.f32 $1.500000000e+00, s29  }
0x1e6: {  	[tilespmem:s0+$0x7130] =	vst v10;
	s2 =	smul.f32 s8, s2;
	v14 =	vmul.f32 v61, v37;
	s7 =	sadd.f32 $9.999999740e-06, s7;
	v0 =	vadd.f32 v0, v50;
	v3 =	vadd.f32 v3, v51  }
0x1e7: {  	[tilespmem:s0+$0x7160] =	vst v1;
	v15 =	vmul.f32 s8, v48;
	v1 =	vadd.f32 v55, v40;
	v57 =	vadd.f32 v13, v41;
	s9 =	smul.f32 s10, s13  }
0x1e8: {  	[tilespmem:s0+$0x7170] =	vst v4;
	v6 =	vadd.f32 s2, v25;
	v30 =	vadd.f32 s2, v28;
	v35 =	vmul.f32 s8, v31;
	s14 =	sshra.s32 s7, $0x1;
	s7 =	smul.f32 $5.000000000e-01, s7  }
0x1e9: {  	[tilespmem:s0+$0x7150] =	vst v12;
	v24 =	vld [tilespmem:$0x1FCB0];
	v2 =	vadd.f32 s2, v49;
	v39 =	vadd.f32 s2, v15;
	v15 =	vmul.f32 s8, v42;
	s8 =	ssub.s32 $0x5F3759DF, s14;
	s1 =	smul.f32 s9, s1  }
0x1ea: {  	v12 =	vadd.f32 s2, v52;
	v58 =	vadd.f32 v14, v53;
	[tilespmem:s0+$0x1190] =	vst v29;
	v29 =	vld [tilespmem:$0x1FCC0];
	v6 =	vmul.f32 v6, v22;
	s22 =	smul.f32 s8, s7  }
0x1eb: {  	[tilespmem:s0+$0x7140] =	vst v11;
	v48 =	vadd.f32 s2, v35;
	v9 =	vmul.f32 v30, v26;
	v35 =	vld [tilespmem:$0x1FCE0];
	v54 =	vadd.f32 s2, v15;
	s1 =	smul.f32 s1, s9  }
0x1ec: {  	v2 =	vmul.f32 v2, v36;
	[tilespmem:s0+$0x11F0] =	vst v58;
	v58 =	vld [tilespmem:$0x1FD10];
	v15 =	vadd.f32 s2, v45;
	v59 =	vadd.f32 v6, v43;
	s2 =	smul.f32 s8, s22  }
0x1ed: {  	v4 =	vadd.f32 v56, v47;
	[tilespmem:s0+$0x1180] =	vst v5;
	v34 =	vmul.f32 v12, v37;
	v17 =	vmul.f32 v54, v32;
	v54 =	vld [tilespmem:$0x1FCF0];
	s1 =	ssub.f32 $1.500000000e+00, s1  }
0x1ee: {  	v60 =	vmul.f32 v39, v23;
	v61 =	vmul.f32 v48, v21;
	v16 =	vadd.f32 v9, v46;
	[tilespmem:s0+$0x3180] =	vst v59;
	v59 =	vld [tilespmem:$0x1FD20];
	s2 =	ssub.f32 $1.500000000e+00, s2  }
0x1ef: {  	s4 =	ssub.f32 $0.0e+00, s4;
	v31 =	vld [tilespmem:$0x1FCD0];
	[tilespmem:s0+$0x11A0] =	vst v0;
	v38 =	vadd.f32 v2, v47;
	v44 =	vadd.f32 v34, v53;
	s1 =	smul.f32 s1, s9  }
0x1f0: {  	[tilespmem:s0+$0x11B0] =	vst v3;
	v18 =	vmul.f32 v15, v33;
	v19 =	vadd.f32 v60, v50;
	v20 =	vadd.f32 v61, v51;
	s2 =	smul.f32 s8, s2  }
0x1f1: {  	[tilespmem:s0+$0x11D0] =	vst v57;
	v25 =	vadd.f32 v17, v40;
	s4 =	smul.f32 s1, s4;
	v8 =	vmul.f32 s1, v24;
	v10 =	vmul.f32 s1, v29  }
0x1f2: {  	v57 =	vld [tilespmem:$0x1FD00];
	[tilespmem:s0+$0x11E0] =	vst v4;
	v28 =	vadd.f32 v18, v41;
	s7 =	smul.f32 s2, s7;
	v11 =	vmul.f32 s1, v35;
	v4 =	vmul.f32 s1, v54  }
0x1f3: {  	[tilespmem:s0+$0x11C0] =	vst v1;
	v5 =	vmul.f32 s1, v58;
	v9 =	vmul.f32 s1, v59;
	v30 =	vadd.f32 s4, v8  }
0x1f4: {  	[tilespmem:s0+$0x3190] =	vst v16;
	s7 =	smul.f32 s7, s2;
	v8 =	vmul.f32 s1, v31;
	v10 =	vadd.f32 s4, v10;
	v48 =	vadd.f32 s4, v11  }
0x1f5: {  	[tilespmem:s0+$0x31A0] =	vst v19;
	v19 =	vld [tilespmem:$0x1FD30];
	v4 =	vadd.f32 s4, v4;
	v61 =	vadd.f32 s4, v5;
	v39 =	vmul.f32 v30, v22  }
0x1f6: {  	[tilespmem:s0+$0x31E0] =	vst v38;
	v29 =	vld [tilespmem:$0x1FD40];
	s7 =	ssub.f32 $1.500000000e+00, s7;
	v18 =	vadd.f32 s4, v9;
	v45 =	vmul.f32 v10, v26;
	v56 =	vmul.f32 v48, v21  }
0x1f7: {  	[tilespmem:s0+$0x31B0] =	vst v20;
	v42 =	vadd.f32 s4, v8;
	v8 =	vmul.f32 s1, v57;
	v60 =	vmul.f32 v4, v32  }
0x1f8: {  	[tilespmem:s0+$0x31C0] =	vst v25;
	s2 =	smul.f32 s7, s2;
	v20 =	vmul.f32 v61, v36;
	v25 =	vmul.f32 v18, v37;
	v49 =	vadd.f32 v39, v43  }
0x1f9: {  	s28 =	ssub.f32 $0.0e+00, s20;
	[tilespmem:s0+$0x31F0] =	vst v44;
	v52 =	vmul.f32 v42, v23;
	v55 =	vadd.f32 v45, v46;
	v7 =	vadd.f32 v56, v51  }
0x1fa: {  	[tilespmem:s0+$0x31D0] =	vst v28;
	v30 =	vld [tilespmem:$0x1FD50];
	v8 =	vadd.f32 s4, v8;
	v16 =	vmul.f32 s2, v27;
	v9 =	vmul.f32 s2, v19  }
0x1fb: {  	s29 =	smul.f32 s2, s28;
	v0 =	vadd.f32 v60, v40;
	v1 =	vadd.f32 v20, v47;
	v4 =	vmul.f32 s2, v29;
	[tilespmem:s0+$0x5180] =	vst v49  }
0x1fc: {  	v5 =	vadd.f32 v25, v53;
	v35 =	vmul.f32 s2, v63;
	v42 =	vld [tilespmem:$0x1FD60];
	v2 =	vadd.f32 v52, v50;
	[tilespmem:s0+$0x5190] =	vst v55  }
0x1fd: {  	v45 =	vld [tilespmem:$0x1FD70];
	v17 =	vmul.f32 v8, v33;
	v24 =	vadd.f32 s29, v16;
	v27 =	vadd.f32 s29, v9;
	[tilespmem:s0+$0x51B0] =	vst v7  }
0x1fe: {  	[tilespmem:s0+$0x51C0] =	vst v0;
	v34 =	vadd.f32 s29, v4;
	v44 =	vadd.f32 s29, v35;
	v49 =	vmul.f32 s2, v62  }
0x1ff: {  	[tilespmem:s0+$0x51E0] =	vst v1;
	v7 =	vmul.f32 s2, v30;
	v3 =	vadd.f32 v17, v41;
	v28 =	vmul.f32 v24, v22  }
0x200: {  	[tilespmem:s0+$0x51F0] =	vst v5;
	v6 =	vmul.f32 v27, v26;
	v52 =	vmul.f32 v44, v32;
	v57 =	vadd.f32 s29, v49  }
0x201: {  	[tilespmem:s0+$0x51A0] =	vst v2;
	v39 =	vadd.f32 s29, v7;
	v7 =	vmul.f32 s2, v42;
	v31 =	vadd.f32 v28, v43  }
0x202: {  	v4 =	vmul.f32 s2, v45;
	[tilespmem:s0+$0x51D0] =	vst v3;
	v38 =	vadd.f32 v6, v46;
	v43 =	vmul.f32 v34, v23  }
0x203: {  	v58 =	vadd.f32 v52, v40;
	v61 =	vmul.f32 v57, v37;
	v48 =	vadd.f32 s29, v7;
	[tilespmem:s0+$0x7180] =	vst v31  }
0x204: {  	s3 =	sadd.s32 $0x2, s3;
	v46 =	vmul.f32 v39, v21;
	v54 =	vadd.f32 s29, v4;
	v50 =	vadd.f32 v43, v50;
	[tilespmem:s0+$0x7190] =	vst v38  }
0x205: {  	p0 =	slt.u32 s3, $0x1E;
	[tilespmem:s0+$0x71C0] =	vst v58;
	v63 =	vadd.f32 v61, v53;
	v56 =	vmul.f32 v48, v33  }
.Ltmp1:
0x206: {  	v55 =	vadd.f32 v46, v51;
	v59 =	vmul.f32 v54, v36;
	[tilespmem:s0+$0x71A0] =	vst v50;
	(pc) =	sbr.rel @p0 .LBB2_4-.Ltmp1, $4  }
0x207: {  	[tilespmem:s0+$0x71F0] =	vst v63;
	v60 =	vadd.f32 v56, v41  }
0x208: {  	[tilespmem:s0+$0x71B0] =	vst v55;
	v62 =	vadd.f32 v59, v47  }
0x209: {  	[tilespmem:s0+$0x71D0] =	vst v60  }
0x20a: {  	s25 =	sadd.s32 $0x400, s25;
	v13 =	vmov v26;
	[tilespmem:s0+$0x71E0] =	vst v62  }
0x20b: {  	s0 =	simm.s32 $0x1100  }
0x20c: {  	[hbm4b:s15+s5] =	stream.linear.scatter [tilespmem:s0], [sflag:$0x3], $0x1000, $0x38;
	[tilespmem:$0xA200] =	vst v63  }
0x20d: {  	s25 =	simm.s32 $0x3100  }
0x20e: {  	[hbm4b:s16+s5] =	stream.linear.scatter [tilespmem:s25], [sflag:$0x3], $0x1000, $0x38;
	[tilespmem:$0xA200] =	vst v63  }
0x20f: {  	s28 =	simm.s32 $0x5100  }
0x210: {  	[hbm4b:s17+s5] =	stream.linear.scatter [tilespmem:s28], [sflag:$0x3], $0x1000, $0x38;
	[tilespmem:$0xA200] =	vst v63  }
0x211: {  	s29 =	simm.s32 $0x7100  }
0x212: {  	[hbm4b:s18+s5] =	stream.linear.scatter [tilespmem:s29], [sflag:$0x3], $0x1000, $0x38;
	[tilespmem:$0xA200] =	vst v63  }
0x213: {  	_ =	swait.ge [sflag:s23], $0x1000  }
0x214: {  	[sflag:s23] =	ssyncset.done $0x0  }
0x215: {  	[sflag:s23] =	ssyncadd.s32 $0xFFFFF000  }
0x216: {  	_ =	swait.ge [sflag:s23], $0x1000  }
0x217: {  	[sflag:s23] =	ssyncset.done $0x0  }
0x218: {  	[sflag:s23] =	ssyncadd.s32 $0xFFFFF000  }
0x219: {  	_ =	swait.ge [sflag:s23], $0x1000  }
0x21a: {  	[sflag:s23] =	ssyncset.done $0x0  }
0x21b: {  	[sflag:s23] =	ssyncadd.s32 $0xFFFFF000  }
0x21c: {  	_ =	swait.ge [sflag:s23], $0x1000  }
0x21d: {  	[sflag:s23] =	ssyncset.done $0x0  }
0x21e: {  	[sflag:s23] =	ssyncadd.s32 $0xFFFFF000  }
0x21f: {  	_ =	swait.ge [sflag:s23], $0x1000  }
0x220: {  	[sflag:s23] =	ssyncset.done $0x0  }
0x221: {  	[sflag:s23] =	ssyncadd.s32 $0xFFFFF000  }
0x222: {  	_ =	swait.ge [sflag:s23], $0x1000  }
0x223: {  	[sflag:s23] =	ssyncset.done $0x0  }
0x224: {  	s24 =	sadd.s32 $0x1, s24;
	[sflag:s23] =	ssyncadd.s32 $0xFFFFF000  }
0x225: {  	p0 =	sne.s32 s24, s19;
	_ =	swait.ge [sflag:s23], $0x1000  }
.Ltmp2:
0x226: {  	[sflag:s23] =	ssyncset.done $0x0;
	(pc) =	sbr.rel @p0 .LBB2_1-.Ltmp2, $4  }
0x227: {  	[sflag:s23] =	ssyncadd.s32 $0xFFFFF000  }
0x228: {  	_ =	swait.ge [sflag:s23], $0x1000  }
0x229: {  	[sflag:s23] =	ssyncset.done $0x0  }
0x22a: {  	[sflag:s23] =	ssyncadd.s32 $0xFFFFF000  }
0x22b: {  	_ =	sfence.sel $0x180000  }
0x22c: {  	[bflag:$0x0] =	sbarrier.arrive $0xFFFF  }
0x22d: {  	_ =	strace $0x90000047  }
0x22e: {  	s0 =	stileid.u32;
	[bflag:$0x2] =	sbarrier.arrive $0xFFFF  }
0x22f: {  	p0 =	sne.s32 s0, $0x0;
	s0 =	rddreg [dreg:$0x6]  }
0x230: {  	s0 =	sadd.s32 @!p0 $0x100000, s0  }
0x231: {  	[sflag:s0] =	ssyncadd.tile.s32 @!p0 $0x1;
	_ =	shalt  }
.Lfunc_end2:
_tile_overlayer_lowered:
.L_overlay_start_2:
0x232: {  	(tag) =	ssettag $0x2  }
0x233: {  	s0 =	rddreg [dreg:$0x0];
	s2 =	stileid.u32  }
0x234: {  	s1 =	rddreg [dreg:$0x1];
	p0 =	sne.s32 s2, $0x0  }
0x235: {  	s3 =	rddreg [dreg:$0x2];
	[bflag:$0x3] =	sbarrier.arrive $0xFFFF;
	s2 =	simm.s32 @!p0 $0x1C05  }
0x236: {  	[timem:s3], [sflag:s2] =	dma.local @!p0 [hbm:s0], s1  }
0x237: {  	s0 =	simm.s32 @!p0 $0x5  }
0x238: {  	_ =	swait.ge @!p0 [sflag:s0], s1  }
0x239: {  	s1 =	ssub.s32 @!p0 $0x0, s1;
	[sflag:s0] =	ssyncset.done @!p0 $0x0  }
0x23a: {  	[sflag:s0] =	ssyncadd.s32 @!p0 s1  }
0x23b: {  	[bflag:$0x3] =	sbarrier.arrive $0xFFFF  }
0x23c: {  	_ =	shalt  }

</sc_bundles>
